<compile_context>
chip_gen: v7x
topology: tpu7x:2x2x1
jax: 0.10.2.dev20260603
libtpu: 0.0.44.dev20260713+nightly
codegen_flags: <defaults>
</compile_context>

<pallas_src>
import dataclasses
import functools

import jax
import jax.numpy as jnp
from jax import lax
from jax.experimental import pallas as pl
from jax.experimental.pallas import tpu as pltpu
from jax.experimental.pallas import tpu_sc as plsc

N = 10000
E = 320000
D = 128
VL = 16

NSC = 2
NSUB = 16
NW = NSC * NSUB

PER_W = 10240
E_PAD = PER_W * NW
PAD_E = E_PAD - E

N_PAD = 10240
STRIPE = N_PAD // NSUB

R = 1000


def _make_sc_agg(gc: int, sbc: int, nbuf: int, with_deg: bool):
    assert PER_W % (gc * sbc) == 0 and STRIPE % gc == 0
    nsb = PER_W // (gc * sbc)
    wchunks = PER_W // gc
    ziter = STRIPE // gc

    mesh = plsc.VectorSubcoreMesh(core_axis_name="c", subcore_axis_name="s")

    out_type = [jax.ShapeDtypeStruct((NSC * N_PAD, D), jnp.float32)]
    scratch = [
        pltpu.VMEM((2 * sbc, gc), jnp.int32),
        pltpu.VMEM_SHARED((N_PAD, D), jnp.float32),
    ]
    scratch += [pltpu.VMEM((gc, D), jnp.float32) for _ in range(nbuf)]
    scratch += [pltpu.SemaphoreType.DMA for _ in range(2 * nbuf)]
    if with_deg:
        out_type.append(jax.ShapeDtypeStruct((NW, N_PAD), jnp.float32))
        scratch.append(pltpu.VMEM((N_PAD,), jnp.float32))

    cp = pltpu.CompilerParams()
    if "needs_layout_passes" in pltpu.CompilerParams.__dataclass_fields__:
        cp = dataclasses.replace(cp, needs_layout_passes=False)

    @functools.partial(pl.kernel,
                       out_type=tuple(out_type) if with_deg else out_type[0],
                       mesh=mesh, scratch_types=scratch, compiler_params=cp)
    def sc_agg(*refs):
        if with_deg:
            (table_hbm, idx_hbm, zrows_hbm, out_hbm, dout_hbm,
             idx_big, acc, *rest) = refs
            bufs = rest[:nbuf]
            gsem = rest[nbuf:2 * nbuf]
            ssem = rest[2 * nbuf:3 * nbuf]
            hist = rest[3 * nbuf]
        else:
            (table_hbm, idx_hbm, zrows_hbm, out_hbm,
             idx_big, acc, *rest) = refs
            bufs = rest[:nbuf]
            gsem = rest[nbuf:2 * nbuf]
            ssem = rest[2 * nbuf:3 * nbuf]

        c = lax.axis_index("c")
        s = lax.axis_index("s")

        pltpu.sync_copy(zrows_hbm, bufs[0])

        @pl.loop(0, ziter)
        def _(j):
            pltpu.sync_copy(bufs[0], acc.at[pl.ds(s * STRIPE + j * gc, gc)])

        if with_deg:
            zvec = jnp.zeros((VL,), jnp.float32)

            @pl.loop(0, N_PAD // VL)
            def _(i):
                hist[pl.ds(i * VL, VL)] = zvec

        plsc.subcore_barrier()

        cbase = (c * NSUB + s) * wchunks
        ovec = jnp.ones((VL,), jnp.float32)

        def deg_count(j):
            for g in range(gc // VL):
                idx16 = idx_big[2 * j + 1, pl.ds(g * VL, VL)]
                plsc.addupdate_scatter(hist, [idx16], ovec)

        @pl.loop(0, nsb)
        def _(b):
            rowb = 2 * (cbase + b * sbc)
            pltpu.sync_copy(idx_hbm.at[pl.ds(rowb, 2 * sbc)], idx_big)

            g = [None] * sbc
            sc = [None] * sbc
            for j in range(sbc):
                if j >= nbuf:
                    sc[j - nbuf].wait()
                g[j] = pltpu.async_copy(
                    table_hbm.at[idx_big.at[2 * j]], bufs[j % nbuf],
                    gsem[j % nbuf])
                if j >= 1:
                    g[j - 1].wait()
                    sc[j - 1] = pltpu.async_copy(
                        bufs[(j - 1) % nbuf],
                        acc.at[idx_big.at[2 * (j - 1) + 1]],
                        ssem[(j - 1) % nbuf], add=True)
                    if with_deg:
                        deg_count(j - 1)
            g[sbc - 1].wait()
            sc[sbc - 1] = pltpu.async_copy(
                bufs[(sbc - 1) % nbuf],
                acc.at[idx_big.at[2 * (sbc - 1) + 1]],
                ssem[(sbc - 1) % nbuf], add=True)
            if with_deg:
                deg_count(sbc - 1)
            for j in range(max(0, sbc - nbuf), sbc):
                sc[j].wait()

        plsc.subcore_barrier()

        @pl.loop(0, ziter)
        def _(j):
            row = s * STRIPE + j * gc
            pltpu.sync_copy(acc.at[pl.ds(row, gc)], bufs[0])
            pltpu.sync_copy(bufs[0], out_hbm.at[pl.ds(c * N_PAD + row, gc)])

        if with_deg:
            pltpu.sync_copy(hist, dout_hbm.at[c * NSUB + s])

    return sc_agg


GC1, SBC1, NBUF1 = 128, 16, 2
GC2, SBC2, NBUF2 = 128, 16, 2

_sc_agg_deg = _make_sc_agg(GC1, SBC1, NBUF1, with_deg=True)
_sc_agg = _make_sc_agg(GC2, SBC2, NBUF2, with_deg=False)


def _interleave(src, dst, gc):
    s3 = src.reshape(E_PAD // gc, gc)
    d3 = dst.reshape(E_PAD // gc, gc)
    return jnp.stack([s3, d3], axis=1).reshape(2 * (E_PAD // gc), gc)


def _tc_layer(psum, degT, x, w_l, w_r, b, relu: bool):

    def body(p0, p1, dT, xr, wl, wr, br, o):
        agg = p0[0] + p1[0]
        deg = jnp.sum(dT[...], axis=1, keepdims=True)
        rd = 1.0 / jnp.maximum(deg, 1.0)
        h = jnp.dot(agg * rd, wl[...], preferred_element_type=jnp.float32)
        h = h + jnp.dot(xr[...], wr[...], preferred_element_type=jnp.float32)
        h = h + br[...]
        o[...] = jnp.maximum(h, 0.0) if relu else h

    return pl.pallas_call(
        body,
        grid=(N // R,),
        in_specs=[
            pl.BlockSpec((1, R, D), lambda i: (0, i, 0)),
            pl.BlockSpec((1, R, D), lambda i: (1, i, 0)),
            pl.BlockSpec((R, NW), lambda i: (i, 0)),
            pl.BlockSpec((R, D), lambda i: (i, 0)),
            pl.BlockSpec((D, D), lambda i: (0, 0)),
            pl.BlockSpec((D, D), lambda i: (0, 0)),
            pl.BlockSpec((1, D), lambda i: (0, 0)),
        ],
        out_specs=pl.BlockSpec((R, D), lambda i: (i, 0)),
        out_shape=jax.ShapeDtypeStruct((N, D), jnp.float32),
    )(psum, psum, degT, x, w_l, w_r, b)


def kernel(x, edge_index, W1_l, W1_r, b1, W2_l, W2_r, b2):
    ei = edge_index.astype(jnp.int32)
    pad_i = jnp.arange(PAD_E, dtype=jnp.int32)
    src = jnp.concatenate([ei[0], (pad_i * 97) % N])
    dst = jnp.concatenate([ei[1], N + pad_i % (N_PAD - N)])
    idx1 = _interleave(src, dst, GC1)
    idx2 = idx1 if (GC1, SBC1) == (GC2, SBC2) else _interleave(src, dst, GC2)

    zrows1 = jnp.zeros((GC1, D), jnp.float32)
    zrows2 = jnp.zeros((GC2, D), jnp.float32)

    psum1, dpart = _sc_agg_deg(x, idx1, zrows1)
    psum1 = psum1.reshape(NSC, N_PAD, D)
    degT = dpart.T
    h = _tc_layer(psum1, degT, x, W1_l, W1_r, b1.reshape(1, D), relu=True)
    psum2 = _sc_agg(h, idx2, zrows2).reshape(NSC, N_PAD, D)
    out = _tc_layer(psum2, degT, h, W2_l, W2_r, b2.reshape(1, D), relu=False)
    return out

# --- scband reference (transcript-rebuilt; emitter-appended) ---
"""Pipeline reference for scband-graph-sage-81509889343760 (READ-ONLY COPY).

The authoritative reference and input builder live on the scoring server;
editing this copy changes nothing except your own understanding.
"""

import jax, jax.numpy as jnp
import numpy as np

N_NODES = 10000
N_EDGES = 320000
D = 128


def sage_conv(x, edge_index, W_l, W_r, b):
    # PyG SAGEConv with mean aggregation:
    # out = lin_l(mean_{j in N(i)} x_j) + lin_r(x_i)
    src = edge_index[0]
    dst = edge_index[1]
    msg = jnp.take(x, src, axis=0)
    agg = jax.ops.segment_sum(msg, dst, num_segments=N_NODES)
    deg = jax.ops.segment_sum(jnp.ones((msg.shape[0],), dtype=x.dtype), dst, num_segments=N_NODES)
    deg = jnp.clip(deg, 1.0, None)
    agg = agg / deg[:, None]
    return agg @ W_l + x @ W_r + b


def setup_inputs(seed: int = 0) -> dict:
    key = jax.random.key(seed)
    k1, k2, k3, k4, k5, k6, k7 = jax.random.split(key, 7)
    x = jax.random.normal(k1, (N_NODES, D), dtype=jnp.float32)
    edge_index = jax.random.randint(k2, (2, N_EDGES), 0, N_NODES, dtype=jnp.int64)
    s = 1.0 / np.sqrt(D)
    W1_l = jax.random.uniform(k3, (D, D), jnp.float32, -s, s)
    W1_r = jax.random.uniform(k4, (D, D), jnp.float32, -s, s)
    b1 = jnp.zeros((D,), jnp.float32)
    W2_l = jax.random.uniform(k5, (D, D), jnp.float32, -s, s)
    W2_r = jax.random.uniform(k6, (D, D), jnp.float32, -s, s)
    b2 = jnp.zeros((D,), jnp.float32)
    return {"x": x, "edge_index": edge_index, "W1_l": W1_l, "W1_r": W1_r, "b1": b1,
            "W2_l": W2_l, "W2_r": W2_r, "b2": b2}


def reference(x, edge_index, W1_l, W1_r, b1, W2_l, W2_r, b2):
    # Layer 1 + ReLU (dropout is identity in eval mode)
    h = sage_conv(x, edge_index, W1_l, W1_r, b1)
    h = jax.nn.relu(h)
    # Layer 2 (no activation on final layer)
    out = sage_conv(h, edge_index, W2_l, W2_r, b2)
    return out

if __name__ == "__main__":
    import jax
    _d = setup_inputs()
    print(jax.jit(kernel)(*tuple(_d.values())))

</pallas_src>

<mosaic_0001>
#map = affine_map<(d0, d1) -> (0, 0)>
module attributes {stable_mosaic.version = 14 : i64} {
  func.func @sc_agg(%arg0: i32, %arg1: i32, %arg2: memref<10000x128xf32, #tpu.memory_space<hbm>>, %arg3: memref<5120x128xi32, #tpu.memory_space<hbm>>, %arg4: memref<128x128xf32, #tpu.memory_space<hbm>>, %arg5: memref<20480x128xf32, #tpu.memory_space<hbm>>, %arg6: memref<32x10240xf32, #tpu.memory_space<hbm>>, %arg7: memref<32x128xi32, #tpu.memory_space<vmem>>, %arg8: memref<10240x128xf32, #tpu.memory_space<vmem_shared>>, %arg9: memref<128x128xf32, #tpu.memory_space<vmem>>, %arg10: memref<128x128xf32, #tpu.memory_space<vmem>>, %arg11: memref<!tpu.dma_semaphore, #tpu.memory_space<semaphore_mem>>, %arg12: memref<!tpu.dma_semaphore, #tpu.memory_space<semaphore_mem>>, %arg13: memref<!tpu.dma_semaphore, #tpu.memory_space<semaphore_mem>>, %arg14: memref<!tpu.dma_semaphore, #tpu.memory_space<semaphore_mem>>, %arg15: memref<10240xf32, #tpu.memory_space<vmem>>) attributes {dimension_semantics = [#tpu.dimension_semantics<core_parallel>, #tpu.dimension_semantics<subcore_parallel>], iteration_bounds = array<i64: 2, 16>, scalar_prefetch = 0 : i64, scratch_operands = 9 : i64, tpu.core_type = #tpu.core_type<sc_vector_subcore>, window_params = [{transform_indices = #map}, {transform_indices = #map}, {transform_indices = #map}, {transform_indices = #map}, {transform_indices = #map}]} {
    "tpu.region"() ({
      %run_scoped3A = tpu.sem_alloc : memref<!tpu.dma_semaphore, #tpu.memory_space<semaphore_mem>>
      tpu.enqueue_dma source(%arg4 : memref<128x128xf32, #tpu.memory_space<hbm>>) target(%arg9 : memref<128x128xf32, #tpu.memory_space<vmem>>) target_semaphore(%run_scoped3A : memref<!tpu.dma_semaphore, #tpu.memory_space<semaphore_mem>>)
      tpu.wait_dma2 semaphore(%run_scoped3A : memref<!tpu.dma_semaphore, #tpu.memory_space<semaphore_mem>>) src(%arg4 : memref<128x128xf32, #tpu.memory_space<hbm>>) dst(%arg9 : memref<128x128xf32, #tpu.memory_space<vmem>>)
      tpu.yield
    }) : () -> ()
    %scan3A = arith.constant 0 : i32
    %scan3A_0 = arith.constant 5 : i32
    %scan3A_1 = arith.addi %scan3A, %scan3A_0 : i32
    %scan3A_2 = arith.constant 1 : i32
    scf.for %scan3A_29 = %scan3A to %scan3A_1 step %scan3A_2  : i32 {
      %mul3A_30 = arith.constant 1 : i32
      %mul3A_31 = arith.muli %scan3A_29, %mul3A_30 : i32
      %add3A_32 = arith.constant 0 : i32
      %add3A_33 = arith.addi %add3A_32, %mul3A_31 : i32
      %mul3A_34 = arith.constant 640 : i32
      %mul3A_35 = arith.muli %arg1, %mul3A_34 : i32
      %mul3A_36 = arith.constant 128 : i32
      %mul3A_37 = arith.muli %add3A_33, %mul3A_36 : i32
      %add3A_38 = arith.addi %mul3A_35, %mul3A_37 : i32
      "tpu.region"() ({
        %run_scoped3A = tpu.sem_alloc : memref<!tpu.dma_semaphore, #tpu.memory_space<semaphore_mem>>
        %dma_start3A = arith.constant 0 : i32
        %dma_start3A_39 = tpu.memref_slice %arg8[%add3A_38, %dma_start3A] : memref<10240x128xf32, #tpu.memory_space<vmem_shared>> -> memref<128x128xf32, #tpu.memory_space<vmem_shared>>
        %dma_start3A_40 = arith.constant 0 : i32
        %dma_start3A_41 = tpu.memref_slice %arg8[%add3A_38, %dma_start3A_40] : memref<10240x128xf32, #tpu.memory_space<vmem_shared>> -> memref<128x128xf32, #tpu.memory_space<vmem_shared>>
        tpu.enqueue_dma source(%arg9 : memref<128x128xf32, #tpu.memory_space<vmem>>) target(%dma_start3A_41 : memref<128x128xf32, #tpu.memory_space<vmem_shared>>) target_semaphore(%run_scoped3A : memref<!tpu.dma_semaphore, #tpu.memory_space<semaphore_mem>>)
        %dma_wait3A = arith.constant 0 : i32
        %dma_wait3A_42 = tpu.memref_slice %arg8[%add3A_38, %dma_wait3A] : memref<10240x128xf32, #tpu.memory_space<vmem_shared>> -> memref<128x128xf32, #tpu.memory_space<vmem_shared>>
        %dma_wait3A_43 = arith.constant 0 : i32
        %dma_wait3A_44 = tpu.memref_slice %arg8[%add3A_38, %dma_wait3A_43] : memref<10240x128xf32, #tpu.memory_space<vmem_shared>> -> memref<128x128xf32, #tpu.memory_space<vmem_shared>>
        tpu.wait_dma2 semaphore(%run_scoped3A : memref<!tpu.dma_semaphore, #tpu.memory_space<semaphore_mem>>) src(%arg9 : memref<128x128xf32, #tpu.memory_space<vmem>>) dst(%dma_wait3A_44 : memref<128x128xf32, #tpu.memory_space<vmem_shared>>)
        tpu.yield
      }) : () -> ()
    }
    %scan3A_3 = arith.constant 5 : i32
    %broadcast_in_dim3A = arith.constant 0.000000e+00 : f32
    %broadcast_in_dim3A_4 = vector.broadcast %broadcast_in_dim3A : f32 to vector<16xf32>
    %scan3A_5 = arith.constant 0 : i32
    %scan3A_6 = arith.constant 640 : i32
    %scan3A_7 = arith.addi %scan3A_5, %scan3A_6 : i32
    %scan3A_8 = arith.constant 1 : i32
    scf.for %scan3A_29 = %scan3A_5 to %scan3A_7 step %scan3A_8  : i32 {
      %mul3A_30 = arith.constant 1 : i32
      %mul3A_31 = arith.muli %scan3A_29, %mul3A_30 : i32
      %add3A_32 = arith.constant 0 : i32
      %add3A_33 = arith.addi %add3A_32, %mul3A_31 : i32
      %mul3A_34 = arith.constant 16 : i32
      %mul3A_35 = arith.muli %add3A_33, %mul3A_34 : i32
      %swap3A = arith.index_cast %mul3A_35 : i32 to index
      %swap3A_36 = tpu.vector_load %arg15[%swap3A] {strides = array<i32>} : memref<10240xf32, #tpu.memory_space<vmem>>, vector<16xf32>,
      tpu.vector_store %arg15[%swap3A], %broadcast_in_dim3A_4 {strides = array<i32>} : memref<10240xf32, #tpu.memory_space<vmem>>, vector<16xf32>,
    }
    %scan3A_9 = arith.constant 640 : i32
    %barrier3A = arith.constant 0 : index
    tpu.barrier barrier_id(%barrier3A)
    %mul3A = arith.constant 16 : i32
    %mul3A_10 = arith.muli %arg0, %mul3A : i32
    %add3A = arith.addi %mul3A_10, %arg1 : i32
    %mul3A_11 = arith.constant 80 : i32
    %mul3A_12 = arith.muli %add3A, %mul3A_11 : i32
    %broadcast_in_dim3A_13 = arith.constant 1.000000e+00 : f32
    %broadcast_in_dim3A_14 = vector.broadcast %broadcast_in_dim3A_13 : f32 to vector<16xf32>
    %scan3A_15 = arith.constant 0 : i32
    %scan3A_16 = arith.constant 5 : i32
    %scan3A_17 = arith.addi %scan3A_15, %scan3A_16 : i32
    %scan3A_18 = arith.constant 1 : i32
    scf.for %scan3A_29 = %scan3A_15 to %scan3A_17 step %scan3A_18  : i32 {
      %mul3A_30 = arith.constant 1 : i32
      %mul3A_31 = arith.muli %scan3A_29, %mul3A_30 : i32
      %add3A_32 = arith.constant 0 : i32
      %add3A_33 = arith.addi %add3A_32, %mul3A_31 : i32
      %mul3A_34 = arith.constant 16 : i32
      %mul3A_35 = arith.muli %add3A_33, %mul3A_34 : i32
      %add3A_36 = arith.addi %mul3A_12, %mul3A_35 : i32
      %mul3A_37 = arith.constant 2 : i32
      %mul3A_38 = arith.muli %mul3A_37, %add3A_36 : i32
      "tpu.region"() ({
        %run_scoped3A = tpu.sem_alloc : memref<!tpu.dma_semaphore, #tpu.memory_space<semaphore_mem>>
        %dma_start3A_996 = arith.constant 0 : i32
        %dma_start3A_997 = tpu.memref_slice %arg3[%mul3A_38, %dma_start3A_996] : memref<5120x128xi32, #tpu.memory_space<hbm>> -> memref<32x128xi32, #tpu.memory_space<hbm>>
        %dma_start3A_998 = arith.constant 0 : i32
        %dma_start3A_999 = tpu.memref_slice %arg3[%mul3A_38, %dma_start3A_998] : memref<5120x128xi32, #tpu.memory_space<hbm>> -> memref<32x128xi32, #tpu.memory_space<hbm>>
        tpu.enqueue_dma source(%dma_start3A_999 : memref<32x128xi32, #tpu.memory_space<hbm>>) target(%arg7 : memref<32x128xi32, #tpu.memory_space<vmem>>) target_semaphore(%run_scoped3A : memref<!tpu.dma_semaphore, #tpu.memory_space<semaphore_mem>>)
        %dma_wait3A_1000 = arith.constant 0 : i32
        %dma_wait3A_1001 = tpu.memref_slice %arg3[%mul3A_38, %dma_wait3A_1000] : memref<5120x128xi32, #tpu.memory_space<hbm>> -> memref<32x128xi32, #tpu.memory_space<hbm>>
        %dma_wait3A_1002 = arith.constant 0 : i32
        %dma_wait3A_1003 = tpu.memref_slice %arg3[%mul3A_38, %dma_wait3A_1002] : memref<5120x128xi32, #tpu.memory_space<hbm>> -> memref<32x128xi32, #tpu.memory_space<hbm>>
        tpu.wait_dma2 semaphore(%run_scoped3A : memref<!tpu.dma_semaphore, #tpu.memory_space<semaphore_mem>>) src(%dma_wait3A_1003 : memref<32x128xi32, #tpu.memory_space<hbm>>) dst(%arg7 : memref<32x128xi32, #tpu.memory_space<vmem>>)
        tpu.yield
      }) : () -> ()
      %dma_start3A = arith.constant 0 : i32
      %dma_start3A_39 = arith.constant 0 : i32
      %dma_start3A_40 = tpu.memref_slice %arg7[%dma_start3A, %dma_start3A_39] : memref<32x128xi32, #tpu.memory_space<vmem>> -> memref<1x128xi32, #tpu.memory_space<vmem>>
      %dma_start3A_41 = tpu.memref_squeeze %dma_start3A_40 : memref<1x128xi32, #tpu.memory_space<vmem>> -> memref<128xi32, #tpu.memory_space<vmem>>
      %dma_start3A_42 = arith.constant 0 : i32
      %dma_start3A_43 = arith.constant 0 : i32
      %dma_start3A_44 = tpu.memref_slice %arg2[%dma_start3A_42, %dma_start3A_43] : memref<10000x128xf32, #tpu.memory_space<hbm>> -> memref<10000x128xf32, #tpu.memory_space<hbm>>
      tpu.enqueue_indirect_dma source(%dma_start3A_44 : memref<10000x128xf32, #tpu.memory_space<hbm>>) target(%arg9 : memref<128x128xf32, #tpu.memory_space<vmem>>) offsets(%dma_start3A_41 : memref<128xi32, #tpu.memory_space<vmem>>) semaphore(%arg11 : memref<!tpu.dma_semaphore, #tpu.memory_space<semaphore_mem>>)
      %dma_start3A_45 = arith.constant 2 : i32
      %dma_start3A_46 = arith.constant 0 : i32
      %dma_start3A_47 = tpu.memref_slice %arg7[%dma_start3A_45, %dma_start3A_46] : memref<32x128xi32, #tpu.memory_space<vmem>> -> memref<1x128xi32, #tpu.memory_space<vmem>>
      %dma_start3A_48 = tpu.memref_squeeze %dma_start3A_47 : memref<1x128xi32, #tpu.memory_space<vmem>> -> memref<128xi32, #tpu.memory_space<vmem>>
      %dma_start3A_49 = arith.constant 0 : i32
      %dma_start3A_50 = arith.constant 0 : i32
      %dma_start3A_51 = tpu.memref_slice %arg2[%dma_start3A_49, %dma_start3A_50] : memref<10000x128xf32, #tpu.memory_space<hbm>> -> memref<10000x128xf32, #tpu.memory_space<hbm>>
      tpu.enqueue_indirect_dma source(%dma_start3A_51 : memref<10000x128xf32, #tpu.memory_space<hbm>>) target(%arg10 : memref<128x128xf32, #tpu.memory_space<vmem>>) offsets(%dma_start3A_48 : memref<128xi32, #tpu.memory_space<vmem>>) semaphore(%arg12 : memref<!tpu.dma_semaphore, #tpu.memory_space<semaphore_mem>>)
      %dma_wait3A = arith.constant 0 : i32
      %dma_wait3A_52 = arith.constant 0 : i32
      %dma_wait3A_53 = tpu.memref_slice %arg7[%dma_wait3A, %dma_wait3A_52] : memref<32x128xi32, #tpu.memory_space<vmem>> -> memref<1x128xi32, #tpu.memory_space<vmem>>
      %dma_wait3A_54 = tpu.memref_squeeze %dma_wait3A_53 : memref<1x128xi32, #tpu.memory_space<vmem>> -> memref<128xi32, #tpu.memory_space<vmem>>
      %dma_wait3A_55 = arith.constant 0 : i32
      %dma_wait3A_56 = arith.constant 0 : i32
      %dma_wait3A_57 = tpu.memref_slice %arg2[%dma_wait3A_55, %dma_wait3A_56] : memref<10000x128xf32, #tpu.memory_space<hbm>> -> memref<10000x128xf32, #tpu.memory_space<hbm>>
      tpu.wait_indirect_dma semaphore(%arg11 : memref<!tpu.dma_semaphore, #tpu.memory_space<semaphore_mem>>) src(%dma_wait3A_57 : memref<10000x128xf32, #tpu.memory_space<hbm>>) dst(%arg9 : memref<128x128xf32, #tpu.memory_space<vmem>>)
      %dma_start3A_58 = arith.constant 1 : i32
      %dma_start3A_59 = arith.constant 0 : i32
      %dma_start3A_60 = tpu.memref_slice %arg7[%dma_start3A_58, %dma_start3A_59] : memref<32x128xi32, #tpu.memory_space<vmem>> -> memref<1x128xi32, #tpu.memory_space<vmem>>
      %dma_start3A_61 = tpu.memref_squeeze %dma_start3A_60 : memref<1x128xi32, #tpu.memory_space<vmem>> -> memref<128xi32, #tpu.memory_space<vmem>>
      %dma_start3A_62 = arith.constant 0 : i32
      %dma_start3A_63 = arith.constant 0 : i32
      %dma_start3A_64 = tpu.memref_slice %arg8[%dma_start3A_62, %dma_start3A_63] : memref<10240x128xf32, #tpu.memory_space<vmem_shared>> -> memref<10240x128xf32, #tpu.memory_space<vmem_shared>>
      tpu.enqueue_indirect_dma source(%arg9 : memref<128x128xf32, #tpu.memory_space<vmem>>) target(%dma_start3A_64 : memref<10240x128xf32, #tpu.memory_space<vmem_shared>>) offsets(%dma_start3A_61 : memref<128xi32, #tpu.memory_space<vmem>>) semaphore(%arg13 : memref<!tpu.dma_semaphore, #tpu.memory_space<semaphore_mem>>) {add = true}
      %get3A = arith.constant 1 : i32
      %get3A_65 = arith.index_cast %get3A : i32 to index
      %get3A_66 = arith.constant 0 : index
      %get3A_67 = tpu.vector_load %arg7[%get3A_65, %get3A_66] {strides = array<i32>} : memref<32x128xi32, #tpu.memory_space<vmem>>, vector<16xi32>,
      tpu.vector_store_idx %arg15[%get3A_67], %broadcast_in_dim3A_14 {add = true} : memref<10240xf32, #tpu.memory_space<vmem>>[vector<16xi32>], vector<16xf32>,
      %get3A_68 = arith.constant 1 : i32
      %get3A_69 = arith.index_cast %get3A_68 : i32 to index
      %get3A_70 = arith.constant 16 : index
      %get3A_71 = tpu.vector_load %arg7[%get3A_69, %get3A_70] {strides = array<i32>} : memref<32x128xi32, #tpu.memory_space<vmem>>, vector<16xi32>,
      tpu.vector_store_idx %arg15[%get3A_71], %broadcast_in_dim3A_14 {add = true} : memref<10240xf32, #tpu.memory_space<vmem>>[vector<16xi32>], vector<16xf32>,
      %get3A_72 = arith.constant 1 : i32
      %get3A_73 = arith.index_cast %get3A_72 : i32 to index
      %get3A_74 = arith.constant 32 : index
      %get3A_75 = tpu.vector_load %arg7[%get3A_73, %get3A_74] {strides = array<i32>} : memref<32x128xi32, #tpu.memory_space<vmem>>, vector<16xi32>,
      tpu.vector_store_idx %arg15[%get3A_75], %broadcast_in_dim3A_14 {add = true} : memref<10240xf32, #tpu.memory_space<vmem>>[vector<16xi32>], vector<16xf32>,
      %get3A_76 = arith.constant 1 : i32
      %get3A_77 = arith.index_cast %get3A_76 : i32 to index
      %get3A_78 = arith.constant 48 : index
      %get3A_79 = tpu.vector_load %arg7[%get3A_77, %get3A_78] {strides = array<i32>} : memref<32x128xi32, #tpu.memory_space<vmem>>, vector<16xi32>,
      tpu.vector_store_idx %arg15[%get3A_79], %broadcast_in_dim3A_14 {add = true} : memref<10240xf32, #tpu.memory_space<vmem>>[vector<16xi32>], vector<16xf32>,
      %get3A_80 = arith.constant 1 : i32
      %get3A_81 = arith.index_cast %get3A_80 : i32 to index
      %get3A_82 = arith.constant 64 : index
      %get3A_83 = tpu.vector_load %arg7[%get3A_81, %get3A_82] {strides = array<i32>} : memref<32x128xi32, #tpu.memory_space<vmem>>, vector<16xi32>,
      tpu.vector_store_idx %arg15[%get3A_83], %broadcast_in_dim3A_14 {add = true} : memref<10240xf32, #tpu.memory_space<vmem>>[vector<16xi32>], vector<16xf32>,
      %get3A_84 = arith.constant 1 : i32
      %get3A_85 = arith.index_cast %get3A_84 : i32 to index
      %get3A_86 = arith.constant 80 : index
      %get3A_87 = tpu.vector_load %arg7[%get3A_85, %get3A_86] {strides = array<i32>} : memref<32x128xi32, #tpu.memory_space<vmem>>, vector<16xi32>,
      tpu.vector_store_idx %arg15[%get3A_87], %broadcast_in_dim3A_14 {add = true} : memref<10240xf32, #tpu.memory_space<vmem>>[vector<16xi32>], vector<16xf32>,
      %get3A_88 = arith.constant 1 : i32
      %get3A_89 = arith.index_cast %get3A_88 : i32 to index
      %get3A_90 = arith.constant 96 : index
      %get3A_91 = tpu.vector_load %arg7[%get3A_89, %get3A_90] {strides = array<i32>} : memref<32x128xi32, #tpu.memory_space<vmem>>, vector<16xi32>,
      tpu.vector_store_idx %arg15[%get3A_91], %broadcast_in_dim3A_14 {add = true} : memref<10240xf32, #tpu.memory_space<vmem>>[vector<16xi32>], vector<16xf32>,
      %get3A_92 = arith.constant 1 : i32
      %get3A_93 = arith.index_cast %get3A_92 : i32 to index
      %get3A_94 = arith.constant 112 : index
      %get3A_95 = tpu.vector_load %arg7[%get3A_93, %get3A_94] {strides = array<i32>} : memref<32x128xi32, #tpu.memory_space<vmem>>, vector<16xi32>,
      tpu.vector_store_idx %arg15[%get3A_95], %broadcast_in_dim3A_14 {add = true} : memref<10240xf32, #tpu.memory_space<vmem>>[vector<16xi32>], vector<16xf32>,
      %dma_wait3A_96 = arith.constant 1 : i32
      %dma_wait3A_97 = arith.constant 0 : i32
      %dma_wait3A_98 = tpu.memref_slice %arg7[%dma_wait3A_96, %dma_wait3A_97] : memref<32x128xi32, #tpu.memory_space<vmem>> -> memref<1x128xi32, #tpu.memory_space<vmem>>
      %dma_wait3A_99 = tpu.memref_squeeze %dma_wait3A_98 : memref<1x128xi32, #tpu.memory_space<vmem>> -> memref<128xi32, #tpu.memory_space<vmem>>
      %dma_wait3A_100 = arith.constant 0 : i32
      %dma_wait3A_101 = arith.constant 0 : i32
      %dma_wait3A_102 = tpu.memref_slice %arg8[%dma_wait3A_100, %dma_wait3A_101] : memref<10240x128xf32, #tpu.memory_space<vmem_shared>> -> memref<10240x128xf32, #tpu.memory_space<vmem_shared>>
      tpu.wait_indirect_dma semaphore(%arg13 : memref<!tpu.dma_semaphore, #tpu.memory_space<semaphore_mem>>) src(%arg9 : memref<128x128xf32, #tpu.memory_space<vmem>>) dst(%dma_wait3A_102 : memref<10240x128xf32, #tpu.memory_space<vmem_shared>>)
      %dma_start3A_103 = arith.constant 4 : i32
      %dma_start3A_104 = arith.constant 0 : i32
      %dma_start3A_105 = tpu.memref_slice %arg7[%dma_start3A_103, %dma_start3A_104] : memref<32x128xi32, #tpu.memory_space<vmem>> -> memref<1x128xi32, #tpu.memory_space<vmem>>
      %dma_start3A_106 = tpu.memref_squeeze %dma_start3A_105 : memref<1x128xi32, #tpu.memory_space<vmem>> -> memref<128xi32, #tpu.memory_space<vmem>>
      %dma_start3A_107 = arith.constant 0 : i32
      %dma_start3A_108 = arith.constant 0 : i32
      %dma_start3A_109 = tpu.memref_slice %arg2[%dma_start3A_107, %dma_start3A_108] : memref<10000x128xf32, #tpu.memory_space<hbm>> -> memref<10000x128xf32, #tpu.memory_space<hbm>>
      tpu.enqueue_indirect_dma source(%dma_start3A_109 : memref<10000x128xf32, #tpu.memory_space<hbm>>) target(%arg9 : memref<128x128xf32, #tpu.memory_space<vmem>>) offsets(%dma_start3A_106 : memref<128xi32, #tpu.memory_space<vmem>>) semaphore(%arg11 : memref<!tpu.dma_semaphore, #tpu.memory_space<semaphore_mem>>)
      %dma_wait3A_110 = arith.constant 2 : i32
      %dma_wait3A_111 = arith.constant 0 : i32
      %dma_wait3A_112 = tpu.memref_slice %arg7[%dma_wait3A_110, %dma_wait3A_111] : memref<32x128xi32, #tpu.memory_space<vmem>> -> memref<1x128xi32, #tpu.memory_space<vmem>>
      %dma_wait3A_113 = tpu.memref_squeeze %dma_wait3A_112 : memref<1x128xi32, #tpu.memory_space<vmem>> -> memref<128xi32, #tpu.memory_space<vmem>>
      %dma_wait3A_114 = arith.constant 0 : i32
      %dma_wait3A_115 = arith.constant 0 : i32
      %dma_wait3A_116 = tpu.memref_slice %arg2[%dma_wait3A_114, %dma_wait3A_115] : memref<10000x128xf32, #tpu.memory_space<hbm>> -> memref<10000x128xf32, #tpu.memory_space<hbm>>
      tpu.wait_indirect_dma semaphore(%arg12 : memref<!tpu.dma_semaphore, #tpu.memory_space<semaphore_mem>>) src(%dma_wait3A_116 : memref<10000x128xf32, #tpu.memory_space<hbm>>) dst(%arg10 : memref<128x128xf32, #tpu.memory_space<vmem>>)
      %dma_start3A_117 = arith.constant 3 : i32
      %dma_start3A_118 = arith.constant 0 : i32
      %dma_start3A_119 = tpu.memref_slice %arg7[%dma_start3A_117, %dma_start3A_118] : memref<32x128xi32, #tpu.memory_space<vmem>> -> memref<1x128xi32, #tpu.memory_space<vmem>>
      %dma_start3A_120 = tpu.memref_squeeze %dma_start3A_119 : memref<1x128xi32, #tpu.memory_space<vmem>> -> memref<128xi32, #tpu.memory_space<vmem>>
      %dma_start3A_121 = arith.constant 0 : i32
      %dma_start3A_122 = arith.constant 0 : i32
      %dma_start3A_123 = tpu.memref_slice %arg8[%dma_start3A_121, %dma_start3A_122] : memref<10240x128xf32, #tpu.memory_space<vmem_shared>> -> memref<10240x128xf32, #tpu.memory_space<vmem_shared>>
      tpu.enqueue_indirect_dma source(%arg10 : memref<128x128xf32, #tpu.memory_space<vmem>>) target(%dma_start3A_123 : memref<10240x128xf32, #tpu.memory_space<vmem_shared>>) offsets(%dma_start3A_120 : memref<128xi32, #tpu.memory_space<vmem>>) semaphore(%arg14 : memref<!tpu.dma_semaphore, #tpu.memory_space<semaphore_mem>>) {add = true}
      %get3A_124 = arith.constant 3 : i32
      %get3A_125 = arith.index_cast %get3A_124 : i32 to index
      %get3A_126 = arith.constant 0 : index
      %get3A_127 = tpu.vector_load %arg7[%get3A_125, %get3A_126] {strides = array<i32>} : memref<32x128xi32, #tpu.memory_space<vmem>>, vector<16xi32>,
      tpu.vector_store_idx %arg15[%get3A_127], %broadcast_in_dim3A_14 {add = true} : memref<10240xf32, #tpu.memory_space<vmem>>[vector<16xi32>], vector<16xf32>,
      %get3A_128 = arith.constant 3 : i32
      %get3A_129 = arith.index_cast %get3A_128 : i32 to index
      %get3A_130 = arith.constant 16 : index
      %get3A_131 = tpu.vector_load %arg7[%get3A_129, %get3A_130] {strides = array<i32>} : memref<32x128xi32, #tpu.memory_space<vmem>>, vector<16xi32>,
      tpu.vector_store_idx %arg15[%get3A_131], %broadcast_in_dim3A_14 {add = true} : memref<10240xf32, #tpu.memory_space<vmem>>[vector<16xi32>], vector<16xf32>,
      %get3A_132 = arith.constant 3 : i32
      %get3A_133 = arith.index_cast %get3A_132 : i32 to index
      %get3A_134 = arith.constant 32 : index
      %get3A_135 = tpu.vector_load %arg7[%get3A_133, %get3A_134] {strides = array<i32>} : memref<32x128xi32, #tpu.memory_space<vmem>>, vector<16xi32>,
      tpu.vector_store_idx %arg15[%get3A_135], %broadcast_in_dim3A_14 {add = true} : memref<10240xf32, #tpu.memory_space<vmem>>[vector<16xi32>], vector<16xf32>,
      %get3A_136 = arith.constant 3 : i32
      %get3A_137 = arith.index_cast %get3A_136 : i32 to index
      %get3A_138 = arith.constant 48 : index
      %get3A_139 = tpu.vector_load %arg7[%get3A_137, %get3A_138] {strides = array<i32>} : memref<32x128xi32, #tpu.memory_space<vmem>>, vector<16xi32>,
      tpu.vector_store_idx %arg15[%get3A_139], %broadcast_in_dim3A_14 {add = true} : memref<10240xf32, #tpu.memory_space<vmem>>[vector<16xi32>], vector<16xf32>,
      %get3A_140 = arith.constant 3 : i32
      %get3A_141 = arith.index_cast %get3A_140 : i32 to index
      %get3A_142 = arith.constant 64 : index
      %get3A_143 = tpu.vector_load %arg7[%get3A_141, %get3A_142] {strides = array<i32>} : memref<32x128xi32, #tpu.memory_space<vmem>>, vector<16xi32>,
      tpu.vector_store_idx %arg15[%get3A_143], %broadcast_in_dim3A_14 {add = true} : memref<10240xf32, #tpu.memory_space<vmem>>[vector<16xi32>], vector<16xf32>,
      %get3A_144 = arith.constant 3 : i32
      %get3A_145 = arith.index_cast %get3A_144 : i32 to index
      %get3A_146 = arith.constant 80 : index
      %get3A_147 = tpu.vector_load %arg7[%get3A_145, %get3A_146] {strides = array<i32>} : memref<32x128xi32, #tpu.memory_space<vmem>>, vector<16xi32>,
      tpu.vector_store_idx %arg15[%get3A_147], %broadcast_in_dim3A_14 {add = true} : memref<10240xf32, #tpu.memory_space<vmem>>[vector<16xi32>], vector<16xf32>,
      %get3A_148 = arith.constant 3 : i32
      %get3A_149 = arith.index_cast %get3A_148 : i32 to index
      %get3A_150 = arith.constant 96 : index
      %get3A_151 = tpu.vector_load %arg7[%get3A_149, %get3A_150] {strides = array<i32>} : memref<32x128xi32, #tpu.memory_space<vmem>>, vector<16xi32>,
      tpu.vector_store_idx %arg15[%get3A_151], %broadcast_in_dim3A_14 {add = true} : memref<10240xf32, #tpu.memory_space<vmem>>[vector<16xi32>], vector<16xf32>,
      %get3A_152 = arith.constant 3 : i32
      %get3A_153 = arith.index_cast %get3A_152 : i32 to index
      %get3A_154 = arith.constant 112 : index
      %get3A_155 = tpu.vector_load %arg7[%get3A_153, %get3A_154] {strides = array<i32>} : memref<32x128xi32, #tpu.memory_space<vmem>>, vector<16xi32>,
      tpu.vector_store_idx %arg15[%get3A_155], %broadcast_in_dim3A_14 {add = true} : memref<10240xf32, #tpu.memory_space<vmem>>[vector<16xi32>], vector<16xf32>,
      %dma_wait3A_156 = arith.constant 3 : i32
      %dma_wait3A_157 = arith.constant 0 : i32
      %dma_wait3A_158 = tpu.memref_slice %arg7[%dma_wait3A_156, %dma_wait3A_157] : memref<32x128xi32, #tpu.memory_space<vmem>> -> memref<1x128xi32, #tpu.memory_space<vmem>>
      %dma_wait3A_159 = tpu.memref_squeeze %dma_wait3A_158 : memref<1x128xi32, #tpu.memory_space<vmem>> -> memref<128xi32, #tpu.memory_space<vmem>>
      %dma_wait3A_160 = arith.constant 0 : i32
      %dma_wait3A_161 = arith.constant 0 : i32
      %dma_wait3A_162 = tpu.memref_slice %arg8[%dma_wait3A_160, %dma_wait3A_161] : memref<10240x128xf32, #tpu.memory_space<vmem_shared>> -> memref<10240x128xf32, #tpu.memory_space<vmem_shared>>
      tpu.wait_indirect_dma semaphore(%arg14 : memref<!tpu.dma_semaphore, #tpu.memory_space<semaphore_mem>>) src(%arg10 : memref<128x128xf32, #tpu.memory_space<vmem>>) dst(%dma_wait3A_162 : memref<10240x128xf32, #tpu.memory_space<vmem_shared>>)
      %dma_start3A_163 = arith.constant 6 : i32
      %dma_start3A_164 = arith.constant 0 : i32
      %dma_start3A_165 = tpu.memref_slice %arg7[%dma_start3A_163, %dma_start3A_164] : memref<32x128xi32, #tpu.memory_space<vmem>> -> memref<1x128xi32, #tpu.memory_space<vmem>>
      %dma_start3A_166 = tpu.memref_squeeze %dma_start3A_165 : memref<1x128xi32, #tpu.memory_space<vmem>> -> memref<128xi32, #tpu.memory_space<vmem>>
      %dma_start3A_167 = arith.constant 0 : i32
      %dma_start3A_168 = arith.constant 0 : i32
      %dma_start3A_169 = tpu.memref_slice %arg2[%dma_start3A_167, %dma_start3A_168] : memref<10000x128xf32, #tpu.memory_space<hbm>> -> memref<10000x128xf32, #tpu.memory_space<hbm>>
      tpu.enqueue_indirect_dma source(%dma_start3A_169 : memref<10000x128xf32, #tpu.memory_space<hbm>>) target(%arg10 : memref<128x128xf32, #tpu.memory_space<vmem>>) offsets(%dma_start3A_166 : memref<128xi32, #tpu.memory_space<vmem>>) semaphore(%arg12 : memref<!tpu.dma_semaphore, #tpu.memory_space<semaphore_mem>>)
      %dma_wait3A_170 = arith.constant 4 : i32
      %dma_wait3A_171 = arith.constant 0 : i32
      %dma_wait3A_172 = tpu.memref_slice %arg7[%dma_wait3A_170, %dma_wait3A_171] : memref<32x128xi32, #tpu.memory_space<vmem>> -> memref<1x128xi32, #tpu.memory_space<vmem>>
      %dma_wait3A_173 = tpu.memref_squeeze %dma_wait3A_172 : memref<1x128xi32, #tpu.memory_space<vmem>> -> memref<128xi32, #tpu.memory_space<vmem>>
      %dma_wait3A_174 = arith.constant 0 : i32
      %dma_wait3A_175 = arith.constant 0 : i32
      %dma_wait3A_176 = tpu.memref_slice %arg2[%dma_wait3A_174, %dma_wait3A_175] : memref<10000x128xf32, #tpu.memory_space<hbm>> -> memref<10000x128xf32, #tpu.memory_space<hbm>>
      tpu.wait_indirect_dma semaphore(%arg11 : memref<!tpu.dma_semaphore, #tpu.memory_space<semaphore_mem>>) src(%dma_wait3A_176 : memref<10000x128xf32, #tpu.memory_space<hbm>>) dst(%arg9 : memref<128x128xf32, #tpu.memory_space<vmem>>)
      %dma_start3A_177 = arith.constant 5 : i32
      %dma_start3A_178 = arith.constant 0 : i32
      %dma_start3A_179 = tpu.memref_slice %arg7[%dma_start3A_177, %dma_start3A_178] : memref<32x128xi32, #tpu.memory_space<vmem>> -> memref<1x128xi32, #tpu.memory_space<vmem>>
      %dma_start3A_180 = tpu.memref_squeeze %dma_start3A_179 : memref<1x128xi32, #tpu.memory_space<vmem>> -> memref<128xi32, #tpu.memory_space<vmem>>
      %dma_start3A_181 = arith.constant 0 : i32
      %dma_start3A_182 = arith.constant 0 : i32
      %dma_start3A_183 = tpu.memref_slice %arg8[%dma_start3A_181, %dma_start3A_182] : memref<10240x128xf32, #tpu.memory_space<vmem_shared>> -> memref<10240x128xf32, #tpu.memory_space<vmem_shared>>
      tpu.enqueue_indirect_dma source(%arg9 : memref<128x128xf32, #tpu.memory_space<vmem>>) target(%dma_start3A_183 : memref<10240x128xf32, #tpu.memory_space<vmem_shared>>) offsets(%dma_start3A_180 : memref<128xi32, #tpu.memory_space<vmem>>) semaphore(%arg13 : memref<!tpu.dma_semaphore, #tpu.memory_space<semaphore_mem>>) {add = true}
      %get3A_184 = arith.constant 5 : i32
      %get3A_185 = arith.index_cast %get3A_184 : i32 to index
      %get3A_186 = arith.constant 0 : index
      %get3A_187 = tpu.vector_load %arg7[%get3A_185, %get3A_186] {strides = array<i32>} : memref<32x128xi32, #tpu.memory_space<vmem>>, vector<16xi32>,
      tpu.vector_store_idx %arg15[%get3A_187], %broadcast_in_dim3A_14 {add = true} : memref<10240xf32, #tpu.memory_space<vmem>>[vector<16xi32>], vector<16xf32>,
      %get3A_188 = arith.constant 5 : i32
      %get3A_189 = arith.index_cast %get3A_188 : i32 to index
      %get3A_190 = arith.constant 16 : index
      %get3A_191 = tpu.vector_load %arg7[%get3A_189, %get3A_190] {strides = array<i32>} : memref<32x128xi32, #tpu.memory_space<vmem>>, vector<16xi32>,
      tpu.vector_store_idx %arg15[%get3A_191], %broadcast_in_dim3A_14 {add = true} : memref<10240xf32, #tpu.memory_space<vmem>>[vector<16xi32>], vector<16xf32>,
      %get3A_192 = arith.constant 5 : i32
      %get3A_193 = arith.index_cast %get3A_192 : i32 to index
      %get3A_194 = arith.constant 32 : index
      %get3A_195 = tpu.vector_load %arg7[%get3A_193, %get3A_194] {strides = array<i32>} : memref<32x128xi32, #tpu.memory_space<vmem>>, vector<16xi32>,
      tpu.vector_store_idx %arg15[%get3A_195], %broadcast_in_dim3A_14 {add = true} : memref<10240xf32, #tpu.memory_space<vmem>>[vector<16xi32>], vector<16xf32>,
      %get3A_196 = arith.constant 5 : i32
      %get3A_197 = arith.index_cast %get3A_196 : i32 to index
      %get3A_198 = arith.constant 48 : index
      %get3A_199 = tpu.vector_load %arg7[%get3A_197, %get3A_198] {strides = array<i32>} : memref<32x128xi32, #tpu.memory_space<vmem>>, vector<16xi32>,
      tpu.vector_store_idx %arg15[%get3A_199], %broadcast_in_dim3A_14 {add = true} : memref<10240xf32, #tpu.memory_space<vmem>>[vector<16xi32>], vector<16xf32>,
      %get3A_200 = arith.constant 5 : i32
      %get3A_201 = arith.index_cast %get3A_200 : i32 to index
      %get3A_202 = arith.constant 64 : index
      %get3A_203 = tpu.vector_load %arg7[%get3A_201, %get3A_202] {strides = array<i32>} : memref<32x128xi32, #tpu.memory_space<vmem>>, vector<16xi32>,
      tpu.vector_store_idx %arg15[%get3A_203], %broadcast_in_dim3A_14 {add = true} : memref<10240xf32, #tpu.memory_space<vmem>>[vector<16xi32>], vector<16xf32>,
      %get3A_204 = arith.constant 5 : i32
      %get3A_205 = arith.index_cast %get3A_204 : i32 to index
      %get3A_206 = arith.constant 80 : index
      %get3A_207 = tpu.vector_load %arg7[%get3A_205, %get3A_206] {strides = array<i32>} : memref<32x128xi32, #tpu.memory_space<vmem>>, vector<16xi32>,
      tpu.vector_store_idx %arg15[%get3A_207], %broadcast_in_dim3A_14 {add = true} : memref<10240xf32, #tpu.memory_space<vmem>>[vector<16xi32>], vector<16xf32>,
      %get3A_208 = arith.constant 5 : i32
      %get3A_209 = arith.index_cast %get3A_208 : i32 to index
      %get3A_210 = arith.constant 96 : index
      %get3A_211 = tpu.vector_load %arg7[%get3A_209, %get3A_210] {strides = array<i32>} : memref<32x128xi32, #tpu.memory_space<vmem>>, vector<16xi32>,
      tpu.vector_store_idx %arg15[%get3A_211], %broadcast_in_dim3A_14 {add = true} : memref<10240xf32, #tpu.memory_space<vmem>>[vector<16xi32>], vector<16xf32>,
      %get3A_212 = arith.constant 5 : i32
      %get3A_213 = arith.index_cast %get3A_212 : i32 to index
      %get3A_214 = arith.constant 112 : index
      %get3A_215 = tpu.vector_load %arg7[%get3A_213, %get3A_214] {strides = array<i32>} : memref<32x128xi32, #tpu.memory_space<vmem>>, vector<16xi32>,
      tpu.vector_store_idx %arg15[%get3A_215], %broadcast_in_dim3A_14 {add = true} : memref<10240xf32, #tpu.memory_space<vmem>>[vector<16xi32>], vector<16xf32>,
      %dma_wait3A_216 = arith.constant 5 : i32
      %dma_wait3A_217 = arith.constant 0 : i32
      %dma_wait3A_218 = tpu.memref_slice %arg7[%dma_wait3A_216, %dma_wait3A_217] : memref<32x128xi32, #tpu.memory_space<vmem>> -> memref<1x128xi32, #tpu.memory_space<vmem>>
      %dma_wait3A_219 = tpu.memref_squeeze %dma_wait3A_218 : memref<1x128xi32, #tpu.memory_space<vmem>> -> memref<128xi32, #tpu.memory_space<vmem>>
      %dma_wait3A_220 = arith.constant 0 : i32
      %dma_wait3A_221 = arith.constant 0 : i32
      %dma_wait3A_222 = tpu.memref_slice %arg8[%dma_wait3A_220, %dma_wait3A_221] : memref<10240x128xf32, #tpu.memory_space<vmem_shared>> -> memref<10240x128xf32, #tpu.memory_space<vmem_shared>>
      tpu.wait_indirect_dma semaphore(%arg13 : memref<!tpu.dma_semaphore, #tpu.memory_space<semaphore_mem>>) src(%arg9 : memref<128x128xf32, #tpu.memory_space<vmem>>) dst(%dma_wait3A_222 : memref<10240x128xf32, #tpu.memory_space<vmem_shared>>)
      %dma_start3A_223 = arith.constant 8 : i32
      %dma_start3A_224 = arith.constant 0 : i32
      %dma_start3A_225 = tpu.memref_slice %arg7[%dma_start3A_223, %dma_start3A_224] : memref<32x128xi32, #tpu.memory_space<vmem>> -> memref<1x128xi32, #tpu.memory_space<vmem>>
      %dma_start3A_226 = tpu.memref_squeeze %dma_start3A_225 : memref<1x128xi32, #tpu.memory_space<vmem>> -> memref<128xi32, #tpu.memory_space<vmem>>
      %dma_start3A_227 = arith.constant 0 : i32
      %dma_start3A_228 = arith.constant 0 : i32
      %dma_start3A_229 = tpu.memref_slice %arg2[%dma_start3A_227, %dma_start3A_228] : memref<10000x128xf32, #tpu.memory_space<hbm>> -> memref<10000x128xf32, #tpu.memory_space<hbm>>
      tpu.enqueue_indirect_dma source(%dma_start3A_229 : memref<10000x128xf32, #tpu.memory_space<hbm>>) target(%arg9 : memref<128x128xf32, #tpu.memory_space<vmem>>) offsets(%dma_start3A_226 : memref<128xi32, #tpu.memory_space<vmem>>) semaphore(%arg11 : memref<!tpu.dma_semaphore, #tpu.memory_space<semaphore_mem>>)
      %dma_wait3A_230 = arith.constant 6 : i32
      %dma_wait3A_231 = arith.constant 0 : i32
      %dma_wait3A_232 = tpu.memref_slice %arg7[%dma_wait3A_230, %dma_wait3A_231] : memref<32x128xi32, #tpu.memory_space<vmem>> -> memref<1x128xi32, #tpu.memory_space<vmem>>
      %dma_wait3A_233 = tpu.memref_squeeze %dma_wait3A_232 : memref<1x128xi32, #tpu.memory_space<vmem>> -> memref<128xi32, #tpu.memory_space<vmem>>
      %dma_wait3A_234 = arith.constant 0 : i32
      %dma_wait3A_235 = arith.constant 0 : i32
      %dma_wait3A_236 = tpu.memref_slice %arg2[%dma_wait3A_234, %dma_wait3A_235] : memref<10000x128xf32, #tpu.memory_space<hbm>> -> memref<10000x128xf32, #tpu.memory_space<hbm>>
      tpu.wait_indirect_dma semaphore(%arg12 : memref<!tpu.dma_semaphore, #tpu.memory_space<semaphore_mem>>) src(%dma_wait3A_236 : memref<10000x128xf32, #tpu.memory_space<hbm>>) dst(%arg10 : memref<128x128xf32, #tpu.memory_space<vmem>>)
      %dma_start3A_237 = arith.constant 7 : i32
      %dma_start3A_238 = arith.constant 0 : i32
      %dma_start3A_239 = tpu.memref_slice %arg7[%dma_start3A_237, %dma_start3A_238] : memref<32x128xi32, #tpu.memory_space<vmem>> -> memref<1x128xi32, #tpu.memory_space<vmem>>
      %dma_start3A_240 = tpu.memref_squeeze %dma_start3A_239 : memref<1x128xi32, #tpu.memory_space<vmem>> -> memref<128xi32, #tpu.memory_space<vmem>>
      %dma_start3A_241 = arith.constant 0 : i32
      %dma_start3A_242 = arith.constant 0 : i32
      %dma_start3A_243 = tpu.memref_slice %arg8[%dma_start3A_241, %dma_start3A_242] : memref<10240x128xf32, #tpu.memory_space<vmem_shared>> -> memref<10240x128xf32, #tpu.memory_space<vmem_shared>>
      tpu.enqueue_indirect_dma source(%arg10 : memref<128x128xf32, #tpu.memory_space<vmem>>) target(%dma_start3A_243 : memref<10240x128xf32, #tpu.memory_space<vmem_shared>>) offsets(%dma_start3A_240 : memref<128xi32, #tpu.memory_space<vmem>>) semaphore(%arg14 : memref<!tpu.dma_semaphore, #tpu.memory_space<semaphore_mem>>) {add = true}
      %get3A_244 = arith.constant 7 : i32
      %get3A_245 = arith.index_cast %get3A_244 : i32 to index
      %get3A_246 = arith.constant 0 : index
      %get3A_247 = tpu.vector_load %arg7[%get3A_245, %get3A_246] {strides = array<i32>} : memref<32x128xi32, #tpu.memory_space<vmem>>, vector<16xi32>,
      tpu.vector_store_idx %arg15[%get3A_247], %broadcast_in_dim3A_14 {add = true} : memref<10240xf32, #tpu.memory_space<vmem>>[vector<16xi32>], vector<16xf32>,
      %get3A_248 = arith.constant 7 : i32
      %get3A_249 = arith.index_cast %get3A_248 : i32 to index
      %get3A_250 = arith.constant 16 : index
      %get3A_251 = tpu.vector_load %arg7[%get3A_249, %get3A_250] {strides = array<i32>} : memref<32x128xi32, #tpu.memory_space<vmem>>, vector<16xi32>,
      tpu.vector_store_idx %arg15[%get3A_251], %broadcast_in_dim3A_14 {add = true} : memref<10240xf32, #tpu.memory_space<vmem>>[vector<16xi32>], vector<16xf32>,
      %get3A_252 = arith.constant 7 : i32
      %get3A_253 = arith.index_cast %get3A_252 : i32 to index
      %get3A_254 = arith.constant 32 : index
      %get3A_255 = tpu.vector_load %arg7[%get3A_253, %get3A_254] {strides = array<i32>} : memref<32x128xi32, #tpu.memory_space<vmem>>, vector<16xi32>,
      tpu.vector_store_idx %arg15[%get3A_255], %broadcast_in_dim3A_14 {add = true} : memref<10240xf32, #tpu.memory_space<vmem>>[vector<16xi32>], vector<16xf32>,
      %get3A_256 = arith.constant 7 : i32
      %get3A_257 = arith.index_cast %get3A_256 : i32 to index
      %get3A_258 = arith.constant 48 : index
      %get3A_259 = tpu.vector_load %arg7[%get3A_257, %get3A_258] {strides = array<i32>} : memref<32x128xi32, #tpu.memory_space<vmem>>, vector<16xi32>,
      tpu.vector_store_idx %arg15[%get3A_259], %broadcast_in_dim3A_14 {add = true} : memref<10240xf32, #tpu.memory_space<vmem>>[vector<16xi32>], vector<16xf32>,
      %get3A_260 = arith.constant 7 : i32
      %get3A_261 = arith.index_cast %get3A_260 : i32 to index
      %get3A_262 = arith.constant 64 : index
      %get3A_263 = tpu.vector_load %arg7[%get3A_261, %get3A_262] {strides = array<i32>} : memref<32x128xi32, #tpu.memory_space<vmem>>, vector<16xi32>,
      tpu.vector_store_idx %arg15[%get3A_263], %broadcast_in_dim3A_14 {add = true} : memref<10240xf32, #tpu.memory_space<vmem>>[vector<16xi32>], vector<16xf32>,
      %get3A_264 = arith.constant 7 : i32
      %get3A_265 = arith.index_cast %get3A_264 : i32 to index
      %get3A_266 = arith.constant 80 : index
      %get3A_267 = tpu.vector_load %arg7[%get3A_265, %get3A_266] {strides = array<i32>} : memref<32x128xi32, #tpu.memory_space<vmem>>, vector<16xi32>,
      tpu.vector_store_idx %arg15[%get3A_267], %broadcast_in_dim3A_14 {add = true} : memref<10240xf32, #tpu.memory_space<vmem>>[vector<16xi32>], vector<16xf32>,
      %get3A_268 = arith.constant 7 : i32
      %get3A_269 = arith.index_cast %get3A_268 : i32 to index
      %get3A_270 = arith.constant 96 : index
      %get3A_271 = tpu.vector_load %arg7[%get3A_269, %get3A_270] {strides = array<i32>} : memref<32x128xi32, #tpu.memory_space<vmem>>, vector<16xi32>,
      tpu.vector_store_idx %arg15[%get3A_271], %broadcast_in_dim3A_14 {add = true} : memref<10240xf32, #tpu.memory_space<vmem>>[vector<16xi32>], vector<16xf32>,
      %get3A_272 = arith.constant 7 : i32
      %get3A_273 = arith.index_cast %get3A_272 : i32 to index
      %get3A_274 = arith.constant 112 : index
      %get3A_275 = tpu.vector_load %arg7[%get3A_273, %get3A_274] {strides = array<i32>} : memref<32x128xi32, #tpu.memory_space<vmem>>, vector<16xi32>,
      tpu.vector_store_idx %arg15[%get3A_275], %broadcast_in_dim3A_14 {add = true} : memref<10240xf32, #tpu.memory_space<vmem>>[vector<16xi32>], vector<16xf32>,
      %dma_wait3A_276 = arith.constant 7 : i32
      %dma_wait3A_277 = arith.constant 0 : i32
      %dma_wait3A_278 = tpu.memref_slice %arg7[%dma_wait3A_276, %dma_wait3A_277] : memref<32x128xi32, #tpu.memory_space<vmem>> -> memref<1x128xi32, #tpu.memory_space<vmem>>
      %dma_wait3A_279 = tpu.memref_squeeze %dma_wait3A_278 : memref<1x128xi32, #tpu.memory_space<vmem>> -> memref<128xi32, #tpu.memory_space<vmem>>
      %dma_wait3A_280 = arith.constant 0 : i32
      %dma_wait3A_281 = arith.constant 0 : i32
      %dma_wait3A_282 = tpu.memref_slice %arg8[%dma_wait3A_280, %dma_wait3A_281] : memref<10240x128xf32, #tpu.memory_space<vmem_shared>> -> memref<10240x128xf32, #tpu.memory_space<vmem_shared>>
      tpu.wait_indirect_dma semaphore(%arg14 : memref<!tpu.dma_semaphore, #tpu.memory_space<semaphore_mem>>) src(%arg10 : memref<128x128xf32, #tpu.memory_space<vmem>>) dst(%dma_wait3A_282 : memref<10240x128xf32, #tpu.memory_space<vmem_shared>>)
      %dma_start3A_283 = arith.constant 10 : i32
      %dma_start3A_284 = arith.constant 0 : i32
      %dma_start3A_285 = tpu.memref_slice %arg7[%dma_start3A_283, %dma_start3A_284] : memref<32x128xi32, #tpu.memory_space<vmem>> -> memref<1x128xi32, #tpu.memory_space<vmem>>
      %dma_start3A_286 = tpu.memref_squeeze %dma_start3A_285 : memref<1x128xi32, #tpu.memory_space<vmem>> -> memref<128xi32, #tpu.memory_space<vmem>>
      %dma_start3A_287 = arith.constant 0 : i32
      %dma_start3A_288 = arith.constant 0 : i32
      %dma_start3A_289 = tpu.memref_slice %arg2[%dma_start3A_287, %dma_start3A_288] : memref<10000x128xf32, #tpu.memory_space<hbm>> -> memref<10000x128xf32, #tpu.memory_space<hbm>>
      tpu.enqueue_indirect_dma source(%dma_start3A_289 : memref<10000x128xf32, #tpu.memory_space<hbm>>) target(%arg10 : memref<128x128xf32, #tpu.memory_space<vmem>>) offsets(%dma_start3A_286 : memref<128xi32, #tpu.memory_space<vmem>>) semaphore(%arg12 : memref<!tpu.dma_semaphore, #tpu.memory_space<semaphore_mem>>)
      %dma_wait3A_290 = arith.constant 8 : i32
      %dma_wait3A_291 = arith.constant 0 : i32
      %dma_wait3A_292 = tpu.memref_slice %arg7[%dma_wait3A_290, %dma_wait3A_291] : memref<32x128xi32, #tpu.memory_space<vmem>> -> memref<1x128xi32, #tpu.memory_space<vmem>>
      %dma_wait3A_293 = tpu.memref_squeeze %dma_wait3A_292 : memref<1x128xi32, #tpu.memory_space<vmem>> -> memref<128xi32, #tpu.memory_space<vmem>>
      %dma_wait3A_294 = arith.constant 0 : i32
      %dma_wait3A_295 = arith.constant 0 : i32
      %dma_wait3A_296 = tpu.memref_slice %arg2[%dma_wait3A_294, %dma_wait3A_295] : memref<10000x128xf32, #tpu.memory_space<hbm>> -> memref<10000x128xf32, #tpu.memory_space<hbm>>
      tpu.wait_indirect_dma semaphore(%arg11 : memref<!tpu.dma_semaphore, #tpu.memory_space<semaphore_mem>>) src(%dma_wait3A_296 : memref<10000x128xf32, #tpu.memory_space<hbm>>) dst(%arg9 : memref<128x128xf32, #tpu.memory_space<vmem>>)
      %dma_start3A_297 = arith.constant 9 : i32
      %dma_start3A_298 = arith.constant 0 : i32
      %dma_start3A_299 = tpu.memref_slice %arg7[%dma_start3A_297, %dma_start3A_298] : memref<32x128xi32, #tpu.memory_space<vmem>> -> memref<1x128xi32, #tpu.memory_space<vmem>>
      %dma_start3A_300 = tpu.memref_squeeze %dma_start3A_299 : memref<1x128xi32, #tpu.memory_space<vmem>> -> memref<128xi32, #tpu.memory_space<vmem>>
      %dma_start3A_301 = arith.constant 0 : i32
      %dma_start3A_302 = arith.constant 0 : i32
      %dma_start3A_303 = tpu.memref_slice %arg8[%dma_start3A_301, %dma_start3A_302] : memref<10240x128xf32, #tpu.memory_space<vmem_shared>> -> memref<10240x128xf32, #tpu.memory_space<vmem_shared>>
      tpu.enqueue_indirect_dma source(%arg9 : memref<128x128xf32, #tpu.memory_space<vmem>>) target(%dma_start3A_303 : memref<10240x128xf32, #tpu.memory_space<vmem_shared>>) offsets(%dma_start3A_300 : memref<128xi32, #tpu.memory_space<vmem>>) semaphore(%arg13 : memref<!tpu.dma_semaphore, #tpu.memory_space<semaphore_mem>>) {add = true}
      %get3A_304 = arith.constant 9 : i32
      %get3A_305 = arith.index_cast %get3A_304 : i32 to index
      %get3A_306 = arith.constant 0 : index
      %get3A_307 = tpu.vector_load %arg7[%get3A_305, %get3A_306] {strides = array<i32>} : memref<32x128xi32, #tpu.memory_space<vmem>>, vector<16xi32>,
      tpu.vector_store_idx %arg15[%get3A_307], %broadcast_in_dim3A_14 {add = true} : memref<10240xf32, #tpu.memory_space<vmem>>[vector<16xi32>], vector<16xf32>,
      %get3A_308 = arith.constant 9 : i32
      %get3A_309 = arith.index_cast %get3A_308 : i32 to index
      %get3A_310 = arith.constant 16 : index
      %get3A_311 = tpu.vector_load %arg7[%get3A_309, %get3A_310] {strides = array<i32>} : memref<32x128xi32, #tpu.memory_space<vmem>>, vector<16xi32>,
      tpu.vector_store_idx %arg15[%get3A_311], %broadcast_in_dim3A_14 {add = true} : memref<10240xf32, #tpu.memory_space<vmem>>[vector<16xi32>], vector<16xf32>,
      %get3A_312 = arith.constant 9 : i32
      %get3A_313 = arith.index_cast %get3A_312 : i32 to index
      %get3A_314 = arith.constant 32 : index
      %get3A_315 = tpu.vector_load %arg7[%get3A_313, %get3A_314] {strides = array<i32>} : memref<32x128xi32, #tpu.memory_space<vmem>>, vector<16xi32>,
      tpu.vector_store_idx %arg15[%get3A_315], %broadcast_in_dim3A_14 {add = true} : memref<10240xf32, #tpu.memory_space<vmem>>[vector<16xi32>], vector<16xf32>,
      %get3A_316 = arith.constant 9 : i32
      %get3A_317 = arith.index_cast %get3A_316 : i32 to index
      %get3A_318 = arith.constant 48 : index
      %get3A_319 = tpu.vector_load %arg7[%get3A_317, %get3A_318] {strides = array<i32>} : memref<32x128xi32, #tpu.memory_space<vmem>>, vector<16xi32>,
      tpu.vector_store_idx %arg15[%get3A_319], %broadcast_in_dim3A_14 {add = true} : memref<10240xf32, #tpu.memory_space<vmem>>[vector<16xi32>], vector<16xf32>,
      %get3A_320 = arith.constant 9 : i32
      %get3A_321 = arith.index_cast %get3A_320 : i32 to index
      %get3A_322 = arith.constant 64 : index
      %get3A_323 = tpu.vector_load %arg7[%get3A_321, %get3A_322] {strides = array<i32>} : memref<32x128xi32, #tpu.memory_space<vmem>>, vector<16xi32>,
      tpu.vector_store_idx %arg15[%get3A_323], %broadcast_in_dim3A_14 {add = true} : memref<10240xf32, #tpu.memory_space<vmem>>[vector<16xi32>], vector<16xf32>,
      %get3A_324 = arith.constant 9 : i32
      %get3A_325 = arith.index_cast %get3A_324 : i32 to index
      %get3A_326 = arith.constant 80 : index
      %get3A_327 = tpu.vector_load %arg7[%get3A_325, %get3A_326] {strides = array<i32>} : memref<32x128xi32, #tpu.memory_space<vmem>>, vector<16xi32>,
      tpu.vector_store_idx %arg15[%get3A_327], %broadcast_in_dim3A_14 {add = true} : memref<10240xf32, #tpu.memory_space<vmem>>[vector<16xi32>], vector<16xf32>,
      %get3A_328 = arith.constant 9 : i32
      %get3A_329 = arith.index_cast %get3A_328 : i32 to index
      %get3A_330 = arith.constant 96 : index
      %get3A_331 = tpu.vector_load %arg7[%get3A_329, %get3A_330] {strides = array<i32>} : memref<32x128xi32, #tpu.memory_space<vmem>>, vector<16xi32>,
      tpu.vector_store_idx %arg15[%get3A_331], %broadcast_in_dim3A_14 {add = true} : memref<10240xf32, #tpu.memory_space<vmem>>[vector<16xi32>], vector<16xf32>,
      %get3A_332 = arith.constant 9 : i32
      %get3A_333 = arith.index_cast %get3A_332 : i32 to index
      %get3A_334 = arith.constant 112 : index
      %get3A_335 = tpu.vector_load %arg7[%get3A_333, %get3A_334] {strides = array<i32>} : memref<32x128xi32, #tpu.memory_space<vmem>>, vector<16xi32>,
      tpu.vector_store_idx %arg15[%get3A_335], %broadcast_in_dim3A_14 {add = true} : memref<10240xf32, #tpu.memory_space<vmem>>[vector<16xi32>], vector<16xf32>,
      %dma_wait3A_336 = arith.constant 9 : i32
      %dma_wait3A_337 = arith.constant 0 : i32
      %dma_wait3A_338 = tpu.memref_slice %arg7[%dma_wait3A_336, %dma_wait3A_337] : memref<32x128xi32, #tpu.memory_space<vmem>> -> memref<1x128xi32, #tpu.memory_space<vmem>>
      %dma_wait3A_339 = tpu.memref_squeeze %dma_wait3A_338 : memref<1x128xi32, #tpu.memory_space<vmem>> -> memref<128xi32, #tpu.memory_space<vmem>>
      %dma_wait3A_340 = arith.constant 0 : i32
      %dma_wait3A_341 = arith.constant 0 : i32
      %dma_wait3A_342 = tpu.memref_slice %arg8[%dma_wait3A_340, %dma_wait3A_341] : memref<10240x128xf32, #tpu.memory_space<vmem_shared>> -> memref<10240x128xf32, #tpu.memory_space<vmem_shared>>
      tpu.wait_indirect_dma semaphore(%arg13 : memref<!tpu.dma_semaphore, #tpu.memory_space<semaphore_mem>>) src(%arg9 : memref<128x128xf32, #tpu.memory_space<vmem>>) dst(%dma_wait3A_342 : memref<10240x128xf32, #tpu.memory_space<vmem_shared>>)
      %dma_start3A_343 = arith.constant 12 : i32
      %dma_start3A_344 = arith.constant 0 : i32
      %dma_start3A_345 = tpu.memref_slice %arg7[%dma_start3A_343, %dma_start3A_344] : memref<32x128xi32, #tpu.memory_space<vmem>> -> memref<1x128xi32, #tpu.memory_space<vmem>>
      %dma_start3A_346 = tpu.memref_squeeze %dma_start3A_345 : memref<1x128xi32, #tpu.memory_space<vmem>> -> memref<128xi32, #tpu.memory_space<vmem>>
      %dma_start3A_347 = arith.constant 0 : i32
      %dma_start3A_348 = arith.constant 0 : i32
      %dma_start3A_349 = tpu.memref_slice %arg2[%dma_start3A_347, %dma_start3A_348] : memref<10000x128xf32, #tpu.memory_space<hbm>> -> memref<10000x128xf32, #tpu.memory_space<hbm>>
      tpu.enqueue_indirect_dma source(%dma_start3A_349 : memref<10000x128xf32, #tpu.memory_space<hbm>>) target(%arg9 : memref<128x128xf32, #tpu.memory_space<vmem>>) offsets(%dma_start3A_346 : memref<128xi32, #tpu.memory_space<vmem>>) semaphore(%arg11 : memref<!tpu.dma_semaphore, #tpu.memory_space<semaphore_mem>>)
      %dma_wait3A_350 = arith.constant 10 : i32
      %dma_wait3A_351 = arith.constant 0 : i32
      %dma_wait3A_352 = tpu.memref_slice %arg7[%dma_wait3A_350, %dma_wait3A_351] : memref<32x128xi32, #tpu.memory_space<vmem>> -> memref<1x128xi32, #tpu.memory_space<vmem>>
      %dma_wait3A_353 = tpu.memref_squeeze %dma_wait3A_352 : memref<1x128xi32, #tpu.memory_space<vmem>> -> memref<128xi32, #tpu.memory_space<vmem>>
      %dma_wait3A_354 = arith.constant 0 : i32
      %dma_wait3A_355 = arith.constant 0 : i32
      %dma_wait3A_356 = tpu.memref_slice %arg2[%dma_wait3A_354, %dma_wait3A_355] : memref<10000x128xf32, #tpu.memory_space<hbm>> -> memref<10000x128xf32, #tpu.memory_space<hbm>>
      tpu.wait_indirect_dma semaphore(%arg12 : memref<!tpu.dma_semaphore, #tpu.memory_space<semaphore_mem>>) src(%dma_wait3A_356 : memref<10000x128xf32, #tpu.memory_space<hbm>>) dst(%arg10 : memref<128x128xf32, #tpu.memory_space<vmem>>)
      %dma_start3A_357 = arith.constant 11 : i32
      %dma_start3A_358 = arith.constant 0 : i32
      %dma_start3A_359 = tpu.memref_slice %arg7[%dma_start3A_357, %dma_start3A_358] : memref<32x128xi32, #tpu.memory_space<vmem>> -> memref<1x128xi32, #tpu.memory_space<vmem>>
      %dma_start3A_360 = tpu.memref_squeeze %dma_start3A_359 : memref<1x128xi32, #tpu.memory_space<vmem>> -> memref<128xi32, #tpu.memory_space<vmem>>
      %dma_start3A_361 = arith.constant 0 : i32
      %dma_start3A_362 = arith.constant 0 : i32
      %dma_start3A_363 = tpu.memref_slice %arg8[%dma_start3A_361, %dma_start3A_362] : memref<10240x128xf32, #tpu.memory_space<vmem_shared>> -> memref<10240x128xf32, #tpu.memory_space<vmem_shared>>
      tpu.enqueue_indirect_dma source(%arg10 : memref<128x128xf32, #tpu.memory_space<vmem>>) target(%dma_start3A_363 : memref<10240x128xf32, #tpu.memory_space<vmem_shared>>) offsets(%dma_start3A_360 : memref<128xi32, #tpu.memory_space<vmem>>) semaphore(%arg14 : memref<!tpu.dma_semaphore, #tpu.memory_space<semaphore_mem>>) {add = true}
      %get3A_364 = arith.constant 11 : i32
      %get3A_365 = arith.index_cast %get3A_364 : i32 to index
      %get3A_366 = arith.constant 0 : index
      %get3A_367 = tpu.vector_load %arg7[%get3A_365, %get3A_366] {strides = array<i32>} : memref<32x128xi32, #tpu.memory_space<vmem>>, vector<16xi32>,
      tpu.vector_store_idx %arg15[%get3A_367], %broadcast_in_dim3A_14 {add = true} : memref<10240xf32, #tpu.memory_space<vmem>>[vector<16xi32>], vector<16xf32>,
      %get3A_368 = arith.constant 11 : i32
      %get3A_369 = arith.index_cast %get3A_368 : i32 to index
      %get3A_370 = arith.constant 16 : index
      %get3A_371 = tpu.vector_load %arg7[%get3A_369, %get3A_370] {strides = array<i32>} : memref<32x128xi32, #tpu.memory_space<vmem>>, vector<16xi32>,
      tpu.vector_store_idx %arg15[%get3A_371], %broadcast_in_dim3A_14 {add = true} : memref<10240xf32, #tpu.memory_space<vmem>>[vector<16xi32>], vector<16xf32>,
      %get3A_372 = arith.constant 11 : i32
      %get3A_373 = arith.index_cast %get3A_372 : i32 to index
      %get3A_374 = arith.constant 32 : index
      %get3A_375 = tpu.vector_load %arg7[%get3A_373, %get3A_374] {strides = array<i32>} : memref<32x128xi32, #tpu.memory_space<vmem>>, vector<16xi32>,
      tpu.vector_store_idx %arg15[%get3A_375], %broadcast_in_dim3A_14 {add = true} : memref<10240xf32, #tpu.memory_space<vmem>>[vector<16xi32>], vector<16xf32>,
      %get3A_376 = arith.constant 11 : i32
      %get3A_377 = arith.index_cast %get3A_376 : i32 to index
      %get3A_378 = arith.constant 48 : index
      %get3A_379 = tpu.vector_load %arg7[%get3A_377, %get3A_378] {strides = array<i32>} : memref<32x128xi32, #tpu.memory_space<vmem>>, vector<16xi32>,
      tpu.vector_store_idx %arg15[%get3A_379], %broadcast_in_dim3A_14 {add = true} : memref<10240xf32, #tpu.memory_space<vmem>>[vector<16xi32>], vector<16xf32>,
      %get3A_380 = arith.constant 11 : i32
      %get3A_381 = arith.index_cast %get3A_380 : i32 to index
      %get3A_382 = arith.constant 64 : index
      %get3A_383 = tpu.vector_load %arg7[%get3A_381, %get3A_382] {strides = array<i32>} : memref<32x128xi32, #tpu.memory_space<vmem>>, vector<16xi32>,
      tpu.vector_store_idx %arg15[%get3A_383], %broadcast_in_dim3A_14 {add = true} : memref<10240xf32, #tpu.memory_space<vmem>>[vector<16xi32>], vector<16xf32>,
      %get3A_384 = arith.constant 11 : i32
      %get3A_385 = arith.index_cast %get3A_384 : i32 to index
      %get3A_386 = arith.constant 80 : index
      %get3A_387 = tpu.vector_load %arg7[%get3A_385, %get3A_386] {strides = array<i32>} : memref<32x128xi32, #tpu.memory_space<vmem>>, vector<16xi32>,
      tpu.vector_store_idx %arg15[%get3A_387], %broadcast_in_dim3A_14 {add = true} : memref<10240xf32, #tpu.memory_space<vmem>>[vector<16xi32>], vector<16xf32>,
      %get3A_388 = arith.constant 11 : i32
      %get3A_389 = arith.index_cast %get3A_388 : i32 to index
      %get3A_390 = arith.constant 96 : index
      %get3A_391 = tpu.vector_load %arg7[%get3A_389, %get3A_390] {strides = array<i32>} : memref<32x128xi32, #tpu.memory_space<vmem>>, vector<16xi32>,
      tpu.vector_store_idx %arg15[%get3A_391], %broadcast_in_dim3A_14 {add = true} : memref<10240xf32, #tpu.memory_space<vmem>>[vector<16xi32>], vector<16xf32>,
      %get3A_392 = arith.constant 11 : i32
      %get3A_393 = arith.index_cast %get3A_392 : i32 to index
      %get3A_394 = arith.constant 112 : index
      %get3A_395 = tpu.vector_load %arg7[%get3A_393, %get3A_394] {strides = array<i32>} : memref<32x128xi32, #tpu.memory_space<vmem>>, vector<16xi32>,
      tpu.vector_store_idx %arg15[%get3A_395], %broadcast_in_dim3A_14 {add = true} : memref<10240xf32, #tpu.memory_space<vmem>>[vector<16xi32>], vector<16xf32>,
      %dma_wait3A_396 = arith.constant 11 : i32
      %dma_wait3A_397 = arith.constant 0 : i32
      %dma_wait3A_398 = tpu.memref_slice %arg7[%dma_wait3A_396, %dma_wait3A_397] : memref<32x128xi32, #tpu.memory_space<vmem>> -> memref<1x128xi32, #tpu.memory_space<vmem>>
      %dma_wait3A_399 = tpu.memref_squeeze %dma_wait3A_398 : memref<1x128xi32, #tpu.memory_space<vmem>> -> memref<128xi32, #tpu.memory_space<vmem>>
      %dma_wait3A_400 = arith.constant 0 : i32
      %dma_wait3A_401 = arith.constant 0 : i32
      %dma_wait3A_402 = tpu.memref_slice %arg8[%dma_wait3A_400, %dma_wait3A_401] : memref<10240x128xf32, #tpu.memory_space<vmem_shared>> -> memref<10240x128xf32, #tpu.memory_space<vmem_shared>>
      tpu.wait_indirect_dma semaphore(%arg14 : memref<!tpu.dma_semaphore, #tpu.memory_space<semaphore_mem>>) src(%arg10 : memref<128x128xf32, #tpu.memory_space<vmem>>) dst(%dma_wait3A_402 : memref<10240x128xf32, #tpu.memory_space<vmem_shared>>)
      %dma_start3A_403 = arith.constant 14 : i32
      %dma_start3A_404 = arith.constant 0 : i32
      %dma_start3A_405 = tpu.memref_slice %arg7[%dma_start3A_403, %dma_start3A_404] : memref<32x128xi32, #tpu.memory_space<vmem>> -> memref<1x128xi32, #tpu.memory_space<vmem>>
      %dma_start3A_406 = tpu.memref_squeeze %dma_start3A_405 : memref<1x128xi32, #tpu.memory_space<vmem>> -> memref<128xi32, #tpu.memory_space<vmem>>
      %dma_start3A_407 = arith.constant 0 : i32
      %dma_start3A_408 = arith.constant 0 : i32
      %dma_start3A_409 = tpu.memref_slice %arg2[%dma_start3A_407, %dma_start3A_408] : memref<10000x128xf32, #tpu.memory_space<hbm>> -> memref<10000x128xf32, #tpu.memory_space<hbm>>
      tpu.enqueue_indirect_dma source(%dma_start3A_409 : memref<10000x128xf32, #tpu.memory_space<hbm>>) target(%arg10 : memref<128x128xf32, #tpu.memory_space<vmem>>) offsets(%dma_start3A_406 : memref<128xi32, #tpu.memory_space<vmem>>) semaphore(%arg12 : memref<!tpu.dma_semaphore, #tpu.memory_space<semaphore_mem>>)
      %dma_wait3A_410 = arith.constant 12 : i32
      %dma_wait3A_411 = arith.constant 0 : i32
      %dma_wait3A_412 = tpu.memref_slice %arg7[%dma_wait3A_410, %dma_wait3A_411] : memref<32x128xi32, #tpu.memory_space<vmem>> -> memref<1x128xi32, #tpu.memory_space<vmem>>
      %dma_wait3A_413 = tpu.memref_squeeze %dma_wait3A_412 : memref<1x128xi32, #tpu.memory_space<vmem>> -> memref<128xi32, #tpu.memory_space<vmem>>
      %dma_wait3A_414 = arith.constant 0 : i32
      %dma_wait3A_415 = arith.constant 0 : i32
      %dma_wait3A_416 = tpu.memref_slice %arg2[%dma_wait3A_414, %dma_wait3A_415] : memref<10000x128xf32, #tpu.memory_space<hbm>> -> memref<10000x128xf32, #tpu.memory_space<hbm>>
      tpu.wait_indirect_dma semaphore(%arg11 : memref<!tpu.dma_semaphore, #tpu.memory_space<semaphore_mem>>) src(%dma_wait3A_416 : memref<10000x128xf32, #tpu.memory_space<hbm>>) dst(%arg9 : memref<128x128xf32, #tpu.memory_space<vmem>>)
      %dma_start3A_417 = arith.constant 13 : i32
      %dma_start3A_418 = arith.constant 0 : i32
      %dma_start3A_419 = tpu.memref_slice %arg7[%dma_start3A_417, %dma_start3A_418] : memref<32x128xi32, #tpu.memory_space<vmem>> -> memref<1x128xi32, #tpu.memory_space<vmem>>
      %dma_start3A_420 = tpu.memref_squeeze %dma_start3A_419 : memref<1x128xi32, #tpu.memory_space<vmem>> -> memref<128xi32, #tpu.memory_space<vmem>>
      %dma_start3A_421 = arith.constant 0 : i32
      %dma_start3A_422 = arith.constant 0 : i32
      %dma_start3A_423 = tpu.memref_slice %arg8[%dma_start3A_421, %dma_start3A_422] : memref<10240x128xf32, #tpu.memory_space<vmem_shared>> -> memref<10240x128xf32, #tpu.memory_space<vmem_shared>>
      tpu.enqueue_indirect_dma source(%arg9 : memref<128x128xf32, #tpu.memory_space<vmem>>) target(%dma_start3A_423 : memref<10240x128xf32, #tpu.memory_space<vmem_shared>>) offsets(%dma_start3A_420 : memref<128xi32, #tpu.memory_space<vmem>>) semaphore(%arg13 : memref<!tpu.dma_semaphore, #tpu.memory_space<semaphore_mem>>) {add = true}
      %get3A_424 = arith.constant 13 : i32
      %get3A_425 = arith.index_cast %get3A_424 : i32 to index
      %get3A_426 = arith.constant 0 : index
      %get3A_427 = tpu.vector_load %arg7[%get3A_425, %get3A_426] {strides = array<i32>} : memref<32x128xi32, #tpu.memory_space<vmem>>, vector<16xi32>,
      tpu.vector_store_idx %arg15[%get3A_427], %broadcast_in_dim3A_14 {add = true} : memref<10240xf32, #tpu.memory_space<vmem>>[vector<16xi32>], vector<16xf32>,
      %get3A_428 = arith.constant 13 : i32
      %get3A_429 = arith.index_cast %get3A_428 : i32 to index
      %get3A_430 = arith.constant 16 : index
      %get3A_431 = tpu.vector_load %arg7[%get3A_429, %get3A_430] {strides = array<i32>} : memref<32x128xi32, #tpu.memory_space<vmem>>, vector<16xi32>,
      tpu.vector_store_idx %arg15[%get3A_431], %broadcast_in_dim3A_14 {add = true} : memref<10240xf32, #tpu.memory_space<vmem>>[vector<16xi32>], vector<16xf32>,
      %get3A_432 = arith.constant 13 : i32
      %get3A_433 = arith.index_cast %get3A_432 : i32 to index
      %get3A_434 = arith.constant 32 : index
      %get3A_435 = tpu.vector_load %arg7[%get3A_433, %get3A_434] {strides = array<i32>} : memref<32x128xi32, #tpu.memory_space<vmem>>, vector<16xi32>,
      tpu.vector_store_idx %arg15[%get3A_435], %broadcast_in_dim3A_14 {add = true} : memref<10240xf32, #tpu.memory_space<vmem>>[vector<16xi32>], vector<16xf32>,
      %get3A_436 = arith.constant 13 : i32
      %get3A_437 = arith.index_cast %get3A_436 : i32 to index
      %get3A_438 = arith.constant 48 : index
      %get3A_439 = tpu.vector_load %arg7[%get3A_437, %get3A_438] {strides = array<i32>} : memref<32x128xi32, #tpu.memory_space<vmem>>, vector<16xi32>,
      tpu.vector_store_idx %arg15[%get3A_439], %broadcast_in_dim3A_14 {add = true} : memref<10240xf32, #tpu.memory_space<vmem>>[vector<16xi32>], vector<16xf32>,
      %get3A_440 = arith.constant 13 : i32
      %get3A_441 = arith.index_cast %get3A_440 : i32 to index
      %get3A_442 = arith.constant 64 : index
      %get3A_443 = tpu.vector_load %arg7[%get3A_441, %get3A_442] {strides = array<i32>} : memref<32x128xi32, #tpu.memory_space<vmem>>, vector<16xi32>,
      tpu.vector_store_idx %arg15[%get3A_443], %broadcast_in_dim3A_14 {add = true} : memref<10240xf32, #tpu.memory_space<vmem>>[vector<16xi32>], vector<16xf32>,
      %get3A_444 = arith.constant 13 : i32
      %get3A_445 = arith.index_cast %get3A_444 : i32 to index
      %get3A_446 = arith.constant 80 : index
      %get3A_447 = tpu.vector_load %arg7[%get3A_445, %get3A_446] {strides = array<i32>} : memref<32x128xi32, #tpu.memory_space<vmem>>, vector<16xi32>,
      tpu.vector_store_idx %arg15[%get3A_447], %broadcast_in_dim3A_14 {add = true} : memref<10240xf32, #tpu.memory_space<vmem>>[vector<16xi32>], vector<16xf32>,
      %get3A_448 = arith.constant 13 : i32
      %get3A_449 = arith.index_cast %get3A_448 : i32 to index
      %get3A_450 = arith.constant 96 : index
      %get3A_451 = tpu.vector_load %arg7[%get3A_449, %get3A_450] {strides = array<i32>} : memref<32x128xi32, #tpu.memory_space<vmem>>, vector<16xi32>,
      tpu.vector_store_idx %arg15[%get3A_451], %broadcast_in_dim3A_14 {add = true} : memref<10240xf32, #tpu.memory_space<vmem>>[vector<16xi32>], vector<16xf32>,
      %get3A_452 = arith.constant 13 : i32
      %get3A_453 = arith.index_cast %get3A_452 : i32 to index
      %get3A_454 = arith.constant 112 : index
      %get3A_455 = tpu.vector_load %arg7[%get3A_453, %get3A_454] {strides = array<i32>} : memref<32x128xi32, #tpu.memory_space<vmem>>, vector<16xi32>,
      tpu.vector_store_idx %arg15[%get3A_455], %broadcast_in_dim3A_14 {add = true} : memref<10240xf32, #tpu.memory_space<vmem>>[vector<16xi32>], vector<16xf32>,
      %dma_wait3A_456 = arith.constant 13 : i32
      %dma_wait3A_457 = arith.constant 0 : i32
      %dma_wait3A_458 = tpu.memref_slice %arg7[%dma_wait3A_456, %dma_wait3A_457] : memref<32x128xi32, #tpu.memory_space<vmem>> -> memref<1x128xi32, #tpu.memory_space<vmem>>
      %dma_wait3A_459 = tpu.memref_squeeze %dma_wait3A_458 : memref<1x128xi32, #tpu.memory_space<vmem>> -> memref<128xi32, #tpu.memory_space<vmem>>
      %dma_wait3A_460 = arith.constant 0 : i32
      %dma_wait3A_461 = arith.constant 0 : i32
      %dma_wait3A_462 = tpu.memref_slice %arg8[%dma_wait3A_460, %dma_wait3A_461] : memref<10240x128xf32, #tpu.memory_space<vmem_shared>> -> memref<10240x128xf32, #tpu.memory_space<vmem_shared>>
      tpu.wait_indirect_dma semaphore(%arg13 : memref<!tpu.dma_semaphore, #tpu.memory_space<semaphore_mem>>) src(%arg9 : memref<128x128xf32, #tpu.memory_space<vmem>>) dst(%dma_wait3A_462 : memref<10240x128xf32, #tpu.memory_space<vmem_shared>>)
      %dma_start3A_463 = arith.constant 16 : i32
      %dma_start3A_464 = arith.constant 0 : i32
      %dma_start3A_465 = tpu.memref_slice %arg7[%dma_start3A_463, %dma_start3A_464] : memref<32x128xi32, #tpu.memory_space<vmem>> -> memref<1x128xi32, #tpu.memory_space<vmem>>
      %dma_start3A_466 = tpu.memref_squeeze %dma_start3A_465 : memref<1x128xi32, #tpu.memory_space<vmem>> -> memref<128xi32, #tpu.memory_space<vmem>>
      %dma_start3A_467 = arith.constant 0 : i32
      %dma_start3A_468 = arith.constant 0 : i32
      %dma_start3A_469 = tpu.memref_slice %arg2[%dma_start3A_467, %dma_start3A_468] : memref<10000x128xf32, #tpu.memory_space<hbm>> -> memref<10000x128xf32, #tpu.memory_space<hbm>>
      tpu.enqueue_indirect_dma source(%dma_start3A_469 : memref<10000x128xf32, #tpu.memory_space<hbm>>) target(%arg9 : memref<128x128xf32, #tpu.memory_space<vmem>>) offsets(%dma_start3A_466 : memref<128xi32, #tpu.memory_space<vmem>>) semaphore(%arg11 : memref<!tpu.dma_semaphore, #tpu.memory_space<semaphore_mem>>)
      %dma_wait3A_470 = arith.constant 14 : i32
      %dma_wait3A_471 = arith.constant 0 : i32
      %dma_wait3A_472 = tpu.memref_slice %arg7[%dma_wait3A_470, %dma_wait3A_471] : memref<32x128xi32, #tpu.memory_space<vmem>> -> memref<1x128xi32, #tpu.memory_space<vmem>>
      %dma_wait3A_473 = tpu.memref_squeeze %dma_wait3A_472 : memref<1x128xi32, #tpu.memory_space<vmem>> -> memref<128xi32, #tpu.memory_space<vmem>>
      %dma_wait3A_474 = arith.constant 0 : i32
      %dma_wait3A_475 = arith.constant 0 : i32
      %dma_wait3A_476 = tpu.memref_slice %arg2[%dma_wait3A_474, %dma_wait3A_475] : memref<10000x128xf32, #tpu.memory_space<hbm>> -> memref<10000x128xf32, #tpu.memory_space<hbm>>
      tpu.wait_indirect_dma semaphore(%arg12 : memref<!tpu.dma_semaphore, #tpu.memory_space<semaphore_mem>>) src(%dma_wait3A_476 : memref<10000x128xf32, #tpu.memory_space<hbm>>) dst(%arg10 : memref<128x128xf32, #tpu.memory_space<vmem>>)
      %dma_start3A_477 = arith.constant 15 : i32
      %dma_start3A_478 = arith.constant 0 : i32
      %dma_start3A_479 = tpu.memref_slice %arg7[%dma_start3A_477, %dma_start3A_478] : memref<32x128xi32, #tpu.memory_space<vmem>> -> memref<1x128xi32, #tpu.memory_space<vmem>>
      %dma_start3A_480 = tpu.memref_squeeze %dma_start3A_479 : memref<1x128xi32, #tpu.memory_space<vmem>> -> memref<128xi32, #tpu.memory_space<vmem>>
      %dma_start3A_481 = arith.constant 0 : i32
      %dma_start3A_482 = arith.constant 0 : i32
      %dma_start3A_483 = tpu.memref_slice %arg8[%dma_start3A_481, %dma_start3A_482] : memref<10240x128xf32, #tpu.memory_space<vmem_shared>> -> memref<10240x128xf32, #tpu.memory_space<vmem_shared>>
      tpu.enqueue_indirect_dma source(%arg10 : memref<128x128xf32, #tpu.memory_space<vmem>>) target(%dma_start3A_483 : memref<10240x128xf32, #tpu.memory_space<vmem_shared>>) offsets(%dma_start3A_480 : memref<128xi32, #tpu.memory_space<vmem>>) semaphore(%arg14 : memref<!tpu.dma_semaphore, #tpu.memory_space<semaphore_mem>>) {add = true}
      %get3A_484 = arith.constant 15 : i32
      %get3A_485 = arith.index_cast %get3A_484 : i32 to index
      %get3A_486 = arith.constant 0 : index
      %get3A_487 = tpu.vector_load %arg7[%get3A_485, %get3A_486] {strides = array<i32>} : memref<32x128xi32, #tpu.memory_space<vmem>>, vector<16xi32>,
      tpu.vector_store_idx %arg15[%get3A_487], %broadcast_in_dim3A_14 {add = true} : memref<10240xf32, #tpu.memory_space<vmem>>[vector<16xi32>], vector<16xf32>,
      %get3A_488 = arith.constant 15 : i32
      %get3A_489 = arith.index_cast %get3A_488 : i32 to index
      %get3A_490 = arith.constant 16 : index
      %get3A_491 = tpu.vector_load %arg7[%get3A_489, %get3A_490] {strides = array<i32>} : memref<32x128xi32, #tpu.memory_space<vmem>>, vector<16xi32>,
      tpu.vector_store_idx %arg15[%get3A_491], %broadcast_in_dim3A_14 {add = true} : memref<10240xf32, #tpu.memory_space<vmem>>[vector<16xi32>], vector<16xf32>,
      %get3A_492 = arith.constant 15 : i32
      %get3A_493 = arith.index_cast %get3A_492 : i32 to index
      %get3A_494 = arith.constant 32 : index
      %get3A_495 = tpu.vector_load %arg7[%get3A_493, %get3A_494] {strides = array<i32>} : memref<32x128xi32, #tpu.memory_space<vmem>>, vector<16xi32>,
      tpu.vector_store_idx %arg15[%get3A_495], %broadcast_in_dim3A_14 {add = true} : memref<10240xf32, #tpu.memory_space<vmem>>[vector<16xi32>], vector<16xf32>,
      %get3A_496 = arith.constant 15 : i32
      %get3A_497 = arith.index_cast %get3A_496 : i32 to index
      %get3A_498 = arith.constant 48 : index
      %get3A_499 = tpu.vector_load %arg7[%get3A_497, %get3A_498] {strides = array<i32>} : memref<32x128xi32, #tpu.memory_space<vmem>>, vector<16xi32>,
      tpu.vector_store_idx %arg15[%get3A_499], %broadcast_in_dim3A_14 {add = true} : memref<10240xf32, #tpu.memory_space<vmem>>[vector<16xi32>], vector<16xf32>,
      %get3A_500 = arith.constant 15 : i32
      %get3A_501 = arith.index_cast %get3A_500 : i32 to index
      %get3A_502 = arith.constant 64 : index
      %get3A_503 = tpu.vector_load %arg7[%get3A_501, %get3A_502] {strides = array<i32>} : memref<32x128xi32, #tpu.memory_space<vmem>>, vector<16xi32>,
      tpu.vector_store_idx %arg15[%get3A_503], %broadcast_in_dim3A_14 {add = true} : memref<10240xf32, #tpu.memory_space<vmem>>[vector<16xi32>], vector<16xf32>,
      %get3A_504 = arith.constant 15 : i32
      %get3A_505 = arith.index_cast %get3A_504 : i32 to index
      %get3A_506 = arith.constant 80 : index
      %get3A_507 = tpu.vector_load %arg7[%get3A_505, %get3A_506] {strides = array<i32>} : memref<32x128xi32, #tpu.memory_space<vmem>>, vector<16xi32>,
      tpu.vector_store_idx %arg15[%get3A_507], %broadcast_in_dim3A_14 {add = true} : memref<10240xf32, #tpu.memory_space<vmem>>[vector<16xi32>], vector<16xf32>,
      %get3A_508 = arith.constant 15 : i32
      %get3A_509 = arith.index_cast %get3A_508 : i32 to index
      %get3A_510 = arith.constant 96 : index
      %get3A_511 = tpu.vector_load %arg7[%get3A_509, %get3A_510] {strides = array<i32>} : memref<32x128xi32, #tpu.memory_space<vmem>>, vector<16xi32>,
      tpu.vector_store_idx %arg15[%get3A_511], %broadcast_in_dim3A_14 {add = true} : memref<10240xf32, #tpu.memory_space<vmem>>[vector<16xi32>], vector<16xf32>,
      %get3A_512 = arith.constant 15 : i32
      %get3A_513 = arith.index_cast %get3A_512 : i32 to index
      %get3A_514 = arith.constant 112 : index
      %get3A_515 = tpu.vector_load %arg7[%get3A_513, %get3A_514] {strides = array<i32>} : memref<32x128xi32, #tpu.memory_space<vmem>>, vector<16xi32>,
      tpu.vector_store_idx %arg15[%get3A_515], %broadcast_in_dim3A_14 {add = true} : memref<10240xf32, #tpu.memory_space<vmem>>[vector<16xi32>], vector<16xf32>,
      %dma_wait3A_516 = arith.constant 15 : i32
      %dma_wait3A_517 = arith.constant 0 : i32
      %dma_wait3A_518 = tpu.memref_slice %arg7[%dma_wait3A_516, %dma_wait3A_517] : memref<32x128xi32, #tpu.memory_space<vmem>> -> memref<1x128xi32, #tpu.memory_space<vmem>>
      %dma_wait3A_519 = tpu.memref_squeeze %dma_wait3A_518 : memref<1x128xi32, #tpu.memory_space<vmem>> -> memref<128xi32, #tpu.memory_space<vmem>>
      %dma_wait3A_520 = arith.constant 0 : i32
      %dma_wait3A_521 = arith.constant 0 : i32
      %dma_wait3A_522 = tpu.memref_slice %arg8[%dma_wait3A_520, %dma_wait3A_521] : memref<10240x128xf32, #tpu.memory_space<vmem_shared>> -> memref<10240x128xf32, #tpu.memory_space<vmem_shared>>
      tpu.wait_indirect_dma semaphore(%arg14 : memref<!tpu.dma_semaphore, #tpu.memory_space<semaphore_mem>>) src(%arg10 : memref<128x128xf32, #tpu.memory_space<vmem>>) dst(%dma_wait3A_522 : memref<10240x128xf32, #tpu.memory_space<vmem_shared>>)
      %dma_start3A_523 = arith.constant 18 : i32
      %dma_start3A_524 = arith.constant 0 : i32
      %dma_start3A_525 = tpu.memref_slice %arg7[%dma_start3A_523, %dma_start3A_524] : memref<32x128xi32, #tpu.memory_space<vmem>> -> memref<1x128xi32, #tpu.memory_space<vmem>>
      %dma_start3A_526 = tpu.memref_squeeze %dma_start3A_525 : memref<1x128xi32, #tpu.memory_space<vmem>> -> memref<128xi32, #tpu.memory_space<vmem>>
      %dma_start3A_527 = arith.constant 0 : i32
      %dma_start3A_528 = arith.constant 0 : i32
      %dma_start3A_529 = tpu.memref_slice %arg2[%dma_start3A_527, %dma_start3A_528] : memref<10000x128xf32, #tpu.memory_space<hbm>> -> memref<10000x128xf32, #tpu.memory_space<hbm>>
      tpu.enqueue_indirect_dma source(%dma_start3A_529 : memref<10000x128xf32, #tpu.memory_space<hbm>>) target(%arg10 : memref<128x128xf32, #tpu.memory_space<vmem>>) offsets(%dma_start3A_526 : memref<128xi32, #tpu.memory_space<vmem>>) semaphore(%arg12 : memref<!tpu.dma_semaphore, #tpu.memory_space<semaphore_mem>>)
      %dma_wait3A_530 = arith.constant 16 : i32
      %dma_wait3A_531 = arith.constant 0 : i32
      %dma_wait3A_532 = tpu.memref_slice %arg7[%dma_wait3A_530, %dma_wait3A_531] : memref<32x128xi32, #tpu.memory_space<vmem>> -> memref<1x128xi32, #tpu.memory_space<vmem>>
      %dma_wait3A_533 = tpu.memref_squeeze %dma_wait3A_532 : memref<1x128xi32, #tpu.memory_space<vmem>> -> memref<128xi32, #tpu.memory_space<vmem>>
      %dma_wait3A_534 = arith.constant 0 : i32
      %dma_wait3A_535 = arith.constant 0 : i32
      %dma_wait3A_536 = tpu.memref_slice %arg2[%dma_wait3A_534, %dma_wait3A_535] : memref<10000x128xf32, #tpu.memory_space<hbm>> -> memref<10000x128xf32, #tpu.memory_space<hbm>>
      tpu.wait_indirect_dma semaphore(%arg11 : memref<!tpu.dma_semaphore, #tpu.memory_space<semaphore_mem>>) src(%dma_wait3A_536 : memref<10000x128xf32, #tpu.memory_space<hbm>>) dst(%arg9 : memref<128x128xf32, #tpu.memory_space<vmem>>)
      %dma_start3A_537 = arith.constant 17 : i32
      %dma_start3A_538 = arith.constant 0 : i32
      %dma_start3A_539 = tpu.memref_slice %arg7[%dma_start3A_537, %dma_start3A_538] : memref<32x128xi32, #tpu.memory_space<vmem>> -> memref<1x128xi32, #tpu.memory_space<vmem>>
      %dma_start3A_540 = tpu.memref_squeeze %dma_start3A_539 : memref<1x128xi32, #tpu.memory_space<vmem>> -> memref<128xi32, #tpu.memory_space<vmem>>
      %dma_start3A_541 = arith.constant 0 : i32
      %dma_start3A_542 = arith.constant 0 : i32
      %dma_start3A_543 = tpu.memref_slice %arg8[%dma_start3A_541, %dma_start3A_542] : memref<10240x128xf32, #tpu.memory_space<vmem_shared>> -> memref<10240x128xf32, #tpu.memory_space<vmem_shared>>
      tpu.enqueue_indirect_dma source(%arg9 : memref<128x128xf32, #tpu.memory_space<vmem>>) target(%dma_start3A_543 : memref<10240x128xf32, #tpu.memory_space<vmem_shared>>) offsets(%dma_start3A_540 : memref<128xi32, #tpu.memory_space<vmem>>) semaphore(%arg13 : memref<!tpu.dma_semaphore, #tpu.memory_space<semaphore_mem>>) {add = true}
      %get3A_544 = arith.constant 17 : i32
      %get3A_545 = arith.index_cast %get3A_544 : i32 to index
      %get3A_546 = arith.constant 0 : index
      %get3A_547 = tpu.vector_load %arg7[%get3A_545, %get3A_546] {strides = array<i32>} : memref<32x128xi32, #tpu.memory_space<vmem>>, vector<16xi32>,
      tpu.vector_store_idx %arg15[%get3A_547], %broadcast_in_dim3A_14 {add = true} : memref<10240xf32, #tpu.memory_space<vmem>>[vector<16xi32>], vector<16xf32>,
      %get3A_548 = arith.constant 17 : i32
      %get3A_549 = arith.index_cast %get3A_548 : i32 to index
      %get3A_550 = arith.constant 16 : index
      %get3A_551 = tpu.vector_load %arg7[%get3A_549, %get3A_550] {strides = array<i32>} : memref<32x128xi32, #tpu.memory_space<vmem>>, vector<16xi32>,
      tpu.vector_store_idx %arg15[%get3A_551], %broadcast_in_dim3A_14 {add = true} : memref<10240xf32, #tpu.memory_space<vmem>>[vector<16xi32>], vector<16xf32>,
      %get3A_552 = arith.constant 17 : i32
      %get3A_553 = arith.index_cast %get3A_552 : i32 to index
      %get3A_554 = arith.constant 32 : index
      %get3A_555 = tpu.vector_load %arg7[%get3A_553, %get3A_554] {strides = array<i32>} : memref<32x128xi32, #tpu.memory_space<vmem>>, vector<16xi32>,
      tpu.vector_store_idx %arg15[%get3A_555], %broadcast_in_dim3A_14 {add = true} : memref<10240xf32, #tpu.memory_space<vmem>>[vector<16xi32>], vector<16xf32>,
      %get3A_556 = arith.constant 17 : i32
      %get3A_557 = arith.index_cast %get3A_556 : i32 to index
      %get3A_558 = arith.constant 48 : index
      %get3A_559 = tpu.vector_load %arg7[%get3A_557, %get3A_558] {strides = array<i32>} : memref<32x128xi32, #tpu.memory_space<vmem>>, vector<16xi32>,
      tpu.vector_store_idx %arg15[%get3A_559], %broadcast_in_dim3A_14 {add = true} : memref<10240xf32, #tpu.memory_space<vmem>>[vector<16xi32>], vector<16xf32>,
      %get3A_560 = arith.constant 17 : i32
      %get3A_561 = arith.index_cast %get3A_560 : i32 to index
      %get3A_562 = arith.constant 64 : index
      %get3A_563 = tpu.vector_load %arg7[%get3A_561, %get3A_562] {strides = array<i32>} : memref<32x128xi32, #tpu.memory_space<vmem>>, vector<16xi32>,
      tpu.vector_store_idx %arg15[%get3A_563], %broadcast_in_dim3A_14 {add = true} : memref<10240xf32, #tpu.memory_space<vmem>>[vector<16xi32>], vector<16xf32>,
      %get3A_564 = arith.constant 17 : i32
      %get3A_565 = arith.index_cast %get3A_564 : i32 to index
      %get3A_566 = arith.constant 80 : index
      %get3A_567 = tpu.vector_load %arg7[%get3A_565, %get3A_566] {strides = array<i32>} : memref<32x128xi32, #tpu.memory_space<vmem>>, vector<16xi32>,
      tpu.vector_store_idx %arg15[%get3A_567], %broadcast_in_dim3A_14 {add = true} : memref<10240xf32, #tpu.memory_space<vmem>>[vector<16xi32>], vector<16xf32>,
      %get3A_568 = arith.constant 17 : i32
      %get3A_569 = arith.index_cast %get3A_568 : i32 to index
      %get3A_570 = arith.constant 96 : index
      %get3A_571 = tpu.vector_load %arg7[%get3A_569, %get3A_570] {strides = array<i32>} : memref<32x128xi32, #tpu.memory_space<vmem>>, vector<16xi32>,
      tpu.vector_store_idx %arg15[%get3A_571], %broadcast_in_dim3A_14 {add = true} : memref<10240xf32, #tpu.memory_space<vmem>>[vector<16xi32>], vector<16xf32>,
      %get3A_572 = arith.constant 17 : i32
      %get3A_573 = arith.index_cast %get3A_572 : i32 to index
      %get3A_574 = arith.constant 112 : index
      %get3A_575 = tpu.vector_load %arg7[%get3A_573, %get3A_574] {strides = array<i32>} : memref<32x128xi32, #tpu.memory_space<vmem>>, vector<16xi32>,
      tpu.vector_store_idx %arg15[%get3A_575], %broadcast_in_dim3A_14 {add = true} : memref<10240xf32, #tpu.memory_space<vmem>>[vector<16xi32>], vector<16xf32>,
      %dma_wait3A_576 = arith.constant 17 : i32
      %dma_wait3A_577 = arith.constant 0 : i32
      %dma_wait3A_578 = tpu.memref_slice %arg7[%dma_wait3A_576, %dma_wait3A_577] : memref<32x128xi32, #tpu.memory_space<vmem>> -> memref<1x128xi32, #tpu.memory_space<vmem>>
      %dma_wait3A_579 = tpu.memref_squeeze %dma_wait3A_578 : memref<1x128xi32, #tpu.memory_space<vmem>> -> memref<128xi32, #tpu.memory_space<vmem>>
      %dma_wait3A_580 = arith.constant 0 : i32
      %dma_wait3A_581 = arith.constant 0 : i32
      %dma_wait3A_582 = tpu.memref_slice %arg8[%dma_wait3A_580, %dma_wait3A_581] : memref<10240x128xf32, #tpu.memory_space<vmem_shared>> -> memref<10240x128xf32, #tpu.memory_space<vmem_shared>>
      tpu.wait_indirect_dma semaphore(%arg13 : memref<!tpu.dma_semaphore, #tpu.memory_space<semaphore_mem>>) src(%arg9 : memref<128x128xf32, #tpu.memory_space<vmem>>) dst(%dma_wait3A_582 : memref<10240x128xf32, #tpu.memory_space<vmem_shared>>)
      %dma_start3A_583 = arith.constant 20 : i32
      %dma_start3A_584 = arith.constant 0 : i32
      %dma_start3A_585 = tpu.memref_slice %arg7[%dma_start3A_583, %dma_start3A_584] : memref<32x128xi32, #tpu.memory_space<vmem>> -> memref<1x128xi32, #tpu.memory_space<vmem>>
      %dma_start3A_586 = tpu.memref_squeeze %dma_start3A_585 : memref<1x128xi32, #tpu.memory_space<vmem>> -> memref<128xi32, #tpu.memory_space<vmem>>
      %dma_start3A_587 = arith.constant 0 : i32
      %dma_start3A_588 = arith.constant 0 : i32
      %dma_start3A_589 = tpu.memref_slice %arg2[%dma_start3A_587, %dma_start3A_588] : memref<10000x128xf32, #tpu.memory_space<hbm>> -> memref<10000x128xf32, #tpu.memory_space<hbm>>
      tpu.enqueue_indirect_dma source(%dma_start3A_589 : memref<10000x128xf32, #tpu.memory_space<hbm>>) target(%arg9 : memref<128x128xf32, #tpu.memory_space<vmem>>) offsets(%dma_start3A_586 : memref<128xi32, #tpu.memory_space<vmem>>) semaphore(%arg11 : memref<!tpu.dma_semaphore, #tpu.memory_space<semaphore_mem>>)
      %dma_wait3A_590 = arith.constant 18 : i32
      %dma_wait3A_591 = arith.constant 0 : i32
      %dma_wait3A_592 = tpu.memref_slice %arg7[%dma_wait3A_590, %dma_wait3A_591] : memref<32x128xi32, #tpu.memory_space<vmem>> -> memref<1x128xi32, #tpu.memory_space<vmem>>
      %dma_wait3A_593 = tpu.memref_squeeze %dma_wait3A_592 : memref<1x128xi32, #tpu.memory_space<vmem>> -> memref<128xi32, #tpu.memory_space<vmem>>
      %dma_wait3A_594 = arith.constant 0 : i32
      %dma_wait3A_595 = arith.constant 0 : i32
      %dma_wait3A_596 = tpu.memref_slice %arg2[%dma_wait3A_594, %dma_wait3A_595] : memref<10000x128xf32, #tpu.memory_space<hbm>> -> memref<10000x128xf32, #tpu.memory_space<hbm>>
      tpu.wait_indirect_dma semaphore(%arg12 : memref<!tpu.dma_semaphore, #tpu.memory_space<semaphore_mem>>) src(%dma_wait3A_596 : memref<10000x128xf32, #tpu.memory_space<hbm>>) dst(%arg10 : memref<128x128xf32, #tpu.memory_space<vmem>>)
      %dma_start3A_597 = arith.constant 19 : i32
      %dma_start3A_598 = arith.constant 0 : i32
      %dma_start3A_599 = tpu.memref_slice %arg7[%dma_start3A_597, %dma_start3A_598] : memref<32x128xi32, #tpu.memory_space<vmem>> -> memref<1x128xi32, #tpu.memory_space<vmem>>
      %dma_start3A_600 = tpu.memref_squeeze %dma_start3A_599 : memref<1x128xi32, #tpu.memory_space<vmem>> -> memref<128xi32, #tpu.memory_space<vmem>>
      %dma_start3A_601 = arith.constant 0 : i32
      %dma_start3A_602 = arith.constant 0 : i32
      %dma_start3A_603 = tpu.memref_slice %arg8[%dma_start3A_601, %dma_start3A_602] : memref<10240x128xf32, #tpu.memory_space<vmem_shared>> -> memref<10240x128xf32, #tpu.memory_space<vmem_shared>>
      tpu.enqueue_indirect_dma source(%arg10 : memref<128x128xf32, #tpu.memory_space<vmem>>) target(%dma_start3A_603 : memref<10240x128xf32, #tpu.memory_space<vmem_shared>>) offsets(%dma_start3A_600 : memref<128xi32, #tpu.memory_space<vmem>>) semaphore(%arg14 : memref<!tpu.dma_semaphore, #tpu.memory_space<semaphore_mem>>) {add = true}
      %get3A_604 = arith.constant 19 : i32
      %get3A_605 = arith.index_cast %get3A_604 : i32 to index
      %get3A_606 = arith.constant 0 : index
      %get3A_607 = tpu.vector_load %arg7[%get3A_605, %get3A_606] {strides = array<i32>} : memref<32x128xi32, #tpu.memory_space<vmem>>, vector<16xi32>,
      tpu.vector_store_idx %arg15[%get3A_607], %broadcast_in_dim3A_14 {add = true} : memref<10240xf32, #tpu.memory_space<vmem>>[vector<16xi32>], vector<16xf32>,
      %get3A_608 = arith.constant 19 : i32
      %get3A_609 = arith.index_cast %get3A_608 : i32 to index
      %get3A_610 = arith.constant 16 : index
      %get3A_611 = tpu.vector_load %arg7[%get3A_609, %get3A_610] {strides = array<i32>} : memref<32x128xi32, #tpu.memory_space<vmem>>, vector<16xi32>,
      tpu.vector_store_idx %arg15[%get3A_611], %broadcast_in_dim3A_14 {add = true} : memref<10240xf32, #tpu.memory_space<vmem>>[vector<16xi32>], vector<16xf32>,
      %get3A_612 = arith.constant 19 : i32
      %get3A_613 = arith.index_cast %get3A_612 : i32 to index
      %get3A_614 = arith.constant 32 : index
      %get3A_615 = tpu.vector_load %arg7[%get3A_613, %get3A_614] {strides = array<i32>} : memref<32x128xi32, #tpu.memory_space<vmem>>, vector<16xi32>,
      tpu.vector_store_idx %arg15[%get3A_615], %broadcast_in_dim3A_14 {add = true} : memref<10240xf32, #tpu.memory_space<vmem>>[vector<16xi32>], vector<16xf32>,
      %get3A_616 = arith.constant 19 : i32
      %get3A_617 = arith.index_cast %get3A_616 : i32 to index
      %get3A_618 = arith.constant 48 : index
      %get3A_619 = tpu.vector_load %arg7[%get3A_617, %get3A_618] {strides = array<i32>} : memref<32x128xi32, #tpu.memory_space<vmem>>, vector<16xi32>,
      tpu.vector_store_idx %arg15[%get3A_619], %broadcast_in_dim3A_14 {add = true} : memref<10240xf32, #tpu.memory_space<vmem>>[vector<16xi32>], vector<16xf32>,
      %get3A_620 = arith.constant 19 : i32
      %get3A_621 = arith.index_cast %get3A_620 : i32 to index
      %get3A_622 = arith.constant 64 : index
      %get3A_623 = tpu.vector_load %arg7[%get3A_621, %get3A_622] {strides = array<i32>} : memref<32x128xi32, #tpu.memory_space<vmem>>, vector<16xi32>,
      tpu.vector_store_idx %arg15[%get3A_623], %broadcast_in_dim3A_14 {add = true} : memref<10240xf32, #tpu.memory_space<vmem>>[vector<16xi32>], vector<16xf32>,
      %get3A_624 = arith.constant 19 : i32
      %get3A_625 = arith.index_cast %get3A_624 : i32 to index
      %get3A_626 = arith.constant 80 : index
      %get3A_627 = tpu.vector_load %arg7[%get3A_625, %get3A_626] {strides = array<i32>} : memref<32x128xi32, #tpu.memory_space<vmem>>, vector<16xi32>,
      tpu.vector_store_idx %arg15[%get3A_627], %broadcast_in_dim3A_14 {add = true} : memref<10240xf32, #tpu.memory_space<vmem>>[vector<16xi32>], vector<16xf32>,
      %get3A_628 = arith.constant 19 : i32
      %get3A_629 = arith.index_cast %get3A_628 : i32 to index
      %get3A_630 = arith.constant 96 : index
      %get3A_631 = tpu.vector_load %arg7[%get3A_629, %get3A_630] {strides = array<i32>} : memref<32x128xi32, #tpu.memory_space<vmem>>, vector<16xi32>,
      tpu.vector_store_idx %arg15[%get3A_631], %broadcast_in_dim3A_14 {add = true} : memref<10240xf32, #tpu.memory_space<vmem>>[vector<16xi32>], vector<16xf32>,
      %get3A_632 = arith.constant 19 : i32
      %get3A_633 = arith.index_cast %get3A_632 : i32 to index
      %get3A_634 = arith.constant 112 : index
      %get3A_635 = tpu.vector_load %arg7[%get3A_633, %get3A_634] {strides = array<i32>} : memref<32x128xi32, #tpu.memory_space<vmem>>, vector<16xi32>,
      tpu.vector_store_idx %arg15[%get3A_635], %broadcast_in_dim3A_14 {add = true} : memref<10240xf32, #tpu.memory_space<vmem>>[vector<16xi32>], vector<16xf32>,
      %dma_wait3A_636 = arith.constant 19 : i32
      %dma_wait3A_637 = arith.constant 0 : i32
      %dma_wait3A_638 = tpu.memref_slice %arg7[%dma_wait3A_636, %dma_wait3A_637] : memref<32x128xi32, #tpu.memory_space<vmem>> -> memref<1x128xi32, #tpu.memory_space<vmem>>
      %dma_wait3A_639 = tpu.memref_squeeze %dma_wait3A_638 : memref<1x128xi32, #tpu.memory_space<vmem>> -> memref<128xi32, #tpu.memory_space<vmem>>
      %dma_wait3A_640 = arith.constant 0 : i32
      %dma_wait3A_641 = arith.constant 0 : i32
      %dma_wait3A_642 = tpu.memref_slice %arg8[%dma_wait3A_640, %dma_wait3A_641] : memref<10240x128xf32, #tpu.memory_space<vmem_shared>> -> memref<10240x128xf32, #tpu.memory_space<vmem_shared>>
      tpu.wait_indirect_dma semaphore(%arg14 : memref<!tpu.dma_semaphore, #tpu.memory_space<semaphore_mem>>) src(%arg10 : memref<128x128xf32, #tpu.memory_space<vmem>>) dst(%dma_wait3A_642 : memref<10240x128xf32, #tpu.memory_space<vmem_shared>>)
      %dma_start3A_643 = arith.constant 22 : i32
      %dma_start3A_644 = arith.constant 0 : i32
      %dma_start3A_645 = tpu.memref_slice %arg7[%dma_start3A_643, %dma_start3A_644] : memref<32x128xi32, #tpu.memory_space<vmem>> -> memref<1x128xi32, #tpu.memory_space<vmem>>
      %dma_start3A_646 = tpu.memref_squeeze %dma_start3A_645 : memref<1x128xi32, #tpu.memory_space<vmem>> -> memref<128xi32, #tpu.memory_space<vmem>>
      %dma_start3A_647 = arith.constant 0 : i32
      %dma_start3A_648 = arith.constant 0 : i32
      %dma_start3A_649 = tpu.memref_slice %arg2[%dma_start3A_647, %dma_start3A_648] : memref<10000x128xf32, #tpu.memory_space<hbm>> -> memref<10000x128xf32, #tpu.memory_space<hbm>>
      tpu.enqueue_indirect_dma source(%dma_start3A_649 : memref<10000x128xf32, #tpu.memory_space<hbm>>) target(%arg10 : memref<128x128xf32, #tpu.memory_space<vmem>>) offsets(%dma_start3A_646 : memref<128xi32, #tpu.memory_space<vmem>>) semaphore(%arg12 : memref<!tpu.dma_semaphore, #tpu.memory_space<semaphore_mem>>)
      %dma_wait3A_650 = arith.constant 20 : i32
      %dma_wait3A_651 = arith.constant 0 : i32
      %dma_wait3A_652 = tpu.memref_slice %arg7[%dma_wait3A_650, %dma_wait3A_651] : memref<32x128xi32, #tpu.memory_space<vmem>> -> memref<1x128xi32, #tpu.memory_space<vmem>>
      %dma_wait3A_653 = tpu.memref_squeeze %dma_wait3A_652 : memref<1x128xi32, #tpu.memory_space<vmem>> -> memref<128xi32, #tpu.memory_space<vmem>>
      %dma_wait3A_654 = arith.constant 0 : i32
      %dma_wait3A_655 = arith.constant 0 : i32
      %dma_wait3A_656 = tpu.memref_slice %arg2[%dma_wait3A_654, %dma_wait3A_655] : memref<10000x128xf32, #tpu.memory_space<hbm>> -> memref<10000x128xf32, #tpu.memory_space<hbm>>
      tpu.wait_indirect_dma semaphore(%arg11 : memref<!tpu.dma_semaphore, #tpu.memory_space<semaphore_mem>>) src(%dma_wait3A_656 : memref<10000x128xf32, #tpu.memory_space<hbm>>) dst(%arg9 : memref<128x128xf32, #tpu.memory_space<vmem>>)
      %dma_start3A_657 = arith.constant 21 : i32
      %dma_start3A_658 = arith.constant 0 : i32
      %dma_start3A_659 = tpu.memref_slice %arg7[%dma_start3A_657, %dma_start3A_658] : memref<32x128xi32, #tpu.memory_space<vmem>> -> memref<1x128xi32, #tpu.memory_space<vmem>>
      %dma_start3A_660 = tpu.memref_squeeze %dma_start3A_659 : memref<1x128xi32, #tpu.memory_space<vmem>> -> memref<128xi32, #tpu.memory_space<vmem>>
      %dma_start3A_661 = arith.constant 0 : i32
      %dma_start3A_662 = arith.constant 0 : i32
      %dma_start3A_663 = tpu.memref_slice %arg8[%dma_start3A_661, %dma_start3A_662] : memref<10240x128xf32, #tpu.memory_space<vmem_shared>> -> memref<10240x128xf32, #tpu.memory_space<vmem_shared>>
      tpu.enqueue_indirect_dma source(%arg9 : memref<128x128xf32, #tpu.memory_space<vmem>>) target(%dma_start3A_663 : memref<10240x128xf32, #tpu.memory_space<vmem_shared>>) offsets(%dma_start3A_660 : memref<128xi32, #tpu.memory_space<vmem>>) semaphore(%arg13 : memref<!tpu.dma_semaphore, #tpu.memory_space<semaphore_mem>>) {add = true}
      %get3A_664 = arith.constant 21 : i32
      %get3A_665 = arith.index_cast %get3A_664 : i32 to index
      %get3A_666 = arith.constant 0 : index
      %get3A_667 = tpu.vector_load %arg7[%get3A_665, %get3A_666] {strides = array<i32>} : memref<32x128xi32, #tpu.memory_space<vmem>>, vector<16xi32>,
      tpu.vector_store_idx %arg15[%get3A_667], %broadcast_in_dim3A_14 {add = true} : memref<10240xf32, #tpu.memory_space<vmem>>[vector<16xi32>], vector<16xf32>,
      %get3A_668 = arith.constant 21 : i32
      %get3A_669 = arith.index_cast %get3A_668 : i32 to index
      %get3A_670 = arith.constant 16 : index
      %get3A_671 = tpu.vector_load %arg7[%get3A_669, %get3A_670] {strides = array<i32>} : memref<32x128xi32, #tpu.memory_space<vmem>>, vector<16xi32>,
      tpu.vector_store_idx %arg15[%get3A_671], %broadcast_in_dim3A_14 {add = true} : memref<10240xf32, #tpu.memory_space<vmem>>[vector<16xi32>], vector<16xf32>,
      %get3A_672 = arith.constant 21 : i32
      %get3A_673 = arith.index_cast %get3A_672 : i32 to index
      %get3A_674 = arith.constant 32 : index
      %get3A_675 = tpu.vector_load %arg7[%get3A_673, %get3A_674] {strides = array<i32>} : memref<32x128xi32, #tpu.memory_space<vmem>>, vector<16xi32>,
      tpu.vector_store_idx %arg15[%get3A_675], %broadcast_in_dim3A_14 {add = true} : memref<10240xf32, #tpu.memory_space<vmem>>[vector<16xi32>], vector<16xf32>,
      %get3A_676 = arith.constant 21 : i32
      %get3A_677 = arith.index_cast %get3A_676 : i32 to index
      %get3A_678 = arith.constant 48 : index
      %get3A_679 = tpu.vector_load %arg7[%get3A_677, %get3A_678] {strides = array<i32>} : memref<32x128xi32, #tpu.memory_space<vmem>>, vector<16xi32>,
      tpu.vector_store_idx %arg15[%get3A_679], %broadcast_in_dim3A_14 {add = true} : memref<10240xf32, #tpu.memory_space<vmem>>[vector<16xi32>], vector<16xf32>,
      %get3A_680 = arith.constant 21 : i32
      %get3A_681 = arith.index_cast %get3A_680 : i32 to index
      %get3A_682 = arith.constant 64 : index
      %get3A_683 = tpu.vector_load %arg7[%get3A_681, %get3A_682] {strides = array<i32>} : memref<32x128xi32, #tpu.memory_space<vmem>>, vector<16xi32>,
      tpu.vector_store_idx %arg15[%get3A_683], %broadcast_in_dim3A_14 {add = true} : memref<10240xf32, #tpu.memory_space<vmem>>[vector<16xi32>], vector<16xf32>,
      %get3A_684 = arith.constant 21 : i32
      %get3A_685 = arith.index_cast %get3A_684 : i32 to index
      %get3A_686 = arith.constant 80 : index
      %get3A_687 = tpu.vector_load %arg7[%get3A_685, %get3A_686] {strides = array<i32>} : memref<32x128xi32, #tpu.memory_space<vmem>>, vector<16xi32>,
      tpu.vector_store_idx %arg15[%get3A_687], %broadcast_in_dim3A_14 {add = true} : memref<10240xf32, #tpu.memory_space<vmem>>[vector<16xi32>], vector<16xf32>,
      %get3A_688 = arith.constant 21 : i32
      %get3A_689 = arith.index_cast %get3A_688 : i32 to index
      %get3A_690 = arith.constant 96 : index
      %get3A_691 = tpu.vector_load %arg7[%get3A_689, %get3A_690] {strides = array<i32>} : memref<32x128xi32, #tpu.memory_space<vmem>>, vector<16xi32>,
      tpu.vector_store_idx %arg15[%get3A_691], %broadcast_in_dim3A_14 {add = true} : memref<10240xf32, #tpu.memory_space<vmem>>[vector<16xi32>], vector<16xf32>,
      %get3A_692 = arith.constant 21 : i32
      %get3A_693 = arith.index_cast %get3A_692 : i32 to index
      %get3A_694 = arith.constant 112 : index
      %get3A_695 = tpu.vector_load %arg7[%get3A_693, %get3A_694] {strides = array<i32>} : memref<32x128xi32, #tpu.memory_space<vmem>>, vector<16xi32>,
      tpu.vector_store_idx %arg15[%get3A_695], %broadcast_in_dim3A_14 {add = true} : memref<10240xf32, #tpu.memory_space<vmem>>[vector<16xi32>], vector<16xf32>,
      %dma_wait3A_696 = arith.constant 21 : i32
      %dma_wait3A_697 = arith.constant 0 : i32
      %dma_wait3A_698 = tpu.memref_slice %arg7[%dma_wait3A_696, %dma_wait3A_697] : memref<32x128xi32, #tpu.memory_space<vmem>> -> memref<1x128xi32, #tpu.memory_space<vmem>>
      %dma_wait3A_699 = tpu.memref_squeeze %dma_wait3A_698 : memref<1x128xi32, #tpu.memory_space<vmem>> -> memref<128xi32, #tpu.memory_space<vmem>>
      %dma_wait3A_700 = arith.constant 0 : i32
      %dma_wait3A_701 = arith.constant 0 : i32
      %dma_wait3A_702 = tpu.memref_slice %arg8[%dma_wait3A_700, %dma_wait3A_701] : memref<10240x128xf32, #tpu.memory_space<vmem_shared>> -> memref<10240x128xf32, #tpu.memory_space<vmem_shared>>
      tpu.wait_indirect_dma semaphore(%arg13 : memref<!tpu.dma_semaphore, #tpu.memory_space<semaphore_mem>>) src(%arg9 : memref<128x128xf32, #tpu.memory_space<vmem>>) dst(%dma_wait3A_702 : memref<10240x128xf32, #tpu.memory_space<vmem_shared>>)
      %dma_start3A_703 = arith.constant 24 : i32
      %dma_start3A_704 = arith.constant 0 : i32
      %dma_start3A_705 = tpu.memref_slice %arg7[%dma_start3A_703, %dma_start3A_704] : memref<32x128xi32, #tpu.memory_space<vmem>> -> memref<1x128xi32, #tpu.memory_space<vmem>>
      %dma_start3A_706 = tpu.memref_squeeze %dma_start3A_705 : memref<1x128xi32, #tpu.memory_space<vmem>> -> memref<128xi32, #tpu.memory_space<vmem>>
      %dma_start3A_707 = arith.constant 0 : i32
      %dma_start3A_708 = arith.constant 0 : i32
      %dma_start3A_709 = tpu.memref_slice %arg2[%dma_start3A_707, %dma_start3A_708] : memref<10000x128xf32, #tpu.memory_space<hbm>> -> memref<10000x128xf32, #tpu.memory_space<hbm>>
      tpu.enqueue_indirect_dma source(%dma_start3A_709 : memref<10000x128xf32, #tpu.memory_space<hbm>>) target(%arg9 : memref<128x128xf32, #tpu.memory_space<vmem>>) offsets(%dma_start3A_706 : memref<128xi32, #tpu.memory_space<vmem>>) semaphore(%arg11 : memref<!tpu.dma_semaphore, #tpu.memory_space<semaphore_mem>>)
      %dma_wait3A_710 = arith.constant 22 : i32
      %dma_wait3A_711 = arith.constant 0 : i32
      %dma_wait3A_712 = tpu.memref_slice %arg7[%dma_wait3A_710, %dma_wait3A_711] : memref<32x128xi32, #tpu.memory_space<vmem>> -> memref<1x128xi32, #tpu.memory_space<vmem>>
      %dma_wait3A_713 = tpu.memref_squeeze %dma_wait3A_712 : memref<1x128xi32, #tpu.memory_space<vmem>> -> memref<128xi32, #tpu.memory_space<vmem>>
      %dma_wait3A_714 = arith.constant 0 : i32
      %dma_wait3A_715 = arith.constant 0 : i32
      %dma_wait3A_716 = tpu.memref_slice %arg2[%dma_wait3A_714, %dma_wait3A_715] : memref<10000x128xf32, #tpu.memory_space<hbm>> -> memref<10000x128xf32, #tpu.memory_space<hbm>>
      tpu.wait_indirect_dma semaphore(%arg12 : memref<!tpu.dma_semaphore, #tpu.memory_space<semaphore_mem>>) src(%dma_wait3A_716 : memref<10000x128xf32, #tpu.memory_space<hbm>>) dst(%arg10 : memref<128x128xf32, #tpu.memory_space<vmem>>)
      %dma_start3A_717 = arith.constant 23 : i32
      %dma_start3A_718 = arith.constant 0 : i32
      %dma_start3A_719 = tpu.memref_slice %arg7[%dma_start3A_717, %dma_start3A_718] : memref<32x128xi32, #tpu.memory_space<vmem>> -> memref<1x128xi32, #tpu.memory_space<vmem>>
      %dma_start3A_720 = tpu.memref_squeeze %dma_start3A_719 : memref<1x128xi32, #tpu.memory_space<vmem>> -> memref<128xi32, #tpu.memory_space<vmem>>
      %dma_start3A_721 = arith.constant 0 : i32
      %dma_start3A_722 = arith.constant 0 : i32
      %dma_start3A_723 = tpu.memref_slice %arg8[%dma_start3A_721, %dma_start3A_722] : memref<10240x128xf32, #tpu.memory_space<vmem_shared>> -> memref<10240x128xf32, #tpu.memory_space<vmem_shared>>
      tpu.enqueue_indirect_dma source(%arg10 : memref<128x128xf32, #tpu.memory_space<vmem>>) target(%dma_start3A_723 : memref<10240x128xf32, #tpu.memory_space<vmem_shared>>) offsets(%dma_start3A_720 : memref<128xi32, #tpu.memory_space<vmem>>) semaphore(%arg14 : memref<!tpu.dma_semaphore, #tpu.memory_space<semaphore_mem>>) {add = true}
      %get3A_724 = arith.constant 23 : i32
      %get3A_725 = arith.index_cast %get3A_724 : i32 to index
      %get3A_726 = arith.constant 0 : index
      %get3A_727 = tpu.vector_load %arg7[%get3A_725, %get3A_726] {strides = array<i32>} : memref<32x128xi32, #tpu.memory_space<vmem>>, vector<16xi32>,
      tpu.vector_store_idx %arg15[%get3A_727], %broadcast_in_dim3A_14 {add = true} : memref<10240xf32, #tpu.memory_space<vmem>>[vector<16xi32>], vector<16xf32>,
      %get3A_728 = arith.constant 23 : i32
      %get3A_729 = arith.index_cast %get3A_728 : i32 to index
      %get3A_730 = arith.constant 16 : index
      %get3A_731 = tpu.vector_load %arg7[%get3A_729, %get3A_730] {strides = array<i32>} : memref<32x128xi32, #tpu.memory_space<vmem>>, vector<16xi32>,
      tpu.vector_store_idx %arg15[%get3A_731], %broadcast_in_dim3A_14 {add = true} : memref<10240xf32, #tpu.memory_space<vmem>>[vector<16xi32>], vector<16xf32>,
      %get3A_732 = arith.constant 23 : i32
      %get3A_733 = arith.index_cast %get3A_732 : i32 to index
      %get3A_734 = arith.constant 32 : index
      %get3A_735 = tpu.vector_load %arg7[%get3A_733, %get3A_734] {strides = array<i32>} : memref<32x128xi32, #tpu.memory_space<vmem>>, vector<16xi32>,
      tpu.vector_store_idx %arg15[%get3A_735], %broadcast_in_dim3A_14 {add = true} : memref<10240xf32, #tpu.memory_space<vmem>>[vector<16xi32>], vector<16xf32>,
      %get3A_736 = arith.constant 23 : i32
      %get3A_737 = arith.index_cast %get3A_736 : i32 to index
      %get3A_738 = arith.constant 48 : index
      %get3A_739 = tpu.vector_load %arg7[%get3A_737, %get3A_738] {strides = array<i32>} : memref<32x128xi32, #tpu.memory_space<vmem>>, vector<16xi32>,
      tpu.vector_store_idx %arg15[%get3A_739], %broadcast_in_dim3A_14 {add = true} : memref<10240xf32, #tpu.memory_space<vmem>>[vector<16xi32>], vector<16xf32>,
      %get3A_740 = arith.constant 23 : i32
      %get3A_741 = arith.index_cast %get3A_740 : i32 to index
      %get3A_742 = arith.constant 64 : index
      %get3A_743 = tpu.vector_load %arg7[%get3A_741, %get3A_742] {strides = array<i32>} : memref<32x128xi32, #tpu.memory_space<vmem>>, vector<16xi32>,
      tpu.vector_store_idx %arg15[%get3A_743], %broadcast_in_dim3A_14 {add = true} : memref<10240xf32, #tpu.memory_space<vmem>>[vector<16xi32>], vector<16xf32>,
      %get3A_744 = arith.constant 23 : i32
      %get3A_745 = arith.index_cast %get3A_744 : i32 to index
      %get3A_746 = arith.constant 80 : index
      %get3A_747 = tpu.vector_load %arg7[%get3A_745, %get3A_746] {strides = array<i32>} : memref<32x128xi32, #tpu.memory_space<vmem>>, vector<16xi32>,
      tpu.vector_store_idx %arg15[%get3A_747], %broadcast_in_dim3A_14 {add = true} : memref<10240xf32, #tpu.memory_space<vmem>>[vector<16xi32>], vector<16xf32>,
      %get3A_748 = arith.constant 23 : i32
      %get3A_749 = arith.index_cast %get3A_748 : i32 to index
      %get3A_750 = arith.constant 96 : index
      %get3A_751 = tpu.vector_load %arg7[%get3A_749, %get3A_750] {strides = array<i32>} : memref<32x128xi32, #tpu.memory_space<vmem>>, vector<16xi32>,
      tpu.vector_store_idx %arg15[%get3A_751], %broadcast_in_dim3A_14 {add = true} : memref<10240xf32, #tpu.memory_space<vmem>>[vector<16xi32>], vector<16xf32>,
      %get3A_752 = arith.constant 23 : i32
      %get3A_753 = arith.index_cast %get3A_752 : i32 to index
      %get3A_754 = arith.constant 112 : index
      %get3A_755 = tpu.vector_load %arg7[%get3A_753, %get3A_754] {strides = array<i32>} : memref<32x128xi32, #tpu.memory_space<vmem>>, vector<16xi32>,
      tpu.vector_store_idx %arg15[%get3A_755], %broadcast_in_dim3A_14 {add = true} : memref<10240xf32, #tpu.memory_space<vmem>>[vector<16xi32>], vector<16xf32>,
      %dma_wait3A_756 = arith.constant 23 : i32
      %dma_wait3A_757 = arith.constant 0 : i32
      %dma_wait3A_758 = tpu.memref_slice %arg7[%dma_wait3A_756, %dma_wait3A_757] : memref<32x128xi32, #tpu.memory_space<vmem>> -> memref<1x128xi32, #tpu.memory_space<vmem>>
      %dma_wait3A_759 = tpu.memref_squeeze %dma_wait3A_758 : memref<1x128xi32, #tpu.memory_space<vmem>> -> memref<128xi32, #tpu.memory_space<vmem>>
      %dma_wait3A_760 = arith.constant 0 : i32
      %dma_wait3A_761 = arith.constant 0 : i32
      %dma_wait3A_762 = tpu.memref_slice %arg8[%dma_wait3A_760, %dma_wait3A_761] : memref<10240x128xf32, #tpu.memory_space<vmem_shared>> -> memref<10240x128xf32, #tpu.memory_space<vmem_shared>>
      tpu.wait_indirect_dma semaphore(%arg14 : memref<!tpu.dma_semaphore, #tpu.memory_space<semaphore_mem>>) src(%arg10 : memref<128x128xf32, #tpu.memory_space<vmem>>) dst(%dma_wait3A_762 : memref<10240x128xf32, #tpu.memory_space<vmem_shared>>)
      %dma_start3A_763 = arith.constant 26 : i32
      %dma_start3A_764 = arith.constant 0 : i32
      %dma_start3A_765 = tpu.memref_slice %arg7[%dma_start3A_763, %dma_start3A_764] : memref<32x128xi32, #tpu.memory_space<vmem>> -> memref<1x128xi32, #tpu.memory_space<vmem>>
      %dma_start3A_766 = tpu.memref_squeeze %dma_start3A_765 : memref<1x128xi32, #tpu.memory_space<vmem>> -> memref<128xi32, #tpu.memory_space<vmem>>
      %dma_start3A_767 = arith.constant 0 : i32
      %dma_start3A_768 = arith.constant 0 : i32
      %dma_start3A_769 = tpu.memref_slice %arg2[%dma_start3A_767, %dma_start3A_768] : memref<10000x128xf32, #tpu.memory_space<hbm>> -> memref<10000x128xf32, #tpu.memory_space<hbm>>
      tpu.enqueue_indirect_dma source(%dma_start3A_769 : memref<10000x128xf32, #tpu.memory_space<hbm>>) target(%arg10 : memref<128x128xf32, #tpu.memory_space<vmem>>) offsets(%dma_start3A_766 : memref<128xi32, #tpu.memory_space<vmem>>) semaphore(%arg12 : memref<!tpu.dma_semaphore, #tpu.memory_space<semaphore_mem>>)
      %dma_wait3A_770 = arith.constant 24 : i32
      %dma_wait3A_771 = arith.constant 0 : i32
      %dma_wait3A_772 = tpu.memref_slice %arg7[%dma_wait3A_770, %dma_wait3A_771] : memref<32x128xi32, #tpu.memory_space<vmem>> -> memref<1x128xi32, #tpu.memory_space<vmem>>
      %dma_wait3A_773 = tpu.memref_squeeze %dma_wait3A_772 : memref<1x128xi32, #tpu.memory_space<vmem>> -> memref<128xi32, #tpu.memory_space<vmem>>
      %dma_wait3A_774 = arith.constant 0 : i32
      %dma_wait3A_775 = arith.constant 0 : i32
      %dma_wait3A_776 = tpu.memref_slice %arg2[%dma_wait3A_774, %dma_wait3A_775] : memref<10000x128xf32, #tpu.memory_space<hbm>> -> memref<10000x128xf32, #tpu.memory_space<hbm>>
      tpu.wait_indirect_dma semaphore(%arg11 : memref<!tpu.dma_semaphore, #tpu.memory_space<semaphore_mem>>) src(%dma_wait3A_776 : memref<10000x128xf32, #tpu.memory_space<hbm>>) dst(%arg9 : memref<128x128xf32, #tpu.memory_space<vmem>>)
      %dma_start3A_777 = arith.constant 25 : i32
      %dma_start3A_778 = arith.constant 0 : i32
      %dma_start3A_779 = tpu.memref_slice %arg7[%dma_start3A_777, %dma_start3A_778] : memref<32x128xi32, #tpu.memory_space<vmem>> -> memref<1x128xi32, #tpu.memory_space<vmem>>
      %dma_start3A_780 = tpu.memref_squeeze %dma_start3A_779 : memref<1x128xi32, #tpu.memory_space<vmem>> -> memref<128xi32, #tpu.memory_space<vmem>>
      %dma_start3A_781 = arith.constant 0 : i32
      %dma_start3A_782 = arith.constant 0 : i32
      %dma_start3A_783 = tpu.memref_slice %arg8[%dma_start3A_781, %dma_start3A_782] : memref<10240x128xf32, #tpu.memory_space<vmem_shared>> -> memref<10240x128xf32, #tpu.memory_space<vmem_shared>>
      tpu.enqueue_indirect_dma source(%arg9 : memref<128x128xf32, #tpu.memory_space<vmem>>) target(%dma_start3A_783 : memref<10240x128xf32, #tpu.memory_space<vmem_shared>>) offsets(%dma_start3A_780 : memref<128xi32, #tpu.memory_space<vmem>>) semaphore(%arg13 : memref<!tpu.dma_semaphore, #tpu.memory_space<semaphore_mem>>) {add = true}
      %get3A_784 = arith.constant 25 : i32
      %get3A_785 = arith.index_cast %get3A_784 : i32 to index
      %get3A_786 = arith.constant 0 : index
      %get3A_787 = tpu.vector_load %arg7[%get3A_785, %get3A_786] {strides = array<i32>} : memref<32x128xi32, #tpu.memory_space<vmem>>, vector<16xi32>,
      tpu.vector_store_idx %arg15[%get3A_787], %broadcast_in_dim3A_14 {add = true} : memref<10240xf32, #tpu.memory_space<vmem>>[vector<16xi32>], vector<16xf32>,
      %get3A_788 = arith.constant 25 : i32
      %get3A_789 = arith.index_cast %get3A_788 : i32 to index
      %get3A_790 = arith.constant 16 : index
      %get3A_791 = tpu.vector_load %arg7[%get3A_789, %get3A_790] {strides = array<i32>} : memref<32x128xi32, #tpu.memory_space<vmem>>, vector<16xi32>,
      tpu.vector_store_idx %arg15[%get3A_791], %broadcast_in_dim3A_14 {add = true} : memref<10240xf32, #tpu.memory_space<vmem>>[vector<16xi32>], vector<16xf32>,
      %get3A_792 = arith.constant 25 : i32
      %get3A_793 = arith.index_cast %get3A_792 : i32 to index
      %get3A_794 = arith.constant 32 : index
      %get3A_795 = tpu.vector_load %arg7[%get3A_793, %get3A_794] {strides = array<i32>} : memref<32x128xi32, #tpu.memory_space<vmem>>, vector<16xi32>,
      tpu.vector_store_idx %arg15[%get3A_795], %broadcast_in_dim3A_14 {add = true} : memref<10240xf32, #tpu.memory_space<vmem>>[vector<16xi32>], vector<16xf32>,
      %get3A_796 = arith.constant 25 : i32
      %get3A_797 = arith.index_cast %get3A_796 : i32 to index
      %get3A_798 = arith.constant 48 : index
      %get3A_799 = tpu.vector_load %arg7[%get3A_797, %get3A_798] {strides = array<i32>} : memref<32x128xi32, #tpu.memory_space<vmem>>, vector<16xi32>,
      tpu.vector_store_idx %arg15[%get3A_799], %broadcast_in_dim3A_14 {add = true} : memref<10240xf32, #tpu.memory_space<vmem>>[vector<16xi32>], vector<16xf32>,
      %get3A_800 = arith.constant 25 : i32
      %get3A_801 = arith.index_cast %get3A_800 : i32 to index
      %get3A_802 = arith.constant 64 : index
      %get3A_803 = tpu.vector_load %arg7[%get3A_801, %get3A_802] {strides = array<i32>} : memref<32x128xi32, #tpu.memory_space<vmem>>, vector<16xi32>,
      tpu.vector_store_idx %arg15[%get3A_803], %broadcast_in_dim3A_14 {add = true} : memref<10240xf32, #tpu.memory_space<vmem>>[vector<16xi32>], vector<16xf32>,
      %get3A_804 = arith.constant 25 : i32
      %get3A_805 = arith.index_cast %get3A_804 : i32 to index
      %get3A_806 = arith.constant 80 : index
      %get3A_807 = tpu.vector_load %arg7[%get3A_805, %get3A_806] {strides = array<i32>} : memref<32x128xi32, #tpu.memory_space<vmem>>, vector<16xi32>,
      tpu.vector_store_idx %arg15[%get3A_807], %broadcast_in_dim3A_14 {add = true} : memref<10240xf32, #tpu.memory_space<vmem>>[vector<16xi32>], vector<16xf32>,
      %get3A_808 = arith.constant 25 : i32
      %get3A_809 = arith.index_cast %get3A_808 : i32 to index
      %get3A_810 = arith.constant 96 : index
      %get3A_811 = tpu.vector_load %arg7[%get3A_809, %get3A_810] {strides = array<i32>} : memref<32x128xi32, #tpu.memory_space<vmem>>, vector<16xi32>,
      tpu.vector_store_idx %arg15[%get3A_811], %broadcast_in_dim3A_14 {add = true} : memref<10240xf32, #tpu.memory_space<vmem>>[vector<16xi32>], vector<16xf32>,
      %get3A_812 = arith.constant 25 : i32
      %get3A_813 = arith.index_cast %get3A_812 : i32 to index
      %get3A_814 = arith.constant 112 : index
      %get3A_815 = tpu.vector_load %arg7[%get3A_813, %get3A_814] {strides = array<i32>} : memref<32x128xi32, #tpu.memory_space<vmem>>, vector<16xi32>,
      tpu.vector_store_idx %arg15[%get3A_815], %broadcast_in_dim3A_14 {add = true} : memref<10240xf32, #tpu.memory_space<vmem>>[vector<16xi32>], vector<16xf32>,
      %dma_wait3A_816 = arith.constant 25 : i32
      %dma_wait3A_817 = arith.constant 0 : i32
      %dma_wait3A_818 = tpu.memref_slice %arg7[%dma_wait3A_816, %dma_wait3A_817] : memref<32x128xi32, #tpu.memory_space<vmem>> -> memref<1x128xi32, #tpu.memory_space<vmem>>
      %dma_wait3A_819 = tpu.memref_squeeze %dma_wait3A_818 : memref<1x128xi32, #tpu.memory_space<vmem>> -> memref<128xi32, #tpu.memory_space<vmem>>
      %dma_wait3A_820 = arith.constant 0 : i32
      %dma_wait3A_821 = arith.constant 0 : i32
      %dma_wait3A_822 = tpu.memref_slice %arg8[%dma_wait3A_820, %dma_wait3A_821] : memref<10240x128xf32, #tpu.memory_space<vmem_shared>> -> memref<10240x128xf32, #tpu.memory_space<vmem_shared>>
      tpu.wait_indirect_dma semaphore(%arg13 : memref<!tpu.dma_semaphore, #tpu.memory_space<semaphore_mem>>) src(%arg9 : memref<128x128xf32, #tpu.memory_space<vmem>>) dst(%dma_wait3A_822 : memref<10240x128xf32, #tpu.memory_space<vmem_shared>>)
      %dma_start3A_823 = arith.constant 28 : i32
      %dma_start3A_824 = arith.constant 0 : i32
      %dma_start3A_825 = tpu.memref_slice %arg7[%dma_start3A_823, %dma_start3A_824] : memref<32x128xi32, #tpu.memory_space<vmem>> -> memref<1x128xi32, #tpu.memory_space<vmem>>
      %dma_start3A_826 = tpu.memref_squeeze %dma_start3A_825 : memref<1x128xi32, #tpu.memory_space<vmem>> -> memref<128xi32, #tpu.memory_space<vmem>>
      %dma_start3A_827 = arith.constant 0 : i32
      %dma_start3A_828 = arith.constant 0 : i32
      %dma_start3A_829 = tpu.memref_slice %arg2[%dma_start3A_827, %dma_start3A_828] : memref<10000x128xf32, #tpu.memory_space<hbm>> -> memref<10000x128xf32, #tpu.memory_space<hbm>>
      tpu.enqueue_indirect_dma source(%dma_start3A_829 : memref<10000x128xf32, #tpu.memory_space<hbm>>) target(%arg9 : memref<128x128xf32, #tpu.memory_space<vmem>>) offsets(%dma_start3A_826 : memref<128xi32, #tpu.memory_space<vmem>>) semaphore(%arg11 : memref<!tpu.dma_semaphore, #tpu.memory_space<semaphore_mem>>)
      %dma_wait3A_830 = arith.constant 26 : i32
      %dma_wait3A_831 = arith.constant 0 : i32
      %dma_wait3A_832 = tpu.memref_slice %arg7[%dma_wait3A_830, %dma_wait3A_831] : memref<32x128xi32, #tpu.memory_space<vmem>> -> memref<1x128xi32, #tpu.memory_space<vmem>>
      %dma_wait3A_833 = tpu.memref_squeeze %dma_wait3A_832 : memref<1x128xi32, #tpu.memory_space<vmem>> -> memref<128xi32, #tpu.memory_space<vmem>>
      %dma_wait3A_834 = arith.constant 0 : i32
      %dma_wait3A_835 = arith.constant 0 : i32
      %dma_wait3A_836 = tpu.memref_slice %arg2[%dma_wait3A_834, %dma_wait3A_835] : memref<10000x128xf32, #tpu.memory_space<hbm>> -> memref<10000x128xf32, #tpu.memory_space<hbm>>
      tpu.wait_indirect_dma semaphore(%arg12 : memref<!tpu.dma_semaphore, #tpu.memory_space<semaphore_mem>>) src(%dma_wait3A_836 : memref<10000x128xf32, #tpu.memory_space<hbm>>) dst(%arg10 : memref<128x128xf32, #tpu.memory_space<vmem>>)
      %dma_start3A_837 = arith.constant 27 : i32
      %dma_start3A_838 = arith.constant 0 : i32
      %dma_start3A_839 = tpu.memref_slice %arg7[%dma_start3A_837, %dma_start3A_838] : memref<32x128xi32, #tpu.memory_space<vmem>> -> memref<1x128xi32, #tpu.memory_space<vmem>>
      %dma_start3A_840 = tpu.memref_squeeze %dma_start3A_839 : memref<1x128xi32, #tpu.memory_space<vmem>> -> memref<128xi32, #tpu.memory_space<vmem>>
      %dma_start3A_841 = arith.constant 0 : i32
      %dma_start3A_842 = arith.constant 0 : i32
      %dma_start3A_843 = tpu.memref_slice %arg8[%dma_start3A_841, %dma_start3A_842] : memref<10240x128xf32, #tpu.memory_space<vmem_shared>> -> memref<10240x128xf32, #tpu.memory_space<vmem_shared>>
      tpu.enqueue_indirect_dma source(%arg10 : memref<128x128xf32, #tpu.memory_space<vmem>>) target(%dma_start3A_843 : memref<10240x128xf32, #tpu.memory_space<vmem_shared>>) offsets(%dma_start3A_840 : memref<128xi32, #tpu.memory_space<vmem>>) semaphore(%arg14 : memref<!tpu.dma_semaphore, #tpu.memory_space<semaphore_mem>>) {add = true}
      %get3A_844 = arith.constant 27 : i32
      %get3A_845 = arith.index_cast %get3A_844 : i32 to index
      %get3A_846 = arith.constant 0 : index
      %get3A_847 = tpu.vector_load %arg7[%get3A_845, %get3A_846] {strides = array<i32>} : memref<32x128xi32, #tpu.memory_space<vmem>>, vector<16xi32>,
      tpu.vector_store_idx %arg15[%get3A_847], %broadcast_in_dim3A_14 {add = true} : memref<10240xf32, #tpu.memory_space<vmem>>[vector<16xi32>], vector<16xf32>,
      %get3A_848 = arith.constant 27 : i32
      %get3A_849 = arith.index_cast %get3A_848 : i32 to index
      %get3A_850 = arith.constant 16 : index
      %get3A_851 = tpu.vector_load %arg7[%get3A_849, %get3A_850] {strides = array<i32>} : memref<32x128xi32, #tpu.memory_space<vmem>>, vector<16xi32>,
      tpu.vector_store_idx %arg15[%get3A_851], %broadcast_in_dim3A_14 {add = true} : memref<10240xf32, #tpu.memory_space<vmem>>[vector<16xi32>], vector<16xf32>,
      %get3A_852 = arith.constant 27 : i32
      %get3A_853 = arith.index_cast %get3A_852 : i32 to index
      %get3A_854 = arith.constant 32 : index
      %get3A_855 = tpu.vector_load %arg7[%get3A_853, %get3A_854] {strides = array<i32>} : memref<32x128xi32, #tpu.memory_space<vmem>>, vector<16xi32>,
      tpu.vector_store_idx %arg15[%get3A_855], %broadcast_in_dim3A_14 {add = true} : memref<10240xf32, #tpu.memory_space<vmem>>[vector<16xi32>], vector<16xf32>,
      %get3A_856 = arith.constant 27 : i32
      %get3A_857 = arith.index_cast %get3A_856 : i32 to index
      %get3A_858 = arith.constant 48 : index
      %get3A_859 = tpu.vector_load %arg7[%get3A_857, %get3A_858] {strides = array<i32>} : memref<32x128xi32, #tpu.memory_space<vmem>>, vector<16xi32>,
      tpu.vector_store_idx %arg15[%get3A_859], %broadcast_in_dim3A_14 {add = true} : memref<10240xf32, #tpu.memory_space<vmem>>[vector<16xi32>], vector<16xf32>,
      %get3A_860 = arith.constant 27 : i32
      %get3A_861 = arith.index_cast %get3A_860 : i32 to index
      %get3A_862 = arith.constant 64 : index
      %get3A_863 = tpu.vector_load %arg7[%get3A_861, %get3A_862] {strides = array<i32>} : memref<32x128xi32, #tpu.memory_space<vmem>>, vector<16xi32>,
      tpu.vector_store_idx %arg15[%get3A_863], %broadcast_in_dim3A_14 {add = true} : memref<10240xf32, #tpu.memory_space<vmem>>[vector<16xi32>], vector<16xf32>,
      %get3A_864 = arith.constant 27 : i32
      %get3A_865 = arith.index_cast %get3A_864 : i32 to index
      %get3A_866 = arith.constant 80 : index
      %get3A_867 = tpu.vector_load %arg7[%get3A_865, %get3A_866] {strides = array<i32>} : memref<32x128xi32, #tpu.memory_space<vmem>>, vector<16xi32>,
      tpu.vector_store_idx %arg15[%get3A_867], %broadcast_in_dim3A_14 {add = true} : memref<10240xf32, #tpu.memory_space<vmem>>[vector<16xi32>], vector<16xf32>,
      %get3A_868 = arith.constant 27 : i32
      %get3A_869 = arith.index_cast %get3A_868 : i32 to index
      %get3A_870 = arith.constant 96 : index
      %get3A_871 = tpu.vector_load %arg7[%get3A_869, %get3A_870] {strides = array<i32>} : memref<32x128xi32, #tpu.memory_space<vmem>>, vector<16xi32>,
      tpu.vector_store_idx %arg15[%get3A_871], %broadcast_in_dim3A_14 {add = true} : memref<10240xf32, #tpu.memory_space<vmem>>[vector<16xi32>], vector<16xf32>,
      %get3A_872 = arith.constant 27 : i32
      %get3A_873 = arith.index_cast %get3A_872 : i32 to index
      %get3A_874 = arith.constant 112 : index
      %get3A_875 = tpu.vector_load %arg7[%get3A_873, %get3A_874] {strides = array<i32>} : memref<32x128xi32, #tpu.memory_space<vmem>>, vector<16xi32>,
      tpu.vector_store_idx %arg15[%get3A_875], %broadcast_in_dim3A_14 {add = true} : memref<10240xf32, #tpu.memory_space<vmem>>[vector<16xi32>], vector<16xf32>,
      %dma_wait3A_876 = arith.constant 27 : i32
      %dma_wait3A_877 = arith.constant 0 : i32
      %dma_wait3A_878 = tpu.memref_slice %arg7[%dma_wait3A_876, %dma_wait3A_877] : memref<32x128xi32, #tpu.memory_space<vmem>> -> memref<1x128xi32, #tpu.memory_space<vmem>>
      %dma_wait3A_879 = tpu.memref_squeeze %dma_wait3A_878 : memref<1x128xi32, #tpu.memory_space<vmem>> -> memref<128xi32, #tpu.memory_space<vmem>>
      %dma_wait3A_880 = arith.constant 0 : i32
      %dma_wait3A_881 = arith.constant 0 : i32
      %dma_wait3A_882 = tpu.memref_slice %arg8[%dma_wait3A_880, %dma_wait3A_881] : memref<10240x128xf32, #tpu.memory_space<vmem_shared>> -> memref<10240x128xf32, #tpu.memory_space<vmem_shared>>
      tpu.wait_indirect_dma semaphore(%arg14 : memref<!tpu.dma_semaphore, #tpu.memory_space<semaphore_mem>>) src(%arg10 : memref<128x128xf32, #tpu.memory_space<vmem>>) dst(%dma_wait3A_882 : memref<10240x128xf32, #tpu.memory_space<vmem_shared>>)
      %dma_start3A_883 = arith.constant 30 : i32
      %dma_start3A_884 = arith.constant 0 : i32
      %dma_start3A_885 = tpu.memref_slice %arg7[%dma_start3A_883, %dma_start3A_884] : memref<32x128xi32, #tpu.memory_space<vmem>> -> memref<1x128xi32, #tpu.memory_space<vmem>>
      %dma_start3A_886 = tpu.memref_squeeze %dma_start3A_885 : memref<1x128xi32, #tpu.memory_space<vmem>> -> memref<128xi32, #tpu.memory_space<vmem>>
      %dma_start3A_887 = arith.constant 0 : i32
      %dma_start3A_888 = arith.constant 0 : i32
      %dma_start3A_889 = tpu.memref_slice %arg2[%dma_start3A_887, %dma_start3A_888] : memref<10000x128xf32, #tpu.memory_space<hbm>> -> memref<10000x128xf32, #tpu.memory_space<hbm>>
      tpu.enqueue_indirect_dma source(%dma_start3A_889 : memref<10000x128xf32, #tpu.memory_space<hbm>>) target(%arg10 : memref<128x128xf32, #tpu.memory_space<vmem>>) offsets(%dma_start3A_886 : memref<128xi32, #tpu.memory_space<vmem>>) semaphore(%arg12 : memref<!tpu.dma_semaphore, #tpu.memory_space<semaphore_mem>>)
      %dma_wait3A_890 = arith.constant 28 : i32
      %dma_wait3A_891 = arith.constant 0 : i32
      %dma_wait3A_892 = tpu.memref_slice %arg7[%dma_wait3A_890, %dma_wait3A_891] : memref<32x128xi32, #tpu.memory_space<vmem>> -> memref<1x128xi32, #tpu.memory_space<vmem>>
      %dma_wait3A_893 = tpu.memref_squeeze %dma_wait3A_892 : memref<1x128xi32, #tpu.memory_space<vmem>> -> memref<128xi32, #tpu.memory_space<vmem>>
      %dma_wait3A_894 = arith.constant 0 : i32
      %dma_wait3A_895 = arith.constant 0 : i32
      %dma_wait3A_896 = tpu.memref_slice %arg2[%dma_wait3A_894, %dma_wait3A_895] : memref<10000x128xf32, #tpu.memory_space<hbm>> -> memref<10000x128xf32, #tpu.memory_space<hbm>>
      tpu.wait_indirect_dma semaphore(%arg11 : memref<!tpu.dma_semaphore, #tpu.memory_space<semaphore_mem>>) src(%dma_wait3A_896 : memref<10000x128xf32, #tpu.memory_space<hbm>>) dst(%arg9 : memref<128x128xf32, #tpu.memory_space<vmem>>)
      %dma_start3A_897 = arith.constant 29 : i32
      %dma_start3A_898 = arith.constant 0 : i32
      %dma_start3A_899 = tpu.memref_slice %arg7[%dma_start3A_897, %dma_start3A_898] : memref<32x128xi32, #tpu.memory_space<vmem>> -> memref<1x128xi32, #tpu.memory_space<vmem>>
      %dma_start3A_900 = tpu.memref_squeeze %dma_start3A_899 : memref<1x128xi32, #tpu.memory_space<vmem>> -> memref<128xi32, #tpu.memory_space<vmem>>
      %dma_start3A_901 = arith.constant 0 : i32
      %dma_start3A_902 = arith.constant 0 : i32
      %dma_start3A_903 = tpu.memref_slice %arg8[%dma_start3A_901, %dma_start3A_902] : memref<10240x128xf32, #tpu.memory_space<vmem_shared>> -> memref<10240x128xf32, #tpu.memory_space<vmem_shared>>
      tpu.enqueue_indirect_dma source(%arg9 : memref<128x128xf32, #tpu.memory_space<vmem>>) target(%dma_start3A_903 : memref<10240x128xf32, #tpu.memory_space<vmem_shared>>) offsets(%dma_start3A_900 : memref<128xi32, #tpu.memory_space<vmem>>) semaphore(%arg13 : memref<!tpu.dma_semaphore, #tpu.memory_space<semaphore_mem>>) {add = true}
      %get3A_904 = arith.constant 29 : i32
      %get3A_905 = arith.index_cast %get3A_904 : i32 to index
      %get3A_906 = arith.constant 0 : index
      %get3A_907 = tpu.vector_load %arg7[%get3A_905, %get3A_906] {strides = array<i32>} : memref<32x128xi32, #tpu.memory_space<vmem>>, vector<16xi32>,
      tpu.vector_store_idx %arg15[%get3A_907], %broadcast_in_dim3A_14 {add = true} : memref<10240xf32, #tpu.memory_space<vmem>>[vector<16xi32>], vector<16xf32>,
      %get3A_908 = arith.constant 29 : i32
      %get3A_909 = arith.index_cast %get3A_908 : i32 to index
      %get3A_910 = arith.constant 16 : index
      %get3A_911 = tpu.vector_load %arg7[%get3A_909, %get3A_910] {strides = array<i32>} : memref<32x128xi32, #tpu.memory_space<vmem>>, vector<16xi32>,
      tpu.vector_store_idx %arg15[%get3A_911], %broadcast_in_dim3A_14 {add = true} : memref<10240xf32, #tpu.memory_space<vmem>>[vector<16xi32>], vector<16xf32>,
      %get3A_912 = arith.constant 29 : i32
      %get3A_913 = arith.index_cast %get3A_912 : i32 to index
      %get3A_914 = arith.constant 32 : index
      %get3A_915 = tpu.vector_load %arg7[%get3A_913, %get3A_914] {strides = array<i32>} : memref<32x128xi32, #tpu.memory_space<vmem>>, vector<16xi32>,
      tpu.vector_store_idx %arg15[%get3A_915], %broadcast_in_dim3A_14 {add = true} : memref<10240xf32, #tpu.memory_space<vmem>>[vector<16xi32>], vector<16xf32>,
      %get3A_916 = arith.constant 29 : i32
      %get3A_917 = arith.index_cast %get3A_916 : i32 to index
      %get3A_918 = arith.constant 48 : index
      %get3A_919 = tpu.vector_load %arg7[%get3A_917, %get3A_918] {strides = array<i32>} : memref<32x128xi32, #tpu.memory_space<vmem>>, vector<16xi32>,
      tpu.vector_store_idx %arg15[%get3A_919], %broadcast_in_dim3A_14 {add = true} : memref<10240xf32, #tpu.memory_space<vmem>>[vector<16xi32>], vector<16xf32>,
      %get3A_920 = arith.constant 29 : i32
      %get3A_921 = arith.index_cast %get3A_920 : i32 to index
      %get3A_922 = arith.constant 64 : index
      %get3A_923 = tpu.vector_load %arg7[%get3A_921, %get3A_922] {strides = array<i32>} : memref<32x128xi32, #tpu.memory_space<vmem>>, vector<16xi32>,
      tpu.vector_store_idx %arg15[%get3A_923], %broadcast_in_dim3A_14 {add = true} : memref<10240xf32, #tpu.memory_space<vmem>>[vector<16xi32>], vector<16xf32>,
      %get3A_924 = arith.constant 29 : i32
      %get3A_925 = arith.index_cast %get3A_924 : i32 to index
      %get3A_926 = arith.constant 80 : index
      %get3A_927 = tpu.vector_load %arg7[%get3A_925, %get3A_926] {strides = array<i32>} : memref<32x128xi32, #tpu.memory_space<vmem>>, vector<16xi32>,
      tpu.vector_store_idx %arg15[%get3A_927], %broadcast_in_dim3A_14 {add = true} : memref<10240xf32, #tpu.memory_space<vmem>>[vector<16xi32>], vector<16xf32>,
      %get3A_928 = arith.constant 29 : i32
      %get3A_929 = arith.index_cast %get3A_928 : i32 to index
      %get3A_930 = arith.constant 96 : index
      %get3A_931 = tpu.vector_load %arg7[%get3A_929, %get3A_930] {strides = array<i32>} : memref<32x128xi32, #tpu.memory_space<vmem>>, vector<16xi32>,
      tpu.vector_store_idx %arg15[%get3A_931], %broadcast_in_dim3A_14 {add = true} : memref<10240xf32, #tpu.memory_space<vmem>>[vector<16xi32>], vector<16xf32>,
      %get3A_932 = arith.constant 29 : i32
      %get3A_933 = arith.index_cast %get3A_932 : i32 to index
      %get3A_934 = arith.constant 112 : index
      %get3A_935 = tpu.vector_load %arg7[%get3A_933, %get3A_934] {strides = array<i32>} : memref<32x128xi32, #tpu.memory_space<vmem>>, vector<16xi32>,
      tpu.vector_store_idx %arg15[%get3A_935], %broadcast_in_dim3A_14 {add = true} : memref<10240xf32, #tpu.memory_space<vmem>>[vector<16xi32>], vector<16xf32>,
      %dma_wait3A_936 = arith.constant 30 : i32
      %dma_wait3A_937 = arith.constant 0 : i32
      %dma_wait3A_938 = tpu.memref_slice %arg7[%dma_wait3A_936, %dma_wait3A_937] : memref<32x128xi32, #tpu.memory_space<vmem>> -> memref<1x128xi32, #tpu.memory_space<vmem>>
      %dma_wait3A_939 = tpu.memref_squeeze %dma_wait3A_938 : memref<1x128xi32, #tpu.memory_space<vmem>> -> memref<128xi32, #tpu.memory_space<vmem>>
      %dma_wait3A_940 = arith.constant 0 : i32
      %dma_wait3A_941 = arith.constant 0 : i32
      %dma_wait3A_942 = tpu.memref_slice %arg2[%dma_wait3A_940, %dma_wait3A_941] : memref<10000x128xf32, #tpu.memory_space<hbm>> -> memref<10000x128xf32, #tpu.memory_space<hbm>>
      tpu.wait_indirect_dma semaphore(%arg12 : memref<!tpu.dma_semaphore, #tpu.memory_space<semaphore_mem>>) src(%dma_wait3A_942 : memref<10000x128xf32, #tpu.memory_space<hbm>>) dst(%arg10 : memref<128x128xf32, #tpu.memory_space<vmem>>)
      %dma_start3A_943 = arith.constant 31 : i32
      %dma_start3A_944 = arith.constant 0 : i32
      %dma_start3A_945 = tpu.memref_slice %arg7[%dma_start3A_943, %dma_start3A_944] : memref<32x128xi32, #tpu.memory_space<vmem>> -> memref<1x128xi32, #tpu.memory_space<vmem>>
      %dma_start3A_946 = tpu.memref_squeeze %dma_start3A_945 : memref<1x128xi32, #tpu.memory_space<vmem>> -> memref<128xi32, #tpu.memory_space<vmem>>
      %dma_start3A_947 = arith.constant 0 : i32
      %dma_start3A_948 = arith.constant 0 : i32
      %dma_start3A_949 = tpu.memref_slice %arg8[%dma_start3A_947, %dma_start3A_948] : memref<10240x128xf32, #tpu.memory_space<vmem_shared>> -> memref<10240x128xf32, #tpu.memory_space<vmem_shared>>
      tpu.enqueue_indirect_dma source(%arg10 : memref<128x128xf32, #tpu.memory_space<vmem>>) target(%dma_start3A_949 : memref<10240x128xf32, #tpu.memory_space<vmem_shared>>) offsets(%dma_start3A_946 : memref<128xi32, #tpu.memory_space<vmem>>) semaphore(%arg14 : memref<!tpu.dma_semaphore, #tpu.memory_space<semaphore_mem>>) {add = true}
      %get3A_950 = arith.constant 31 : i32
      %get3A_951 = arith.index_cast %get3A_950 : i32 to index
      %get3A_952 = arith.constant 0 : index
      %get3A_953 = tpu.vector_load %arg7[%get3A_951, %get3A_952] {strides = array<i32>} : memref<32x128xi32, #tpu.memory_space<vmem>>, vector<16xi32>,
      tpu.vector_store_idx %arg15[%get3A_953], %broadcast_in_dim3A_14 {add = true} : memref<10240xf32, #tpu.memory_space<vmem>>[vector<16xi32>], vector<16xf32>,
      %get3A_954 = arith.constant 31 : i32
      %get3A_955 = arith.index_cast %get3A_954 : i32 to index
      %get3A_956 = arith.constant 16 : index
      %get3A_957 = tpu.vector_load %arg7[%get3A_955, %get3A_956] {strides = array<i32>} : memref<32x128xi32, #tpu.memory_space<vmem>>, vector<16xi32>,
      tpu.vector_store_idx %arg15[%get3A_957], %broadcast_in_dim3A_14 {add = true} : memref<10240xf32, #tpu.memory_space<vmem>>[vector<16xi32>], vector<16xf32>,
      %get3A_958 = arith.constant 31 : i32
      %get3A_959 = arith.index_cast %get3A_958 : i32 to index
      %get3A_960 = arith.constant 32 : index
      %get3A_961 = tpu.vector_load %arg7[%get3A_959, %get3A_960] {strides = array<i32>} : memref<32x128xi32, #tpu.memory_space<vmem>>, vector<16xi32>,
      tpu.vector_store_idx %arg15[%get3A_961], %broadcast_in_dim3A_14 {add = true} : memref<10240xf32, #tpu.memory_space<vmem>>[vector<16xi32>], vector<16xf32>,
      %get3A_962 = arith.constant 31 : i32
      %get3A_963 = arith.index_cast %get3A_962 : i32 to index
      %get3A_964 = arith.constant 48 : index
      %get3A_965 = tpu.vector_load %arg7[%get3A_963, %get3A_964] {strides = array<i32>} : memref<32x128xi32, #tpu.memory_space<vmem>>, vector<16xi32>,
      tpu.vector_store_idx %arg15[%get3A_965], %broadcast_in_dim3A_14 {add = true} : memref<10240xf32, #tpu.memory_space<vmem>>[vector<16xi32>], vector<16xf32>,
      %get3A_966 = arith.constant 31 : i32
      %get3A_967 = arith.index_cast %get3A_966 : i32 to index
      %get3A_968 = arith.constant 64 : index
      %get3A_969 = tpu.vector_load %arg7[%get3A_967, %get3A_968] {strides = array<i32>} : memref<32x128xi32, #tpu.memory_space<vmem>>, vector<16xi32>,
      tpu.vector_store_idx %arg15[%get3A_969], %broadcast_in_dim3A_14 {add = true} : memref<10240xf32, #tpu.memory_space<vmem>>[vector<16xi32>], vector<16xf32>,
      %get3A_970 = arith.constant 31 : i32
      %get3A_971 = arith.index_cast %get3A_970 : i32 to index
      %get3A_972 = arith.constant 80 : index
      %get3A_973 = tpu.vector_load %arg7[%get3A_971, %get3A_972] {strides = array<i32>} : memref<32x128xi32, #tpu.memory_space<vmem>>, vector<16xi32>,
      tpu.vector_store_idx %arg15[%get3A_973], %broadcast_in_dim3A_14 {add = true} : memref<10240xf32, #tpu.memory_space<vmem>>[vector<16xi32>], vector<16xf32>,
      %get3A_974 = arith.constant 31 : i32
      %get3A_975 = arith.index_cast %get3A_974 : i32 to index
      %get3A_976 = arith.constant 96 : index
      %get3A_977 = tpu.vector_load %arg7[%get3A_975, %get3A_976] {strides = array<i32>} : memref<32x128xi32, #tpu.memory_space<vmem>>, vector<16xi32>,
      tpu.vector_store_idx %arg15[%get3A_977], %broadcast_in_dim3A_14 {add = true} : memref<10240xf32, #tpu.memory_space<vmem>>[vector<16xi32>], vector<16xf32>,
      %get3A_978 = arith.constant 31 : i32
      %get3A_979 = arith.index_cast %get3A_978 : i32 to index
      %get3A_980 = arith.constant 112 : index
      %get3A_981 = tpu.vector_load %arg7[%get3A_979, %get3A_980] {strides = array<i32>} : memref<32x128xi32, #tpu.memory_space<vmem>>, vector<16xi32>,
      tpu.vector_store_idx %arg15[%get3A_981], %broadcast_in_dim3A_14 {add = true} : memref<10240xf32, #tpu.memory_space<vmem>>[vector<16xi32>], vector<16xf32>,
      %dma_wait3A_982 = arith.constant 29 : i32
      %dma_wait3A_983 = arith.constant 0 : i32
      %dma_wait3A_984 = tpu.memref_slice %arg7[%dma_wait3A_982, %dma_wait3A_983] : memref<32x128xi32, #tpu.memory_space<vmem>> -> memref<1x128xi32, #tpu.memory_space<vmem>>
      %dma_wait3A_985 = tpu.memref_squeeze %dma_wait3A_984 : memref<1x128xi32, #tpu.memory_space<vmem>> -> memref<128xi32, #tpu.memory_space<vmem>>
      %dma_wait3A_986 = arith.constant 0 : i32
      %dma_wait3A_987 = arith.constant 0 : i32
      %dma_wait3A_988 = tpu.memref_slice %arg8[%dma_wait3A_986, %dma_wait3A_987] : memref<10240x128xf32, #tpu.memory_space<vmem_shared>> -> memref<10240x128xf32, #tpu.memory_space<vmem_shared>>
      tpu.wait_indirect_dma semaphore(%arg13 : memref<!tpu.dma_semaphore, #tpu.memory_space<semaphore_mem>>) src(%arg9 : memref<128x128xf32, #tpu.memory_space<vmem>>) dst(%dma_wait3A_988 : memref<10240x128xf32, #tpu.memory_space<vmem_shared>>)
      %dma_wait3A_989 = arith.constant 31 : i32
      %dma_wait3A_990 = arith.constant 0 : i32
      %dma_wait3A_991 = tpu.memref_slice %arg7[%dma_wait3A_989, %dma_wait3A_990] : memref<32x128xi32, #tpu.memory_space<vmem>> -> memref<1x128xi32, #tpu.memory_space<vmem>>
      %dma_wait3A_992 = tpu.memref_squeeze %dma_wait3A_991 : memref<1x128xi32, #tpu.memory_space<vmem>> -> memref<128xi32, #tpu.memory_space<vmem>>
      %dma_wait3A_993 = arith.constant 0 : i32
      %dma_wait3A_994 = arith.constant 0 : i32
      %dma_wait3A_995 = tpu.memref_slice %arg8[%dma_wait3A_993, %dma_wait3A_994] : memref<10240x128xf32, #tpu.memory_space<vmem_shared>> -> memref<10240x128xf32, #tpu.memory_space<vmem_shared>>
      tpu.wait_indirect_dma semaphore(%arg14 : memref<!tpu.dma_semaphore, #tpu.memory_space<semaphore_mem>>) src(%arg10 : memref<128x128xf32, #tpu.memory_space<vmem>>) dst(%dma_wait3A_995 : memref<10240x128xf32, #tpu.memory_space<vmem_shared>>)
    }
    %scan3A_19 = arith.constant 5 : i32
    %barrier3A_20 = arith.constant 0 : index
    tpu.barrier barrier_id(%barrier3A_20)
    %scan3A_21 = arith.constant 0 : i32
    %scan3A_22 = arith.constant 5 : i32
    %scan3A_23 = arith.addi %scan3A_21, %scan3A_22 : i32
    %scan3A_24 = arith.constant 1 : i32
    scf.for %scan3A_29 = %scan3A_21 to %scan3A_23 step %scan3A_24  : i32 {
      %mul3A_30 = arith.constant 1 : i32
      %mul3A_31 = arith.muli %scan3A_29, %mul3A_30 : i32
      %add3A_32 = arith.constant 0 : i32
      %add3A_33 = arith.addi %add3A_32, %mul3A_31 : i32
      %mul3A_34 = arith.constant 640 : i32
      %mul3A_35 = arith.muli %arg1, %mul3A_34 : i32
      %mul3A_36 = arith.constant 128 : i32
      %mul3A_37 = arith.muli %add3A_33, %mul3A_36 : i32
      %add3A_38 = arith.addi %mul3A_35, %mul3A_37 : i32
      "tpu.region"() ({
        %run_scoped3A = tpu.sem_alloc : memref<!tpu.dma_semaphore, #tpu.memory_space<semaphore_mem>>
        %dma_start3A = arith.constant 0 : i32
        %dma_start3A_42 = tpu.memref_slice %arg8[%add3A_38, %dma_start3A] : memref<10240x128xf32, #tpu.memory_space<vmem_shared>> -> memref<128x128xf32, #tpu.memory_space<vmem_shared>>
        %dma_start3A_43 = arith.constant 0 : i32
        %dma_start3A_44 = tpu.memref_slice %arg8[%add3A_38, %dma_start3A_43] : memref<10240x128xf32, #tpu.memory_space<vmem_shared>> -> memref<128x128xf32, #tpu.memory_space<vmem_shared>>
        tpu.enqueue_dma source(%dma_start3A_44 : memref<128x128xf32, #tpu.memory_space<vmem_shared>>) target(%arg9 : memref<128x128xf32, #tpu.memory_space<vmem>>) target_semaphore(%run_scoped3A : memref<!tpu.dma_semaphore, #tpu.memory_space<semaphore_mem>>)
        %dma_wait3A = arith.constant 0 : i32
        %dma_wait3A_45 = tpu.memref_slice %arg8[%add3A_38, %dma_wait3A] : memref<10240x128xf32, #tpu.memory_space<vmem_shared>> -> memref<128x128xf32, #tpu.memory_space<vmem_shared>>
        %dma_wait3A_46 = arith.constant 0 : i32
        %dma_wait3A_47 = tpu.memref_slice %arg8[%add3A_38, %dma_wait3A_46] : memref<10240x128xf32, #tpu.memory_space<vmem_shared>> -> memref<128x128xf32, #tpu.memory_space<vmem_shared>>
        tpu.wait_dma2 semaphore(%run_scoped3A : memref<!tpu.dma_semaphore, #tpu.memory_space<semaphore_mem>>) src(%dma_wait3A_47 : memref<128x128xf32, #tpu.memory_space<vmem_shared>>) dst(%arg9 : memref<128x128xf32, #tpu.memory_space<vmem>>)
        tpu.yield
      }) : () -> ()
      %mul3A_39 = arith.constant 10240 : i32
      %mul3A_40 = arith.muli %arg0, %mul3A_39 : i32
      %add3A_41 = arith.addi %mul3A_40, %add3A_38 : i32
      "tpu.region"() ({
        %run_scoped3A = tpu.sem_alloc : memref<!tpu.dma_semaphore, #tpu.memory_space<semaphore_mem>>
        %dma_start3A = arith.constant 0 : i32
        %dma_start3A_42 = tpu.memref_slice %arg5[%add3A_41, %dma_start3A] : memref<20480x128xf32, #tpu.memory_space<hbm>> -> memref<128x128xf32, #tpu.memory_space<hbm>>
        %dma_start3A_43 = arith.constant 0 : i32
        %dma_start3A_44 = tpu.memref_slice %arg5[%add3A_41, %dma_start3A_43] : memref<20480x128xf32, #tpu.memory_space<hbm>> -> memref<128x128xf32, #tpu.memory_space<hbm>>
        tpu.enqueue_dma source(%arg9 : memref<128x128xf32, #tpu.memory_space<vmem>>) target(%dma_start3A_44 : memref<128x128xf32, #tpu.memory_space<hbm>>) target_semaphore(%run_scoped3A : memref<!tpu.dma_semaphore, #tpu.memory_space<semaphore_mem>>)
        %dma_wait3A = arith.constant 0 : i32
        %dma_wait3A_45 = tpu.memref_slice %arg5[%add3A_41, %dma_wait3A] : memref<20480x128xf32, #tpu.memory_space<hbm>> -> memref<128x128xf32, #tpu.memory_space<hbm>>
        %dma_wait3A_46 = arith.constant 0 : i32
        %dma_wait3A_47 = tpu.memref_slice %arg5[%add3A_41, %dma_wait3A_46] : memref<20480x128xf32, #tpu.memory_space<hbm>> -> memref<128x128xf32, #tpu.memory_space<hbm>>
        tpu.wait_dma2 semaphore(%run_scoped3A : memref<!tpu.dma_semaphore, #tpu.memory_space<semaphore_mem>>) src(%arg9 : memref<128x128xf32, #tpu.memory_space<vmem>>) dst(%dma_wait3A_47 : memref<128x128xf32, #tpu.memory_space<hbm>>)
        tpu.yield
      }) : () -> ()
    }
    %scan3A_25 = arith.constant 5 : i32
    %mul3A_26 = arith.constant 16 : i32
    %mul3A_27 = arith.muli %arg0, %mul3A_26 : i32
    %add3A_28 = arith.addi %mul3A_27, %arg1 : i32
    "tpu.region"() ({
      %run_scoped3A = tpu.sem_alloc : memref<!tpu.dma_semaphore, #tpu.memory_space<semaphore_mem>>
      %dma_start3A = arith.constant 0 : i32
      %dma_start3A_29 = tpu.memref_slice %arg6[%add3A_28, %dma_start3A] : memref<32x10240xf32, #tpu.memory_space<hbm>> -> memref<1x10240xf32, #tpu.memory_space<hbm>>
      %dma_start3A_30 = tpu.memref_squeeze %dma_start3A_29 : memref<1x10240xf32, #tpu.memory_space<hbm>> -> memref<10240xf32, #tpu.memory_space<hbm>>
      %dma_start3A_31 = arith.constant 0 : i32
      %dma_start3A_32 = tpu.memref_slice %arg6[%add3A_28, %dma_start3A_31] : memref<32x10240xf32, #tpu.memory_space<hbm>> -> memref<1x10240xf32, #tpu.memory_space<hbm>>
      %dma_start3A_33 = tpu.memref_squeeze %dma_start3A_32 : memref<1x10240xf32, #tpu.memory_space<hbm>> -> memref<10240xf32, #tpu.memory_space<hbm>>
      tpu.enqueue_dma source(%arg15 : memref<10240xf32, #tpu.memory_space<vmem>>) target(%dma_start3A_33 : memref<10240xf32, #tpu.memory_space<hbm>>) target_semaphore(%run_scoped3A : memref<!tpu.dma_semaphore, #tpu.memory_space<semaphore_mem>>)
      %dma_wait3A = arith.constant 0 : i32
      %dma_wait3A_34 = tpu.memref_slice %arg6[%add3A_28, %dma_wait3A] : memref<32x10240xf32, #tpu.memory_space<hbm>> -> memref<1x10240xf32, #tpu.memory_space<hbm>>
      %dma_wait3A_35 = tpu.memref_squeeze %dma_wait3A_34 : memref<1x10240xf32, #tpu.memory_space<hbm>> -> memref<10240xf32, #tpu.memory_space<hbm>>
      %dma_wait3A_36 = arith.constant 0 : i32
      %dma_wait3A_37 = tpu.memref_slice %arg6[%add3A_28, %dma_wait3A_36] : memref<32x10240xf32, #tpu.memory_space<hbm>> -> memref<1x10240xf32, #tpu.memory_space<hbm>>
      %dma_wait3A_38 = tpu.memref_squeeze %dma_wait3A_37 : memref<1x10240xf32, #tpu.memory_space<hbm>> -> memref<10240xf32, #tpu.memory_space<hbm>>
      tpu.wait_dma2 semaphore(%run_scoped3A : memref<!tpu.dma_semaphore, #tpu.memory_space<semaphore_mem>>) src(%arg15 : memref<10240xf32, #tpu.memory_space<vmem>>) dst(%dma_wait3A_38 : memref<10240xf32, #tpu.memory_space<hbm>>)
      tpu.yield
    }) : () -> ()
    return
  }
}

#map = affine_map<(d0, d1) -> (0, 0)>
module attributes {stable_mosaic.version = 14 : i64} {
  func.func @sc_agg(%arg0: i32, %arg1: i32, %arg2: memref<10000x128xf32, #tpu.memory_space<hbm>>, %arg3: memref<5120x128xi32, #tpu.memory_space<hbm>>, %arg4: memref<128x128xf32, #tpu.memory_space<hbm>>, %arg5: memref<20480x128xf32, #tpu.memory_space<hbm>>, %arg6: memref<32x128xi32, #tpu.memory_space<vmem>>, %arg7: memref<10240x128xf32, #tpu.memory_space<vmem_shared>>, %arg8: memref<128x128xf32, #tpu.memory_space<vmem>>, %arg9: memref<128x128xf32, #tpu.memory_space<vmem>>, %arg10: memref<!tpu.dma_semaphore, #tpu.memory_space<semaphore_mem>>, %arg11: memref<!tpu.dma_semaphore, #tpu.memory_space<semaphore_mem>>, %arg12: memref<!tpu.dma_semaphore, #tpu.memory_space<semaphore_mem>>, %arg13: memref<!tpu.dma_semaphore, #tpu.memory_space<semaphore_mem>>) attributes {dimension_semantics = [#tpu.dimension_semantics<core_parallel>, #tpu.dimension_semantics<subcore_parallel>], iteration_bounds = array<i64: 2, 16>, scalar_prefetch = 0 : i64, scratch_operands = 8 : i64, tpu.core_type = #tpu.core_type<sc_vector_subcore>, window_params = [{transform_indices = #map}, {transform_indices = #map}, {transform_indices = #map}, {transform_indices = #map}]} {
    "tpu.region"() ({
      %run_scoped3A = tpu.sem_alloc : memref<!tpu.dma_semaphore, #tpu.memory_space<semaphore_mem>>
      tpu.enqueue_dma source(%arg4 : memref<128x128xf32, #tpu.memory_space<hbm>>) target(%arg8 : memref<128x128xf32, #tpu.memory_space<vmem>>) target_semaphore(%run_scoped3A : memref<!tpu.dma_semaphore, #tpu.memory_space<semaphore_mem>>)
      tpu.wait_dma2 semaphore(%run_scoped3A : memref<!tpu.dma_semaphore, #tpu.memory_space<semaphore_mem>>) src(%arg4 : memref<128x128xf32, #tpu.memory_space<hbm>>) dst(%arg8 : memref<128x128xf32, #tpu.memory_space<vmem>>)
      tpu.yield
    }) : () -> ()
    %scan3A = arith.constant 0 : i32
    %scan3A_0 = arith.constant 5 : i32
    %scan3A_1 = arith.addi %scan3A, %scan3A_0 : i32
    %scan3A_2 = arith.constant 1 : i32
    scf.for %scan3A_19 = %scan3A to %scan3A_1 step %scan3A_2  : i32 {
      %mul3A_20 = arith.constant 1 : i32
      %mul3A_21 = arith.muli %scan3A_19, %mul3A_20 : i32
      %add3A_22 = arith.constant 0 : i32
      %add3A_23 = arith.addi %add3A_22, %mul3A_21 : i32
      %mul3A_24 = arith.constant 640 : i32
      %mul3A_25 = arith.muli %arg1, %mul3A_24 : i32
      %mul3A_26 = arith.constant 128 : i32
      %mul3A_27 = arith.muli %add3A_23, %mul3A_26 : i32
      %add3A_28 = arith.addi %mul3A_25, %mul3A_27 : i32
      "tpu.region"() ({
        %run_scoped3A = tpu.sem_alloc : memref<!tpu.dma_semaphore, #tpu.memory_space<semaphore_mem>>
        %dma_start3A = arith.constant 0 : i32
        %dma_start3A_29 = tpu.memref_slice %arg7[%add3A_28, %dma_start3A] : memref<10240x128xf32, #tpu.memory_space<vmem_shared>> -> memref<128x128xf32, #tpu.memory_space<vmem_shared>>
        %dma_start3A_30 = arith.constant 0 : i32
        %dma_start3A_31 = tpu.memref_slice %arg7[%add3A_28, %dma_start3A_30] : memref<10240x128xf32, #tpu.memory_space<vmem_shared>> -> memref<128x128xf32, #tpu.memory_space<vmem_shared>>
        tpu.enqueue_dma source(%arg8 : memref<128x128xf32, #tpu.memory_space<vmem>>) target(%dma_start3A_31 : memref<128x128xf32, #tpu.memory_space<vmem_shared>>) target_semaphore(%run_scoped3A : memref<!tpu.dma_semaphore, #tpu.memory_space<semaphore_mem>>)
        %dma_wait3A = arith.constant 0 : i32
        %dma_wait3A_32 = tpu.memref_slice %arg7[%add3A_28, %dma_wait3A] : memref<10240x128xf32, #tpu.memory_space<vmem_shared>> -> memref<128x128xf32, #tpu.memory_space<vmem_shared>>
        %dma_wait3A_33 = arith.constant 0 : i32
        %dma_wait3A_34 = tpu.memref_slice %arg7[%add3A_28, %dma_wait3A_33] : memref<10240x128xf32, #tpu.memory_space<vmem_shared>> -> memref<128x128xf32, #tpu.memory_space<vmem_shared>>
        tpu.wait_dma2 semaphore(%run_scoped3A : memref<!tpu.dma_semaphore, #tpu.memory_space<semaphore_mem>>) src(%arg8 : memref<128x128xf32, #tpu.memory_space<vmem>>) dst(%dma_wait3A_34 : memref<128x128xf32, #tpu.memory_space<vmem_shared>>)
        tpu.yield
      }) : () -> ()
    }
    %scan3A_3 = arith.constant 5 : i32
    %barrier3A = arith.constant 0 : index
    tpu.barrier barrier_id(%barrier3A)
    %mul3A = arith.constant 16 : i32
    %mul3A_4 = arith.muli %arg0, %mul3A : i32
    %add3A = arith.addi %mul3A_4, %arg1 : i32
    %mul3A_5 = arith.constant 80 : i32
    %mul3A_6 = arith.muli %add3A, %mul3A_5 : i32
    %broadcast_in_dim3A = arith.constant 1.000000e+00 : f32
    %broadcast_in_dim3A_7 = vector.broadcast %broadcast_in_dim3A : f32 to vector<16xf32>
    %scan3A_8 = arith.constant 0 : i32
    %scan3A_9 = arith.constant 5 : i32
    %scan3A_10 = arith.addi %scan3A_8, %scan3A_9 : i32
    %scan3A_11 = arith.constant 1 : i32
    scf.for %scan3A_19 = %scan3A_8 to %scan3A_10 step %scan3A_11  : i32 {
      %mul3A_20 = arith.constant 1 : i32
      %mul3A_21 = arith.muli %scan3A_19, %mul3A_20 : i32
      %add3A_22 = arith.constant 0 : i32
      %add3A_23 = arith.addi %add3A_22, %mul3A_21 : i32
      %mul3A_24 = arith.constant 16 : i32
      %mul3A_25 = arith.muli %add3A_23, %mul3A_24 : i32
      %add3A_26 = arith.addi %mul3A_6, %mul3A_25 : i32
      %mul3A_27 = arith.constant 2 : i32
      %mul3A_28 = arith.muli %mul3A_27, %add3A_26 : i32
      "tpu.region"() ({
        %run_scoped3A = tpu.sem_alloc : memref<!tpu.dma_semaphore, #tpu.memory_space<semaphore_mem>>
        %dma_start3A_475 = arith.constant 0 : i32
        %dma_start3A_476 = tpu.memref_slice %arg3[%mul3A_28, %dma_start3A_475] : memref<5120x128xi32, #tpu.memory_space<hbm>> -> memref<32x128xi32, #tpu.memory_space<hbm>>
        %dma_start3A_477 = arith.constant 0 : i32
        %dma_start3A_478 = tpu.memref_slice %arg3[%mul3A_28, %dma_start3A_477] : memref<5120x128xi32, #tpu.memory_space<hbm>> -> memref<32x128xi32, #tpu.memory_space<hbm>>
        tpu.enqueue_dma source(%dma_start3A_478 : memref<32x128xi32, #tpu.memory_space<hbm>>) target(%arg6 : memref<32x128xi32, #tpu.memory_space<vmem>>) target_semaphore(%run_scoped3A : memref<!tpu.dma_semaphore, #tpu.memory_space<semaphore_mem>>)
        %dma_wait3A_479 = arith.constant 0 : i32
        %dma_wait3A_480 = tpu.memref_slice %arg3[%mul3A_28, %dma_wait3A_479] : memref<5120x128xi32, #tpu.memory_space<hbm>> -> memref<32x128xi32, #tpu.memory_space<hbm>>
        %dma_wait3A_481 = arith.constant 0 : i32
        %dma_wait3A_482 = tpu.memref_slice %arg3[%mul3A_28, %dma_wait3A_481] : memref<5120x128xi32, #tpu.memory_space<hbm>> -> memref<32x128xi32, #tpu.memory_space<hbm>>
        tpu.wait_dma2 semaphore(%run_scoped3A : memref<!tpu.dma_semaphore, #tpu.memory_space<semaphore_mem>>) src(%dma_wait3A_482 : memref<32x128xi32, #tpu.memory_space<hbm>>) dst(%arg6 : memref<32x128xi32, #tpu.memory_space<vmem>>)
        tpu.yield
      }) : () -> ()
      %dma_start3A = arith.constant 0 : i32
      %dma_start3A_29 = arith.constant 0 : i32
      %dma_start3A_30 = tpu.memref_slice %arg6[%dma_start3A, %dma_start3A_29] : memref<32x128xi32, #tpu.memory_space<vmem>> -> memref<1x128xi32, #tpu.memory_space<vmem>>
      %dma_start3A_31 = tpu.memref_squeeze %dma_start3A_30 : memref<1x128xi32, #tpu.memory_space<vmem>> -> memref<128xi32, #tpu.memory_space<vmem>>
      %dma_start3A_32 = arith.constant 0 : i32
      %dma_start3A_33 = arith.constant 0 : i32
      %dma_start3A_34 = tpu.memref_slice %arg2[%dma_start3A_32, %dma_start3A_33] : memref<10000x128xf32, #tpu.memory_space<hbm>> -> memref<10000x128xf32, #tpu.memory_space<hbm>>
      tpu.enqueue_indirect_dma source(%dma_start3A_34 : memref<10000x128xf32, #tpu.memory_space<hbm>>) target(%arg8 : memref<128x128xf32, #tpu.memory_space<vmem>>) offsets(%dma_start3A_31 : memref<128xi32, #tpu.memory_space<vmem>>) semaphore(%arg10 : memref<!tpu.dma_semaphore, #tpu.memory_space<semaphore_mem>>)
      %dma_start3A_35 = arith.constant 2 : i32
      %dma_start3A_36 = arith.constant 0 : i32
      %dma_start3A_37 = tpu.memref_slice %arg6[%dma_start3A_35, %dma_start3A_36] : memref<32x128xi32, #tpu.memory_space<vmem>> -> memref<1x128xi32, #tpu.memory_space<vmem>>
      %dma_start3A_38 = tpu.memref_squeeze %dma_start3A_37 : memref<1x128xi32, #tpu.memory_space<vmem>> -> memref<128xi32, #tpu.memory_space<vmem>>
      %dma_start3A_39 = arith.constant 0 : i32
      %dma_start3A_40 = arith.constant 0 : i32
      %dma_start3A_41 = tpu.memref_slice %arg2[%dma_start3A_39, %dma_start3A_40] : memref<10000x128xf32, #tpu.memory_space<hbm>> -> memref<10000x128xf32, #tpu.memory_space<hbm>>
      tpu.enqueue_indirect_dma source(%dma_start3A_41 : memref<10000x128xf32, #tpu.memory_space<hbm>>) target(%arg9 : memref<128x128xf32, #tpu.memory_space<vmem>>) offsets(%dma_start3A_38 : memref<128xi32, #tpu.memory_space<vmem>>) semaphore(%arg11 : memref<!tpu.dma_semaphore, #tpu.memory_space<semaphore_mem>>)
      %dma_wait3A = arith.constant 0 : i32
      %dma_wait3A_42 = arith.constant 0 : i32
      %dma_wait3A_43 = tpu.memref_slice %arg6[%dma_wait3A, %dma_wait3A_42] : memref<32x128xi32, #tpu.memory_space<vmem>> -> memref<1x128xi32, #tpu.memory_space<vmem>>
      %dma_wait3A_44 = tpu.memref_squeeze %dma_wait3A_43 : memref<1x128xi32, #tpu.memory_space<vmem>> -> memref<128xi32, #tpu.memory_space<vmem>>
      %dma_wait3A_45 = arith.constant 0 : i32
      %dma_wait3A_46 = arith.constant 0 : i32
      %dma_wait3A_47 = tpu.memref_slice %arg2[%dma_wait3A_45, %dma_wait3A_46] : memref<10000x128xf32, #tpu.memory_space<hbm>> -> memref<10000x128xf32, #tpu.memory_space<hbm>>
      tpu.wait_indirect_dma semaphore(%arg10 : memref<!tpu.dma_semaphore, #tpu.memory_space<semaphore_mem>>) src(%dma_wait3A_47 : memref<10000x128xf32, #tpu.memory_space<hbm>>) dst(%arg8 : memref<128x128xf32, #tpu.memory_space<vmem>>)
      %dma_start3A_48 = arith.constant 1 : i32
      %dma_start3A_49 = arith.constant 0 : i32
      %dma_start3A_50 = tpu.memref_slice %arg6[%dma_start3A_48, %dma_start3A_49] : memref<32x128xi32, #tpu.memory_space<vmem>> -> memref<1x128xi32, #tpu.memory_space<vmem>>
      %dma_start3A_51 = tpu.memref_squeeze %dma_start3A_50 : memref<1x128xi32, #tpu.memory_space<vmem>> -> memref<128xi32, #tpu.memory_space<vmem>>
      %dma_start3A_52 = arith.constant 0 : i32
      %dma_start3A_53 = arith.constant 0 : i32
      %dma_start3A_54 = tpu.memref_slice %arg7[%dma_start3A_52, %dma_start3A_53] : memref<10240x128xf32, #tpu.memory_space<vmem_shared>> -> memref<10240x128xf32, #tpu.memory_space<vmem_shared>>
      tpu.enqueue_indirect_dma source(%arg8 : memref<128x128xf32, #tpu.memory_space<vmem>>) target(%dma_start3A_54 : memref<10240x128xf32, #tpu.memory_space<vmem_shared>>) offsets(%dma_start3A_51 : memref<128xi32, #tpu.memory_space<vmem>>) semaphore(%arg12 : memref<!tpu.dma_semaphore, #tpu.memory_space<semaphore_mem>>) {add = true}
      %dma_wait3A_55 = arith.constant 1 : i32
      %dma_wait3A_56 = arith.constant 0 : i32
      %dma_wait3A_57 = tpu.memref_slice %arg6[%dma_wait3A_55, %dma_wait3A_56] : memref<32x128xi32, #tpu.memory_space<vmem>> -> memref<1x128xi32, #tpu.memory_space<vmem>>
      %dma_wait3A_58 = tpu.memref_squeeze %dma_wait3A_57 : memref<1x128xi32, #tpu.memory_space<vmem>> -> memref<128xi32, #tpu.memory_space<vmem>>
      %dma_wait3A_59 = arith.constant 0 : i32
      %dma_wait3A_60 = arith.constant 0 : i32
      %dma_wait3A_61 = tpu.memref_slice %arg7[%dma_wait3A_59, %dma_wait3A_60] : memref<10240x128xf32, #tpu.memory_space<vmem_shared>> -> memref<10240x128xf32, #tpu.memory_space<vmem_shared>>
      tpu.wait_indirect_dma semaphore(%arg12 : memref<!tpu.dma_semaphore, #tpu.memory_space<semaphore_mem>>) src(%arg8 : memref<128x128xf32, #tpu.memory_space<vmem>>) dst(%dma_wait3A_61 : memref<10240x128xf32, #tpu.memory_space<vmem_shared>>)
      %dma_start3A_62 = arith.constant 4 : i32
      %dma_start3A_63 = arith.constant 0 : i32
      %dma_start3A_64 = tpu.memref_slice %arg6[%dma_start3A_62, %dma_start3A_63] : memref<32x128xi32, #tpu.memory_space<vmem>> -> memref<1x128xi32, #tpu.memory_space<vmem>>
      %dma_start3A_65 = tpu.memref_squeeze %dma_start3A_64 : memref<1x128xi32, #tpu.memory_space<vmem>> -> memref<128xi32, #tpu.memory_space<vmem>>
      %dma_start3A_66 = arith.constant 0 : i32
      %dma_start3A_67 = arith.constant 0 : i32
      %dma_start3A_68 = tpu.memref_slice %arg2[%dma_start3A_66, %dma_start3A_67] : memref<10000x128xf32, #tpu.memory_space<hbm>> -> memref<10000x128xf32, #tpu.memory_space<hbm>>
      tpu.enqueue_indirect_dma source(%dma_start3A_68 : memref<10000x128xf32, #tpu.memory_space<hbm>>) target(%arg8 : memref<128x128xf32, #tpu.memory_space<vmem>>) offsets(%dma_start3A_65 : memref<128xi32, #tpu.memory_space<vmem>>) semaphore(%arg10 : memref<!tpu.dma_semaphore, #tpu.memory_space<semaphore_mem>>)
      %dma_wait3A_69 = arith.constant 2 : i32
      %dma_wait3A_70 = arith.constant 0 : i32
      %dma_wait3A_71 = tpu.memref_slice %arg6[%dma_wait3A_69, %dma_wait3A_70] : memref<32x128xi32, #tpu.memory_space<vmem>> -> memref<1x128xi32, #tpu.memory_space<vmem>>
      %dma_wait3A_72 = tpu.memref_squeeze %dma_wait3A_71 : memref<1x128xi32, #tpu.memory_space<vmem>> -> memref<128xi32, #tpu.memory_space<vmem>>
      %dma_wait3A_73 = arith.constant 0 : i32
      %dma_wait3A_74 = arith.constant 0 : i32
      %dma_wait3A_75 = tpu.memref_slice %arg2[%dma_wait3A_73, %dma_wait3A_74] : memref<10000x128xf32, #tpu.memory_space<hbm>> -> memref<10000x128xf32, #tpu.memory_space<hbm>>
      tpu.wait_indirect_dma semaphore(%arg11 : memref<!tpu.dma_semaphore, #tpu.memory_space<semaphore_mem>>) src(%dma_wait3A_75 : memref<10000x128xf32, #tpu.memory_space<hbm>>) dst(%arg9 : memref<128x128xf32, #tpu.memory_space<vmem>>)
      %dma_start3A_76 = arith.constant 3 : i32
      %dma_start3A_77 = arith.constant 0 : i32
      %dma_start3A_78 = tpu.memref_slice %arg6[%dma_start3A_76, %dma_start3A_77] : memref<32x128xi32, #tpu.memory_space<vmem>> -> memref<1x128xi32, #tpu.memory_space<vmem>>
      %dma_start3A_79 = tpu.memref_squeeze %dma_start3A_78 : memref<1x128xi32, #tpu.memory_space<vmem>> -> memref<128xi32, #tpu.memory_space<vmem>>
      %dma_start3A_80 = arith.constant 0 : i32
      %dma_start3A_81 = arith.constant 0 : i32
      %dma_start3A_82 = tpu.memref_slice %arg7[%dma_start3A_80, %dma_start3A_81] : memref<10240x128xf32, #tpu.memory_space<vmem_shared>> -> memref<10240x128xf32, #tpu.memory_space<vmem_shared>>
      tpu.enqueue_indirect_dma source(%arg9 : memref<128x128xf32, #tpu.memory_space<vmem>>) target(%dma_start3A_82 : memref<10240x128xf32, #tpu.memory_space<vmem_shared>>) offsets(%dma_start3A_79 : memref<128xi32, #tpu.memory_space<vmem>>) semaphore(%arg13 : memref<!tpu.dma_semaphore, #tpu.memory_space<semaphore_mem>>) {add = true}
      %dma_wait3A_83 = arith.constant 3 : i32
      %dma_wait3A_84 = arith.constant 0 : i32
      %dma_wait3A_85 = tpu.memref_slice %arg6[%dma_wait3A_83, %dma_wait3A_84] : memref<32x128xi32, #tpu.memory_space<vmem>> -> memref<1x128xi32, #tpu.memory_space<vmem>>
      %dma_wait3A_86 = tpu.memref_squeeze %dma_wait3A_85 : memref<1x128xi32, #tpu.memory_space<vmem>> -> memref<128xi32, #tpu.memory_space<vmem>>
      %dma_wait3A_87 = arith.constant 0 : i32
      %dma_wait3A_88 = arith.constant 0 : i32
      %dma_wait3A_89 = tpu.memref_slice %arg7[%dma_wait3A_87, %dma_wait3A_88] : memref<10240x128xf32, #tpu.memory_space<vmem_shared>> -> memref<10240x128xf32, #tpu.memory_space<vmem_shared>>
      tpu.wait_indirect_dma semaphore(%arg13 : memref<!tpu.dma_semaphore, #tpu.memory_space<semaphore_mem>>) src(%arg9 : memref<128x128xf32, #tpu.memory_space<vmem>>) dst(%dma_wait3A_89 : memref<10240x128xf32, #tpu.memory_space<vmem_shared>>)
      %dma_start3A_90 = arith.constant 6 : i32
      %dma_start3A_91 = arith.constant 0 : i32
      %dma_start3A_92 = tpu.memref_slice %arg6[%dma_start3A_90, %dma_start3A_91] : memref<32x128xi32, #tpu.memory_space<vmem>> -> memref<1x128xi32, #tpu.memory_space<vmem>>
      %dma_start3A_93 = tpu.memref_squeeze %dma_start3A_92 : memref<1x128xi32, #tpu.memory_space<vmem>> -> memref<128xi32, #tpu.memory_space<vmem>>
      %dma_start3A_94 = arith.constant 0 : i32
      %dma_start3A_95 = arith.constant 0 : i32
      %dma_start3A_96 = tpu.memref_slice %arg2[%dma_start3A_94, %dma_start3A_95] : memref<10000x128xf32, #tpu.memory_space<hbm>> -> memref<10000x128xf32, #tpu.memory_space<hbm>>
      tpu.enqueue_indirect_dma source(%dma_start3A_96 : memref<10000x128xf32, #tpu.memory_space<hbm>>) target(%arg9 : memref<128x128xf32, #tpu.memory_space<vmem>>) offsets(%dma_start3A_93 : memref<128xi32, #tpu.memory_space<vmem>>) semaphore(%arg11 : memref<!tpu.dma_semaphore, #tpu.memory_space<semaphore_mem>>)
      %dma_wait3A_97 = arith.constant 4 : i32
      %dma_wait3A_98 = arith.constant 0 : i32
      %dma_wait3A_99 = tpu.memref_slice %arg6[%dma_wait3A_97, %dma_wait3A_98] : memref<32x128xi32, #tpu.memory_space<vmem>> -> memref<1x128xi32, #tpu.memory_space<vmem>>
      %dma_wait3A_100 = tpu.memref_squeeze %dma_wait3A_99 : memref<1x128xi32, #tpu.memory_space<vmem>> -> memref<128xi32, #tpu.memory_space<vmem>>
      %dma_wait3A_101 = arith.constant 0 : i32
      %dma_wait3A_102 = arith.constant 0 : i32
      %dma_wait3A_103 = tpu.memref_slice %arg2[%dma_wait3A_101, %dma_wait3A_102] : memref<10000x128xf32, #tpu.memory_space<hbm>> -> memref<10000x128xf32, #tpu.memory_space<hbm>>
      tpu.wait_indirect_dma semaphore(%arg10 : memref<!tpu.dma_semaphore, #tpu.memory_space<semaphore_mem>>) src(%dma_wait3A_103 : memref<10000x128xf32, #tpu.memory_space<hbm>>) dst(%arg8 : memref<128x128xf32, #tpu.memory_space<vmem>>)
      %dma_start3A_104 = arith.constant 5 : i32
      %dma_start3A_105 = arith.constant 0 : i32
      %dma_start3A_106 = tpu.memref_slice %arg6[%dma_start3A_104, %dma_start3A_105] : memref<32x128xi32, #tpu.memory_space<vmem>> -> memref<1x128xi32, #tpu.memory_space<vmem>>
      %dma_start3A_107 = tpu.memref_squeeze %dma_start3A_106 : memref<1x128xi32, #tpu.memory_space<vmem>> -> memref<128xi32, #tpu.memory_space<vmem>>
      %dma_start3A_108 = arith.constant 0 : i32
      %dma_start3A_109 = arith.constant 0 : i32
      %dma_start3A_110 = tpu.memref_slice %arg7[%dma_start3A_108, %dma_start3A_109] : memref<10240x128xf32, #tpu.memory_space<vmem_shared>> -> memref<10240x128xf32, #tpu.memory_space<vmem_shared>>
      tpu.enqueue_indirect_dma source(%arg8 : memref<128x128xf32, #tpu.memory_space<vmem>>) target(%dma_start3A_110 : memref<10240x128xf32, #tpu.memory_space<vmem_shared>>) offsets(%dma_start3A_107 : memref<128xi32, #tpu.memory_space<vmem>>) semaphore(%arg12 : memref<!tpu.dma_semaphore, #tpu.memory_space<semaphore_mem>>) {add = true}
      %dma_wait3A_111 = arith.constant 5 : i32
      %dma_wait3A_112 = arith.constant 0 : i32
      %dma_wait3A_113 = tpu.memref_slice %arg6[%dma_wait3A_111, %dma_wait3A_112] : memref<32x128xi32, #tpu.memory_space<vmem>> -> memref<1x128xi32, #tpu.memory_space<vmem>>
      %dma_wait3A_114 = tpu.memref_squeeze %dma_wait3A_113 : memref<1x128xi32, #tpu.memory_space<vmem>> -> memref<128xi32, #tpu.memory_space<vmem>>
      %dma_wait3A_115 = arith.constant 0 : i32
      %dma_wait3A_116 = arith.constant 0 : i32
      %dma_wait3A_117 = tpu.memref_slice %arg7[%dma_wait3A_115, %dma_wait3A_116] : memref<10240x128xf32, #tpu.memory_space<vmem_shared>> -> memref<10240x128xf32, #tpu.memory_space<vmem_shared>>
      tpu.wait_indirect_dma semaphore(%arg12 : memref<!tpu.dma_semaphore, #tpu.memory_space<semaphore_mem>>) src(%arg8 : memref<128x128xf32, #tpu.memory_space<vmem>>) dst(%dma_wait3A_117 : memref<10240x128xf32, #tpu.memory_space<vmem_shared>>)
      %dma_start3A_118 = arith.constant 8 : i32
      %dma_start3A_119 = arith.constant 0 : i32
      %dma_start3A_120 = tpu.memref_slice %arg6[%dma_start3A_118, %dma_start3A_119] : memref<32x128xi32, #tpu.memory_space<vmem>> -> memref<1x128xi32, #tpu.memory_space<vmem>>
      %dma_start3A_121 = tpu.memref_squeeze %dma_start3A_120 : memref<1x128xi32, #tpu.memory_space<vmem>> -> memref<128xi32, #tpu.memory_space<vmem>>
      %dma_start3A_122 = arith.constant 0 : i32
      %dma_start3A_123 = arith.constant 0 : i32
      %dma_start3A_124 = tpu.memref_slice %arg2[%dma_start3A_122, %dma_start3A_123] : memref<10000x128xf32, #tpu.memory_space<hbm>> -> memref<10000x128xf32, #tpu.memory_space<hbm>>
      tpu.enqueue_indirect_dma source(%dma_start3A_124 : memref<10000x128xf32, #tpu.memory_space<hbm>>) target(%arg8 : memref<128x128xf32, #tpu.memory_space<vmem>>) offsets(%dma_start3A_121 : memref<128xi32, #tpu.memory_space<vmem>>) semaphore(%arg10 : memref<!tpu.dma_semaphore, #tpu.memory_space<semaphore_mem>>)
      %dma_wait3A_125 = arith.constant 6 : i32
      %dma_wait3A_126 = arith.constant 0 : i32
      %dma_wait3A_127 = tpu.memref_slice %arg6[%dma_wait3A_125, %dma_wait3A_126] : memref<32x128xi32, #tpu.memory_space<vmem>> -> memref<1x128xi32, #tpu.memory_space<vmem>>
      %dma_wait3A_128 = tpu.memref_squeeze %dma_wait3A_127 : memref<1x128xi32, #tpu.memory_space<vmem>> -> memref<128xi32, #tpu.memory_space<vmem>>
      %dma_wait3A_129 = arith.constant 0 : i32
      %dma_wait3A_130 = arith.constant 0 : i32
      %dma_wait3A_131 = tpu.memref_slice %arg2[%dma_wait3A_129, %dma_wait3A_130] : memref<10000x128xf32, #tpu.memory_space<hbm>> -> memref<10000x128xf32, #tpu.memory_space<hbm>>
      tpu.wait_indirect_dma semaphore(%arg11 : memref<!tpu.dma_semaphore, #tpu.memory_space<semaphore_mem>>) src(%dma_wait3A_131 : memref<10000x128xf32, #tpu.memory_space<hbm>>) dst(%arg9 : memref<128x128xf32, #tpu.memory_space<vmem>>)
      %dma_start3A_132 = arith.constant 7 : i32
      %dma_start3A_133 = arith.constant 0 : i32
      %dma_start3A_134 = tpu.memref_slice %arg6[%dma_start3A_132, %dma_start3A_133] : memref<32x128xi32, #tpu.memory_space<vmem>> -> memref<1x128xi32, #tpu.memory_space<vmem>>
      %dma_start3A_135 = tpu.memref_squeeze %dma_start3A_134 : memref<1x128xi32, #tpu.memory_space<vmem>> -> memref<128xi32, #tpu.memory_space<vmem>>
      %dma_start3A_136 = arith.constant 0 : i32
      %dma_start3A_137 = arith.constant 0 : i32
      %dma_start3A_138 = tpu.memref_slice %arg7[%dma_start3A_136, %dma_start3A_137] : memref<10240x128xf32, #tpu.memory_space<vmem_shared>> -> memref<10240x128xf32, #tpu.memory_space<vmem_shared>>
      tpu.enqueue_indirect_dma source(%arg9 : memref<128x128xf32, #tpu.memory_space<vmem>>) target(%dma_start3A_138 : memref<10240x128xf32, #tpu.memory_space<vmem_shared>>) offsets(%dma_start3A_135 : memref<128xi32, #tpu.memory_space<vmem>>) semaphore(%arg13 : memref<!tpu.dma_semaphore, #tpu.memory_space<semaphore_mem>>) {add = true}
      %dma_wait3A_139 = arith.constant 7 : i32
      %dma_wait3A_140 = arith.constant 0 : i32
      %dma_wait3A_141 = tpu.memref_slice %arg6[%dma_wait3A_139, %dma_wait3A_140] : memref<32x128xi32, #tpu.memory_space<vmem>> -> memref<1x128xi32, #tpu.memory_space<vmem>>
      %dma_wait3A_142 = tpu.memref_squeeze %dma_wait3A_141 : memref<1x128xi32, #tpu.memory_space<vmem>> -> memref<128xi32, #tpu.memory_space<vmem>>
      %dma_wait3A_143 = arith.constant 0 : i32
      %dma_wait3A_144 = arith.constant 0 : i32
      %dma_wait3A_145 = tpu.memref_slice %arg7[%dma_wait3A_143, %dma_wait3A_144] : memref<10240x128xf32, #tpu.memory_space<vmem_shared>> -> memref<10240x128xf32, #tpu.memory_space<vmem_shared>>
      tpu.wait_indirect_dma semaphore(%arg13 : memref<!tpu.dma_semaphore, #tpu.memory_space<semaphore_mem>>) src(%arg9 : memref<128x128xf32, #tpu.memory_space<vmem>>) dst(%dma_wait3A_145 : memref<10240x128xf32, #tpu.memory_space<vmem_shared>>)
      %dma_start3A_146 = arith.constant 10 : i32
      %dma_start3A_147 = arith.constant 0 : i32
      %dma_start3A_148 = tpu.memref_slice %arg6[%dma_start3A_146, %dma_start3A_147] : memref<32x128xi32, #tpu.memory_space<vmem>> -> memref<1x128xi32, #tpu.memory_space<vmem>>
      %dma_start3A_149 = tpu.memref_squeeze %dma_start3A_148 : memref<1x128xi32, #tpu.memory_space<vmem>> -> memref<128xi32, #tpu.memory_space<vmem>>
      %dma_start3A_150 = arith.constant 0 : i32
      %dma_start3A_151 = arith.constant 0 : i32
      %dma_start3A_152 = tpu.memref_slice %arg2[%dma_start3A_150, %dma_start3A_151] : memref<10000x128xf32, #tpu.memory_space<hbm>> -> memref<10000x128xf32, #tpu.memory_space<hbm>>
      tpu.enqueue_indirect_dma source(%dma_start3A_152 : memref<10000x128xf32, #tpu.memory_space<hbm>>) target(%arg9 : memref<128x128xf32, #tpu.memory_space<vmem>>) offsets(%dma_start3A_149 : memref<128xi32, #tpu.memory_space<vmem>>) semaphore(%arg11 : memref<!tpu.dma_semaphore, #tpu.memory_space<semaphore_mem>>)
      %dma_wait3A_153 = arith.constant 8 : i32
      %dma_wait3A_154 = arith.constant 0 : i32
      %dma_wait3A_155 = tpu.memref_slice %arg6[%dma_wait3A_153, %dma_wait3A_154] : memref<32x128xi32, #tpu.memory_space<vmem>> -> memref<1x128xi32, #tpu.memory_space<vmem>>
      %dma_wait3A_156 = tpu.memref_squeeze %dma_wait3A_155 : memref<1x128xi32, #tpu.memory_space<vmem>> -> memref<128xi32, #tpu.memory_space<vmem>>
      %dma_wait3A_157 = arith.constant 0 : i32
      %dma_wait3A_158 = arith.constant 0 : i32
      %dma_wait3A_159 = tpu.memref_slice %arg2[%dma_wait3A_157, %dma_wait3A_158] : memref<10000x128xf32, #tpu.memory_space<hbm>> -> memref<10000x128xf32, #tpu.memory_space<hbm>>
      tpu.wait_indirect_dma semaphore(%arg10 : memref<!tpu.dma_semaphore, #tpu.memory_space<semaphore_mem>>) src(%dma_wait3A_159 : memref<10000x128xf32, #tpu.memory_space<hbm>>) dst(%arg8 : memref<128x128xf32, #tpu.memory_space<vmem>>)
      %dma_start3A_160 = arith.constant 9 : i32
      %dma_start3A_161 = arith.constant 0 : i32
      %dma_start3A_162 = tpu.memref_slice %arg6[%dma_start3A_160, %dma_start3A_161] : memref<32x128xi32, #tpu.memory_space<vmem>> -> memref<1x128xi32, #tpu.memory_space<vmem>>
      %dma_start3A_163 = tpu.memref_squeeze %dma_start3A_162 : memref<1x128xi32, #tpu.memory_space<vmem>> -> memref<128xi32, #tpu.memory_space<vmem>>
      %dma_start3A_164 = arith.constant 0 : i32
      %dma_start3A_165 = arith.constant 0 : i32
      %dma_start3A_166 = tpu.memref_slice %arg7[%dma_start3A_164, %dma_start3A_165] : memref<10240x128xf32, #tpu.memory_space<vmem_shared>> -> memref<10240x128xf32, #tpu.memory_space<vmem_shared>>
      tpu.enqueue_indirect_dma source(%arg8 : memref<128x128xf32, #tpu.memory_space<vmem>>) target(%dma_start3A_166 : memref<10240x128xf32, #tpu.memory_space<vmem_shared>>) offsets(%dma_start3A_163 : memref<128xi32, #tpu.memory_space<vmem>>) semaphore(%arg12 : memref<!tpu.dma_semaphore, #tpu.memory_space<semaphore_mem>>) {add = true}
      %dma_wait3A_167 = arith.constant 9 : i32
      %dma_wait3A_168 = arith.constant 0 : i32
      %dma_wait3A_169 = tpu.memref_slice %arg6[%dma_wait3A_167, %dma_wait3A_168] : memref<32x128xi32, #tpu.memory_space<vmem>> -> memref<1x128xi32, #tpu.memory_space<vmem>>
      %dma_wait3A_170 = tpu.memref_squeeze %dma_wait3A_169 : memref<1x128xi32, #tpu.memory_space<vmem>> -> memref<128xi32, #tpu.memory_space<vmem>>
      %dma_wait3A_171 = arith.constant 0 : i32
      %dma_wait3A_172 = arith.constant 0 : i32
      %dma_wait3A_173 = tpu.memref_slice %arg7[%dma_wait3A_171, %dma_wait3A_172] : memref<10240x128xf32, #tpu.memory_space<vmem_shared>> -> memref<10240x128xf32, #tpu.memory_space<vmem_shared>>
      tpu.wait_indirect_dma semaphore(%arg12 : memref<!tpu.dma_semaphore, #tpu.memory_space<semaphore_mem>>) src(%arg8 : memref<128x128xf32, #tpu.memory_space<vmem>>) dst(%dma_wait3A_173 : memref<10240x128xf32, #tpu.memory_space<vmem_shared>>)
      %dma_start3A_174 = arith.constant 12 : i32
      %dma_start3A_175 = arith.constant 0 : i32
      %dma_start3A_176 = tpu.memref_slice %arg6[%dma_start3A_174, %dma_start3A_175] : memref<32x128xi32, #tpu.memory_space<vmem>> -> memref<1x128xi32, #tpu.memory_space<vmem>>
      %dma_start3A_177 = tpu.memref_squeeze %dma_start3A_176 : memref<1x128xi32, #tpu.memory_space<vmem>> -> memref<128xi32, #tpu.memory_space<vmem>>
      %dma_start3A_178 = arith.constant 0 : i32
      %dma_start3A_179 = arith.constant 0 : i32
      %dma_start3A_180 = tpu.memref_slice %arg2[%dma_start3A_178, %dma_start3A_179] : memref<10000x128xf32, #tpu.memory_space<hbm>> -> memref<10000x128xf32, #tpu.memory_space<hbm>>
      tpu.enqueue_indirect_dma source(%dma_start3A_180 : memref<10000x128xf32, #tpu.memory_space<hbm>>) target(%arg8 : memref<128x128xf32, #tpu.memory_space<vmem>>) offsets(%dma_start3A_177 : memref<128xi32, #tpu.memory_space<vmem>>) semaphore(%arg10 : memref<!tpu.dma_semaphore, #tpu.memory_space<semaphore_mem>>)
      %dma_wait3A_181 = arith.constant 10 : i32
      %dma_wait3A_182 = arith.constant 0 : i32
      %dma_wait3A_183 = tpu.memref_slice %arg6[%dma_wait3A_181, %dma_wait3A_182] : memref<32x128xi32, #tpu.memory_space<vmem>> -> memref<1x128xi32, #tpu.memory_space<vmem>>
      %dma_wait3A_184 = tpu.memref_squeeze %dma_wait3A_183 : memref<1x128xi32, #tpu.memory_space<vmem>> -> memref<128xi32, #tpu.memory_space<vmem>>
      %dma_wait3A_185 = arith.constant 0 : i32
      %dma_wait3A_186 = arith.constant 0 : i32
      %dma_wait3A_187 = tpu.memref_slice %arg2[%dma_wait3A_185, %dma_wait3A_186] : memref<10000x128xf32, #tpu.memory_space<hbm>> -> memref<10000x128xf32, #tpu.memory_space<hbm>>
      tpu.wait_indirect_dma semaphore(%arg11 : memref<!tpu.dma_semaphore, #tpu.memory_space<semaphore_mem>>) src(%dma_wait3A_187 : memref<10000x128xf32, #tpu.memory_space<hbm>>) dst(%arg9 : memref<128x128xf32, #tpu.memory_space<vmem>>)
      %dma_start3A_188 = arith.constant 11 : i32
      %dma_start3A_189 = arith.constant 0 : i32
      %dma_start3A_190 = tpu.memref_slice %arg6[%dma_start3A_188, %dma_start3A_189] : memref<32x128xi32, #tpu.memory_space<vmem>> -> memref<1x128xi32, #tpu.memory_space<vmem>>
      %dma_start3A_191 = tpu.memref_squeeze %dma_start3A_190 : memref<1x128xi32, #tpu.memory_space<vmem>> -> memref<128xi32, #tpu.memory_space<vmem>>
      %dma_start3A_192 = arith.constant 0 : i32
      %dma_start3A_193 = arith.constant 0 : i32
      %dma_start3A_194 = tpu.memref_slice %arg7[%dma_start3A_192, %dma_start3A_193] : memref<10240x128xf32, #tpu.memory_space<vmem_shared>> -> memref<10240x128xf32, #tpu.memory_space<vmem_shared>>
      tpu.enqueue_indirect_dma source(%arg9 : memref<128x128xf32, #tpu.memory_space<vmem>>) target(%dma_start3A_194 : memref<10240x128xf32, #tpu.memory_space<vmem_shared>>) offsets(%dma_start3A_191 : memref<128xi32, #tpu.memory_space<vmem>>) semaphore(%arg13 : memref<!tpu.dma_semaphore, #tpu.memory_space<semaphore_mem>>) {add = true}
      %dma_wait3A_195 = arith.constant 11 : i32
      %dma_wait3A_196 = arith.constant 0 : i32
      %dma_wait3A_197 = tpu.memref_slice %arg6[%dma_wait3A_195, %dma_wait3A_196] : memref<32x128xi32, #tpu.memory_space<vmem>> -> memref<1x128xi32, #tpu.memory_space<vmem>>
      %dma_wait3A_198 = tpu.memref_squeeze %dma_wait3A_197 : memref<1x128xi32, #tpu.memory_space<vmem>> -> memref<128xi32, #tpu.memory_space<vmem>>
      %dma_wait3A_199 = arith.constant 0 : i32
      %dma_wait3A_200 = arith.constant 0 : i32
      %dma_wait3A_201 = tpu.memref_slice %arg7[%dma_wait3A_199, %dma_wait3A_200] : memref<10240x128xf32, #tpu.memory_space<vmem_shared>> -> memref<10240x128xf32, #tpu.memory_space<vmem_shared>>
      tpu.wait_indirect_dma semaphore(%arg13 : memref<!tpu.dma_semaphore, #tpu.memory_space<semaphore_mem>>) src(%arg9 : memref<128x128xf32, #tpu.memory_space<vmem>>) dst(%dma_wait3A_201 : memref<10240x128xf32, #tpu.memory_space<vmem_shared>>)
      %dma_start3A_202 = arith.constant 14 : i32
      %dma_start3A_203 = arith.constant 0 : i32
      %dma_start3A_204 = tpu.memref_slice %arg6[%dma_start3A_202, %dma_start3A_203] : memref<32x128xi32, #tpu.memory_space<vmem>> -> memref<1x128xi32, #tpu.memory_space<vmem>>
      %dma_start3A_205 = tpu.memref_squeeze %dma_start3A_204 : memref<1x128xi32, #tpu.memory_space<vmem>> -> memref<128xi32, #tpu.memory_space<vmem>>
      %dma_start3A_206 = arith.constant 0 : i32
      %dma_start3A_207 = arith.constant 0 : i32
      %dma_start3A_208 = tpu.memref_slice %arg2[%dma_start3A_206, %dma_start3A_207] : memref<10000x128xf32, #tpu.memory_space<hbm>> -> memref<10000x128xf32, #tpu.memory_space<hbm>>
      tpu.enqueue_indirect_dma source(%dma_start3A_208 : memref<10000x128xf32, #tpu.memory_space<hbm>>) target(%arg9 : memref<128x128xf32, #tpu.memory_space<vmem>>) offsets(%dma_start3A_205 : memref<128xi32, #tpu.memory_space<vmem>>) semaphore(%arg11 : memref<!tpu.dma_semaphore, #tpu.memory_space<semaphore_mem>>)
      %dma_wait3A_209 = arith.constant 12 : i32
      %dma_wait3A_210 = arith.constant 0 : i32
      %dma_wait3A_211 = tpu.memref_slice %arg6[%dma_wait3A_209, %dma_wait3A_210] : memref<32x128xi32, #tpu.memory_space<vmem>> -> memref<1x128xi32, #tpu.memory_space<vmem>>
      %dma_wait3A_212 = tpu.memref_squeeze %dma_wait3A_211 : memref<1x128xi32, #tpu.memory_space<vmem>> -> memref<128xi32, #tpu.memory_space<vmem>>
      %dma_wait3A_213 = arith.constant 0 : i32
      %dma_wait3A_214 = arith.constant 0 : i32
      %dma_wait3A_215 = tpu.memref_slice %arg2[%dma_wait3A_213, %dma_wait3A_214] : memref<10000x128xf32, #tpu.memory_space<hbm>> -> memref<10000x128xf32, #tpu.memory_space<hbm>>
      tpu.wait_indirect_dma semaphore(%arg10 : memref<!tpu.dma_semaphore, #tpu.memory_space<semaphore_mem>>) src(%dma_wait3A_215 : memref<10000x128xf32, #tpu.memory_space<hbm>>) dst(%arg8 : memref<128x128xf32, #tpu.memory_space<vmem>>)
      %dma_start3A_216 = arith.constant 13 : i32
      %dma_start3A_217 = arith.constant 0 : i32
      %dma_start3A_218 = tpu.memref_slice %arg6[%dma_start3A_216, %dma_start3A_217] : memref<32x128xi32, #tpu.memory_space<vmem>> -> memref<1x128xi32, #tpu.memory_space<vmem>>
      %dma_start3A_219 = tpu.memref_squeeze %dma_start3A_218 : memref<1x128xi32, #tpu.memory_space<vmem>> -> memref<128xi32, #tpu.memory_space<vmem>>
      %dma_start3A_220 = arith.constant 0 : i32
      %dma_start3A_221 = arith.constant 0 : i32
      %dma_start3A_222 = tpu.memref_slice %arg7[%dma_start3A_220, %dma_start3A_221] : memref<10240x128xf32, #tpu.memory_space<vmem_shared>> -> memref<10240x128xf32, #tpu.memory_space<vmem_shared>>
      tpu.enqueue_indirect_dma source(%arg8 : memref<128x128xf32, #tpu.memory_space<vmem>>) target(%dma_start3A_222 : memref<10240x128xf32, #tpu.memory_space<vmem_shared>>) offsets(%dma_start3A_219 : memref<128xi32, #tpu.memory_space<vmem>>) semaphore(%arg12 : memref<!tpu.dma_semaphore, #tpu.memory_space<semaphore_mem>>) {add = true}
      %dma_wait3A_223 = arith.constant 13 : i32
      %dma_wait3A_224 = arith.constant 0 : i32
      %dma_wait3A_225 = tpu.memref_slice %arg6[%dma_wait3A_223, %dma_wait3A_224] : memref<32x128xi32, #tpu.memory_space<vmem>> -> memref<1x128xi32, #tpu.memory_space<vmem>>
      %dma_wait3A_226 = tpu.memref_squeeze %dma_wait3A_225 : memref<1x128xi32, #tpu.memory_space<vmem>> -> memref<128xi32, #tpu.memory_space<vmem>>
      %dma_wait3A_227 = arith.constant 0 : i32
      %dma_wait3A_228 = arith.constant 0 : i32
      %dma_wait3A_229 = tpu.memref_slice %arg7[%dma_wait3A_227, %dma_wait3A_228] : memref<10240x128xf32, #tpu.memory_space<vmem_shared>> -> memref<10240x128xf32, #tpu.memory_space<vmem_shared>>
      tpu.wait_indirect_dma semaphore(%arg12 : memref<!tpu.dma_semaphore, #tpu.memory_space<semaphore_mem>>) src(%arg8 : memref<128x128xf32, #tpu.memory_space<vmem>>) dst(%dma_wait3A_229 : memref<10240x128xf32, #tpu.memory_space<vmem_shared>>)
      %dma_start3A_230 = arith.constant 16 : i32
      %dma_start3A_231 = arith.constant 0 : i32
      %dma_start3A_232 = tpu.memref_slice %arg6[%dma_start3A_230, %dma_start3A_231] : memref<32x128xi32, #tpu.memory_space<vmem>> -> memref<1x128xi32, #tpu.memory_space<vmem>>
      %dma_start3A_233 = tpu.memref_squeeze %dma_start3A_232 : memref<1x128xi32, #tpu.memory_space<vmem>> -> memref<128xi32, #tpu.memory_space<vmem>>
      %dma_start3A_234 = arith.constant 0 : i32
      %dma_start3A_235 = arith.constant 0 : i32
      %dma_start3A_236 = tpu.memref_slice %arg2[%dma_start3A_234, %dma_start3A_235] : memref<10000x128xf32, #tpu.memory_space<hbm>> -> memref<10000x128xf32, #tpu.memory_space<hbm>>
      tpu.enqueue_indirect_dma source(%dma_start3A_236 : memref<10000x128xf32, #tpu.memory_space<hbm>>) target(%arg8 : memref<128x128xf32, #tpu.memory_space<vmem>>) offsets(%dma_start3A_233 : memref<128xi32, #tpu.memory_space<vmem>>) semaphore(%arg10 : memref<!tpu.dma_semaphore, #tpu.memory_space<semaphore_mem>>)
      %dma_wait3A_237 = arith.constant 14 : i32
      %dma_wait3A_238 = arith.constant 0 : i32
      %dma_wait3A_239 = tpu.memref_slice %arg6[%dma_wait3A_237, %dma_wait3A_238] : memref<32x128xi32, #tpu.memory_space<vmem>> -> memref<1x128xi32, #tpu.memory_space<vmem>>
      %dma_wait3A_240 = tpu.memref_squeeze %dma_wait3A_239 : memref<1x128xi32, #tpu.memory_space<vmem>> -> memref<128xi32, #tpu.memory_space<vmem>>
      %dma_wait3A_241 = arith.constant 0 : i32
      %dma_wait3A_242 = arith.constant 0 : i32
      %dma_wait3A_243 = tpu.memref_slice %arg2[%dma_wait3A_241, %dma_wait3A_242] : memref<10000x128xf32, #tpu.memory_space<hbm>> -> memref<10000x128xf32, #tpu.memory_space<hbm>>
      tpu.wait_indirect_dma semaphore(%arg11 : memref<!tpu.dma_semaphore, #tpu.memory_space<semaphore_mem>>) src(%dma_wait3A_243 : memref<10000x128xf32, #tpu.memory_space<hbm>>) dst(%arg9 : memref<128x128xf32, #tpu.memory_space<vmem>>)
      %dma_start3A_244 = arith.constant 15 : i32
      %dma_start3A_245 = arith.constant 0 : i32
      %dma_start3A_246 = tpu.memref_slice %arg6[%dma_start3A_244, %dma_start3A_245] : memref<32x128xi32, #tpu.memory_space<vmem>> -> memref<1x128xi32, #tpu.memory_space<vmem>>
      %dma_start3A_247 = tpu.memref_squeeze %dma_start3A_246 : memref<1x128xi32, #tpu.memory_space<vmem>> -> memref<128xi32, #tpu.memory_space<vmem>>
      %dma_start3A_248 = arith.constant 0 : i32
      %dma_start3A_249 = arith.constant 0 : i32
      %dma_start3A_250 = tpu.memref_slice %arg7[%dma_start3A_248, %dma_start3A_249] : memref<10240x128xf32, #tpu.memory_space<vmem_shared>> -> memref<10240x128xf32, #tpu.memory_space<vmem_shared>>
      tpu.enqueue_indirect_dma source(%arg9 : memref<128x128xf32, #tpu.memory_space<vmem>>) target(%dma_start3A_250 : memref<10240x128xf32, #tpu.memory_space<vmem_shared>>) offsets(%dma_start3A_247 : memref<128xi32, #tpu.memory_space<vmem>>) semaphore(%arg13 : memref<!tpu.dma_semaphore, #tpu.memory_space<semaphore_mem>>) {add = true}
      %dma_wait3A_251 = arith.constant 15 : i32
      %dma_wait3A_252 = arith.constant 0 : i32
      %dma_wait3A_253 = tpu.memref_slice %arg6[%dma_wait3A_251, %dma_wait3A_252] : memref<32x128xi32, #tpu.memory_space<vmem>> -> memref<1x128xi32, #tpu.memory_space<vmem>>
      %dma_wait3A_254 = tpu.memref_squeeze %dma_wait3A_253 : memref<1x128xi32, #tpu.memory_space<vmem>> -> memref<128xi32, #tpu.memory_space<vmem>>
      %dma_wait3A_255 = arith.constant 0 : i32
      %dma_wait3A_256 = arith.constant 0 : i32
      %dma_wait3A_257 = tpu.memref_slice %arg7[%dma_wait3A_255, %dma_wait3A_256] : memref<10240x128xf32, #tpu.memory_space<vmem_shared>> -> memref<10240x128xf32, #tpu.memory_space<vmem_shared>>
      tpu.wait_indirect_dma semaphore(%arg13 : memref<!tpu.dma_semaphore, #tpu.memory_space<semaphore_mem>>) src(%arg9 : memref<128x128xf32, #tpu.memory_space<vmem>>) dst(%dma_wait3A_257 : memref<10240x128xf32, #tpu.memory_space<vmem_shared>>)
      %dma_start3A_258 = arith.constant 18 : i32
      %dma_start3A_259 = arith.constant 0 : i32
      %dma_start3A_260 = tpu.memref_slice %arg6[%dma_start3A_258, %dma_start3A_259] : memref<32x128xi32, #tpu.memory_space<vmem>> -> memref<1x128xi32, #tpu.memory_space<vmem>>
      %dma_start3A_261 = tpu.memref_squeeze %dma_start3A_260 : memref<1x128xi32, #tpu.memory_space<vmem>> -> memref<128xi32, #tpu.memory_space<vmem>>
      %dma_start3A_262 = arith.constant 0 : i32
      %dma_start3A_263 = arith.constant 0 : i32
      %dma_start3A_264 = tpu.memref_slice %arg2[%dma_start3A_262, %dma_start3A_263] : memref<10000x128xf32, #tpu.memory_space<hbm>> -> memref<10000x128xf32, #tpu.memory_space<hbm>>
      tpu.enqueue_indirect_dma source(%dma_start3A_264 : memref<10000x128xf32, #tpu.memory_space<hbm>>) target(%arg9 : memref<128x128xf32, #tpu.memory_space<vmem>>) offsets(%dma_start3A_261 : memref<128xi32, #tpu.memory_space<vmem>>) semaphore(%arg11 : memref<!tpu.dma_semaphore, #tpu.memory_space<semaphore_mem>>)
      %dma_wait3A_265 = arith.constant 16 : i32
      %dma_wait3A_266 = arith.constant 0 : i32
      %dma_wait3A_267 = tpu.memref_slice %arg6[%dma_wait3A_265, %dma_wait3A_266] : memref<32x128xi32, #tpu.memory_space<vmem>> -> memref<1x128xi32, #tpu.memory_space<vmem>>
      %dma_wait3A_268 = tpu.memref_squeeze %dma_wait3A_267 : memref<1x128xi32, #tpu.memory_space<vmem>> -> memref<128xi32, #tpu.memory_space<vmem>>
      %dma_wait3A_269 = arith.constant 0 : i32
      %dma_wait3A_270 = arith.constant 0 : i32
      %dma_wait3A_271 = tpu.memref_slice %arg2[%dma_wait3A_269, %dma_wait3A_270] : memref<10000x128xf32, #tpu.memory_space<hbm>> -> memref<10000x128xf32, #tpu.memory_space<hbm>>
      tpu.wait_indirect_dma semaphore(%arg10 : memref<!tpu.dma_semaphore, #tpu.memory_space<semaphore_mem>>) src(%dma_wait3A_271 : memref<10000x128xf32, #tpu.memory_space<hbm>>) dst(%arg8 : memref<128x128xf32, #tpu.memory_space<vmem>>)
      %dma_start3A_272 = arith.constant 17 : i32
      %dma_start3A_273 = arith.constant 0 : i32
      %dma_start3A_274 = tpu.memref_slice %arg6[%dma_start3A_272, %dma_start3A_273] : memref<32x128xi32, #tpu.memory_space<vmem>> -> memref<1x128xi32, #tpu.memory_space<vmem>>
      %dma_start3A_275 = tpu.memref_squeeze %dma_start3A_274 : memref<1x128xi32, #tpu.memory_space<vmem>> -> memref<128xi32, #tpu.memory_space<vmem>>
      %dma_start3A_276 = arith.constant 0 : i32
      %dma_start3A_277 = arith.constant 0 : i32
      %dma_start3A_278 = tpu.memref_slice %arg7[%dma_start3A_276, %dma_start3A_277] : memref<10240x128xf32, #tpu.memory_space<vmem_shared>> -> memref<10240x128xf32, #tpu.memory_space<vmem_shared>>
      tpu.enqueue_indirect_dma source(%arg8 : memref<128x128xf32, #tpu.memory_space<vmem>>) target(%dma_start3A_278 : memref<10240x128xf32, #tpu.memory_space<vmem_shared>>) offsets(%dma_start3A_275 : memref<128xi32, #tpu.memory_space<vmem>>) semaphore(%arg12 : memref<!tpu.dma_semaphore, #tpu.memory_space<semaphore_mem>>) {add = true}
      %dma_wait3A_279 = arith.constant 17 : i32
      %dma_wait3A_280 = arith.constant 0 : i32
      %dma_wait3A_281 = tpu.memref_slice %arg6[%dma_wait3A_279, %dma_wait3A_280] : memref<32x128xi32, #tpu.memory_space<vmem>> -> memref<1x128xi32, #tpu.memory_space<vmem>>
      %dma_wait3A_282 = tpu.memref_squeeze %dma_wait3A_281 : memref<1x128xi32, #tpu.memory_space<vmem>> -> memref<128xi32, #tpu.memory_space<vmem>>
      %dma_wait3A_283 = arith.constant 0 : i32
      %dma_wait3A_284 = arith.constant 0 : i32
      %dma_wait3A_285 = tpu.memref_slice %arg7[%dma_wait3A_283, %dma_wait3A_284] : memref<10240x128xf32, #tpu.memory_space<vmem_shared>> -> memref<10240x128xf32, #tpu.memory_space<vmem_shared>>
      tpu.wait_indirect_dma semaphore(%arg12 : memref<!tpu.dma_semaphore, #tpu.memory_space<semaphore_mem>>) src(%arg8 : memref<128x128xf32, #tpu.memory_space<vmem>>) dst(%dma_wait3A_285 : memref<10240x128xf32, #tpu.memory_space<vmem_shared>>)
      %dma_start3A_286 = arith.constant 20 : i32
      %dma_start3A_287 = arith.constant 0 : i32
      %dma_start3A_288 = tpu.memref_slice %arg6[%dma_start3A_286, %dma_start3A_287] : memref<32x128xi32, #tpu.memory_space<vmem>> -> memref<1x128xi32, #tpu.memory_space<vmem>>
      %dma_start3A_289 = tpu.memref_squeeze %dma_start3A_288 : memref<1x128xi32, #tpu.memory_space<vmem>> -> memref<128xi32, #tpu.memory_space<vmem>>
      %dma_start3A_290 = arith.constant 0 : i32
      %dma_start3A_291 = arith.constant 0 : i32
      %dma_start3A_292 = tpu.memref_slice %arg2[%dma_start3A_290, %dma_start3A_291] : memref<10000x128xf32, #tpu.memory_space<hbm>> -> memref<10000x128xf32, #tpu.memory_space<hbm>>
      tpu.enqueue_indirect_dma source(%dma_start3A_292 : memref<10000x128xf32, #tpu.memory_space<hbm>>) target(%arg8 : memref<128x128xf32, #tpu.memory_space<vmem>>) offsets(%dma_start3A_289 : memref<128xi32, #tpu.memory_space<vmem>>) semaphore(%arg10 : memref<!tpu.dma_semaphore, #tpu.memory_space<semaphore_mem>>)
      %dma_wait3A_293 = arith.constant 18 : i32
      %dma_wait3A_294 = arith.constant 0 : i32
      %dma_wait3A_295 = tpu.memref_slice %arg6[%dma_wait3A_293, %dma_wait3A_294] : memref<32x128xi32, #tpu.memory_space<vmem>> -> memref<1x128xi32, #tpu.memory_space<vmem>>
      %dma_wait3A_296 = tpu.memref_squeeze %dma_wait3A_295 : memref<1x128xi32, #tpu.memory_space<vmem>> -> memref<128xi32, #tpu.memory_space<vmem>>
      %dma_wait3A_297 = arith.constant 0 : i32
      %dma_wait3A_298 = arith.constant 0 : i32
      %dma_wait3A_299 = tpu.memref_slice %arg2[%dma_wait3A_297, %dma_wait3A_298] : memref<10000x128xf32, #tpu.memory_space<hbm>> -> memref<10000x128xf32, #tpu.memory_space<hbm>>
      tpu.wait_indirect_dma semaphore(%arg11 : memref<!tpu.dma_semaphore, #tpu.memory_space<semaphore_mem>>) src(%dma_wait3A_299 : memref<10000x128xf32, #tpu.memory_space<hbm>>) dst(%arg9 : memref<128x128xf32, #tpu.memory_space<vmem>>)
      %dma_start3A_300 = arith.constant 19 : i32
      %dma_start3A_301 = arith.constant 0 : i32
      %dma_start3A_302 = tpu.memref_slice %arg6[%dma_start3A_300, %dma_start3A_301] : memref<32x128xi32, #tpu.memory_space<vmem>> -> memref<1x128xi32, #tpu.memory_space<vmem>>
      %dma_start3A_303 = tpu.memref_squeeze %dma_start3A_302 : memref<1x128xi32, #tpu.memory_space<vmem>> -> memref<128xi32, #tpu.memory_space<vmem>>
      %dma_start3A_304 = arith.constant 0 : i32
      %dma_start3A_305 = arith.constant 0 : i32
      %dma_start3A_306 = tpu.memref_slice %arg7[%dma_start3A_304, %dma_start3A_305] : memref<10240x128xf32, #tpu.memory_space<vmem_shared>> -> memref<10240x128xf32, #tpu.memory_space<vmem_shared>>
      tpu.enqueue_indirect_dma source(%arg9 : memref<128x128xf32, #tpu.memory_space<vmem>>) target(%dma_start3A_306 : memref<10240x128xf32, #tpu.memory_space<vmem_shared>>) offsets(%dma_start3A_303 : memref<128xi32, #tpu.memory_space<vmem>>) semaphore(%arg13 : memref<!tpu.dma_semaphore, #tpu.memory_space<semaphore_mem>>) {add = true}
      %dma_wait3A_307 = arith.constant 19 : i32
      %dma_wait3A_308 = arith.constant 0 : i32
      %dma_wait3A_309 = tpu.memref_slice %arg6[%dma_wait3A_307, %dma_wait3A_308] : memref<32x128xi32, #tpu.memory_space<vmem>> -> memref<1x128xi32, #tpu.memory_space<vmem>>
      %dma_wait3A_310 = tpu.memref_squeeze %dma_wait3A_309 : memref<1x128xi32, #tpu.memory_space<vmem>> -> memref<128xi32, #tpu.memory_space<vmem>>
      %dma_wait3A_311 = arith.constant 0 : i32
      %dma_wait3A_312 = arith.constant 0 : i32
      %dma_wait3A_313 = tpu.memref_slice %arg7[%dma_wait3A_311, %dma_wait3A_312] : memref<10240x128xf32, #tpu.memory_space<vmem_shared>> -> memref<10240x128xf32, #tpu.memory_space<vmem_shared>>
      tpu.wait_indirect_dma semaphore(%arg13 : memref<!tpu.dma_semaphore, #tpu.memory_space<semaphore_mem>>) src(%arg9 : memref<128x128xf32, #tpu.memory_space<vmem>>) dst(%dma_wait3A_313 : memref<10240x128xf32, #tpu.memory_space<vmem_shared>>)
      %dma_start3A_314 = arith.constant 22 : i32
      %dma_start3A_315 = arith.constant 0 : i32
      %dma_start3A_316 = tpu.memref_slice %arg6[%dma_start3A_314, %dma_start3A_315] : memref<32x128xi32, #tpu.memory_space<vmem>> -> memref<1x128xi32, #tpu.memory_space<vmem>>
      %dma_start3A_317 = tpu.memref_squeeze %dma_start3A_316 : memref<1x128xi32, #tpu.memory_space<vmem>> -> memref<128xi32, #tpu.memory_space<vmem>>
      %dma_start3A_318 = arith.constant 0 : i32
      %dma_start3A_319 = arith.constant 0 : i32
      %dma_start3A_320 = tpu.memref_slice %arg2[%dma_start3A_318, %dma_start3A_319] : memref<10000x128xf32, #tpu.memory_space<hbm>> -> memref<10000x128xf32, #tpu.memory_space<hbm>>
      tpu.enqueue_indirect_dma source(%dma_start3A_320 : memref<10000x128xf32, #tpu.memory_space<hbm>>) target(%arg9 : memref<128x128xf32, #tpu.memory_space<vmem>>) offsets(%dma_start3A_317 : memref<128xi32, #tpu.memory_space<vmem>>) semaphore(%arg11 : memref<!tpu.dma_semaphore, #tpu.memory_space<semaphore_mem>>)
      %dma_wait3A_321 = arith.constant 20 : i32
      %dma_wait3A_322 = arith.constant 0 : i32
      %dma_wait3A_323 = tpu.memref_slice %arg6[%dma_wait3A_321, %dma_wait3A_322] : memref<32x128xi32, #tpu.memory_space<vmem>> -> memref<1x128xi32, #tpu.memory_space<vmem>>
      %dma_wait3A_324 = tpu.memref_squeeze %dma_wait3A_323 : memref<1x128xi32, #tpu.memory_space<vmem>> -> memref<128xi32, #tpu.memory_space<vmem>>
      %dma_wait3A_325 = arith.constant 0 : i32
      %dma_wait3A_326 = arith.constant 0 : i32
      %dma_wait3A_327 = tpu.memref_slice %arg2[%dma_wait3A_325, %dma_wait3A_326] : memref<10000x128xf32, #tpu.memory_space<hbm>> -> memref<10000x128xf32, #tpu.memory_space<hbm>>
      tpu.wait_indirect_dma semaphore(%arg10 : memref<!tpu.dma_semaphore, #tpu.memory_space<semaphore_mem>>) src(%dma_wait3A_327 : memref<10000x128xf32, #tpu.memory_space<hbm>>) dst(%arg8 : memref<128x128xf32, #tpu.memory_space<vmem>>)
      %dma_start3A_328 = arith.constant 21 : i32
      %dma_start3A_329 = arith.constant 0 : i32
      %dma_start3A_330 = tpu.memref_slice %arg6[%dma_start3A_328, %dma_start3A_329] : memref<32x128xi32, #tpu.memory_space<vmem>> -> memref<1x128xi32, #tpu.memory_space<vmem>>
      %dma_start3A_331 = tpu.memref_squeeze %dma_start3A_330 : memref<1x128xi32, #tpu.memory_space<vmem>> -> memref<128xi32, #tpu.memory_space<vmem>>
      %dma_start3A_332 = arith.constant 0 : i32
      %dma_start3A_333 = arith.constant 0 : i32
      %dma_start3A_334 = tpu.memref_slice %arg7[%dma_start3A_332, %dma_start3A_333] : memref<10240x128xf32, #tpu.memory_space<vmem_shared>> -> memref<10240x128xf32, #tpu.memory_space<vmem_shared>>
      tpu.enqueue_indirect_dma source(%arg8 : memref<128x128xf32, #tpu.memory_space<vmem>>) target(%dma_start3A_334 : memref<10240x128xf32, #tpu.memory_space<vmem_shared>>) offsets(%dma_start3A_331 : memref<128xi32, #tpu.memory_space<vmem>>) semaphore(%arg12 : memref<!tpu.dma_semaphore, #tpu.memory_space<semaphore_mem>>) {add = true}
      %dma_wait3A_335 = arith.constant 21 : i32
      %dma_wait3A_336 = arith.constant 0 : i32
      %dma_wait3A_337 = tpu.memref_slice %arg6[%dma_wait3A_335, %dma_wait3A_336] : memref<32x128xi32, #tpu.memory_space<vmem>> -> memref<1x128xi32, #tpu.memory_space<vmem>>
      %dma_wait3A_338 = tpu.memref_squeeze %dma_wait3A_337 : memref<1x128xi32, #tpu.memory_space<vmem>> -> memref<128xi32, #tpu.memory_space<vmem>>
      %dma_wait3A_339 = arith.constant 0 : i32
      %dma_wait3A_340 = arith.constant 0 : i32
      %dma_wait3A_341 = tpu.memref_slice %arg7[%dma_wait3A_339, %dma_wait3A_340] : memref<10240x128xf32, #tpu.memory_space<vmem_shared>> -> memref<10240x128xf32, #tpu.memory_space<vmem_shared>>
      tpu.wait_indirect_dma semaphore(%arg12 : memref<!tpu.dma_semaphore, #tpu.memory_space<semaphore_mem>>) src(%arg8 : memref<128x128xf32, #tpu.memory_space<vmem>>) dst(%dma_wait3A_341 : memref<10240x128xf32, #tpu.memory_space<vmem_shared>>)
      %dma_start3A_342 = arith.constant 24 : i32
      %dma_start3A_343 = arith.constant 0 : i32
      %dma_start3A_344 = tpu.memref_slice %arg6[%dma_start3A_342, %dma_start3A_343] : memref<32x128xi32, #tpu.memory_space<vmem>> -> memref<1x128xi32, #tpu.memory_space<vmem>>
      %dma_start3A_345 = tpu.memref_squeeze %dma_start3A_344 : memref<1x128xi32, #tpu.memory_space<vmem>> -> memref<128xi32, #tpu.memory_space<vmem>>
      %dma_start3A_346 = arith.constant 0 : i32
      %dma_start3A_347 = arith.constant 0 : i32
      %dma_start3A_348 = tpu.memref_slice %arg2[%dma_start3A_346, %dma_start3A_347] : memref<10000x128xf32, #tpu.memory_space<hbm>> -> memref<10000x128xf32, #tpu.memory_space<hbm>>
      tpu.enqueue_indirect_dma source(%dma_start3A_348 : memref<10000x128xf32, #tpu.memory_space<hbm>>) target(%arg8 : memref<128x128xf32, #tpu.memory_space<vmem>>) offsets(%dma_start3A_345 : memref<128xi32, #tpu.memory_space<vmem>>) semaphore(%arg10 : memref<!tpu.dma_semaphore, #tpu.memory_space<semaphore_mem>>)
      %dma_wait3A_349 = arith.constant 22 : i32
      %dma_wait3A_350 = arith.constant 0 : i32
      %dma_wait3A_351 = tpu.memref_slice %arg6[%dma_wait3A_349, %dma_wait3A_350] : memref<32x128xi32, #tpu.memory_space<vmem>> -> memref<1x128xi32, #tpu.memory_space<vmem>>
      %dma_wait3A_352 = tpu.memref_squeeze %dma_wait3A_351 : memref<1x128xi32, #tpu.memory_space<vmem>> -> memref<128xi32, #tpu.memory_space<vmem>>
      %dma_wait3A_353 = arith.constant 0 : i32
      %dma_wait3A_354 = arith.constant 0 : i32
      %dma_wait3A_355 = tpu.memref_slice %arg2[%dma_wait3A_353, %dma_wait3A_354] : memref<10000x128xf32, #tpu.memory_space<hbm>> -> memref<10000x128xf32, #tpu.memory_space<hbm>>
      tpu.wait_indirect_dma semaphore(%arg11 : memref<!tpu.dma_semaphore, #tpu.memory_space<semaphore_mem>>) src(%dma_wait3A_355 : memref<10000x128xf32, #tpu.memory_space<hbm>>) dst(%arg9 : memref<128x128xf32, #tpu.memory_space<vmem>>)
      %dma_start3A_356 = arith.constant 23 : i32
      %dma_start3A_357 = arith.constant 0 : i32
      %dma_start3A_358 = tpu.memref_slice %arg6[%dma_start3A_356, %dma_start3A_357] : memref<32x128xi32, #tpu.memory_space<vmem>> -> memref<1x128xi32, #tpu.memory_space<vmem>>
      %dma_start3A_359 = tpu.memref_squeeze %dma_start3A_358 : memref<1x128xi32, #tpu.memory_space<vmem>> -> memref<128xi32, #tpu.memory_space<vmem>>
      %dma_start3A_360 = arith.constant 0 : i32
      %dma_start3A_361 = arith.constant 0 : i32
      %dma_start3A_362 = tpu.memref_slice %arg7[%dma_start3A_360, %dma_start3A_361] : memref<10240x128xf32, #tpu.memory_space<vmem_shared>> -> memref<10240x128xf32, #tpu.memory_space<vmem_shared>>
      tpu.enqueue_indirect_dma source(%arg9 : memref<128x128xf32, #tpu.memory_space<vmem>>) target(%dma_start3A_362 : memref<10240x128xf32, #tpu.memory_space<vmem_shared>>) offsets(%dma_start3A_359 : memref<128xi32, #tpu.memory_space<vmem>>) semaphore(%arg13 : memref<!tpu.dma_semaphore, #tpu.memory_space<semaphore_mem>>) {add = true}
      %dma_wait3A_363 = arith.constant 23 : i32
      %dma_wait3A_364 = arith.constant 0 : i32
      %dma_wait3A_365 = tpu.memref_slice %arg6[%dma_wait3A_363, %dma_wait3A_364] : memref<32x128xi32, #tpu.memory_space<vmem>> -> memref<1x128xi32, #tpu.memory_space<vmem>>
      %dma_wait3A_366 = tpu.memref_squeeze %dma_wait3A_365 : memref<1x128xi32, #tpu.memory_space<vmem>> -> memref<128xi32, #tpu.memory_space<vmem>>
      %dma_wait3A_367 = arith.constant 0 : i32
      %dma_wait3A_368 = arith.constant 0 : i32
      %dma_wait3A_369 = tpu.memref_slice %arg7[%dma_wait3A_367, %dma_wait3A_368] : memref<10240x128xf32, #tpu.memory_space<vmem_shared>> -> memref<10240x128xf32, #tpu.memory_space<vmem_shared>>
      tpu.wait_indirect_dma semaphore(%arg13 : memref<!tpu.dma_semaphore, #tpu.memory_space<semaphore_mem>>) src(%arg9 : memref<128x128xf32, #tpu.memory_space<vmem>>) dst(%dma_wait3A_369 : memref<10240x128xf32, #tpu.memory_space<vmem_shared>>)
      %dma_start3A_370 = arith.constant 26 : i32
      %dma_start3A_371 = arith.constant 0 : i32
      %dma_start3A_372 = tpu.memref_slice %arg6[%dma_start3A_370, %dma_start3A_371] : memref<32x128xi32, #tpu.memory_space<vmem>> -> memref<1x128xi32, #tpu.memory_space<vmem>>
      %dma_start3A_373 = tpu.memref_squeeze %dma_start3A_372 : memref<1x128xi32, #tpu.memory_space<vmem>> -> memref<128xi32, #tpu.memory_space<vmem>>
      %dma_start3A_374 = arith.constant 0 : i32
      %dma_start3A_375 = arith.constant 0 : i32
      %dma_start3A_376 = tpu.memref_slice %arg2[%dma_start3A_374, %dma_start3A_375] : memref<10000x128xf32, #tpu.memory_space<hbm>> -> memref<10000x128xf32, #tpu.memory_space<hbm>>
      tpu.enqueue_indirect_dma source(%dma_start3A_376 : memref<10000x128xf32, #tpu.memory_space<hbm>>) target(%arg9 : memref<128x128xf32, #tpu.memory_space<vmem>>) offsets(%dma_start3A_373 : memref<128xi32, #tpu.memory_space<vmem>>) semaphore(%arg11 : memref<!tpu.dma_semaphore, #tpu.memory_space<semaphore_mem>>)
      %dma_wait3A_377 = arith.constant 24 : i32
      %dma_wait3A_378 = arith.constant 0 : i32
      %dma_wait3A_379 = tpu.memref_slice %arg6[%dma_wait3A_377, %dma_wait3A_378] : memref<32x128xi32, #tpu.memory_space<vmem>> -> memref<1x128xi32, #tpu.memory_space<vmem>>
      %dma_wait3A_380 = tpu.memref_squeeze %dma_wait3A_379 : memref<1x128xi32, #tpu.memory_space<vmem>> -> memref<128xi32, #tpu.memory_space<vmem>>
      %dma_wait3A_381 = arith.constant 0 : i32
      %dma_wait3A_382 = arith.constant 0 : i32
      %dma_wait3A_383 = tpu.memref_slice %arg2[%dma_wait3A_381, %dma_wait3A_382] : memref<10000x128xf32, #tpu.memory_space<hbm>> -> memref<10000x128xf32, #tpu.memory_space<hbm>>
      tpu.wait_indirect_dma semaphore(%arg10 : memref<!tpu.dma_semaphore, #tpu.memory_space<semaphore_mem>>) src(%dma_wait3A_383 : memref<10000x128xf32, #tpu.memory_space<hbm>>) dst(%arg8 : memref<128x128xf32, #tpu.memory_space<vmem>>)
      %dma_start3A_384 = arith.constant 25 : i32
      %dma_start3A_385 = arith.constant 0 : i32
      %dma_start3A_386 = tpu.memref_slice %arg6[%dma_start3A_384, %dma_start3A_385] : memref<32x128xi32, #tpu.memory_space<vmem>> -> memref<1x128xi32, #tpu.memory_space<vmem>>
      %dma_start3A_387 = tpu.memref_squeeze %dma_start3A_386 : memref<1x128xi32, #tpu.memory_space<vmem>> -> memref<128xi32, #tpu.memory_space<vmem>>
      %dma_start3A_388 = arith.constant 0 : i32
      %dma_start3A_389 = arith.constant 0 : i32
      %dma_start3A_390 = tpu.memref_slice %arg7[%dma_start3A_388, %dma_start3A_389] : memref<10240x128xf32, #tpu.memory_space<vmem_shared>> -> memref<10240x128xf32, #tpu.memory_space<vmem_shared>>
      tpu.enqueue_indirect_dma source(%arg8 : memref<128x128xf32, #tpu.memory_space<vmem>>) target(%dma_start3A_390 : memref<10240x128xf32, #tpu.memory_space<vmem_shared>>) offsets(%dma_start3A_387 : memref<128xi32, #tpu.memory_space<vmem>>) semaphore(%arg12 : memref<!tpu.dma_semaphore, #tpu.memory_space<semaphore_mem>>) {add = true}
      %dma_wait3A_391 = arith.constant 25 : i32
      %dma_wait3A_392 = arith.constant 0 : i32
      %dma_wait3A_393 = tpu.memref_slice %arg6[%dma_wait3A_391, %dma_wait3A_392] : memref<32x128xi32, #tpu.memory_space<vmem>> -> memref<1x128xi32, #tpu.memory_space<vmem>>
      %dma_wait3A_394 = tpu.memref_squeeze %dma_wait3A_393 : memref<1x128xi32, #tpu.memory_space<vmem>> -> memref<128xi32, #tpu.memory_space<vmem>>
      %dma_wait3A_395 = arith.constant 0 : i32
      %dma_wait3A_396 = arith.constant 0 : i32
      %dma_wait3A_397 = tpu.memref_slice %arg7[%dma_wait3A_395, %dma_wait3A_396] : memref<10240x128xf32, #tpu.memory_space<vmem_shared>> -> memref<10240x128xf32, #tpu.memory_space<vmem_shared>>
      tpu.wait_indirect_dma semaphore(%arg12 : memref<!tpu.dma_semaphore, #tpu.memory_space<semaphore_mem>>) src(%arg8 : memref<128x128xf32, #tpu.memory_space<vmem>>) dst(%dma_wait3A_397 : memref<10240x128xf32, #tpu.memory_space<vmem_shared>>)
      %dma_start3A_398 = arith.constant 28 : i32
      %dma_start3A_399 = arith.constant 0 : i32
      %dma_start3A_400 = tpu.memref_slice %arg6[%dma_start3A_398, %dma_start3A_399] : memref<32x128xi32, #tpu.memory_space<vmem>> -> memref<1x128xi32, #tpu.memory_space<vmem>>
      %dma_start3A_401 = tpu.memref_squeeze %dma_start3A_400 : memref<1x128xi32, #tpu.memory_space<vmem>> -> memref<128xi32, #tpu.memory_space<vmem>>
      %dma_start3A_402 = arith.constant 0 : i32
      %dma_start3A_403 = arith.constant 0 : i32
      %dma_start3A_404 = tpu.memref_slice %arg2[%dma_start3A_402, %dma_start3A_403] : memref<10000x128xf32, #tpu.memory_space<hbm>> -> memref<10000x128xf32, #tpu.memory_space<hbm>>
      tpu.enqueue_indirect_dma source(%dma_start3A_404 : memref<10000x128xf32, #tpu.memory_space<hbm>>) target(%arg8 : memref<128x128xf32, #tpu.memory_space<vmem>>) offsets(%dma_start3A_401 : memref<128xi32, #tpu.memory_space<vmem>>) semaphore(%arg10 : memref<!tpu.dma_semaphore, #tpu.memory_space<semaphore_mem>>)
      %dma_wait3A_405 = arith.constant 26 : i32
      %dma_wait3A_406 = arith.constant 0 : i32
      %dma_wait3A_407 = tpu.memref_slice %arg6[%dma_wait3A_405, %dma_wait3A_406] : memref<32x128xi32, #tpu.memory_space<vmem>> -> memref<1x128xi32, #tpu.memory_space<vmem>>
      %dma_wait3A_408 = tpu.memref_squeeze %dma_wait3A_407 : memref<1x128xi32, #tpu.memory_space<vmem>> -> memref<128xi32, #tpu.memory_space<vmem>>
      %dma_wait3A_409 = arith.constant 0 : i32
      %dma_wait3A_410 = arith.constant 0 : i32
      %dma_wait3A_411 = tpu.memref_slice %arg2[%dma_wait3A_409, %dma_wait3A_410] : memref<10000x128xf32, #tpu.memory_space<hbm>> -> memref<10000x128xf32, #tpu.memory_space<hbm>>
      tpu.wait_indirect_dma semaphore(%arg11 : memref<!tpu.dma_semaphore, #tpu.memory_space<semaphore_mem>>) src(%dma_wait3A_411 : memref<10000x128xf32, #tpu.memory_space<hbm>>) dst(%arg9 : memref<128x128xf32, #tpu.memory_space<vmem>>)
      %dma_start3A_412 = arith.constant 27 : i32
      %dma_start3A_413 = arith.constant 0 : i32
      %dma_start3A_414 = tpu.memref_slice %arg6[%dma_start3A_412, %dma_start3A_413] : memref<32x128xi32, #tpu.memory_space<vmem>> -> memref<1x128xi32, #tpu.memory_space<vmem>>
      %dma_start3A_415 = tpu.memref_squeeze %dma_start3A_414 : memref<1x128xi32, #tpu.memory_space<vmem>> -> memref<128xi32, #tpu.memory_space<vmem>>
      %dma_start3A_416 = arith.constant 0 : i32
      %dma_start3A_417 = arith.constant 0 : i32
      %dma_start3A_418 = tpu.memref_slice %arg7[%dma_start3A_416, %dma_start3A_417] : memref<10240x128xf32, #tpu.memory_space<vmem_shared>> -> memref<10240x128xf32, #tpu.memory_space<vmem_shared>>
      tpu.enqueue_indirect_dma source(%arg9 : memref<128x128xf32, #tpu.memory_space<vmem>>) target(%dma_start3A_418 : memref<10240x128xf32, #tpu.memory_space<vmem_shared>>) offsets(%dma_start3A_415 : memref<128xi32, #tpu.memory_space<vmem>>) semaphore(%arg13 : memref<!tpu.dma_semaphore, #tpu.memory_space<semaphore_mem>>) {add = true}
      %dma_wait3A_419 = arith.constant 27 : i32
      %dma_wait3A_420 = arith.constant 0 : i32
      %dma_wait3A_421 = tpu.memref_slice %arg6[%dma_wait3A_419, %dma_wait3A_420] : memref<32x128xi32, #tpu.memory_space<vmem>> -> memref<1x128xi32, #tpu.memory_space<vmem>>
      %dma_wait3A_422 = tpu.memref_squeeze %dma_wait3A_421 : memref<1x128xi32, #tpu.memory_space<vmem>> -> memref<128xi32, #tpu.memory_space<vmem>>
      %dma_wait3A_423 = arith.constant 0 : i32
      %dma_wait3A_424 = arith.constant 0 : i32
      %dma_wait3A_425 = tpu.memref_slice %arg7[%dma_wait3A_423, %dma_wait3A_424] : memref<10240x128xf32, #tpu.memory_space<vmem_shared>> -> memref<10240x128xf32, #tpu.memory_space<vmem_shared>>
      tpu.wait_indirect_dma semaphore(%arg13 : memref<!tpu.dma_semaphore, #tpu.memory_space<semaphore_mem>>) src(%arg9 : memref<128x128xf32, #tpu.memory_space<vmem>>) dst(%dma_wait3A_425 : memref<10240x128xf32, #tpu.memory_space<vmem_shared>>)
      %dma_start3A_426 = arith.constant 30 : i32
      %dma_start3A_427 = arith.constant 0 : i32
      %dma_start3A_428 = tpu.memref_slice %arg6[%dma_start3A_426, %dma_start3A_427] : memref<32x128xi32, #tpu.memory_space<vmem>> -> memref<1x128xi32, #tpu.memory_space<vmem>>
      %dma_start3A_429 = tpu.memref_squeeze %dma_start3A_428 : memref<1x128xi32, #tpu.memory_space<vmem>> -> memref<128xi32, #tpu.memory_space<vmem>>
      %dma_start3A_430 = arith.constant 0 : i32
      %dma_start3A_431 = arith.constant 0 : i32
      %dma_start3A_432 = tpu.memref_slice %arg2[%dma_start3A_430, %dma_start3A_431] : memref<10000x128xf32, #tpu.memory_space<hbm>> -> memref<10000x128xf32, #tpu.memory_space<hbm>>
      tpu.enqueue_indirect_dma source(%dma_start3A_432 : memref<10000x128xf32, #tpu.memory_space<hbm>>) target(%arg9 : memref<128x128xf32, #tpu.memory_space<vmem>>) offsets(%dma_start3A_429 : memref<128xi32, #tpu.memory_space<vmem>>) semaphore(%arg11 : memref<!tpu.dma_semaphore, #tpu.memory_space<semaphore_mem>>)
      %dma_wait3A_433 = arith.constant 28 : i32
      %dma_wait3A_434 = arith.constant 0 : i32
      %dma_wait3A_435 = tpu.memref_slice %arg6[%dma_wait3A_433, %dma_wait3A_434] : memref<32x128xi32, #tpu.memory_space<vmem>> -> memref<1x128xi32, #tpu.memory_space<vmem>>
      %dma_wait3A_436 = tpu.memref_squeeze %dma_wait3A_435 : memref<1x128xi32, #tpu.memory_space<vmem>> -> memref<128xi32, #tpu.memory_space<vmem>>
      %dma_wait3A_437 = arith.constant 0 : i32
      %dma_wait3A_438 = arith.constant 0 : i32
      %dma_wait3A_439 = tpu.memref_slice %arg2[%dma_wait3A_437, %dma_wait3A_438] : memref<10000x128xf32, #tpu.memory_space<hbm>> -> memref<10000x128xf32, #tpu.memory_space<hbm>>
      tpu.wait_indirect_dma semaphore(%arg10 : memref<!tpu.dma_semaphore, #tpu.memory_space<semaphore_mem>>) src(%dma_wait3A_439 : memref<10000x128xf32, #tpu.memory_space<hbm>>) dst(%arg8 : memref<128x128xf32, #tpu.memory_space<vmem>>)
      %dma_start3A_440 = arith.constant 29 : i32
      %dma_start3A_441 = arith.constant 0 : i32
      %dma_start3A_442 = tpu.memref_slice %arg6[%dma_start3A_440, %dma_start3A_441] : memref<32x128xi32, #tpu.memory_space<vmem>> -> memref<1x128xi32, #tpu.memory_space<vmem>>
      %dma_start3A_443 = tpu.memref_squeeze %dma_start3A_442 : memref<1x128xi32, #tpu.memory_space<vmem>> -> memref<128xi32, #tpu.memory_space<vmem>>
      %dma_start3A_444 = arith.constant 0 : i32
      %dma_start3A_445 = arith.constant 0 : i32
      %dma_start3A_446 = tpu.memref_slice %arg7[%dma_start3A_444, %dma_start3A_445] : memref<10240x128xf32, #tpu.memory_space<vmem_shared>> -> memref<10240x128xf32, #tpu.memory_space<vmem_shared>>
      tpu.enqueue_indirect_dma source(%arg8 : memref<128x128xf32, #tpu.memory_space<vmem>>) target(%dma_start3A_446 : memref<10240x128xf32, #tpu.memory_space<vmem_shared>>) offsets(%dma_start3A_443 : memref<128xi32, #tpu.memory_space<vmem>>) semaphore(%arg12 : memref<!tpu.dma_semaphore, #tpu.memory_space<semaphore_mem>>) {add = true}
      %dma_wait3A_447 = arith.constant 30 : i32
      %dma_wait3A_448 = arith.constant 0 : i32
      %dma_wait3A_449 = tpu.memref_slice %arg6[%dma_wait3A_447, %dma_wait3A_448] : memref<32x128xi32, #tpu.memory_space<vmem>> -> memref<1x128xi32, #tpu.memory_space<vmem>>
      %dma_wait3A_450 = tpu.memref_squeeze %dma_wait3A_449 : memref<1x128xi32, #tpu.memory_space<vmem>> -> memref<128xi32, #tpu.memory_space<vmem>>
      %dma_wait3A_451 = arith.constant 0 : i32
      %dma_wait3A_452 = arith.constant 0 : i32
      %dma_wait3A_453 = tpu.memref_slice %arg2[%dma_wait3A_451, %dma_wait3A_452] : memref<10000x128xf32, #tpu.memory_space<hbm>> -> memref<10000x128xf32, #tpu.memory_space<hbm>>
      tpu.wait_indirect_dma semaphore(%arg11 : memref<!tpu.dma_semaphore, #tpu.memory_space<semaphore_mem>>) src(%dma_wait3A_453 : memref<10000x128xf32, #tpu.memory_space<hbm>>) dst(%arg9 : memref<128x128xf32, #tpu.memory_space<vmem>>)
      %dma_start3A_454 = arith.constant 31 : i32
      %dma_start3A_455 = arith.constant 0 : i32
      %dma_start3A_456 = tpu.memref_slice %arg6[%dma_start3A_454, %dma_start3A_455] : memref<32x128xi32, #tpu.memory_space<vmem>> -> memref<1x128xi32, #tpu.memory_space<vmem>>
      %dma_start3A_457 = tpu.memref_squeeze %dma_start3A_456 : memref<1x128xi32, #tpu.memory_space<vmem>> -> memref<128xi32, #tpu.memory_space<vmem>>
      %dma_start3A_458 = arith.constant 0 : i32
      %dma_start3A_459 = arith.constant 0 : i32
      %dma_start3A_460 = tpu.memref_slice %arg7[%dma_start3A_458, %dma_start3A_459] : memref<10240x128xf32, #tpu.memory_space<vmem_shared>> -> memref<10240x128xf32, #tpu.memory_space<vmem_shared>>
      tpu.enqueue_indirect_dma source(%arg9 : memref<128x128xf32, #tpu.memory_space<vmem>>) target(%dma_start3A_460 : memref<10240x128xf32, #tpu.memory_space<vmem_shared>>) offsets(%dma_start3A_457 : memref<128xi32, #tpu.memory_space<vmem>>) semaphore(%arg13 : memref<!tpu.dma_semaphore, #tpu.memory_space<semaphore_mem>>) {add = true}
      %dma_wait3A_461 = arith.constant 29 : i32
      %dma_wait3A_462 = arith.constant 0 : i32
      %dma_wait3A_463 = tpu.memref_slice %arg6[%dma_wait3A_461, %dma_wait3A_462] : memref<32x128xi32, #tpu.memory_space<vmem>> -> memref<1x128xi32, #tpu.memory_space<vmem>>
      %dma_wait3A_464 = tpu.memref_squeeze %dma_wait3A_463 : memref<1x128xi32, #tpu.memory_space<vmem>> -> memref<128xi32, #tpu.memory_space<vmem>>
      %dma_wait3A_465 = arith.constant 0 : i32
      %dma_wait3A_466 = arith.constant 0 : i32
      %dma_wait3A_467 = tpu.memref_slice %arg7[%dma_wait3A_465, %dma_wait3A_466] : memref<10240x128xf32, #tpu.memory_space<vmem_shared>> -> memref<10240x128xf32, #tpu.memory_space<vmem_shared>>
      tpu.wait_indirect_dma semaphore(%arg12 : memref<!tpu.dma_semaphore, #tpu.memory_space<semaphore_mem>>) src(%arg8 : memref<128x128xf32, #tpu.memory_space<vmem>>) dst(%dma_wait3A_467 : memref<10240x128xf32, #tpu.memory_space<vmem_shared>>)
      %dma_wait3A_468 = arith.constant 31 : i32
      %dma_wait3A_469 = arith.constant 0 : i32
      %dma_wait3A_470 = tpu.memref_slice %arg6[%dma_wait3A_468, %dma_wait3A_469] : memref<32x128xi32, #tpu.memory_space<vmem>> -> memref<1x128xi32, #tpu.memory_space<vmem>>
      %dma_wait3A_471 = tpu.memref_squeeze %dma_wait3A_470 : memref<1x128xi32, #tpu.memory_space<vmem>> -> memref<128xi32, #tpu.memory_space<vmem>>
      %dma_wait3A_472 = arith.constant 0 : i32
      %dma_wait3A_473 = arith.constant 0 : i32
      %dma_wait3A_474 = tpu.memref_slice %arg7[%dma_wait3A_472, %dma_wait3A_473] : memref<10240x128xf32, #tpu.memory_space<vmem_shared>> -> memref<10240x128xf32, #tpu.memory_space<vmem_shared>>
      tpu.wait_indirect_dma semaphore(%arg13 : memref<!tpu.dma_semaphore, #tpu.memory_space<semaphore_mem>>) src(%arg9 : memref<128x128xf32, #tpu.memory_space<vmem>>) dst(%dma_wait3A_474 : memref<10240x128xf32, #tpu.memory_space<vmem_shared>>)
    }
    %scan3A_12 = arith.constant 5 : i32
    %barrier3A_13 = arith.constant 0 : index
    tpu.barrier barrier_id(%barrier3A_13)
    %scan3A_14 = arith.constant 0 : i32
    %scan3A_15 = arith.constant 5 : i32
    %scan3A_16 = arith.addi %scan3A_14, %scan3A_15 : i32
    %scan3A_17 = arith.constant 1 : i32
    scf.for %scan3A_19 = %scan3A_14 to %scan3A_16 step %scan3A_17  : i32 {
      %mul3A_20 = arith.constant 1 : i32
      %mul3A_21 = arith.muli %scan3A_19, %mul3A_20 : i32
      %add3A_22 = arith.constant 0 : i32
      %add3A_23 = arith.addi %add3A_22, %mul3A_21 : i32
      %mul3A_24 = arith.constant 640 : i32
      %mul3A_25 = arith.muli %arg1, %mul3A_24 : i32
      %mul3A_26 = arith.constant 128 : i32
      %mul3A_27 = arith.muli %add3A_23, %mul3A_26 : i32
      %add3A_28 = arith.addi %mul3A_25, %mul3A_27 : i32
      "tpu.region"() ({
        %run_scoped3A = tpu.sem_alloc : memref<!tpu.dma_semaphore, #tpu.memory_space<semaphore_mem>>
        %dma_start3A = arith.constant 0 : i32
        %dma_start3A_32 = tpu.memref_slice %arg7[%add3A_28, %dma_start3A] : memref<10240x128xf32, #tpu.memory_space<vmem_shared>> -> memref<128x128xf32, #tpu.memory_space<vmem_shared>>
        %dma_start3A_33 = arith.constant 0 : i32
        %dma_start3A_34 = tpu.memref_slice %arg7[%add3A_28, %dma_start3A_33] : memref<10240x128xf32, #tpu.memory_space<vmem_shared>> -> memref<128x128xf32, #tpu.memory_space<vmem_shared>>
        tpu.enqueue_dma source(%dma_start3A_34 : memref<128x128xf32, #tpu.memory_space<vmem_shared>>) target(%arg8 : memref<128x128xf32, #tpu.memory_space<vmem>>) target_semaphore(%run_scoped3A : memref<!tpu.dma_semaphore, #tpu.memory_space<semaphore_mem>>)
        %dma_wait3A = arith.constant 0 : i32
        %dma_wait3A_35 = tpu.memref_slice %arg7[%add3A_28, %dma_wait3A] : memref<10240x128xf32, #tpu.memory_space<vmem_shared>> -> memref<128x128xf32, #tpu.memory_space<vmem_shared>>
        %dma_wait3A_36 = arith.constant 0 : i32
        %dma_wait3A_37 = tpu.memref_slice %arg7[%add3A_28, %dma_wait3A_36] : memref<10240x128xf32, #tpu.memory_space<vmem_shared>> -> memref<128x128xf32, #tpu.memory_space<vmem_shared>>
        tpu.wait_dma2 semaphore(%run_scoped3A : memref<!tpu.dma_semaphore, #tpu.memory_space<semaphore_mem>>) src(%dma_wait3A_37 : memref<128x128xf32, #tpu.memory_space<vmem_shared>>) dst(%arg8 : memref<128x128xf32, #tpu.memory_space<vmem>>)
        tpu.yield
      }) : () -> ()
      %mul3A_29 = arith.constant 10240 : i32
      %mul3A_30 = arith.muli %arg0, %mul3A_29 : i32
      %add3A_31 = arith.addi %mul3A_30, %add3A_28 : i32
      "tpu.region"() ({
        %run_scoped3A = tpu.sem_alloc : memref<!tpu.dma_semaphore, #tpu.memory_space<semaphore_mem>>
        %dma_start3A = arith.constant 0 : i32
        %dma_start3A_32 = tpu.memref_slice %arg5[%add3A_31, %dma_start3A] : memref<20480x128xf32, #tpu.memory_space<hbm>> -> memref<128x128xf32, #tpu.memory_space<hbm>>
        %dma_start3A_33 = arith.constant 0 : i32
        %dma_start3A_34 = tpu.memref_slice %arg5[%add3A_31, %dma_start3A_33] : memref<20480x128xf32, #tpu.memory_space<hbm>> -> memref<128x128xf32, #tpu.memory_space<hbm>>
        tpu.enqueue_dma source(%arg8 : memref<128x128xf32, #tpu.memory_space<vmem>>) target(%dma_start3A_34 : memref<128x128xf32, #tpu.memory_space<hbm>>) target_semaphore(%run_scoped3A : memref<!tpu.dma_semaphore, #tpu.memory_space<semaphore_mem>>)
        %dma_wait3A = arith.constant 0 : i32
        %dma_wait3A_35 = tpu.memref_slice %arg5[%add3A_31, %dma_wait3A] : memref<20480x128xf32, #tpu.memory_space<hbm>> -> memref<128x128xf32, #tpu.memory_space<hbm>>
        %dma_wait3A_36 = arith.constant 0 : i32
        %dma_wait3A_37 = tpu.memref_slice %arg5[%add3A_31, %dma_wait3A_36] : memref<20480x128xf32, #tpu.memory_space<hbm>> -> memref<128x128xf32, #tpu.memory_space<hbm>>
        tpu.wait_dma2 semaphore(%run_scoped3A : memref<!tpu.dma_semaphore, #tpu.memory_space<semaphore_mem>>) src(%arg8 : memref<128x128xf32, #tpu.memory_space<vmem>>) dst(%dma_wait3A_37 : memref<128x128xf32, #tpu.memory_space<hbm>>)
        tpu.yield
      }) : () -> ()
    }
    %scan3A_18 = arith.constant 5 : i32
    return
  }
}

module attributes {stable_mosaic.version = 14 : i64} {
  func.func @body(%arg0: i32, %arg1: memref<1x1000x128xf32, #tpu.memory_space<vmem>>, %arg2: memref<1x1000x128xf32, #tpu.memory_space<vmem>>, %arg3: memref<1000x32xf32, #tpu.memory_space<vmem>>, %arg4: memref<1000x128xf32, #tpu.memory_space<vmem>>, %arg5: memref<128x128xf32, #tpu.memory_space<vmem>>, %arg6: memref<128x128xf32, #tpu.memory_space<vmem>>, %arg7: memref<1x128xf32, #tpu.memory_space<vmem>>, %arg8: memref<1000x128xf32, #tpu.memory_space<vmem>>) attributes {dimension_semantics = [#tpu.dimension_semantics<arbitrary>], iteration_bounds = array<i64: 10>, scalar_prefetch = 0 : i64, scratch_operands = 0 : i64, tpu.core_type = #tpu.core_type<tc>, window_params = [{transform_indices = @transform_0, window_bounds = array<i64: 1, 1000, 128>}, {transform_indices = @transform_1, window_bounds = array<i64: 1, 1000, 128>}, {transform_indices = @transform_2, window_bounds = array<i64: 1000, 32>}, {transform_indices = @transform_3, window_bounds = array<i64: 1000, 128>}, {pipeline_mode = #tpu.pipeline_mode<synchronous>, transform_indices = @transform_4, window_bounds = array<i64: 128, 128>}, {pipeline_mode = #tpu.pipeline_mode<synchronous>, transform_indices = @transform_5, window_bounds = array<i64: 128, 128>}, {pipeline_mode = #tpu.pipeline_mode<synchronous>, transform_indices = @transform_6, window_bounds = array<i64: 1, 128>}, {transform_indices = @transform_7, window_bounds = array<i64: 1000, 128>}]} {
    %get3A = arith.constant 0 : index
    %get3A_0 = arith.constant 0 : index
    %get3A_1 = arith.constant 0 : index
    %get3A_2 = vector.load %arg1[%get3A, %get3A_0, %get3A_1] : memref<1x1000x128xf32, #tpu.memory_space<vmem>>, vector<1x1000x128xf32>
    %get3A_3 = vector.shape_cast %get3A_2 : vector<1x1000x128xf32> to vector<1000x128xf32>
    %get3A_4 = arith.constant 0 : index
    %get3A_5 = arith.constant 0 : index
    %get3A_6 = arith.constant 0 : index
    %get3A_7 = vector.load %arg2[%get3A_4, %get3A_5, %get3A_6] : memref<1x1000x128xf32, #tpu.memory_space<vmem>>, vector<1x1000x128xf32>
    %get3A_8 = vector.shape_cast %get3A_7 : vector<1x1000x128xf32> to vector<1000x128xf32>
    %add3A = arith.addf %get3A_3, %get3A_8 : vector<1000x128xf32>
    %get3A_9 = arith.constant 0 : index
    %get3A_10 = arith.constant 0 : index
    %get3A_11 = vector.load %arg3[%get3A_9, %get3A_10] : memref<1000x32xf32, #tpu.memory_space<vmem>>, vector<1000x32xf32>
    %reduce_sum3A = arith.constant dense<0.000000e+00> : vector<1000xf32>
    %reduce_sum3A_12 = vector.multi_reduction <add>, %get3A_11, %reduce_sum3A [1] : vector<1000x32xf32> to vector<1000xf32>
    %broadcast_in_dim3A = vector.shape_cast %reduce_sum3A_12 : vector<1000xf32> to vector<1000x1xf32>
    %max3A = arith.constant 1.000000e+00 : f32
    %max3A_13 = vector.broadcast %max3A : f32 to vector<1000x1xf32>
    %max3A_14 = arith.maximumf %broadcast_in_dim3A, %max3A_13 : vector<1000x1xf32>
    %div3A = arith.constant 1.000000e+00 : f32
    %div3A_15 = vector.broadcast %div3A : f32 to vector<1000x1xf32>
    %div3A_16 = arith.divf %div3A_15, %max3A_14 : vector<1000x1xf32>
    %mul3A = vector.broadcast %div3A_16 : vector<1000x1xf32> to vector<1000x128xf32>
    %mul3A_17 = arith.mulf %add3A, %mul3A : vector<1000x128xf32>
    %get3A_18 = arith.constant 0 : index
    %get3A_19 = arith.constant 0 : index
    %get3A_20 = vector.load %arg5[%get3A_18, %get3A_19] : memref<128x128xf32, #tpu.memory_space<vmem>>, vector<128x128xf32>
    %dot_general3A = arith.constant dense<0.000000e+00> : vector<1000x128xf32>
    %dot_general3A_21 = tpu.matmul %mul3A_17, %get3A_20, %dot_general3A {dimension_numbers = #tpu.dot_dimension_numbers<[1], [0], [0], [1], [0, 0, 1, 1], [], []>, transpose_lhs_hint = false} : vector<1000x128xf32>, vector<128x128xf32>, vector<1000x128xf32> -> vector<1000x128xf32>
    %get3A_22 = arith.constant 0 : index
    %get3A_23 = arith.constant 0 : index
    %get3A_24 = vector.load %arg4[%get3A_22, %get3A_23] : memref<1000x128xf32, #tpu.memory_space<vmem>>, vector<1000x128xf32>
    %get3A_25 = arith.constant 0 : index
    %get3A_26 = arith.constant 0 : index
    %get3A_27 = vector.load %arg6[%get3A_25, %get3A_26] : memref<128x128xf32, #tpu.memory_space<vmem>>, vector<128x128xf32>
    %dot_general3A_28 = arith.constant dense<0.000000e+00> : vector<1000x128xf32>
    %dot_general3A_29 = tpu.matmul %get3A_24, %get3A_27, %dot_general3A_28 {dimension_numbers = #tpu.dot_dimension_numbers<[1], [0], [0], [1], [0, 0, 1, 1], [], []>, transpose_lhs_hint = false} : vector<1000x128xf32>, vector<128x128xf32>, vector<1000x128xf32> -> vector<1000x128xf32>
    %add3A_30 = arith.addf %dot_general3A_21, %dot_general3A_29 : vector<1000x128xf32>
    %get3A_31 = arith.constant 0 : index
    %get3A_32 = arith.constant 0 : index
    %get3A_33 = vector.load %arg7[%get3A_31, %get3A_32] : memref<1x128xf32, #tpu.memory_space<vmem>>, vector<1x128xf32>
    %add3A_34 = vector.broadcast %get3A_33 : vector<1x128xf32> to vector<1000x128xf32>
    %add3A_35 = arith.addf %add3A_30, %add3A_34 : vector<1000x128xf32>
    %max3A_36 = arith.constant 0.000000e+00 : f32
    %max3A_37 = vector.broadcast %max3A_36 : f32 to vector<1000x128xf32>
    %max3A_38 = arith.maximumf %add3A_35, %max3A_37 : vector<1000x128xf32>
    %swap3A = arith.constant 0 : index
    %swap3A_39 = arith.constant 0 : index
    %swap3A_40 = vector.load %arg8[%swap3A, %swap3A_39] : memref<1000x128xf32, #tpu.memory_space<vmem>>, vector<1000x128xf32>
    tpu.vector_store %arg8[%swap3A, %swap3A_39], %max3A_38 {strides = array<i32>} : memref<1000x128xf32, #tpu.memory_space<vmem>>, vector<1000x128xf32>,
    return
  }
  func.func @transform_0(%arg0: i32) -> (i32, i32, i32) {
    %c0_i32 = arith.constant 0 : i32
    %c0_i32_0 = arith.constant 0 : i32
    %c0_i32_1 = arith.constant 0 : i32
    return %c0_i32, %arg0, %c0_i32_0 : i32, i32, i32
  }
  func.func @transform_1(%arg0: i32) -> (i32, i32, i32) {
    %c1_i32 = arith.constant 1 : i32
    %c0_i32 = arith.constant 0 : i32
    %c0_i32_0 = arith.constant 0 : i32
    return %c1_i32, %arg0, %c0_i32 : i32, i32, i32
  }
  func.func @transform_2(%arg0: i32) -> (i32, i32) {
    %c0_i32 = arith.constant 0 : i32
    %c0_i32_0 = arith.constant 0 : i32
    return %arg0, %c0_i32 : i32, i32
  }
  func.func @transform_3(%arg0: i32) -> (i32, i32) {
    %c0_i32 = arith.constant 0 : i32
    %c0_i32_0 = arith.constant 0 : i32
    return %arg0, %c0_i32 : i32, i32
  }
  func.func @transform_4(%arg0: i32) -> (i32, i32) {
    %c0_i32 = arith.constant 0 : i32
    %c0_i32_0 = arith.constant 0 : i32
    %c0_i32_1 = arith.constant 0 : i32
    return %c0_i32, %c0_i32_0 : i32, i32
  }
  func.func @transform_5(%arg0: i32) -> (i32, i32) {
    %c0_i32 = arith.constant 0 : i32
    %c0_i32_0 = arith.constant 0 : i32
    %c0_i32_1 = arith.constant 0 : i32
    return %c0_i32, %c0_i32_0 : i32, i32
  }
  func.func @transform_6(%arg0: i32) -> (i32, i32) {
    %c0_i32 = arith.constant 0 : i32
    %c0_i32_0 = arith.constant 0 : i32
    %c0_i32_1 = arith.constant 0 : i32
    return %c0_i32, %c0_i32_0 : i32, i32
  }
  func.func @transform_7(%arg0: i32) -> (i32, i32) {
    %c0_i32 = arith.constant 0 : i32
    %c0_i32_0 = arith.constant 0 : i32
    return %arg0, %c0_i32 : i32, i32
  }
}

module attributes {stable_mosaic.version = 14 : i64} {
  func.func @body(%arg0: i32, %arg1: memref<1x1000x128xf32, #tpu.memory_space<vmem>>, %arg2: memref<1x1000x128xf32, #tpu.memory_space<vmem>>, %arg3: memref<1000x32xf32, #tpu.memory_space<vmem>>, %arg4: memref<1000x128xf32, #tpu.memory_space<vmem>>, %arg5: memref<128x128xf32, #tpu.memory_space<vmem>>, %arg6: memref<128x128xf32, #tpu.memory_space<vmem>>, %arg7: memref<1x128xf32, #tpu.memory_space<vmem>>, %arg8: memref<1000x128xf32, #tpu.memory_space<vmem>>) attributes {dimension_semantics = [#tpu.dimension_semantics<arbitrary>], iteration_bounds = array<i64: 10>, scalar_prefetch = 0 : i64, scratch_operands = 0 : i64, tpu.core_type = #tpu.core_type<tc>, window_params = [{transform_indices = @transform_0, window_bounds = array<i64: 1, 1000, 128>}, {transform_indices = @transform_1, window_bounds = array<i64: 1, 1000, 128>}, {transform_indices = @transform_2, window_bounds = array<i64: 1000, 32>}, {transform_indices = @transform_3, window_bounds = array<i64: 1000, 128>}, {pipeline_mode = #tpu.pipeline_mode<synchronous>, transform_indices = @transform_4, window_bounds = array<i64: 128, 128>}, {pipeline_mode = #tpu.pipeline_mode<synchronous>, transform_indices = @transform_5, window_bounds = array<i64: 128, 128>}, {pipeline_mode = #tpu.pipeline_mode<synchronous>, transform_indices = @transform_6, window_bounds = array<i64: 1, 128>}, {transform_indices = @transform_7, window_bounds = array<i64: 1000, 128>}]} {
    %get3A = arith.constant 0 : index
    %get3A_0 = arith.constant 0 : index
    %get3A_1 = arith.constant 0 : index
    %get3A_2 = vector.load %arg1[%get3A, %get3A_0, %get3A_1] : memref<1x1000x128xf32, #tpu.memory_space<vmem>>, vector<1x1000x128xf32>
    %get3A_3 = vector.shape_cast %get3A_2 : vector<1x1000x128xf32> to vector<1000x128xf32>
    %get3A_4 = arith.constant 0 : index
    %get3A_5 = arith.constant 0 : index
    %get3A_6 = arith.constant 0 : index
    %get3A_7 = vector.load %arg2[%get3A_4, %get3A_5, %get3A_6] : memref<1x1000x128xf32, #tpu.memory_space<vmem>>, vector<1x1000x128xf32>
    %get3A_8 = vector.shape_cast %get3A_7 : vector<1x1000x128xf32> to vector<1000x128xf32>
    %add3A = arith.addf %get3A_3, %get3A_8 : vector<1000x128xf32>
    %get3A_9 = arith.constant 0 : index
    %get3A_10 = arith.constant 0 : index
    %get3A_11 = vector.load %arg3[%get3A_9, %get3A_10] : memref<1000x32xf32, #tpu.memory_space<vmem>>, vector<1000x32xf32>
    %reduce_sum3A = arith.constant dense<0.000000e+00> : vector<1000xf32>
    %reduce_sum3A_12 = vector.multi_reduction <add>, %get3A_11, %reduce_sum3A [1] : vector<1000x32xf32> to vector<1000xf32>
    %broadcast_in_dim3A = vector.shape_cast %reduce_sum3A_12 : vector<1000xf32> to vector<1000x1xf32>
    %max3A = arith.constant 1.000000e+00 : f32
    %max3A_13 = vector.broadcast %max3A : f32 to vector<1000x1xf32>
    %max3A_14 = arith.maximumf %broadcast_in_dim3A, %max3A_13 : vector<1000x1xf32>
    %div3A = arith.constant 1.000000e+00 : f32
    %div3A_15 = vector.broadcast %div3A : f32 to vector<1000x1xf32>
    %div3A_16 = arith.divf %div3A_15, %max3A_14 : vector<1000x1xf32>
    %mul3A = vector.broadcast %div3A_16 : vector<1000x1xf32> to vector<1000x128xf32>
    %mul3A_17 = arith.mulf %add3A, %mul3A : vector<1000x128xf32>
    %get3A_18 = arith.constant 0 : index
    %get3A_19 = arith.constant 0 : index
    %get3A_20 = vector.load %arg5[%get3A_18, %get3A_19] : memref<128x128xf32, #tpu.memory_space<vmem>>, vector<128x128xf32>
    %dot_general3A = arith.constant dense<0.000000e+00> : vector<1000x128xf32>
    %dot_general3A_21 = tpu.matmul %mul3A_17, %get3A_20, %dot_general3A {dimension_numbers = #tpu.dot_dimension_numbers<[1], [0], [0], [1], [0, 0, 1, 1], [], []>, transpose_lhs_hint = false} : vector<1000x128xf32>, vector<128x128xf32>, vector<1000x128xf32> -> vector<1000x128xf32>
    %get3A_22 = arith.constant 0 : index
    %get3A_23 = arith.constant 0 : index
    %get3A_24 = vector.load %arg4[%get3A_22, %get3A_23] : memref<1000x128xf32, #tpu.memory_space<vmem>>, vector<1000x128xf32>
    %get3A_25 = arith.constant 0 : index
    %get3A_26 = arith.constant 0 : index
    %get3A_27 = vector.load %arg6[%get3A_25, %get3A_26] : memref<128x128xf32, #tpu.memory_space<vmem>>, vector<128x128xf32>
    %dot_general3A_28 = arith.constant dense<0.000000e+00> : vector<1000x128xf32>
    %dot_general3A_29 = tpu.matmul %get3A_24, %get3A_27, %dot_general3A_28 {dimension_numbers = #tpu.dot_dimension_numbers<[1], [0], [0], [1], [0, 0, 1, 1], [], []>, transpose_lhs_hint = false} : vector<1000x128xf32>, vector<128x128xf32>, vector<1000x128xf32> -> vector<1000x128xf32>
    %add3A_30 = arith.addf %dot_general3A_21, %dot_general3A_29 : vector<1000x128xf32>
    %get3A_31 = arith.constant 0 : index
    %get3A_32 = arith.constant 0 : index
    %get3A_33 = vector.load %arg7[%get3A_31, %get3A_32] : memref<1x128xf32, #tpu.memory_space<vmem>>, vector<1x128xf32>
    %add3A_34 = vector.broadcast %get3A_33 : vector<1x128xf32> to vector<1000x128xf32>
    %add3A_35 = arith.addf %add3A_30, %add3A_34 : vector<1000x128xf32>
    %swap3A = arith.constant 0 : index
    %swap3A_36 = arith.constant 0 : index
    %swap3A_37 = vector.load %arg8[%swap3A, %swap3A_36] : memref<1000x128xf32, #tpu.memory_space<vmem>>, vector<1000x128xf32>
    tpu.vector_store %arg8[%swap3A, %swap3A_36], %add3A_35 {strides = array<i32>} : memref<1000x128xf32, #tpu.memory_space<vmem>>, vector<1000x128xf32>,
    return
  }
  func.func @transform_0(%arg0: i32) -> (i32, i32, i32) {
    %c0_i32 = arith.constant 0 : i32
    %c0_i32_0 = arith.constant 0 : i32
    %c0_i32_1 = arith.constant 0 : i32
    return %c0_i32, %arg0, %c0_i32_0 : i32, i32, i32
  }
  func.func @transform_1(%arg0: i32) -> (i32, i32, i32) {
    %c1_i32 = arith.constant 1 : i32
    %c0_i32 = arith.constant 0 : i32
    %c0_i32_0 = arith.constant 0 : i32
    return %c1_i32, %arg0, %c0_i32 : i32, i32, i32
  }
  func.func @transform_2(%arg0: i32) -> (i32, i32) {
    %c0_i32 = arith.constant 0 : i32
    %c0_i32_0 = arith.constant 0 : i32
    return %arg0, %c0_i32 : i32, i32
  }
  func.func @transform_3(%arg0: i32) -> (i32, i32) {
    %c0_i32 = arith.constant 0 : i32
    %c0_i32_0 = arith.constant 0 : i32
    return %arg0, %c0_i32 : i32, i32
  }
  func.func @transform_4(%arg0: i32) -> (i32, i32) {
    %c0_i32 = arith.constant 0 : i32
    %c0_i32_0 = arith.constant 0 : i32
    %c0_i32_1 = arith.constant 0 : i32
    return %c0_i32, %c0_i32_0 : i32, i32
  }
  func.func @transform_5(%arg0: i32) -> (i32, i32) {
    %c0_i32 = arith.constant 0 : i32
    %c0_i32_0 = arith.constant 0 : i32
    %c0_i32_1 = arith.constant 0 : i32
    return %c0_i32, %c0_i32_0 : i32, i32
  }
  func.func @transform_6(%arg0: i32) -> (i32, i32) {
    %c0_i32 = arith.constant 0 : i32
    %c0_i32_0 = arith.constant 0 : i32
    %c0_i32_1 = arith.constant 0 : i32
    return %c0_i32, %c0_i32_0 : i32, i32
  }
  func.func @transform_7(%arg0: i32) -> (i32, i32) {
    %c0_i32 = arith.constant 0 : i32
    %c0_i32_0 = arith.constant 0 : i32
    return %arg0, %c0_i32 : i32, i32
  }
}

</mosaic_0001>

<sc_bundles>
// kernel: kernel.6.cloned.1.call-start
scs
__scs_entry_jumppad:
0x0: {  	(pc) =	sbr.rel $0x88, $3  }
0x1: {  	(tag) =	ssettag $0x0;
	lr =	simm.s32 $0x1  }
0x2: {  	[smem:$0x3F99] =	sst lr;
	_ =	strace $0xD0000000  }
0x3: {  	_ = 	snop  }
0x4: {  	_ = 	snop  }
0x5: {  	_ = 	snop  }
0x6: {  	_ = 	snop  }
0x7: {  	_ = 	snop  }
__scs_overlays_trampoline_lowered:
0x8: {  	[smem:$0x3FA8] =	sst s0  }
0x9: {  	[smem:$0x3FA9] =	sst s1  }
0xa: {  	[smem:$0x3FAA] =	sst s2  }
0xb: {  	[smem:$0x3FAB] =	sst s3  }
0xc: {  	[smem:$0x3FAC] =	sst s4  }
0xd: {  	[smem:$0x3FAD] =	sst s5  }
0xe: {  	[smem:$0x3FAE] =	sst s6  }
0xf: {  	[smem:$0x3FAF] =	sst s7  }
0x10: {  	[smem:$0x3FB0] =	sst s8  }
0x11: {  	[smem:$0x3FB1] =	sst s9;
	s0 =	simm.s32 @!p0 $0x0  }
0x12: {  	s1 =	sld [smem:$0x3F97];
	s0 =	simm.s32 @p0 $0x1  }
0x13: {  	[smem:$0x3FB2] =	sst s0;
	s0 =	simm.s32 @!p1 $0x0  }
0x14: {  	s2 =	sld [smem:$0x3F96];
	s0 =	simm.s32 @p1 $0x1  }
0x15: {  	[smem:$0x3FB3] =	sst s0;
	s0 =	simm.s32 @!p2 $0x0  }
0x16: {  	s3 =	sld [smem:$0x3FDB];
	s0 =	simm.s32 @p2 $0x1  }
0x17: {  	s4 =	simm.s32 $0x1BF5;
	[smem:$0x3FB5] =	sst s0  }
0x18: {  	s0 =	sld [smem:$0x3F98];
	_ =	swait.ge [sflag:s4], $0x0  }
0x19: {  	s7 =	sld [smem:$0x3F99]  }
0x1a: {  	s8 =	sadd.s32 $0xFFFFE003, lr  }
0x1b: {  	s9 =	sadd.s32 $0xFFFFFEF7, lr;
	s5 =	simm.s32 $0xFFFFFFFF;
	p2 =	slt.u32 s8, $0xFFFFF086  }
0x1c: {  	p1 =	slt.u32 s9, $0xF7A;
	s5 =	simm.s32 @!p2 $0x0  }
0x1d: {  	s5 =	simm.s32 @p1 $0x1;
	p0 =	seq.s32 s7, s2  }
0x1e: {  	s7 =	smul.u32 @!p0 $0xF7A, s2;
	p2 =	seq.s32 @!p0 s5, $0x0  }
0x1f: {  	s9 =	smul.u32 $0xF7A, s1;
	s8 =	simm.s32 @!p0 $0x1BF5;
	p2 =	por !p2, p0  }
0x20: {  	[sflag:s8] =	ssyncset.s32 @!p0 $0xFFFFF086;
	s6 =	sadd.s32 @!p0 s3, s7;
	s7 =	simm.s32 @!p0 $0x108  }
0x21: {  	s3 =	sadd.s32 s3, s9;
	s6 =	sadd.s32 @!p0 $0x88, s6;
	s7 =	simm.s32 @p2 $0x1082  }
0x22: {  	[simem:s7], [sflag:s8] =	dma.local @!p0 [hbm:s6], $0xF7A  }
0x23: {  	s9 =	sor.u32 $0xD0000000, s2;
	s6 =	simm.s32 $0x108;
	_ =	swait.ge @!p0 [sflag:s8], $0x0  }
0x24: {  	s3 =	sadd.s32 $0x88, s3;
	s6 =	simm.s32 @!p1 $0x1082;
	[sflag:s4] =	ssyncset.s32 $0xFFFFF086  }
0x25: {  	[simem:s6], [sflag:s4] =	dma.local [hbm:s3], $0xF7A  }
0x26: {  	[smem:$0x3F99] =	sst s1;
	(tag) =	ssettag s2;
	_ =	strace s9  }
0x27: {  	s1 =	sld [smem:$0x3FA9]  }
0x28: {  	s2 =	sld [smem:$0x3FAA]  }
0x29: {  	s4 =	sld [smem:$0x3FAC]  }
0x2a: {  	p0 =	seq.s32 s5, $0x0;
	s5 =	sld [smem:$0x3FAD]  }
0x2b: {  	s6 =	sld [smem:$0x3FAE]  }
0x2c: {  	s7 =	sld [smem:$0x3FAF]  }
0x2d: {  	s3 =	simm.s32 $0x108;
	s8 =	sld [smem:$0x3FB0]  }
0x2e: {  	s3 =	simm.s32 @!p0 $0x1082;
	s9 =	sld [smem:$0x3FB1]  }
0x2f: {  	lr =	sadd.s32 s0, s3;
	s0 =	sld [smem:$0x3FA8]  }
0x30: {  	s3 =	sld [smem:$0x3FAB]  }
0x31: {  	[smem:$0x3FB4] =	sst s10  }
0x32: {  	s10 =	sld [smem:$0x3FB2];
	_ =	sdelay $0x3  }
0x33: {  	p0 =	seq.s32 s10, $0x1;
	s10 =	sld [smem:$0x3FB4];
	_ =	sdelay $0x3  }
0x34: {  	[smem:$0x3FB4] =	sst s10  }
0x35: {  	s10 =	sld [smem:$0x3FB3];
	_ =	sdelay $0x3  }
0x36: {  	p1 =	seq.s32 s10, $0x1;
	s10 =	sld [smem:$0x3FB4];
	_ =	sdelay $0x3  }
0x37: {  	[smem:$0x3FB4] =	sst s10  }
0x38: {  	s10 =	sld [smem:$0x3FB5]  }
0x39: {  	_ = 	snop;
	(pc) =	sbr.ind lr, $3  }
0x3a: {  	_ = 	snop  }
0x3b: {  	_ = 	snop  }
0x3c: {  	p2 =	seq.s32 s10, $0x1;
	s10 =	sld [smem:$0x3FB4]  }
0x3d: {  	_ =	shalt  }
0x3e: {  	_ =	shalt  }
0x3f: {  	_ =	shalt  }
0x40: {  	_ =	shalt  }
0x41: {  	_ =	shalt  }
0x42: {  	_ =	shalt  }
0x43: {  	_ =	shalt  }
0x44: {  	_ =	shalt  }
0x45: {  	_ =	shalt  }
0x46: {  	_ =	shalt  }
0x47: {  	_ =	shalt  }
0x48: {  	_ =	shalt  }
0x49: {  	_ =	shalt  }
0x4a: {  	_ =	shalt  }
0x4b: {  	_ =	shalt  }
0x4c: {  	_ =	shalt  }
0x4d: {  	_ =	shalt  }
0x4e: {  	_ =	shalt  }
0x4f: {  	_ =	shalt  }
0x50: {  	_ =	shalt  }
0x51: {  	_ =	shalt  }
0x52: {  	_ =	shalt  }
0x53: {  	_ =	shalt  }
0x54: {  	_ =	shalt  }
0x55: {  	_ =	shalt  }
0x56: {  	_ =	shalt  }
0x57: {  	_ =	shalt  }
0x58: {  	_ =	shalt  }
0x59: {  	_ =	shalt  }
0x5a: {  	_ =	shalt  }
0x5b: {  	_ =	shalt  }
0x5c: {  	_ =	shalt  }
0x5d: {  	_ =	shalt  }
0x5e: {  	_ =	shalt  }
0x5f: {  	_ =	shalt  }
0x60: {  	_ =	shalt  }
0x61: {  	_ =	shalt  }
0x62: {  	_ =	shalt  }
0x63: {  	_ =	shalt  }
0x64: {  	_ =	shalt  }
0x65: {  	_ =	shalt  }
0x66: {  	_ =	shalt  }
0x67: {  	_ =	shalt  }
0x68: {  	_ =	shalt  }
0x69: {  	_ =	shalt  }
0x6a: {  	_ =	shalt  }
0x6b: {  	_ =	shalt  }
0x6c: {  	_ =	shalt  }
0x6d: {  	_ =	shalt  }
0x6e: {  	_ =	shalt  }
0x6f: {  	_ =	shalt  }
0x70: {  	_ =	shalt  }
0x71: {  	_ =	shalt  }
0x72: {  	_ =	shalt  }
0x73: {  	_ =	shalt  }
0x74: {  	_ =	shalt  }
0x75: {  	_ =	shalt  }
0x76: {  	_ =	shalt  }
0x77: {  	_ =	shalt  }
0x78: {  	_ =	shalt  }
0x79: {  	_ =	shalt  }
0x7a: {  	_ =	shalt  }
0x7b: {  	_ =	shalt  }
0x7c: {  	_ =	shalt  }
0x7d: {  	_ =	shalt  }
0x7e: {  	_ =	shalt  }
0x7f: {  	_ =	shalt  }
0x80: {  	_ =	shalt  }
0x81: {  	_ =	shalt  }
0x82: {  	_ =	shalt  }
0x83: {  	_ =	shalt  }
0x84: {  	_ =	shalt  }
0x85: {  	_ =	shalt  }
0x86: {  	_ =	shalt  }
0x87: {  	_ =	shalt  }
.Lfunc_end0:
.L_simem_size_0:
called_computation_lowered:
.L_overlay_start_0:
0x88: {  	s2 =	sld [smem:$0x3FD9]  }
0x89: {  	s3 =	sld [smem:$0x3FFE];
	_ =	sdelay $0x1  }
0x8a: {  	s1 =	srdreg.scid  }
0x8b: {  	s0 =	sand.u32 $0x1, s1  }
0x8c: {  	s17 =	sshll.u32 s0, $0xA;
	s2 =	sadd.s32 s3, s2  }
0x8d: {  	s2 =	sadd.s32 s2, s17  }
0x8e: {  	[smem:$0x3FC0] =	sst s2  }
0x8f: {  	_ = 	snop  }
0x90: {  	s2 =	sld [smem:$0x3FC9]  }
0x91: {  	s18 =	sld [smem:$0x3FD0];
	(tm) =	ssettm $0x1  }
0x92: {  	s4 =	sld [smem:$0x3FFB];
	_ =	sdelay $0x3  }
0x93: {  	_ =	strace s4  }
0x94: {  	s4 =	sld [smem:$0x3FFC];
	_ =	sdelay $0x3  }
0x95: {  	_ =	strace s4  }
0x96: {  	s4 =	sld [smem:$0x3FFD];
	_ =	sdelay $0x3  }
0x97: {  	_ =	strace s4  }
0x98: {  	_ =	strace $0x8FFFFFFF  }
0x99: {  	s19 =	sld [smem:$0x3FDB];
	_ =	sdelay $0x1  }
0x9a: {  	s5 =	simm.s32 $_scs_section_size  }
0x9b: {  	s6 =	simm.s32 $_size__tile_overlayer_lowered;
	s7 =	simm.s32 $_tile_overlayer_lowered  }
0x9c: {  	s22 =	simm.s32 $0x1BFF;
	s21 =	sshll.u32 s7, $0x1;
	s4 =	sadd.s32 s5, s19  }
0x9d: {  	s8 =	simm.s32 $0x0;
	s20 =	sshll.u32 s6, $0x1;
	s6 =	sadd.s32 s21, s4  }
0x9e: {  	[timem:s8], [sflag:s22] =	dma.local [hbm:s6], s20  }
0x9f: {  	_ =	swait.ge [sflag:s22], s20  }
0xa0: {  	s5 =	ssub.s32 $0x0, s20;
	[sflag:s22] =	ssyncset.done $0x0  }
0xa1: {  	[sflag:s22] =	ssyncadd.s32 s5;
	_ =	sdelay $0x1  }
0xa2: {  	s23 =	simm.s32 $0x1B8B  }
0xa3: {  	_ =	swait.ge [sflag:s23], $0x1  }
0xa4: {  	[sflag:s23] =	ssyncset.done $0x0  }
0xa5: {  	s25 =	simm.s32 $0x1B8E;
	s24 =	sld [smem:$0x3FFE];
	[sflag:s23] =	ssyncadd.s32 $0xFFFFFFFF  }
0xa6: {  	s26 =	simm.s32 $execute0_lowered;
	[smem:$0x3FD2] =	sst s25  }
0xa7: {  	s6 =	sshll.u32 s26, $0x1;
	_ =	strace $0x80000046;
	[dreg:$0x1] =	wrdreg $0xFFFFFFFF  }
0xa8: {  	s28 =	simm.s32 $_size_execute0_lowered;
	s4 =	sadd.s32 s4, s6;
	[dreg:$0x0] =	wrdreg $0x0  }
0xa9: {  	s6 =	sshll.u32 s28, $0x1;
	[dreg:$0x2] =	wrdreg s4  }
0xaa: {  	[dreg:$0x3] =	wrdreg s6  }
0xab: {  	[dreg:$0x4] =	wrdreg $0xC0  }
0xac: {  	_ =	task [dreg:s8], $0x5FFFF  }
0xad: {  	[dreg:$0x1] =	wrdreg $0xFFFFFFFF  }
0xae: {  	[dreg:$0x0] =	wrdreg $0x60  }
0xaf: {  	[dreg:$0x2] =	wrdreg s2  }
0xb0: {  	[dreg:$0x3] =	wrdreg s24  }
0xb1: {  	[dreg:$0x4] =	wrdreg s18  }
0xb2: {  	[dreg:$0x5] =	wrdreg $0x10000  }
0xb3: {  	[dreg:$0x6] =	wrdreg $0x9  }
0xb4: {  	_ =	task.clear_ibuf [dreg:s8], $0x7FFFF;
	_ =	strace $0x90000046  }
0xb5: {  	s29 =	simm.s32 $0x9;
	_ =	strace $0x80000048  }
0xb6: {  	_ =	swait.ge [sflag:s29], $0x1  }
0xb7: {  	[sflag:s29] =	ssyncadd.s32 $0xFFFFFFFF  }
0xb8: {  	_ =	strace $0x90000048  }
0xb9: {  	_ =	sfence  }
0xba: {  	s30 =	sld [smem:$0x0];
	_ =	sdelay $0x2  }
0xbb: {  	s31 =	sshll.u32 s1, $0xD;
	s1 =	sshrl.u32 s1, $0x2  }
0xbc: {  	s3 =	sand.u32 $0x4000, s31;
	s1 =	sadd.s32 s1, s30  }
0xbd: {  	s0 =	sor.u32 s3, s0;
	s1 =	sshll.u32 s1, $0x11  }
0xbe: {  	s0 =	sor.u32 s1, s0  }
0xbf: {  	s0 =	sadd.s32 $0x8F2B, s0  }
0xc0: {  	[sflag:s0] =	ssyncadd.remote.s32 $0x1  }
0xc1: {  	_ =	sfence.sel $0xFFFF  }
0xc2: {  	[dreg:$0x0] =	wrdreg $0xFFFFFFFF;
	(pc) =	sbr.abs _section_cstart, $3  }
0xc3: {  	[dreg:$0x1] =	wrdreg $0xFFFFFFFF  }
0xc4: {  	_ =	task.clear_ibuf [dreg:s8], $0x2FFFF;
	_ =	strace $0x9FFFFFFF  }
0xc5: {  	(tm) =	ssettm $0x7FFFFFFF  }
tec
execute0_lowered:
.L_overlay_start_1:
0x0: {  	(tag) =	ssettag $0x1  }
0x1: {  	s1 =	rddreg [dreg:$0x0]  }
0x2: {  	s2 =	rddreg [dreg:$0x1]  }
0x3: {  	s0 =	srdreg.scid;
	s6 =	rddreg [dreg:$0x2]  }
0x4: {  	s12 =	stileid.u32;
	s3 =	rddreg [dreg:$0x3];
	s4 =	simm.s32 $0x0  }
0x5: {  	s28 =	simm.s32 $0x1D000;
	s29 =	simm.s32 $0x3;
	s30 =	simm.s32 $0x2  }
0x6: {  	s31 =	simm.s32 $0x4;
	s5 =	sand.u32 $0x1, s0;
	s7 =	smul.u32 $0x5000, s12  }
0x7: {  	[smem:$0x7FF] =	sst s4;
	s24 =	sadd.s32 $0x16000, s2;
	s11 =	smul.u32 $0x50000, s12  }
0x8: {  	s9 =	sshll.u32 s12, $0x7;
	s0 =	smul.u32 $0x50000, s5;
	s23 =	sshll.u32 s5, $0x4  }
0x9: {  	_ =	strace $0x80000047;
	[dreg:$0x14] =	wrdreg s24;
	s26 =	ssub.s32 $0x2, s5  }
0xa: {  	s9 =	sand.u32 $0x380, s9;
	s5 =	smul.u32 $0x2800, s5;
	s10 =	sshrl.u32 s26, $0x1  }
0xb: {  	s11 =	sshrl.u32 s11, $0x2;
	s0 =	sadd.s32 s7, s0;
	s7 =	sor.u32 s12, s23  }
0xc: {  	s21 =	sadd.s32 s11, s3;
	s11 =	simm.s32 $0x200;
	s0 =	sshrl.u32 s0, $0x3  }
0xd: {  	s25 =	sshrl.u32 s7, $0x3;
	s7 =	ssub.s32 s26, s10;
	[dreg:$0x7] =	wrdreg s11  }
0xe: {  	s10 =	smul.u32 $0x280, s12;
	s13 =	sadd.s32 $0x4000, s21;
	[dreg:$0x15] =	wrdreg s21  }
0xf: {  	s14 =	sadd.s32 $0x8000, s21;
	s16 =	sadd.s32 $0xC000, s21;
	[dreg:$0x18] =	wrdreg s13  }
0x10: {  	s18 =	sadd.s32 $0x10000, s21;
	s11 =	simm.s32 $0xC00;
	[dreg:$0x19] =	wrdreg s14  }
0x11: {  	s8 =	sadd.s32 s0, s2;
	s0 =	sadd.s32 $0x16800, s2;
	[dreg:$0x1a] =	wrdreg s16  }
0x12: {  	s2 =	smul.u32 $0x14000, s25;
	s12 =	smax.u32 s7, $0x1;
	[dreg:$0x1b] =	wrdreg s18  }
0x13: {  	s13 =	simm.s32 $0x300;
	s14 =	simm.s32 $0x280;
	[dreg:$0x17] =	wrdreg s12  }
0x14: {  	s16 =	simm.s32 $0x380;
	s18 =	simm.s32 $0x500;
	[dreg:$0x9] =	wrdreg s13  }
0x15: {  	s15 =	sadd.s32 s5, s10;
	s17 =	sadd.s32 $0x80, s10;
	[dreg:$0xa] =	wrdreg s14  }
0x16: {  	s22 =	sadd.s32 $0x100, s10;
	s26 =	sadd.s32 $0x180, s10;
	[dreg:$0xb] =	wrdreg s16  }
0x17: {  	s7 =	sadd.s32 $0x2000, s8;
	s12 =	simm.s32 $0x180;
	[dreg:$0xc] =	wrdreg s18  }
0x18: {  	s13 =	simm.s32 $0xD00;
	s14 =	simm.s32 $0xC80;
	s16 =	simm.s32 $0xD80  }
0x19: {  	s18 =	simm.s32 $0xE80;
	s2 =	sor.u32 s9, s2;
	s19 =	sshll.u32 s17, $0x7  }
0x1a: {  	s20 =	sadd.s32 s5, s17;
	s23 =	sshll.u32 s22, $0x7;
	[dreg:$0x5] =	wrdreg s7  }
0x1b: {  	s8 =	sshll.u32 s26, $0x7;
	s9 =	simm.s32 $0x100;
	[dreg:$0x8] =	wrdreg s12  }
0x1c: {  	s12 =	simm.s32 $0xB80;
	s2 =	sshrl.u32 s2, $0x3;
	s24 =	sadd.s32 s23, s3  }
0x1d: {  	s7 =	sadd.s32 s8, s3;
	[dreg:$0x6] =	wrdreg s9;
	s23 =	simm.s32 $0x700  }
0x1e: {  	s8 =	simm.s32 $0x980;
	s9 =	simm.s32 $0xB00;
	[dreg:$0x1f] =	wrdreg s24  }
0x1f: {  	s2 =	sadd.s32 s6, s2;
	s6 =	sadd.s32 s5, s22;
	[smem:$0x7FA] =	sst s7  }
0x20: {  	s22 =	simm.s32 $0x580;
	[dreg:$0x10] =	wrdreg s23;
	s24 =	simm.s32 $0x680  }
0x21: {  	s23 =	simm.s32 $0x5;
	[dreg:$0x16] =	wrdreg s2;
	s2 =	sshll.u32 s15, $0x4  }
0x22: {  	s25 =	sshll.u32 s6, $0x4;
	s15 =	sadd.s32 $0x200, s10;
	[dreg:$0xf] =	wrdreg s22  }
0x23: {  	s22 =	simm.s32 $0x15000;
	[dreg:$0x11] =	wrdreg s24;
	s2 =	sadd.s32 s0, s2  }
0x24: {  	s17 =	sshll.u32 s15, $0x7;
	[dreg:$0x1c] =	wrdreg s2;
	s2 =	sadd.s32 s19, s3  }
0x25: {  	s24 =	simm.s32 $0x80;
	s7 =	sadd.s32 s17, s3;
	[dreg:$0x1d] =	wrdreg s2  }
0x26: {  	s10 =	simm.s32 $0xA80;
	s19 =	simm.s32 $0x480;
	[smem:$0x7FC] =	sst s7  }
0x27: {  	s17 =	simm.s32 $0xF00;
	s2 =	sshll.u32 s20, $0x4;
	[dreg:$0xd] =	wrdreg s19  }
0x28: {  	s20 =	simm.s32 $0x600;
	s7 =	simm.s32 $0xA00;
	s19 =	simm.s32 $0xF80  }
0x29: {  	s2 =	sadd.s32 s0, s2;
	[dreg:$0xe] =	wrdreg s20;
	s20 =	simm.s32 $0x0  }
0x2a: {  	[dreg:$0x1e] =	wrdreg s2;
	s2 =	sadd.s32 s0, s25;
	s25 =	simm.s32 $0x800  }
0x2b: {  	[smem:$0x7F9] =	sst s2;
	s2 =	sadd.s32 s5, s26;
	s5 =	sadd.s32 s5, s15  }
0x2c: {  	[dreg:$0x12] =	wrdreg s25;
	s26 =	simm.s32 $0x780;
	s25 =	simm.s32 $0x19000  }
0x2d: {  	s15 =	simm.s32 $0xE00;
	s2 =	sshll.u32 s2, $0x4;
	s5 =	sshll.u32 s5, $0x4  }
0x2e: {  	[dreg:$0x13] =	wrdreg s26;
	s26 =	simm.s32 $0x1;
	s2 =	sadd.s32 s0, s2  }
0x2f: {  	s0 =	sadd.s32 s0, s5;
	s5 =	simm.s32 $0x880;
	[smem:$0x7FB] =	sst s2  }
0x30: {  	v0 =	vimm.f32 $0.0e+00;
	v1 =	vimm.f32 $1.000000000e+00;
	[smem:$0x7FD] =	sst s0;
	s2 =	simm.s32 $0x400;
	s0 =	simm.s32 $0x900  }
.LBB2_1:
0x31: {  	s6 =	rddreg [dreg:$0x14]  }
0x32: {  	[tilespmem:s22], [sflag:$0x5] =	stream.linear.gather [hbm4b:s6+s4], $0x4000, $0x38;
	[tilespmem:$0x1F800] =	vst v63  }
0x33: {  	_ =	swait.ge [sflag:s23], $0x4000  }
0x34: {  	[sflag:s23] =	ssyncset.done $0x0  }
0x35: {  	[sflag:s23] =	ssyncadd.s32 $0xFFFFC000  }
0x36: {  	[spmem:s21] =	stream.linear.scatter [tilespmem:s22], [sflag:$0x5], $0x4000, $0x38;
	[tilespmem:$0x1F800] =	vst v63  }
0x37: {  	_ =	swait.ge [sflag:s23], $0x4000  }
0x38: {  	[sflag:s23] =	ssyncset.done $0x0  }
0x39: {  	s21 =	rddreg [dreg:$0x18];
	[sflag:s23] =	ssyncadd.s32 $0xFFFFC000  }
0x3a: {  	[spmem:s21] =	stream.linear.scatter [tilespmem:s22], [sflag:$0x5], $0x4000, $0x38;
	[tilespmem:$0x1F800] =	vst v63  }
0x3b: {  	_ =	swait.ge [sflag:s23], $0x4000  }
0x3c: {  	[sflag:s23] =	ssyncset.done $0x0  }
0x3d: {  	s21 =	rddreg [dreg:$0x19];
	[sflag:s23] =	ssyncadd.s32 $0xFFFFC000  }
0x3e: {  	[spmem:s21] =	stream.linear.scatter [tilespmem:s22], [sflag:$0x5], $0x4000, $0x38;
	[tilespmem:$0x1F800] =	vst v63  }
0x3f: {  	_ =	swait.ge [sflag:s23], $0x4000  }
0x40: {  	[sflag:s23] =	ssyncset.done $0x0  }
0x41: {  	s21 =	rddreg [dreg:$0x1a];
	[sflag:s23] =	ssyncadd.s32 $0xFFFFC000  }
0x42: {  	[spmem:s21] =	stream.linear.scatter [tilespmem:s22], [sflag:$0x5], $0x4000, $0x38;
	[tilespmem:$0x1F800] =	vst v63  }
0x43: {  	_ =	swait.ge [sflag:s23], $0x4000  }
0x44: {  	[sflag:s23] =	ssyncset.done $0x0  }
0x45: {  	s21 =	rddreg [dreg:$0x1b];
	[sflag:s23] =	ssyncadd.s32 $0xFFFFC000  }
0x46: {  	[spmem:s21] =	stream.linear.scatter [tilespmem:s22], [sflag:$0x5], $0x4000, $0x38;
	[tilespmem:$0x1F800] =	vst v63  }
0x47: {  	_ =	swait.ge [sflag:s23], $0x4000  }
0x48: {  	[sflag:s23] =	ssyncset.done $0x0  }
0x49: {  	s6 =	simm.s32 $0x0;
	s21 =	simm.s32 $0x40;
	[sflag:s23] =	ssyncadd.s32 $0xFFFFC000  }
.LBB2_2:
0x4a: {  	p0 =	sne.s32 s21, $0x9FC0;
	[tilespmem:s6+$0x1D000] =	vst v0;
	s6 =	smov.u32 s21;
	s21 =	sadd.s32 $0x40, s21  }
.Ltmp0:
0x4b: {  	(pc) =	sbr.rel @p0 .LBB2_2-.Ltmp0, $2  }
0x4c: {  	_ =	sdelay $0x2  }
0x4d: {  	s6 =	sshra.s32 s6, $0x2  }
0x4e: {  	[tilespmem:s6+$0x1D000] =	vst v0  }
0x4f: {  	s21 =	simm.s32 $0x0;
	[bflag:$0x0] =	sbarrier.arrive $0xFFFF  }
.LBB2_4:
0x50: {  	s6 =	rddreg [dreg:$0x5]  }
0x51: {  	s6 =	sadd.s32 s21, s6  }
0x52: {  	[tilespmem:s4], [sflag:$0x5] =	stream.linear.gather [hbm4b:s6+s4], $0x1000, $0x38;
	[tilespmem:$0x1F800] =	vst v63  }
0x53: {  	_ =	swait.ge [sflag:s23], $0x1000  }
0x54: {  	[sflag:s23] =	ssyncset.done $0x0  }
0x55: {  	[sflag:s23] =	ssyncadd.s32 $0xFFFFF000  }
0x56: {  	[tilespmem:s22], [sflag:$0x1] =	stream.indirect.gather [hbm4b:s1+s24], $0x80, s4, s24, $0xb8;
	[tilespmem:$0x1F800] =	vst v63  }
0x57: {  	s6 =	rddreg [dreg:$0x6]  }
0x58: {  	[tilespmem:s25], [sflag:$0x2] =	stream.indirect.gather [hbm4b:s1+s24], $0x80, s6, s24, $0xb8;
	[tilespmem:$0x1F800] =	vst v63  }
0x59: {  	_ =	swait.ge [sflag:s26], $0x4000  }
0x5a: {  	[sflag:s26] =	ssyncset.done $0x0  }
0x5b: {  	[sflag:s26] =	ssyncadd.s32 $0xFFFFC000  }
0x5c: {  	[spmem:s3] =	stream.indirect.scatter.add.f32 [tilespmem:s22], [sflag:$0x3], $0x80, s24, s24, $0xb8;
	[tilespmem:$0x1F800] =	vst v63  }
0x5d: {  	v2 =	vld [tilespmem:$0x80];
	_ =	sdelay $0x7  }
0x5e: {  	[tilespmem:v2+s28+$0x0] =	vst.idx.add.f32.msk $0xffff, v1  }
0x5f: {  	v2 =	vld [tilespmem:$0x90];
	_ =	sdelay $0x7  }
0x60: {  	[tilespmem:v2+s28+$0x0] =	vst.idx.add.f32.msk $0xffff, v1  }
0x61: {  	v2 =	vld [tilespmem:$0xA0];
	_ =	sdelay $0x7  }
0x62: {  	[tilespmem:v2+s28+$0x0] =	vst.idx.add.f32.msk $0xffff, v1  }
0x63: {  	v2 =	vld [tilespmem:$0xB0];
	_ =	sdelay $0x7  }
0x64: {  	[tilespmem:v2+s28+$0x0] =	vst.idx.add.f32.msk $0xffff, v1  }
0x65: {  	v2 =	vld [tilespmem:$0xC0];
	_ =	sdelay $0x7  }
0x66: {  	[tilespmem:v2+s28+$0x0] =	vst.idx.add.f32.msk $0xffff, v1  }
0x67: {  	v2 =	vld [tilespmem:$0xD0];
	_ =	sdelay $0x7  }
0x68: {  	[tilespmem:v2+s28+$0x0] =	vst.idx.add.f32.msk $0xffff, v1  }
0x69: {  	v2 =	vld [tilespmem:$0xE0];
	_ =	sdelay $0x7  }
0x6a: {  	[tilespmem:v2+s28+$0x0] =	vst.idx.add.f32.msk $0xffff, v1  }
0x6b: {  	v2 =	vld [tilespmem:$0xF0];
	_ =	sdelay $0x7  }
0x6c: {  	[tilespmem:v2+s28+$0x0] =	vst.idx.add.f32.msk $0xffff, v1  }
0x6d: {  	_ =	swait.ge [sflag:s29], $0x4000  }
0x6e: {  	[sflag:s29] =	ssyncset.done $0x0  }
0x6f: {  	s6 =	rddreg [dreg:$0x7];
	[sflag:s29] =	ssyncadd.s32 $0xFFFFC000  }
0x70: {  	[tilespmem:s22], [sflag:$0x1] =	stream.indirect.gather [hbm4b:s1+s24], $0x80, s6, s24, $0xb8;
	[tilespmem:$0x1F800] =	vst v63  }
0x71: {  	_ =	swait.ge [sflag:s30], $0x4000  }
0x72: {  	[sflag:s30] =	ssyncset.done $0x0  }
0x73: {  	s6 =	rddreg [dreg:$0x8];
	[sflag:s30] =	ssyncadd.s32 $0xFFFFC000  }
0x74: {  	[spmem:s3] =	stream.indirect.scatter.add.f32 [tilespmem:s25], [sflag:$0x4], $0x80, s6, s24, $0xb8;
	[tilespmem:$0x1F800] =	vst v63  }
0x75: {  	v2 =	vld [tilespmem:$0x180];
	_ =	sdelay $0x7  }
0x76: {  	[tilespmem:v2+s28+$0x0] =	vst.idx.add.f32.msk $0xffff, v1  }
0x77: {  	v2 =	vld [tilespmem:$0x190];
	_ =	sdelay $0x7  }
0x78: {  	[tilespmem:v2+s28+$0x0] =	vst.idx.add.f32.msk $0xffff, v1  }
0x79: {  	v2 =	vld [tilespmem:$0x1A0];
	_ =	sdelay $0x7  }
0x7a: {  	[tilespmem:v2+s28+$0x0] =	vst.idx.add.f32.msk $0xffff, v1  }
0x7b: {  	v2 =	vld [tilespmem:$0x1B0];
	_ =	sdelay $0x7  }
0x7c: {  	[tilespmem:v2+s28+$0x0] =	vst.idx.add.f32.msk $0xffff, v1  }
0x7d: {  	v2 =	vld [tilespmem:$0x1C0];
	_ =	sdelay $0x7  }
0x7e: {  	[tilespmem:v2+s28+$0x0] =	vst.idx.add.f32.msk $0xffff, v1  }
0x7f: {  	v2 =	vld [tilespmem:$0x1D0];
	_ =	sdelay $0x7  }
0x80: {  	[tilespmem:v2+s28+$0x0] =	vst.idx.add.f32.msk $0xffff, v1  }
0x81: {  	v2 =	vld [tilespmem:$0x1E0];
	_ =	sdelay $0x7  }
0x82: {  	[tilespmem:v2+s28+$0x0] =	vst.idx.add.f32.msk $0xffff, v1  }
0x83: {  	v2 =	vld [tilespmem:$0x1F0];
	_ =	sdelay $0x7  }
0x84: {  	[tilespmem:v2+s28+$0x0] =	vst.idx.add.f32.msk $0xffff, v1  }
0x85: {  	_ =	swait.ge [sflag:s31], $0x4000  }
0x86: {  	[sflag:s31] =	ssyncset.done $0x0  }
0x87: {  	s6 =	rddreg [dreg:$0x9];
	[sflag:s31] =	ssyncadd.s32 $0xFFFFC000  }
0x88: {  	[tilespmem:s25], [sflag:$0x2] =	stream.indirect.gather [hbm4b:s1+s24], $0x80, s6, s24, $0xb8;
	[tilespmem:$0x1F800] =	vst v63  }
0x89: {  	_ =	swait.ge [sflag:s26], $0x4000  }
0x8a: {  	[sflag:s26] =	ssyncset.done $0x0  }
0x8b: {  	s6 =	rddreg [dreg:$0xa];
	[sflag:s26] =	ssyncadd.s32 $0xFFFFC000  }
0x8c: {  	[spmem:s3] =	stream.indirect.scatter.add.f32 [tilespmem:s22], [sflag:$0x3], $0x80, s6, s24, $0xb8;
	[tilespmem:$0x1F800] =	vst v63  }
0x8d: {  	v2 =	vld [tilespmem:$0x280];
	_ =	sdelay $0x7  }
0x8e: {  	[tilespmem:v2+s28+$0x0] =	vst.idx.add.f32.msk $0xffff, v1  }
0x8f: {  	v2 =	vld [tilespmem:$0x290];
	_ =	sdelay $0x7  }
0x90: {  	[tilespmem:v2+s28+$0x0] =	vst.idx.add.f32.msk $0xffff, v1  }
0x91: {  	v2 =	vld [tilespmem:$0x2A0];
	_ =	sdelay $0x7  }
0x92: {  	[tilespmem:v2+s28+$0x0] =	vst.idx.add.f32.msk $0xffff, v1  }
0x93: {  	v2 =	vld [tilespmem:$0x2B0];
	_ =	sdelay $0x7  }
0x94: {  	[tilespmem:v2+s28+$0x0] =	vst.idx.add.f32.msk $0xffff, v1  }
0x95: {  	v2 =	vld [tilespmem:$0x2C0];
	_ =	sdelay $0x7  }
0x96: {  	[tilespmem:v2+s28+$0x0] =	vst.idx.add.f32.msk $0xffff, v1  }
0x97: {  	v2 =	vld [tilespmem:$0x2D0];
	_ =	sdelay $0x7  }
0x98: {  	[tilespmem:v2+s28+$0x0] =	vst.idx.add.f32.msk $0xffff, v1  }
0x99: {  	v2 =	vld [tilespmem:$0x2E0];
	_ =	sdelay $0x7  }
0x9a: {  	[tilespmem:v2+s28+$0x0] =	vst.idx.add.f32.msk $0xffff, v1  }
0x9b: {  	v2 =	vld [tilespmem:$0x2F0];
	_ =	sdelay $0x7  }
0x9c: {  	[tilespmem:v2+s28+$0x0] =	vst.idx.add.f32.msk $0xffff, v1  }
0x9d: {  	_ =	swait.ge [sflag:s29], $0x4000  }
0x9e: {  	[sflag:s29] =	ssyncset.done $0x0  }
0x9f: {  	[sflag:s29] =	ssyncadd.s32 $0xFFFFC000  }
0xa0: {  	[tilespmem:s22], [sflag:$0x1] =	stream.indirect.gather [hbm4b:s1+s24], $0x80, s2, s24, $0xb8;
	[tilespmem:$0x1F800] =	vst v63  }
0xa1: {  	_ =	swait.ge [sflag:s30], $0x4000  }
0xa2: {  	[sflag:s30] =	ssyncset.done $0x0  }
0xa3: {  	s6 =	rddreg [dreg:$0xb];
	[sflag:s30] =	ssyncadd.s32 $0xFFFFC000  }
0xa4: {  	[spmem:s3] =	stream.indirect.scatter.add.f32 [tilespmem:s25], [sflag:$0x4], $0x80, s6, s24, $0xb8;
	[tilespmem:$0x1F800] =	vst v63  }
0xa5: {  	v2 =	vld [tilespmem:$0x380];
	_ =	sdelay $0x7  }
0xa6: {  	[tilespmem:v2+s28+$0x0] =	vst.idx.add.f32.msk $0xffff, v1  }
0xa7: {  	v2 =	vld [tilespmem:$0x390];
	_ =	sdelay $0x7  }
0xa8: {  	[tilespmem:v2+s28+$0x0] =	vst.idx.add.f32.msk $0xffff, v1  }
0xa9: {  	v2 =	vld [tilespmem:$0x3A0];
	_ =	sdelay $0x7  }
0xaa: {  	[tilespmem:v2+s28+$0x0] =	vst.idx.add.f32.msk $0xffff, v1  }
0xab: {  	v2 =	vld [tilespmem:$0x3B0];
	_ =	sdelay $0x7  }
0xac: {  	[tilespmem:v2+s28+$0x0] =	vst.idx.add.f32.msk $0xffff, v1  }
0xad: {  	v2 =	vld [tilespmem:$0x3C0];
	_ =	sdelay $0x7  }
0xae: {  	[tilespmem:v2+s28+$0x0] =	vst.idx.add.f32.msk $0xffff, v1  }
0xaf: {  	v2 =	vld [tilespmem:$0x3D0];
	_ =	sdelay $0x7  }
0xb0: {  	[tilespmem:v2+s28+$0x0] =	vst.idx.add.f32.msk $0xffff, v1  }
0xb1: {  	v2 =	vld [tilespmem:$0x3E0];
	_ =	sdelay $0x7  }
0xb2: {  	[tilespmem:v2+s28+$0x0] =	vst.idx.add.f32.msk $0xffff, v1  }
0xb3: {  	v2 =	vld [tilespmem:$0x3F0];
	_ =	sdelay $0x7  }
0xb4: {  	[tilespmem:v2+s28+$0x0] =	vst.idx.add.f32.msk $0xffff, v1  }
0xb5: {  	_ =	swait.ge [sflag:s31], $0x4000  }
0xb6: {  	[sflag:s31] =	ssyncset.done $0x0  }
0xb7: {  	s6 =	rddreg [dreg:$0xc];
	[sflag:s31] =	ssyncadd.s32 $0xFFFFC000  }
0xb8: {  	[tilespmem:s25], [sflag:$0x2] =	stream.indirect.gather [hbm4b:s1+s24], $0x80, s6, s24, $0xb8;
	[tilespmem:$0x1F800] =	vst v63  }
0xb9: {  	_ =	swait.ge [sflag:s26], $0x4000  }
0xba: {  	[sflag:s26] =	ssyncset.done $0x0  }
0xbb: {  	s6 =	rddreg [dreg:$0xd];
	[sflag:s26] =	ssyncadd.s32 $0xFFFFC000  }
0xbc: {  	[spmem:s3] =	stream.indirect.scatter.add.f32 [tilespmem:s22], [sflag:$0x3], $0x80, s6, s24, $0xb8;
	[tilespmem:$0x1F800] =	vst v63  }
0xbd: {  	v2 =	vld [tilespmem:$0x480];
	_ =	sdelay $0x7  }
0xbe: {  	[tilespmem:v2+s28+$0x0] =	vst.idx.add.f32.msk $0xffff, v1  }
0xbf: {  	v2 =	vld [tilespmem:$0x490];
	_ =	sdelay $0x7  }
0xc0: {  	[tilespmem:v2+s28+$0x0] =	vst.idx.add.f32.msk $0xffff, v1  }
0xc1: {  	v2 =	vld [tilespmem:$0x4A0];
	_ =	sdelay $0x7  }
0xc2: {  	[tilespmem:v2+s28+$0x0] =	vst.idx.add.f32.msk $0xffff, v1  }
0xc3: {  	v2 =	vld [tilespmem:$0x4B0];
	_ =	sdelay $0x7  }
0xc4: {  	[tilespmem:v2+s28+$0x0] =	vst.idx.add.f32.msk $0xffff, v1  }
0xc5: {  	v2 =	vld [tilespmem:$0x4C0];
	_ =	sdelay $0x7  }
0xc6: {  	[tilespmem:v2+s28+$0x0] =	vst.idx.add.f32.msk $0xffff, v1  }
0xc7: {  	v2 =	vld [tilespmem:$0x4D0];
	_ =	sdelay $0x7  }
0xc8: {  	[tilespmem:v2+s28+$0x0] =	vst.idx.add.f32.msk $0xffff, v1  }
0xc9: {  	v2 =	vld [tilespmem:$0x4E0];
	_ =	sdelay $0x7  }
0xca: {  	[tilespmem:v2+s28+$0x0] =	vst.idx.add.f32.msk $0xffff, v1  }
0xcb: {  	v2 =	vld [tilespmem:$0x4F0];
	_ =	sdelay $0x7  }
0xcc: {  	[tilespmem:v2+s28+$0x0] =	vst.idx.add.f32.msk $0xffff, v1  }
0xcd: {  	_ =	swait.ge [sflag:s29], $0x4000  }
0xce: {  	[sflag:s29] =	ssyncset.done $0x0  }
0xcf: {  	s6 =	rddreg [dreg:$0xe];
	[sflag:s29] =	ssyncadd.s32 $0xFFFFC000  }
0xd0: {  	[tilespmem:s22], [sflag:$0x1] =	stream.indirect.gather [hbm4b:s1+s24], $0x80, s6, s24, $0xb8;
	[tilespmem:$0x1F800] =	vst v63  }
0xd1: {  	_ =	swait.ge [sflag:s30], $0x4000  }
0xd2: {  	[sflag:s30] =	ssyncset.done $0x0  }
0xd3: {  	s6 =	rddreg [dreg:$0xf];
	[sflag:s30] =	ssyncadd.s32 $0xFFFFC000  }
0xd4: {  	[spmem:s3] =	stream.indirect.scatter.add.f32 [tilespmem:s25], [sflag:$0x4], $0x80, s6, s24, $0xb8;
	[tilespmem:$0x1F800] =	vst v63  }
0xd5: {  	v2 =	vld [tilespmem:$0x580];
	_ =	sdelay $0x7  }
0xd6: {  	[tilespmem:v2+s28+$0x0] =	vst.idx.add.f32.msk $0xffff, v1  }
0xd7: {  	v2 =	vld [tilespmem:$0x590];
	_ =	sdelay $0x7  }
0xd8: {  	[tilespmem:v2+s28+$0x0] =	vst.idx.add.f32.msk $0xffff, v1  }
0xd9: {  	v2 =	vld [tilespmem:$0x5A0];
	_ =	sdelay $0x7  }
0xda: {  	[tilespmem:v2+s28+$0x0] =	vst.idx.add.f32.msk $0xffff, v1  }
0xdb: {  	v2 =	vld [tilespmem:$0x5B0];
	_ =	sdelay $0x7  }
0xdc: {  	[tilespmem:v2+s28+$0x0] =	vst.idx.add.f32.msk $0xffff, v1  }
0xdd: {  	v2 =	vld [tilespmem:$0x5C0];
	_ =	sdelay $0x7  }
0xde: {  	[tilespmem:v2+s28+$0x0] =	vst.idx.add.f32.msk $0xffff, v1  }
0xdf: {  	v2 =	vld [tilespmem:$0x5D0];
	_ =	sdelay $0x7  }
0xe0: {  	[tilespmem:v2+s28+$0x0] =	vst.idx.add.f32.msk $0xffff, v1  }
0xe1: {  	v2 =	vld [tilespmem:$0x5E0];
	_ =	sdelay $0x7  }
0xe2: {  	[tilespmem:v2+s28+$0x0] =	vst.idx.add.f32.msk $0xffff, v1  }
0xe3: {  	v2 =	vld [tilespmem:$0x5F0];
	_ =	sdelay $0x7  }
0xe4: {  	[tilespmem:v2+s28+$0x0] =	vst.idx.add.f32.msk $0xffff, v1  }
0xe5: {  	_ =	swait.ge [sflag:s31], $0x4000  }
0xe6: {  	[sflag:s31] =	ssyncset.done $0x0  }
0xe7: {  	s6 =	rddreg [dreg:$0x10];
	[sflag:s31] =	ssyncadd.s32 $0xFFFFC000  }
0xe8: {  	[tilespmem:s25], [sflag:$0x2] =	stream.indirect.gather [hbm4b:s1+s24], $0x80, s6, s24, $0xb8;
	[tilespmem:$0x1F800] =	vst v63  }
0xe9: {  	_ =	swait.ge [sflag:s26], $0x4000  }
0xea: {  	[sflag:s26] =	ssyncset.done $0x0  }
0xeb: {  	s6 =	rddreg [dreg:$0x11];
	[sflag:s26] =	ssyncadd.s32 $0xFFFFC000  }
0xec: {  	[spmem:s3] =	stream.indirect.scatter.add.f32 [tilespmem:s22], [sflag:$0x3], $0x80, s6, s24, $0xb8;
	[tilespmem:$0x1F800] =	vst v63  }
0xed: {  	v2 =	vld [tilespmem:$0x680];
	_ =	sdelay $0x7  }
0xee: {  	[tilespmem:v2+s28+$0x0] =	vst.idx.add.f32.msk $0xffff, v1  }
0xef: {  	v2 =	vld [tilespmem:$0x690];
	_ =	sdelay $0x7  }
0xf0: {  	[tilespmem:v2+s28+$0x0] =	vst.idx.add.f32.msk $0xffff, v1  }
0xf1: {  	v2 =	vld [tilespmem:$0x6A0];
	_ =	sdelay $0x7  }
0xf2: {  	[tilespmem:v2+s28+$0x0] =	vst.idx.add.f32.msk $0xffff, v1  }
0xf3: {  	v2 =	vld [tilespmem:$0x6B0];
	_ =	sdelay $0x7  }
0xf4: {  	[tilespmem:v2+s28+$0x0] =	vst.idx.add.f32.msk $0xffff, v1  }
0xf5: {  	v2 =	vld [tilespmem:$0x6C0];
	_ =	sdelay $0x7  }
0xf6: {  	[tilespmem:v2+s28+$0x0] =	vst.idx.add.f32.msk $0xffff, v1  }
0xf7: {  	v2 =	vld [tilespmem:$0x6D0];
	_ =	sdelay $0x7  }
0xf8: {  	[tilespmem:v2+s28+$0x0] =	vst.idx.add.f32.msk $0xffff, v1  }
0xf9: {  	v2 =	vld [tilespmem:$0x6E0];
	_ =	sdelay $0x7  }
0xfa: {  	[tilespmem:v2+s28+$0x0] =	vst.idx.add.f32.msk $0xffff, v1  }
0xfb: {  	v2 =	vld [tilespmem:$0x6F0];
	_ =	sdelay $0x7  }
0xfc: {  	[tilespmem:v2+s28+$0x0] =	vst.idx.add.f32.msk $0xffff, v1  }
0xfd: {  	_ =	swait.ge [sflag:s29], $0x4000  }
0xfe: {  	[sflag:s29] =	ssyncset.done $0x0  }
0xff: {  	s6 =	rddreg [dreg:$0x12];
	[sflag:s29] =	ssyncadd.s32 $0xFFFFC000  }
0x100: {  	[tilespmem:s22], [sflag:$0x1] =	stream.indirect.gather [hbm4b:s1+s24], $0x80, s6, s24, $0xb8;
	[tilespmem:$0x1F800] =	vst v63  }
0x101: {  	_ =	swait.ge [sflag:s30], $0x4000  }
0x102: {  	[sflag:s30] =	ssyncset.done $0x0  }
0x103: {  	s6 =	rddreg [dreg:$0x13];
	[sflag:s30] =	ssyncadd.s32 $0xFFFFC000  }
0x104: {  	[spmem:s3] =	stream.indirect.scatter.add.f32 [tilespmem:s25], [sflag:$0x4], $0x80, s6, s24, $0xb8;
	[tilespmem:$0x1F800] =	vst v63  }
0x105: {  	v2 =	vld [tilespmem:$0x780];
	_ =	sdelay $0x7  }
0x106: {  	[tilespmem:v2+s28+$0x0] =	vst.idx.add.f32.msk $0xffff, v1  }
0x107: {  	v2 =	vld [tilespmem:$0x790];
	_ =	sdelay $0x7  }
0x108: {  	[tilespmem:v2+s28+$0x0] =	vst.idx.add.f32.msk $0xffff, v1  }
0x109: {  	v2 =	vld [tilespmem:$0x7A0];
	_ =	sdelay $0x7  }
0x10a: {  	[tilespmem:v2+s28+$0x0] =	vst.idx.add.f32.msk $0xffff, v1  }
0x10b: {  	v2 =	vld [tilespmem:$0x7B0];
	_ =	sdelay $0x7  }
0x10c: {  	[tilespmem:v2+s28+$0x0] =	vst.idx.add.f32.msk $0xffff, v1  }
0x10d: {  	v2 =	vld [tilespmem:$0x7C0];
	_ =	sdelay $0x7  }
0x10e: {  	[tilespmem:v2+s28+$0x0] =	vst.idx.add.f32.msk $0xffff, v1  }
0x10f: {  	v2 =	vld [tilespmem:$0x7D0];
	_ =	sdelay $0x7  }
0x110: {  	[tilespmem:v2+s28+$0x0] =	vst.idx.add.f32.msk $0xffff, v1  }
0x111: {  	v2 =	vld [tilespmem:$0x7E0];
	_ =	sdelay $0x7  }
0x112: {  	[tilespmem:v2+s28+$0x0] =	vst.idx.add.f32.msk $0xffff, v1  }
0x113: {  	v2 =	vld [tilespmem:$0x7F0];
	_ =	sdelay $0x7  }
0x114: {  	[tilespmem:v2+s28+$0x0] =	vst.idx.add.f32.msk $0xffff, v1  }
0x115: {  	_ =	swait.ge [sflag:s31], $0x4000  }
0x116: {  	[sflag:s31] =	ssyncset.done $0x0  }
0x117: {  	[sflag:s31] =	ssyncadd.s32 $0xFFFFC000  }
0x118: {  	[tilespmem:s25], [sflag:$0x2] =	stream.indirect.gather [hbm4b:s1+s24], $0x80, s0, s24, $0xb8;
	[tilespmem:$0x1F800] =	vst v63  }
0x119: {  	_ =	swait.ge [sflag:s26], $0x4000  }
0x11a: {  	[sflag:s26] =	ssyncset.done $0x0  }
0x11b: {  	[sflag:s26] =	ssyncadd.s32 $0xFFFFC000  }
0x11c: {  	[spmem:s3] =	stream.indirect.scatter.add.f32 [tilespmem:s22], [sflag:$0x3], $0x80, s5, s24, $0xb8;
	[tilespmem:$0x1F800] =	vst v63  }
0x11d: {  	v2 =	vld [tilespmem:$0x880];
	_ =	sdelay $0x7  }
0x11e: {  	[tilespmem:v2+s28+$0x0] =	vst.idx.add.f32.msk $0xffff, v1  }
0x11f: {  	v2 =	vld [tilespmem:$0x890];
	_ =	sdelay $0x7  }
0x120: {  	[tilespmem:v2+s28+$0x0] =	vst.idx.add.f32.msk $0xffff, v1  }
0x121: {  	v2 =	vld [tilespmem:$0x8A0];
	_ =	sdelay $0x7  }
0x122: {  	[tilespmem:v2+s28+$0x0] =	vst.idx.add.f32.msk $0xffff, v1  }
0x123: {  	v2 =	vld [tilespmem:$0x8B0];
	_ =	sdelay $0x7  }
0x124: {  	[tilespmem:v2+s28+$0x0] =	vst.idx.add.f32.msk $0xffff, v1  }
0x125: {  	v2 =	vld [tilespmem:$0x8C0];
	_ =	sdelay $0x7  }
0x126: {  	[tilespmem:v2+s28+$0x0] =	vst.idx.add.f32.msk $0xffff, v1  }
0x127: {  	v2 =	vld [tilespmem:$0x8D0];
	_ =	sdelay $0x7  }
0x128: {  	[tilespmem:v2+s28+$0x0] =	vst.idx.add.f32.msk $0xffff, v1  }
0x129: {  	v2 =	vld [tilespmem:$0x8E0];
	_ =	sdelay $0x7  }
0x12a: {  	[tilespmem:v2+s28+$0x0] =	vst.idx.add.f32.msk $0xffff, v1  }
0x12b: {  	v2 =	vld [tilespmem:$0x8F0];
	_ =	sdelay $0x7  }
0x12c: {  	[tilespmem:v2+s28+$0x0] =	vst.idx.add.f32.msk $0xffff, v1  }
0x12d: {  	_ =	swait.ge [sflag:s29], $0x4000  }
0x12e: {  	[sflag:s29] =	ssyncset.done $0x0  }
0x12f: {  	[sflag:s29] =	ssyncadd.s32 $0xFFFFC000  }
0x130: {  	[tilespmem:s22], [sflag:$0x1] =	stream.indirect.gather [hbm4b:s1+s24], $0x80, s7, s24, $0xb8;
	[tilespmem:$0x1F800] =	vst v63  }
0x131: {  	_ =	swait.ge [sflag:s30], $0x4000  }
0x132: {  	[sflag:s30] =	ssyncset.done $0x0  }
0x133: {  	[sflag:s30] =	ssyncadd.s32 $0xFFFFC000  }
0x134: {  	[spmem:s3] =	stream.indirect.scatter.add.f32 [tilespmem:s25], [sflag:$0x4], $0x80, s8, s24, $0xb8;
	[tilespmem:$0x1F800] =	vst v63  }
0x135: {  	v2 =	vld [tilespmem:$0x980];
	_ =	sdelay $0x7  }
0x136: {  	[tilespmem:v2+s28+$0x0] =	vst.idx.add.f32.msk $0xffff, v1  }
0x137: {  	v2 =	vld [tilespmem:$0x990];
	_ =	sdelay $0x7  }
0x138: {  	[tilespmem:v2+s28+$0x0] =	vst.idx.add.f32.msk $0xffff, v1  }
0x139: {  	v2 =	vld [tilespmem:$0x9A0];
	_ =	sdelay $0x7  }
0x13a: {  	[tilespmem:v2+s28+$0x0] =	vst.idx.add.f32.msk $0xffff, v1  }
0x13b: {  	v2 =	vld [tilespmem:$0x9B0];
	_ =	sdelay $0x7  }
0x13c: {  	[tilespmem:v2+s28+$0x0] =	vst.idx.add.f32.msk $0xffff, v1  }
0x13d: {  	v2 =	vld [tilespmem:$0x9C0];
	_ =	sdelay $0x7  }
0x13e: {  	[tilespmem:v2+s28+$0x0] =	vst.idx.add.f32.msk $0xffff, v1  }
0x13f: {  	v2 =	vld [tilespmem:$0x9D0];
	_ =	sdelay $0x7  }
0x140: {  	[tilespmem:v2+s28+$0x0] =	vst.idx.add.f32.msk $0xffff, v1  }
0x141: {  	v2 =	vld [tilespmem:$0x9E0];
	_ =	sdelay $0x7  }
0x142: {  	[tilespmem:v2+s28+$0x0] =	vst.idx.add.f32.msk $0xffff, v1  }
0x143: {  	v2 =	vld [tilespmem:$0x9F0];
	_ =	sdelay $0x7  }
0x144: {  	[tilespmem:v2+s28+$0x0] =	vst.idx.add.f32.msk $0xffff, v1  }
0x145: {  	_ =	swait.ge [sflag:s31], $0x4000  }
0x146: {  	[sflag:s31] =	ssyncset.done $0x0  }
0x147: {  	[sflag:s31] =	ssyncadd.s32 $0xFFFFC000  }
0x148: {  	[tilespmem:s25], [sflag:$0x2] =	stream.indirect.gather [hbm4b:s1+s24], $0x80, s9, s24, $0xb8;
	[tilespmem:$0x1F800] =	vst v63  }
0x149: {  	_ =	swait.ge [sflag:s26], $0x4000  }
0x14a: {  	[sflag:s26] =	ssyncset.done $0x0  }
0x14b: {  	[sflag:s26] =	ssyncadd.s32 $0xFFFFC000  }
0x14c: {  	[spmem:s3] =	stream.indirect.scatter.add.f32 [tilespmem:s22], [sflag:$0x3], $0x80, s10, s24, $0xb8;
	[tilespmem:$0x1F800] =	vst v63  }
0x14d: {  	v2 =	vld [tilespmem:$0xA80];
	_ =	sdelay $0x7  }
0x14e: {  	[tilespmem:v2+s28+$0x0] =	vst.idx.add.f32.msk $0xffff, v1  }
0x14f: {  	v2 =	vld [tilespmem:$0xA90];
	_ =	sdelay $0x7  }
0x150: {  	[tilespmem:v2+s28+$0x0] =	vst.idx.add.f32.msk $0xffff, v1  }
0x151: {  	v2 =	vld [tilespmem:$0xAA0];
	_ =	sdelay $0x7  }
0x152: {  	[tilespmem:v2+s28+$0x0] =	vst.idx.add.f32.msk $0xffff, v1  }
0x153: {  	v2 =	vld [tilespmem:$0xAB0];
	_ =	sdelay $0x7  }
0x154: {  	[tilespmem:v2+s28+$0x0] =	vst.idx.add.f32.msk $0xffff, v1  }
0x155: {  	v2 =	vld [tilespmem:$0xAC0];
	_ =	sdelay $0x7  }
0x156: {  	[tilespmem:v2+s28+$0x0] =	vst.idx.add.f32.msk $0xffff, v1  }
0x157: {  	v2 =	vld [tilespmem:$0xAD0];
	_ =	sdelay $0x7  }
0x158: {  	[tilespmem:v2+s28+$0x0] =	vst.idx.add.f32.msk $0xffff, v1  }
0x159: {  	v2 =	vld [tilespmem:$0xAE0];
	_ =	sdelay $0x7  }
0x15a: {  	[tilespmem:v2+s28+$0x0] =	vst.idx.add.f32.msk $0xffff, v1  }
0x15b: {  	v2 =	vld [tilespmem:$0xAF0];
	_ =	sdelay $0x7  }
0x15c: {  	[tilespmem:v2+s28+$0x0] =	vst.idx.add.f32.msk $0xffff, v1  }
0x15d: {  	_ =	swait.ge [sflag:s29], $0x4000  }
0x15e: {  	[sflag:s29] =	ssyncset.done $0x0  }
0x15f: {  	[sflag:s29] =	ssyncadd.s32 $0xFFFFC000  }
0x160: {  	[tilespmem:s22], [sflag:$0x1] =	stream.indirect.gather [hbm4b:s1+s24], $0x80, s11, s24, $0xb8;
	[tilespmem:$0x1F800] =	vst v63  }
0x161: {  	_ =	swait.ge [sflag:s30], $0x4000  }
0x162: {  	[sflag:s30] =	ssyncset.done $0x0  }
0x163: {  	[sflag:s30] =	ssyncadd.s32 $0xFFFFC000  }
0x164: {  	[spmem:s3] =	stream.indirect.scatter.add.f32 [tilespmem:s25], [sflag:$0x4], $0x80, s12, s24, $0xb8;
	[tilespmem:$0x1F800] =	vst v63  }
0x165: {  	v2 =	vld [tilespmem:$0xB80];
	_ =	sdelay $0x7  }
0x166: {  	[tilespmem:v2+s28+$0x0] =	vst.idx.add.f32.msk $0xffff, v1  }
0x167: {  	v2 =	vld [tilespmem:$0xB90];
	_ =	sdelay $0x7  }
0x168: {  	[tilespmem:v2+s28+$0x0] =	vst.idx.add.f32.msk $0xffff, v1  }
0x169: {  	v2 =	vld [tilespmem:$0xBA0];
	_ =	sdelay $0x7  }
0x16a: {  	[tilespmem:v2+s28+$0x0] =	vst.idx.add.f32.msk $0xffff, v1  }
0x16b: {  	v2 =	vld [tilespmem:$0xBB0];
	_ =	sdelay $0x7  }
0x16c: {  	[tilespmem:v2+s28+$0x0] =	vst.idx.add.f32.msk $0xffff, v1  }
0x16d: {  	v2 =	vld [tilespmem:$0xBC0];
	_ =	sdelay $0x7  }
0x16e: {  	[tilespmem:v2+s28+$0x0] =	vst.idx.add.f32.msk $0xffff, v1  }
0x16f: {  	v2 =	vld [tilespmem:$0xBD0];
	_ =	sdelay $0x7  }
0x170: {  	[tilespmem:v2+s28+$0x0] =	vst.idx.add.f32.msk $0xffff, v1  }
0x171: {  	v2 =	vld [tilespmem:$0xBE0];
	_ =	sdelay $0x7  }
0x172: {  	[tilespmem:v2+s28+$0x0] =	vst.idx.add.f32.msk $0xffff, v1  }
0x173: {  	v2 =	vld [tilespmem:$0xBF0];
	_ =	sdelay $0x7  }
0x174: {  	[tilespmem:v2+s28+$0x0] =	vst.idx.add.f32.msk $0xffff, v1  }
0x175: {  	_ =	swait.ge [sflag:s31], $0x4000  }
0x176: {  	[sflag:s31] =	ssyncset.done $0x0  }
0x177: {  	[sflag:s31] =	ssyncadd.s32 $0xFFFFC000  }
0x178: {  	[tilespmem:s25], [sflag:$0x2] =	stream.indirect.gather [hbm4b:s1+s24], $0x80, s13, s24, $0xb8;
	[tilespmem:$0x1F800] =	vst v63  }
0x179: {  	_ =	swait.ge [sflag:s26], $0x4000  }
0x17a: {  	[sflag:s26] =	ssyncset.done $0x0  }
0x17b: {  	[sflag:s26] =	ssyncadd.s32 $0xFFFFC000  }
0x17c: {  	[spmem:s3] =	stream.indirect.scatter.add.f32 [tilespmem:s22], [sflag:$0x3], $0x80, s14, s24, $0xb8;
	[tilespmem:$0x1F800] =	vst v63  }
0x17d: {  	v2 =	vld [tilespmem:$0xC80];
	_ =	sdelay $0x7  }
0x17e: {  	[tilespmem:v2+s28+$0x0] =	vst.idx.add.f32.msk $0xffff, v1  }
0x17f: {  	v2 =	vld [tilespmem:$0xC90];
	_ =	sdelay $0x7  }
0x180: {  	[tilespmem:v2+s28+$0x0] =	vst.idx.add.f32.msk $0xffff, v1  }
0x181: {  	v2 =	vld [tilespmem:$0xCA0];
	_ =	sdelay $0x7  }
0x182: {  	[tilespmem:v2+s28+$0x0] =	vst.idx.add.f32.msk $0xffff, v1  }
0x183: {  	v2 =	vld [tilespmem:$0xCB0];
	_ =	sdelay $0x7  }
0x184: {  	[tilespmem:v2+s28+$0x0] =	vst.idx.add.f32.msk $0xffff, v1  }
0x185: {  	v2 =	vld [tilespmem:$0xCC0];
	_ =	sdelay $0x7  }
0x186: {  	[tilespmem:v2+s28+$0x0] =	vst.idx.add.f32.msk $0xffff, v1  }
0x187: {  	v2 =	vld [tilespmem:$0xCD0];
	_ =	sdelay $0x7  }
0x188: {  	[tilespmem:v2+s28+$0x0] =	vst.idx.add.f32.msk $0xffff, v1  }
0x189: {  	v2 =	vld [tilespmem:$0xCE0];
	_ =	sdelay $0x7  }
0x18a: {  	[tilespmem:v2+s28+$0x0] =	vst.idx.add.f32.msk $0xffff, v1  }
0x18b: {  	v2 =	vld [tilespmem:$0xCF0];
	_ =	sdelay $0x7  }
0x18c: {  	[tilespmem:v2+s28+$0x0] =	vst.idx.add.f32.msk $0xffff, v1  }
0x18d: {  	_ =	swait.ge [sflag:s29], $0x4000  }
0x18e: {  	[sflag:s29] =	ssyncset.done $0x0  }
0x18f: {  	[sflag:s29] =	ssyncadd.s32 $0xFFFFC000  }
0x190: {  	[tilespmem:s22], [sflag:$0x1] =	stream.indirect.gather [hbm4b:s1+s24], $0x80, s15, s24, $0xb8;
	[tilespmem:$0x1F800] =	vst v63  }
0x191: {  	_ =	swait.ge [sflag:s30], $0x4000  }
0x192: {  	[sflag:s30] =	ssyncset.done $0x0  }
0x193: {  	[sflag:s30] =	ssyncadd.s32 $0xFFFFC000  }
0x194: {  	[spmem:s3] =	stream.indirect.scatter.add.f32 [tilespmem:s25], [sflag:$0x4], $0x80, s16, s24, $0xb8;
	[tilespmem:$0x1F800] =	vst v63  }
0x195: {  	v2 =	vld [tilespmem:$0xD80];
	_ =	sdelay $0x7  }
0x196: {  	[tilespmem:v2+s28+$0x0] =	vst.idx.add.f32.msk $0xffff, v1  }
0x197: {  	v2 =	vld [tilespmem:$0xD90];
	_ =	sdelay $0x7  }
0x198: {  	[tilespmem:v2+s28+$0x0] =	vst.idx.add.f32.msk $0xffff, v1  }
0x199: {  	v2 =	vld [tilespmem:$0xDA0];
	_ =	sdelay $0x7  }
0x19a: {  	[tilespmem:v2+s28+$0x0] =	vst.idx.add.f32.msk $0xffff, v1  }
0x19b: {  	v2 =	vld [tilespmem:$0xDB0];
	_ =	sdelay $0x7  }
0x19c: {  	[tilespmem:v2+s28+$0x0] =	vst.idx.add.f32.msk $0xffff, v1  }
0x19d: {  	v2 =	vld [tilespmem:$0xDC0];
	_ =	sdelay $0x7  }
0x19e: {  	[tilespmem:v2+s28+$0x0] =	vst.idx.add.f32.msk $0xffff, v1  }
0x19f: {  	v2 =	vld [tilespmem:$0xDD0];
	_ =	sdelay $0x7  }
0x1a0: {  	[tilespmem:v2+s28+$0x0] =	vst.idx.add.f32.msk $0xffff, v1  }
0x1a1: {  	v2 =	vld [tilespmem:$0xDE0];
	_ =	sdelay $0x7  }
0x1a2: {  	[tilespmem:v2+s28+$0x0] =	vst.idx.add.f32.msk $0xffff, v1  }
0x1a3: {  	v2 =	vld [tilespmem:$0xDF0];
	_ =	sdelay $0x7  }
0x1a4: {  	[tilespmem:v2+s28+$0x0] =	vst.idx.add.f32.msk $0xffff, v1  }
0x1a5: {  	_ =	swait.ge [sflag:s31], $0x4000  }
0x1a6: {  	[sflag:s31] =	ssyncset.done $0x0  }
0x1a7: {  	[sflag:s31] =	ssyncadd.s32 $0xFFFFC000  }
0x1a8: {  	[tilespmem:s25], [sflag:$0x2] =	stream.indirect.gather [hbm4b:s1+s24], $0x80, s17, s24, $0xb8;
	[tilespmem:$0x1F800] =	vst v63  }
0x1a9: {  	_ =	swait.ge [sflag:s26], $0x4000  }
0x1aa: {  	[sflag:s26] =	ssyncset.done $0x0  }
0x1ab: {  	[sflag:s26] =	ssyncadd.s32 $0xFFFFC000  }
0x1ac: {  	[spmem:s3] =	stream.indirect.scatter.add.f32 [tilespmem:s22], [sflag:$0x3], $0x80, s18, s24, $0xb8;
	[tilespmem:$0x1F800] =	vst v63  }
0x1ad: {  	v2 =	vld [tilespmem:$0xE80];
	_ =	sdelay $0x7  }
0x1ae: {  	[tilespmem:v2+s28+$0x0] =	vst.idx.add.f32.msk $0xffff, v1  }
0x1af: {  	v2 =	vld [tilespmem:$0xE90];
	_ =	sdelay $0x7  }
0x1b0: {  	[tilespmem:v2+s28+$0x0] =	vst.idx.add.f32.msk $0xffff, v1  }
0x1b1: {  	v2 =	vld [tilespmem:$0xEA0];
	_ =	sdelay $0x7  }
0x1b2: {  	[tilespmem:v2+s28+$0x0] =	vst.idx.add.f32.msk $0xffff, v1  }
0x1b3: {  	v2 =	vld [tilespmem:$0xEB0];
	_ =	sdelay $0x7  }
0x1b4: {  	[tilespmem:v2+s28+$0x0] =	vst.idx.add.f32.msk $0xffff, v1  }
0x1b5: {  	v2 =	vld [tilespmem:$0xEC0];
	_ =	sdelay $0x7  }
0x1b6: {  	[tilespmem:v2+s28+$0x0] =	vst.idx.add.f32.msk $0xffff, v1  }
0x1b7: {  	v2 =	vld [tilespmem:$0xED0];
	_ =	sdelay $0x7  }
0x1b8: {  	[tilespmem:v2+s28+$0x0] =	vst.idx.add.f32.msk $0xffff, v1  }
0x1b9: {  	v2 =	vld [tilespmem:$0xEE0];
	_ =	sdelay $0x7  }
0x1ba: {  	[tilespmem:v2+s28+$0x0] =	vst.idx.add.f32.msk $0xffff, v1  }
0x1bb: {  	v2 =	vld [tilespmem:$0xEF0];
	_ =	sdelay $0x7  }
0x1bc: {  	[tilespmem:v2+s28+$0x0] =	vst.idx.add.f32.msk $0xffff, v1  }
0x1bd: {  	_ =	swait.ge [sflag:s30], $0x4000  }
0x1be: {  	[sflag:s30] =	ssyncset.done $0x0  }
0x1bf: {  	[sflag:s30] =	ssyncadd.s32 $0xFFFFC000  }
0x1c0: {  	[spmem:s3] =	stream.indirect.scatter.add.f32 [tilespmem:s25], [sflag:$0x4], $0x80, s19, s24, $0xb8;
	[tilespmem:$0x1F800] =	vst v63  }
0x1c1: {  	v2 =	vld [tilespmem:$0xF80];
	_ =	sdelay $0x7  }
0x1c2: {  	[tilespmem:v2+s28+$0x0] =	vst.idx.add.f32.msk $0xffff, v1  }
0x1c3: {  	v2 =	vld [tilespmem:$0xF90];
	_ =	sdelay $0x7  }
0x1c4: {  	[tilespmem:v2+s28+$0x0] =	vst.idx.add.f32.msk $0xffff, v1  }
0x1c5: {  	v2 =	vld [tilespmem:$0xFA0];
	_ =	sdelay $0x7  }
0x1c6: {  	[tilespmem:v2+s28+$0x0] =	vst.idx.add.f32.msk $0xffff, v1  }
0x1c7: {  	v2 =	vld [tilespmem:$0xFB0];
	_ =	sdelay $0x7  }
0x1c8: {  	[tilespmem:v2+s28+$0x0] =	vst.idx.add.f32.msk $0xffff, v1  }
0x1c9: {  	v2 =	vld [tilespmem:$0xFC0];
	_ =	sdelay $0x7  }
0x1ca: {  	[tilespmem:v2+s28+$0x0] =	vst.idx.add.f32.msk $0xffff, v1  }
0x1cb: {  	v2 =	vld [tilespmem:$0xFD0];
	_ =	sdelay $0x7  }
0x1cc: {  	[tilespmem:v2+s28+$0x0] =	vst.idx.add.f32.msk $0xffff, v1  }
0x1cd: {  	v2 =	vld [tilespmem:$0xFE0];
	_ =	sdelay $0x7  }
0x1ce: {  	[tilespmem:v2+s28+$0x0] =	vst.idx.add.f32.msk $0xffff, v1  }
0x1cf: {  	v2 =	vld [tilespmem:$0xFF0];
	_ =	sdelay $0x7  }
0x1d0: {  	[tilespmem:v2+s28+$0x0] =	vst.idx.add.f32.msk $0xffff, v1  }
0x1d1: {  	p0 =	sne.s32 s21, $0x800;
	_ =	swait.ge [sflag:s29], $0x4000  }
.Ltmp1:
0x1d2: {  	[sflag:s29] =	ssyncset.done $0x0;
	(pc) =	sbr.rel @p0 .LBB2_4-.Ltmp1, $4  }
0x1d3: {  	[sflag:s29] =	ssyncadd.s32 $0xFFFFC000  }
0x1d4: {  	_ =	swait.ge [sflag:s31], $0x4000  }
0x1d5: {  	[sflag:s31] =	ssyncset.done $0x0  }
0x1d6: {  	s21 =	sadd.s32 $0x200, s21;
	[sflag:s31] =	ssyncadd.s32 $0xFFFFC000  }
0x1d7: {  	[bflag:$0x0] =	sbarrier.arrive $0xFFFF  }
0x1d8: {  	s21 =	rddreg [dreg:$0x15]  }
0x1d9: {  	[tilespmem:s22], [sflag:$0x5] =	stream.linear.gather [spmem:s21], $0x4000, $0x38;
	[tilespmem:$0x1F800] =	vst v63  }
0x1da: {  	_ =	swait.ge [sflag:s23], $0x4000  }
0x1db: {  	[sflag:s23] =	ssyncset.done $0x0  }
0x1dc: {  	s6 =	rddreg [dreg:$0x1c];
	[sflag:s23] =	ssyncadd.s32 $0xFFFFC000  }
0x1dd: {  	[hbm4b:s6+s4] =	stream.linear.scatter [tilespmem:s22], [sflag:$0x5], $0x4000, $0x38;
	[tilespmem:$0x1F800] =	vst v63  }
0x1de: {  	_ =	swait.ge [sflag:s23], $0x4000  }
0x1df: {  	[sflag:s23] =	ssyncset.done $0x0  }
0x1e0: {  	s6 =	rddreg [dreg:$0x1d];
	[sflag:s23] =	ssyncadd.s32 $0xFFFFC000  }
0x1e1: {  	[tilespmem:s22], [sflag:$0x5] =	stream.linear.gather [spmem:s6], $0x4000, $0x38;
	[tilespmem:$0x1F800] =	vst v63  }
0x1e2: {  	_ =	swait.ge [sflag:s23], $0x4000  }
0x1e3: {  	[sflag:s23] =	ssyncset.done $0x0  }
0x1e4: {  	s6 =	rddreg [dreg:$0x1e];
	[sflag:s23] =	ssyncadd.s32 $0xFFFFC000  }
0x1e5: {  	[hbm4b:s6+s4] =	stream.linear.scatter [tilespmem:s22], [sflag:$0x5], $0x4000, $0x38;
	[tilespmem:$0x1F800] =	vst v63  }
0x1e6: {  	_ =	swait.ge [sflag:s23], $0x4000  }
0x1e7: {  	[sflag:s23] =	ssyncset.done $0x0  }
0x1e8: {  	s6 =	rddreg [dreg:$0x1f];
	[sflag:s23] =	ssyncadd.s32 $0xFFFFC000  }
0x1e9: {  	[tilespmem:s22], [sflag:$0x5] =	stream.linear.gather [spmem:s6], $0x4000, $0x38;
	[tilespmem:$0x1F800] =	vst v63  }
0x1ea: {  	_ =	swait.ge [sflag:s23], $0x4000  }
0x1eb: {  	s6 =	sld [smem:$0x7F9]  }
0x1ec: {  	[sflag:s23] =	ssyncset.done $0x0  }
0x1ed: {  	[sflag:s23] =	ssyncadd.s32 $0xFFFFC000  }
0x1ee: {  	[hbm4b:s6+s4] =	stream.linear.scatter [tilespmem:s22], [sflag:$0x5], $0x4000, $0x38;
	[tilespmem:$0x1F800] =	vst v63  }
0x1ef: {  	_ =	swait.ge [sflag:s23], $0x4000  }
0x1f0: {  	s6 =	sld [smem:$0x7FA]  }
0x1f1: {  	[sflag:s23] =	ssyncset.done $0x0  }
0x1f2: {  	[sflag:s23] =	ssyncadd.s32 $0xFFFFC000  }
0x1f3: {  	[tilespmem:s22], [sflag:$0x5] =	stream.linear.gather [spmem:s6], $0x4000, $0x38;
	[tilespmem:$0x1F800] =	vst v63  }
0x1f4: {  	_ =	swait.ge [sflag:s23], $0x4000  }
0x1f5: {  	s6 =	sld [smem:$0x7FB]  }
0x1f6: {  	[sflag:s23] =	ssyncset.done $0x0  }
0x1f7: {  	[sflag:s23] =	ssyncadd.s32 $0xFFFFC000  }
0x1f8: {  	[hbm4b:s6+s4] =	stream.linear.scatter [tilespmem:s22], [sflag:$0x5], $0x4000, $0x38;
	[tilespmem:$0x1F800] =	vst v63  }
0x1f9: {  	_ =	swait.ge [sflag:s23], $0x4000  }
0x1fa: {  	s6 =	sld [smem:$0x7FC]  }
0x1fb: {  	[sflag:s23] =	ssyncset.done $0x0  }
0x1fc: {  	[sflag:s23] =	ssyncadd.s32 $0xFFFFC000  }
0x1fd: {  	[tilespmem:s22], [sflag:$0x5] =	stream.linear.gather [spmem:s6], $0x4000, $0x38;
	[tilespmem:$0x1F800] =	vst v63  }
0x1fe: {  	_ =	swait.ge [sflag:s23], $0x4000  }
0x1ff: {  	s6 =	sld [smem:$0x7FD]  }
0x200: {  	[sflag:s23] =	ssyncset.done $0x0  }
0x201: {  	[sflag:s23] =	ssyncadd.s32 $0xFFFFC000  }
0x202: {  	[hbm4b:s6+s4] =	stream.linear.scatter [tilespmem:s22], [sflag:$0x5], $0x4000, $0x38;
	[tilespmem:$0x1F800] =	vst v63  }
0x203: {  	_ =	swait.ge [sflag:s23], $0x4000  }
0x204: {  	[sflag:s23] =	ssyncset.done $0x0  }
0x205: {  	s6 =	rddreg [dreg:$0x16];
	[sflag:s23] =	ssyncadd.s32 $0xFFFFC000  }
0x206: {  	[hbm4b:s6+s24] =	stream.strided.scatter [tilespmem:s28], [sflag:$0x5], $0x2800, s2, s24, $0x38;
	[tilespmem:$0x1F800] =	vst v63  }
0x207: {  	_ =	swait.ge [sflag:s23], $0x2800  }
0x208: {  	s20 =	sadd.s32 $0x1, s20;
	s6 =	rddreg [dreg:$0x17]  }
0x209: {  	p0 =	sne.s32 s20, s6  }
.Ltmp2:
0x20a: {  	_ = 	snop;
	(pc) =	sbr.rel @p0 .LBB2_1-.Ltmp2, $3  }
0x20b: {  	_ =	sdelay $0x1  }
0x20c: {  	[sflag:s23] =	ssyncset.done $0x0  }
0x20d: {  	[sflag:s23] =	ssyncadd.s32 $0xFFFFD800  }
0x20e: {  	_ =	sfence.sel $0x180000  }
0x20f: {  	[bflag:$0x0] =	sbarrier.arrive $0xFFFF  }
0x210: {  	_ =	strace $0x90000047  }
0x211: {  	s0 =	stileid.u32;
	[bflag:$0x2] =	sbarrier.arrive $0xFFFF  }
0x212: {  	p0 =	sne.s32 s0, $0x0;
	s0 =	rddreg [dreg:$0x4]  }
0x213: {  	s0 =	sadd.s32 @!p0 $0x100000, s0  }
0x214: {  	[sflag:s0] =	ssyncadd.tile.s32 @!p0 $0x1;
	_ =	shalt  }
.Lfunc_end2:
_tile_overlayer_lowered:
.L_overlay_start_2:
0x215: {  	(tag) =	ssettag $0x2  }
0x216: {  	s0 =	rddreg [dreg:$0x0];
	s2 =	stileid.u32  }
0x217: {  	s1 =	rddreg [dreg:$0x1];
	p0 =	sne.s32 s2, $0x0  }
0x218: {  	s3 =	rddreg [dreg:$0x2];
	[bflag:$0x3] =	sbarrier.arrive $0xFFFF;
	s2 =	simm.s32 @!p0 $0x1C05  }
0x219: {  	[timem:s3], [sflag:s2] =	dma.local @!p0 [hbm:s0], s1  }
0x21a: {  	s0 =	simm.s32 @!p0 $0x5  }
0x21b: {  	_ =	swait.ge @!p0 [sflag:s0], s1  }
0x21c: {  	s1 =	ssub.s32 @!p0 $0x0, s1;
	[sflag:s0] =	ssyncset.done @!p0 $0x0  }
0x21d: {  	[sflag:s0] =	ssyncadd.s32 @!p0 s1  }
0x21e: {  	[bflag:$0x3] =	sbarrier.arrive $0xFFFF  }
0x21f: {  	_ =	shalt  }

// kernel: kernel.9.cloned.1.call-start
scs
__scs_entry_jumppad:
0x0: {  	(pc) =	sbr.rel $0x88, $3  }
0x1: {  	(tag) =	ssettag $0x0;
	lr =	simm.s32 $0x1  }
0x2: {  	[smem:$0x3F99] =	sst lr;
	_ =	strace $0xD0000000  }
0x3: {  	_ = 	snop  }
0x4: {  	_ = 	snop  }
0x5: {  	_ = 	snop  }
0x6: {  	_ = 	snop  }
0x7: {  	_ = 	snop  }
__scs_overlays_trampoline_lowered:
0x8: {  	[smem:$0x3FA8] =	sst s0  }
0x9: {  	[smem:$0x3FA9] =	sst s1  }
0xa: {  	[smem:$0x3FAA] =	sst s2  }
0xb: {  	[smem:$0x3FAB] =	sst s3  }
0xc: {  	[smem:$0x3FAC] =	sst s4  }
0xd: {  	[smem:$0x3FAD] =	sst s5  }
0xe: {  	[smem:$0x3FAE] =	sst s6  }
0xf: {  	[smem:$0x3FAF] =	sst s7  }
0x10: {  	[smem:$0x3FB0] =	sst s8  }
0x11: {  	[smem:$0x3FB1] =	sst s9;
	s0 =	simm.s32 @!p0 $0x0  }
0x12: {  	s1 =	sld [smem:$0x3F97];
	s0 =	simm.s32 @p0 $0x1  }
0x13: {  	[smem:$0x3FB2] =	sst s0;
	s0 =	simm.s32 @!p1 $0x0  }
0x14: {  	s2 =	sld [smem:$0x3F96];
	s0 =	simm.s32 @p1 $0x1  }
0x15: {  	[smem:$0x3FB3] =	sst s0;
	s0 =	simm.s32 @!p2 $0x0  }
0x16: {  	s3 =	sld [smem:$0x3FDB];
	s0 =	simm.s32 @p2 $0x1  }
0x17: {  	s4 =	simm.s32 $0x1BF5;
	[smem:$0x3FB5] =	sst s0  }
0x18: {  	s0 =	sld [smem:$0x3F98];
	_ =	swait.ge [sflag:s4], $0x0  }
0x19: {  	s7 =	sld [smem:$0x3F99]  }
0x1a: {  	s8 =	sadd.s32 $0xFFFFE003, lr  }
0x1b: {  	s9 =	sadd.s32 $0xFFFFFEF7, lr;
	s5 =	simm.s32 $0xFFFFFFFF;
	p2 =	slt.u32 s8, $0xFFFFF086  }
0x1c: {  	p1 =	slt.u32 s9, $0xF7A;
	s5 =	simm.s32 @!p2 $0x0  }
0x1d: {  	s5 =	simm.s32 @p1 $0x1;
	p0 =	seq.s32 s7, s2  }
0x1e: {  	s7 =	smul.u32 @!p0 $0xF7A, s2;
	p2 =	seq.s32 @!p0 s5, $0x0  }
0x1f: {  	s9 =	smul.u32 $0xF7A, s1;
	s8 =	simm.s32 @!p0 $0x1BF5;
	p2 =	por !p2, p0  }
0x20: {  	[sflag:s8] =	ssyncset.s32 @!p0 $0xFFFFF086;
	s6 =	sadd.s32 @!p0 s3, s7;
	s7 =	simm.s32 @!p0 $0x108  }
0x21: {  	s3 =	sadd.s32 s3, s9;
	s6 =	sadd.s32 @!p0 $0x88, s6;
	s7 =	simm.s32 @p2 $0x1082  }
0x22: {  	[simem:s7], [sflag:s8] =	dma.local @!p0 [hbm:s6], $0xF7A  }
0x23: {  	s9 =	sor.u32 $0xD0000000, s2;
	s6 =	simm.s32 $0x108;
	_ =	swait.ge @!p0 [sflag:s8], $0x0  }
0x24: {  	s3 =	sadd.s32 $0x88, s3;
	s6 =	simm.s32 @!p1 $0x1082;
	[sflag:s4] =	ssyncset.s32 $0xFFFFF086  }
0x25: {  	[simem:s6], [sflag:s4] =	dma.local [hbm:s3], $0xF7A  }
0x26: {  	[smem:$0x3F99] =	sst s1;
	(tag) =	ssettag s2;
	_ =	strace s9  }
0x27: {  	s1 =	sld [smem:$0x3FA9]  }
0x28: {  	s2 =	sld [smem:$0x3FAA]  }
0x29: {  	s4 =	sld [smem:$0x3FAC]  }
0x2a: {  	p0 =	seq.s32 s5, $0x0;
	s5 =	sld [smem:$0x3FAD]  }
0x2b: {  	s6 =	sld [smem:$0x3FAE]  }
0x2c: {  	s7 =	sld [smem:$0x3FAF]  }
0x2d: {  	s3 =	simm.s32 $0x108;
	s8 =	sld [smem:$0x3FB0]  }
0x2e: {  	s3 =	simm.s32 @!p0 $0x1082;
	s9 =	sld [smem:$0x3FB1]  }
0x2f: {  	lr =	sadd.s32 s0, s3;
	s0 =	sld [smem:$0x3FA8]  }
0x30: {  	s3 =	sld [smem:$0x3FAB]  }
0x31: {  	[smem:$0x3FB4] =	sst s10  }
0x32: {  	s10 =	sld [smem:$0x3FB2];
	_ =	sdelay $0x3  }
0x33: {  	p0 =	seq.s32 s10, $0x1;
	s10 =	sld [smem:$0x3FB4];
	_ =	sdelay $0x3  }
0x34: {  	[smem:$0x3FB4] =	sst s10  }
0x35: {  	s10 =	sld [smem:$0x3FB3];
	_ =	sdelay $0x3  }
0x36: {  	p1 =	seq.s32 s10, $0x1;
	s10 =	sld [smem:$0x3FB4];
	_ =	sdelay $0x3  }
0x37: {  	[smem:$0x3FB4] =	sst s10  }
0x38: {  	s10 =	sld [smem:$0x3FB5]  }
0x39: {  	_ = 	snop;
	(pc) =	sbr.ind lr, $3  }
0x3a: {  	_ = 	snop  }
0x3b: {  	_ = 	snop  }
0x3c: {  	p2 =	seq.s32 s10, $0x1;
	s10 =	sld [smem:$0x3FB4]  }
0x3d: {  	_ =	shalt  }
0x3e: {  	_ =	shalt  }
0x3f: {  	_ =	shalt  }
0x40: {  	_ =	shalt  }
0x41: {  	_ =	shalt  }
0x42: {  	_ =	shalt  }
0x43: {  	_ =	shalt  }
0x44: {  	_ =	shalt  }
0x45: {  	_ =	shalt  }
0x46: {  	_ =	shalt  }
0x47: {  	_ =	shalt  }
0x48: {  	_ =	shalt  }
0x49: {  	_ =	shalt  }
0x4a: {  	_ =	shalt  }
0x4b: {  	_ =	shalt  }
0x4c: {  	_ =	shalt  }
0x4d: {  	_ =	shalt  }
0x4e: {  	_ =	shalt  }
0x4f: {  	_ =	shalt  }
0x50: {  	_ =	shalt  }
0x51: {  	_ =	shalt  }
0x52: {  	_ =	shalt  }
0x53: {  	_ =	shalt  }
0x54: {  	_ =	shalt  }
0x55: {  	_ =	shalt  }
0x56: {  	_ =	shalt  }
0x57: {  	_ =	shalt  }
0x58: {  	_ =	shalt  }
0x59: {  	_ =	shalt  }
0x5a: {  	_ =	shalt  }
0x5b: {  	_ =	shalt  }
0x5c: {  	_ =	shalt  }
0x5d: {  	_ =	shalt  }
0x5e: {  	_ =	shalt  }
0x5f: {  	_ =	shalt  }
0x60: {  	_ =	shalt  }
0x61: {  	_ =	shalt  }
0x62: {  	_ =	shalt  }
0x63: {  	_ =	shalt  }
0x64: {  	_ =	shalt  }
0x65: {  	_ =	shalt  }
0x66: {  	_ =	shalt  }
0x67: {  	_ =	shalt  }
0x68: {  	_ =	shalt  }
0x69: {  	_ =	shalt  }
0x6a: {  	_ =	shalt  }
0x6b: {  	_ =	shalt  }
0x6c: {  	_ =	shalt  }
0x6d: {  	_ =	shalt  }
0x6e: {  	_ =	shalt  }
0x6f: {  	_ =	shalt  }
0x70: {  	_ =	shalt  }
0x71: {  	_ =	shalt  }
0x72: {  	_ =	shalt  }
0x73: {  	_ =	shalt  }
0x74: {  	_ =	shalt  }
0x75: {  	_ =	shalt  }
0x76: {  	_ =	shalt  }
0x77: {  	_ =	shalt  }
0x78: {  	_ =	shalt  }
0x79: {  	_ =	shalt  }
0x7a: {  	_ =	shalt  }
0x7b: {  	_ =	shalt  }
0x7c: {  	_ =	shalt  }
0x7d: {  	_ =	shalt  }
0x7e: {  	_ =	shalt  }
0x7f: {  	_ =	shalt  }
0x80: {  	_ =	shalt  }
0x81: {  	_ =	shalt  }
0x82: {  	_ =	shalt  }
0x83: {  	_ =	shalt  }
0x84: {  	_ =	shalt  }
0x85: {  	_ =	shalt  }
0x86: {  	_ =	shalt  }
0x87: {  	_ =	shalt  }
.Lfunc_end0:
.L_simem_size_0:
called_computation.1_lowered:
.L_overlay_start_0:
0x88: {  	s2 =	sld [smem:$0x3FD9]  }
0x89: {  	s3 =	sld [smem:$0x3FFE];
	_ =	sdelay $0x1  }
0x8a: {  	s1 =	srdreg.scid  }
0x8b: {  	s0 =	sand.u32 $0x1, s1  }
0x8c: {  	s17 =	sshll.u32 s0, $0xA;
	s2 =	sadd.s32 s3, s2  }
0x8d: {  	s2 =	sadd.s32 s2, s17  }
0x8e: {  	[smem:$0x3FC0] =	sst s2  }
0x8f: {  	_ = 	snop  }
0x90: {  	s2 =	sld [smem:$0x3FD0];
	(tm) =	ssettm $0x1  }
0x91: {  	s18 =	sld [smem:$0x3FFB];
	_ =	sdelay $0x3  }
0x92: {  	_ =	strace s18  }
0x93: {  	s3 =	sld [smem:$0x3FFC];
	_ =	sdelay $0x3  }
0x94: {  	_ =	strace s3  }
0x95: {  	s3 =	sld [smem:$0x3FFD];
	_ =	sdelay $0x3  }
0x96: {  	_ =	strace s3  }
0x97: {  	_ =	strace $0x8FFFFFFF  }
0x98: {  	s19 =	sld [smem:$0x3FDB];
	_ =	sdelay $0x1  }
0x99: {  	s4 =	simm.s32 $_scs_section_size  }
0x9a: {  	s5 =	simm.s32 $_size__tile_overlayer_lowered;
	s6 =	simm.s32 $_tile_overlayer_lowered  }
0x9b: {  	s22 =	simm.s32 $0x1BFF;
	s21 =	sshll.u32 s6, $0x1;
	s3 =	sadd.s32 s4, s19  }
0x9c: {  	s7 =	simm.s32 $0x0;
	s20 =	sshll.u32 s5, $0x1;
	s5 =	sadd.s32 s21, s3  }
0x9d: {  	[timem:s7], [sflag:s22] =	dma.local [hbm:s5], s20  }
0x9e: {  	_ =	swait.ge [sflag:s22], s20  }
0x9f: {  	s4 =	ssub.s32 $0x0, s20;
	[sflag:s22] =	ssyncset.done $0x0  }
0xa0: {  	[sflag:s22] =	ssyncadd.s32 s4;
	_ =	sdelay $0x1  }
0xa1: {  	s23 =	simm.s32 $0x1B8B  }
0xa2: {  	_ =	swait.ge [sflag:s23], $0x1  }
0xa3: {  	[sflag:s23] =	ssyncset.done $0x0  }
0xa4: {  	s25 =	simm.s32 $0x1B8E;
	s24 =	sld [smem:$0x3FFE];
	[sflag:s23] =	ssyncadd.s32 $0xFFFFFFFF  }
0xa5: {  	s26 =	simm.s32 $execute0_lowered;
	[smem:$0x3FD2] =	sst s25  }
0xa6: {  	s5 =	sshll.u32 s26, $0x1;
	_ =	strace $0x80000049;
	[dreg:$0x1] =	wrdreg $0xFFFFFFFF  }
0xa7: {  	s28 =	simm.s32 $_size_execute0_lowered;
	s3 =	sadd.s32 s3, s5;
	[dreg:$0x0] =	wrdreg $0x0  }
0xa8: {  	s5 =	sshll.u32 s28, $0x1;
	[dreg:$0x2] =	wrdreg s3  }
0xa9: {  	[dreg:$0x3] =	wrdreg s5  }
0xaa: {  	[dreg:$0x4] =	wrdreg $0xC0  }
0xab: {  	_ =	task [dreg:s7], $0x5FFFF  }
0xac: {  	[dreg:$0x1] =	wrdreg $0xFFFFFFFF  }
0xad: {  	[dreg:$0x0] =	wrdreg $0x60  }
0xae: {  	[dreg:$0x2] =	wrdreg s2  }
0xaf: {  	[dreg:$0x3] =	wrdreg s24  }
0xb0: {  	[dreg:$0x4] =	wrdreg $0x10000  }
0xb1: {  	[dreg:$0x5] =	wrdreg $0x9  }
0xb2: {  	_ =	task.clear_ibuf [dreg:s7], $0x6FFFF;
	_ =	strace $0x90000049  }
0xb3: {  	s29 =	simm.s32 $0x9;
	_ =	strace $0x8000004B  }
0xb4: {  	_ =	swait.ge [sflag:s29], $0x1  }
0xb5: {  	[sflag:s29] =	ssyncadd.s32 $0xFFFFFFFF  }
0xb6: {  	_ =	strace $0x9000004B  }
0xb7: {  	_ =	sfence  }
0xb8: {  	s30 =	sld [smem:$0x0];
	_ =	sdelay $0x2  }
0xb9: {  	s31 =	sshll.u32 s1, $0xD;
	s1 =	sshrl.u32 s1, $0x2  }
0xba: {  	s3 =	sand.u32 $0x4000, s31;
	s1 =	sadd.s32 s1, s30  }
0xbb: {  	s0 =	sor.u32 s3, s0;
	s1 =	sshll.u32 s1, $0x11  }
0xbc: {  	s0 =	sor.u32 s1, s0  }
0xbd: {  	s0 =	sadd.s32 $0x8F2B, s0  }
0xbe: {  	[sflag:s0] =	ssyncadd.remote.s32 $0x1  }
0xbf: {  	_ =	sfence.sel $0xFFFF  }
0xc0: {  	[dreg:$0x0] =	wrdreg $0xFFFFFFFF;
	(pc) =	sbr.abs _section_cstart, $3  }
0xc1: {  	[dreg:$0x1] =	wrdreg $0xFFFFFFFF  }
0xc2: {  	_ =	task.clear_ibuf [dreg:s7], $0x2FFFF;
	_ =	strace $0x9FFFFFFF  }
0xc3: {  	(tm) =	ssettm $0x7FFFFFFF  }
tec
execute0_lowered:
.L_overlay_start_1:
0x0: {  	(tag) =	ssettag $0x1  }
0x1: {  	s1 =	rddreg [dreg:$0x0]  }
0x2: {  	s0 =	srdreg.scid;
	s2 =	rddreg [dreg:$0x1]  }
0x3: {  	s9 =	stileid.u32;
	s3 =	rddreg [dreg:$0x2]  }
0x4: {  	s4 =	simm.s32 $0x0;
	s11 =	simm.s32 $0x100;
	s13 =	simm.s32 $0x200  }
0x5: {  	s28 =	simm.s32 $0x2;
	s29 =	simm.s32 $0x4;
	s6 =	smul.u32 $0x5000, s9  }
0x6: {  	s31 =	simm.s32 $0x780;
	s0 =	sand.u32 $0x1, s0;
	s14 =	smul.u32 $0x50000, s9  }
0x7: {  	[smem:$0x7FF] =	sst s4;
	s7 =	sadd.s32 $0x16000, s2;
	s9 =	smul.u32 $0x280, s9  }
0x8: {  	s5 =	smul.u32 $0x50000, s0;
	_ =	strace $0x8000004A;
	[dreg:$0x12] =	wrdreg s7  }
0x9: {  	s15 =	ssub.s32 $0x2, s0;
	s0 =	smul.u32 $0x2800, s0;
	[dreg:$0x5] =	wrdreg s11  }
0xa: {  	[dreg:$0x6] =	wrdreg s13;
	s11 =	simm.s32 $0xB80;
	s13 =	simm.s32 $0xC80  }
0xb: {  	s8 =	sshrl.u32 s15, $0x1;
	s23 =	sadd.s32 $0x80, s9;
	s26 =	sadd.s32 $0x100, s9  }
0xc: {  	s5 =	sadd.s32 s6, s5;
	s6 =	sshrl.u32 s14, $0x2;
	s7 =	ssub.s32 s15, s8  }
0xd: {  	s21 =	sadd.s32 s0, s9;
	s24 =	sshll.u32 s23, $0x7;
	s30 =	sshll.u32 s26, $0x7  }
0xe: {  	s8 =	sadd.s32 $0x180, s9;
	s14 =	simm.s32 $0x180;
	s15 =	simm.s32 $0x300  }
0xf: {  	s5 =	sshrl.u32 s5, $0x3;
	s19 =	sadd.s32 s6, s3;
	s16 =	smax.u32 s7, $0x1  }
0x10: {  	s6 =	sshll.u32 s21, $0x4;
	s7 =	sadd.s32 s0, s23;
	[dreg:$0x7] =	wrdreg s14  }
0x11: {  	s10 =	sshll.u32 s8, $0x7;
	s12 =	sadd.s32 s0, s8;
	[dreg:$0x8] =	wrdreg s15  }
0x12: {  	s21 =	simm.s32 $0x380;
	s23 =	simm.s32 $0x480;
	[dreg:$0x14] =	wrdreg s16  }
0x13: {  	s8 =	simm.s32 $0xB00;
	s14 =	simm.s32 $0xE00;
	[dreg:$0xb] =	wrdreg s21  }
0x14: {  	s15 =	simm.s32 $0xD80;
	s5 =	sadd.s32 s5, s2;
	[dreg:$0xd] =	wrdreg s23  }
0x15: {  	s2 =	sadd.s32 $0x16800, s2;
	s17 =	sadd.s32 $0x4000, s19;
	[dreg:$0x13] =	wrdreg s19  }
0x16: {  	s18 =	sadd.s32 $0x8000, s19;
	s20 =	sadd.s32 $0xC000, s19;
	[dreg:$0x15] =	wrdreg s17  }
0x17: {  	s22 =	sadd.s32 $0x10000, s19;
	s25 =	sshll.u32 s7, $0x4;
	[dreg:$0x16] =	wrdreg s18  }
0x18: {  	s7 =	sadd.s32 s0, s26;
	s16 =	sadd.s32 $0x200, s9;
	[dreg:$0x17] =	wrdreg s20  }
0x19: {  	s21 =	simm.s32 $0x15000;
	s26 =	simm.s32 $0x700;
	[dreg:$0x18] =	wrdreg s22  }
0x1a: {  	s23 =	simm.s32 $0x80;
	s6 =	sadd.s32 s2, s6;
	[dreg:$0x10] =	wrdreg s26  }
0x1b: {  	s9 =	simm.s32 $0xA80;
	s5 =	sadd.s32 $0x2000, s5;
	[dreg:$0x19] =	wrdreg s6  }
0x1c: {  	s7 =	sshll.u32 s7, $0x4;
	s17 =	simm.s32 $0x280;
	[dreg:$0x4] =	wrdreg s5  }
0x1d: {  	s18 =	sshll.u32 s16, $0x7;
	s20 =	simm.s32 $0x400;
	[dreg:$0x9] =	wrdreg s17  }
0x1e: {  	s0 =	sadd.s32 s0, s16;
	s22 =	simm.s32 $0x500;
	[dreg:$0xa] =	wrdreg s20  }
0x1f: {  	s26 =	simm.s32 $0x3;
	s6 =	sadd.s32 s24, s3;
	[dreg:$0xc] =	wrdreg s22  }
0x20: {  	s16 =	simm.s32 $0xF00;
	s24 =	simm.s32 $0x600;
	[dreg:$0x1a] =	wrdreg s6  }
0x21: {  	s0 =	sshll.u32 s0, $0x4;
	s6 =	sadd.s32 s2, s25;
	[dreg:$0xe] =	wrdreg s24  }
0x22: {  	s22 =	simm.s32 $0x5;
	s0 =	sadd.s32 s2, s0;
	[dreg:$0x1b] =	wrdreg s6  }
0x23: {  	s5 =	simm.s32 $0xA00;
	s25 =	simm.s32 $0x580;
	[smem:$0x7FD] =	sst s0  }
0x24: {  	s17 =	simm.s32 $0xE80;
	s6 =	sadd.s32 s30, s3;
	[dreg:$0xf] =	wrdreg s25  }
0x25: {  	s20 =	simm.s32 $0x0;
	s30 =	simm.s32 $0x680;
	[dreg:$0x1c] =	wrdreg s6  }
0x26: {  	s24 =	simm.s32 $0x19000;
	s6 =	sadd.s32 s2, s7;
	[dreg:$0x11] =	wrdreg s30  }
0x27: {  	s25 =	simm.s32 $0x1;
	s7 =	sadd.s32 s18, s3;
	[dreg:$0x1d] =	wrdreg s6  }
0x28: {  	s0 =	simm.s32 $0x880;
	s6 =	sadd.s32 s10, s3;
	[smem:$0x7FC] =	sst s7  }
0x29: {  	s18 =	simm.s32 $0xF80;
	[dreg:$0x1e] =	wrdreg s6;
	s6 =	sshll.u32 s12, $0x4  }
0x2a: {  	s7 =	simm.s32 $0x980;
	s10 =	simm.s32 $0xC00;
	s6 =	sadd.s32 s2, s6  }
0x2b: {  	s12 =	simm.s32 $0xD00;
	s2 =	simm.s32 $0x900;
	[dreg:$0x1f] =	wrdreg s6  }
.LBB2_1:
0x2c: {  	[smem:$0x7FB] =	sst s20  }
0x2d: {  	s6 =	rddreg [dreg:$0x12]  }
0x2e: {  	[tilespmem:s21], [sflag:$0x5] =	stream.linear.gather [hbm4b:s6+s4], $0x4000, $0x38;
	[tilespmem:$0x1D000] =	vst v63  }
0x2f: {  	_ =	swait.ge [sflag:s22], $0x4000  }
0x30: {  	[sflag:s22] =	ssyncset.done $0x0  }
0x31: {  	[sflag:s22] =	ssyncadd.s32 $0xFFFFC000  }
0x32: {  	[spmem:s19] =	stream.linear.scatter [tilespmem:s21], [sflag:$0x5], $0x4000, $0x38;
	[tilespmem:$0x1D000] =	vst v63  }
0x33: {  	_ =	swait.ge [sflag:s22], $0x4000  }
0x34: {  	[sflag:s22] =	ssyncset.done $0x0  }
0x35: {  	s30 =	rddreg [dreg:$0x15];
	[sflag:s22] =	ssyncadd.s32 $0xFFFFC000  }
0x36: {  	[spmem:s30] =	stream.linear.scatter [tilespmem:s21], [sflag:$0x5], $0x4000, $0x38;
	[tilespmem:$0x1D000] =	vst v63  }
0x37: {  	_ =	swait.ge [sflag:s22], $0x4000  }
0x38: {  	[sflag:s22] =	ssyncset.done $0x0  }
0x39: {  	s19 =	rddreg [dreg:$0x16];
	[sflag:s22] =	ssyncadd.s32 $0xFFFFC000  }
0x3a: {  	[spmem:s19] =	stream.linear.scatter [tilespmem:s21], [sflag:$0x5], $0x4000, $0x38;
	[tilespmem:$0x1D000] =	vst v63  }
0x3b: {  	_ =	swait.ge [sflag:s22], $0x4000  }
0x3c: {  	[sflag:s22] =	ssyncset.done $0x0  }
0x3d: {  	s20 =	rddreg [dreg:$0x17];
	[sflag:s22] =	ssyncadd.s32 $0xFFFFC000  }
0x3e: {  	[spmem:s20] =	stream.linear.scatter [tilespmem:s21], [sflag:$0x5], $0x4000, $0x38;
	[tilespmem:$0x1D000] =	vst v63  }
0x3f: {  	_ =	swait.ge [sflag:s22], $0x4000  }
0x40: {  	[sflag:s22] =	ssyncset.done $0x0  }
0x41: {  	s30 =	rddreg [dreg:$0x18];
	[sflag:s22] =	ssyncadd.s32 $0xFFFFC000  }
0x42: {  	[spmem:s30] =	stream.linear.scatter [tilespmem:s21], [sflag:$0x5], $0x4000, $0x38;
	[tilespmem:$0x1D000] =	vst v63  }
0x43: {  	_ =	swait.ge [sflag:s22], $0x4000  }
0x44: {  	[sflag:s22] =	ssyncset.done $0x0  }
0x45: {  	[sflag:s22] =	ssyncadd.s32 $0xFFFFC000  }
0x46: {  	[bflag:$0x0] =	sbarrier.arrive $0xFFFF  }
0x47: {  	s19 =	rddreg [dreg:$0x4]  }
0x48: {  	s6 =	sadd.s32 $0x0, s19  }
0x49: {  	[tilespmem:s4], [sflag:$0x5] =	stream.linear.gather [hbm4b:s6+s4], $0x1000, $0x38;
	[tilespmem:$0x1D000] =	vst v63  }
0x4a: {  	_ =	swait.ge [sflag:s22], $0x1000  }
0x4b: {  	[sflag:s22] =	ssyncset.done $0x0  }
0x4c: {  	[sflag:s22] =	ssyncadd.s32 $0xFFFFF000  }
0x4d: {  	[tilespmem:s21], [sflag:$0x1] =	stream.indirect.gather [hbm4b:s1+s23], $0x80, s4, s23, $0xb8;
	[tilespmem:$0x1D000] =	vst v63  }
0x4e: {  	s20 =	rddreg [dreg:$0x5]  }
0x4f: {  	[tilespmem:s24], [sflag:$0x2] =	stream.indirect.gather [hbm4b:s1+s23], $0x80, s20, s23, $0xb8;
	[tilespmem:$0x1D000] =	vst v63  }
0x50: {  	_ =	swait.ge [sflag:s25], $0x4000  }
0x51: {  	[sflag:s25] =	ssyncset.done $0x0  }
0x52: {  	[sflag:s25] =	ssyncadd.s32 $0xFFFFC000  }
0x53: {  	[spmem:s3] =	stream.indirect.scatter.add.f32 [tilespmem:s21], [sflag:$0x3], $0x80, s23, s23, $0xb8;
	[tilespmem:$0x1D000] =	vst v63  }
0x54: {  	_ =	swait.ge [sflag:s26], $0x4000  }
0x55: {  	[sflag:s26] =	ssyncset.done $0x0  }
0x56: {  	s30 =	rddreg [dreg:$0x6];
	[sflag:s26] =	ssyncadd.s32 $0xFFFFC000  }
0x57: {  	[tilespmem:s21], [sflag:$0x1] =	stream.indirect.gather [hbm4b:s1+s23], $0x80, s30, s23, $0xb8;
	[tilespmem:$0x1D000] =	vst v63  }
0x58: {  	_ =	swait.ge [sflag:s28], $0x4000  }
0x59: {  	[sflag:s28] =	ssyncset.done $0x0  }
0x5a: {  	s19 =	rddreg [dreg:$0x7];
	[sflag:s28] =	ssyncadd.s32 $0xFFFFC000  }
0x5b: {  	[spmem:s3] =	stream.indirect.scatter.add.f32 [tilespmem:s24], [sflag:$0x4], $0x80, s19, s23, $0xb8;
	[tilespmem:$0x1D000] =	vst v63  }
0x5c: {  	_ =	swait.ge [sflag:s29], $0x4000  }
0x5d: {  	[sflag:s29] =	ssyncset.done $0x0  }
0x5e: {  	s20 =	rddreg [dreg:$0x8];
	[sflag:s29] =	ssyncadd.s32 $0xFFFFC000  }
0x5f: {  	[tilespmem:s24], [sflag:$0x2] =	stream.indirect.gather [hbm4b:s1+s23], $0x80, s20, s23, $0xb8;
	[tilespmem:$0x1D000] =	vst v63  }
0x60: {  	_ =	swait.ge [sflag:s25], $0x4000  }
0x61: {  	[sflag:s25] =	ssyncset.done $0x0  }
0x62: {  	s30 =	rddreg [dreg:$0x9];
	[sflag:s25] =	ssyncadd.s32 $0xFFFFC000  }
0x63: {  	[spmem:s3] =	stream.indirect.scatter.add.f32 [tilespmem:s21], [sflag:$0x3], $0x80, s30, s23, $0xb8;
	[tilespmem:$0x1D000] =	vst v63  }
0x64: {  	_ =	swait.ge [sflag:s26], $0x4000  }
0x65: {  	[sflag:s26] =	ssyncset.done $0x0  }
0x66: {  	s19 =	rddreg [dreg:$0xa];
	[sflag:s26] =	ssyncadd.s32 $0xFFFFC000  }
0x67: {  	[tilespmem:s21], [sflag:$0x1] =	stream.indirect.gather [hbm4b:s1+s23], $0x80, s19, s23, $0xb8;
	[tilespmem:$0x1D000] =	vst v63  }
0x68: {  	_ =	swait.ge [sflag:s28], $0x4000  }
0x69: {  	[sflag:s28] =	ssyncset.done $0x0  }
0x6a: {  	s20 =	rddreg [dreg:$0xb];
	[sflag:s28] =	ssyncadd.s32 $0xFFFFC000  }
0x6b: {  	[spmem:s3] =	stream.indirect.scatter.add.f32 [tilespmem:s24], [sflag:$0x4], $0x80, s20, s23, $0xb8;
	[tilespmem:$0x1D000] =	vst v63  }
0x6c: {  	_ =	swait.ge [sflag:s29], $0x4000  }
0x6d: {  	[sflag:s29] =	ssyncset.done $0x0  }
0x6e: {  	s30 =	rddreg [dreg:$0xc];
	[sflag:s29] =	ssyncadd.s32 $0xFFFFC000  }
0x6f: {  	[tilespmem:s24], [sflag:$0x2] =	stream.indirect.gather [hbm4b:s1+s23], $0x80, s30, s23, $0xb8;
	[tilespmem:$0x1D000] =	vst v63  }
0x70: {  	_ =	swait.ge [sflag:s25], $0x4000  }
0x71: {  	[sflag:s25] =	ssyncset.done $0x0  }
0x72: {  	s19 =	rddreg [dreg:$0xd];
	[sflag:s25] =	ssyncadd.s32 $0xFFFFC000  }
0x73: {  	[spmem:s3] =	stream.indirect.scatter.add.f32 [tilespmem:s21], [sflag:$0x3], $0x80, s19, s23, $0xb8;
	[tilespmem:$0x1D000] =	vst v63  }
0x74: {  	_ =	swait.ge [sflag:s26], $0x4000  }
0x75: {  	[sflag:s26] =	ssyncset.done $0x0  }
0x76: {  	s20 =	rddreg [dreg:$0xe];
	[sflag:s26] =	ssyncadd.s32 $0xFFFFC000  }
0x77: {  	[tilespmem:s21], [sflag:$0x1] =	stream.indirect.gather [hbm4b:s1+s23], $0x80, s20, s23, $0xb8;
	[tilespmem:$0x1D000] =	vst v63  }
0x78: {  	_ =	swait.ge [sflag:s28], $0x4000  }
0x79: {  	[sflag:s28] =	ssyncset.done $0x0  }
0x7a: {  	s30 =	rddreg [dreg:$0xf];
	[sflag:s28] =	ssyncadd.s32 $0xFFFFC000  }
0x7b: {  	[spmem:s3] =	stream.indirect.scatter.add.f32 [tilespmem:s24], [sflag:$0x4], $0x80, s30, s23, $0xb8;
	[tilespmem:$0x1D000] =	vst v63  }
0x7c: {  	_ =	swait.ge [sflag:s29], $0x4000  }
0x7d: {  	[sflag:s29] =	ssyncset.done $0x0  }
0x7e: {  	s19 =	rddreg [dreg:$0x10];
	[sflag:s29] =	ssyncadd.s32 $0xFFFFC000  }
0x7f: {  	[tilespmem:s24], [sflag:$0x2] =	stream.indirect.gather [hbm4b:s1+s23], $0x80, s19, s23, $0xb8;
	[tilespmem:$0x1D000] =	vst v63  }
0x80: {  	_ =	swait.ge [sflag:s25], $0x4000  }
0x81: {  	[sflag:s25] =	ssyncset.done $0x0  }
0x82: {  	s20 =	rddreg [dreg:$0x11];
	[sflag:s25] =	ssyncadd.s32 $0xFFFFC000  }
0x83: {  	[spmem:s3] =	stream.indirect.scatter.add.f32 [tilespmem:s21], [sflag:$0x3], $0x80, s20, s23, $0xb8;
	[tilespmem:$0x1D000] =	vst v63  }
0x84: {  	_ =	swait.ge [sflag:s26], $0x4000  }
0x85: {  	[sflag:s26] =	ssyncset.done $0x0  }
0x86: {  	s30 =	simm.s32 $0x800;
	[sflag:s26] =	ssyncadd.s32 $0xFFFFC000  }
0x87: {  	[tilespmem:s21], [sflag:$0x1] =	stream.indirect.gather [hbm4b:s1+s23], $0x80, s30, s23, $0xb8;
	[tilespmem:$0x1D000] =	vst v63  }
0x88: {  	_ =	swait.ge [sflag:s28], $0x4000  }
0x89: {  	[sflag:s28] =	ssyncset.done $0x0  }
0x8a: {  	[sflag:s28] =	ssyncadd.s32 $0xFFFFC000  }
0x8b: {  	[spmem:s3] =	stream.indirect.scatter.add.f32 [tilespmem:s24], [sflag:$0x4], $0x80, s31, s23, $0xb8;
	[tilespmem:$0x1D000] =	vst v63  }
0x8c: {  	_ =	swait.ge [sflag:s29], $0x4000  }
0x8d: {  	[sflag:s29] =	ssyncset.done $0x0  }
0x8e: {  	[sflag:s29] =	ssyncadd.s32 $0xFFFFC000  }
0x8f: {  	[tilespmem:s24], [sflag:$0x2] =	stream.indirect.gather [hbm4b:s1+s23], $0x80, s2, s23, $0xb8;
	[tilespmem:$0x1D000] =	vst v63  }
0x90: {  	_ =	swait.ge [sflag:s25], $0x4000  }
0x91: {  	[sflag:s25] =	ssyncset.done $0x0  }
0x92: {  	[sflag:s25] =	ssyncadd.s32 $0xFFFFC000  }
0x93: {  	[spmem:s3] =	stream.indirect.scatter.add.f32 [tilespmem:s21], [sflag:$0x3], $0x80, s0, s23, $0xb8;
	[tilespmem:$0x1D000] =	vst v63  }
0x94: {  	_ =	swait.ge [sflag:s26], $0x4000  }
0x95: {  	[sflag:s26] =	ssyncset.done $0x0  }
0x96: {  	[sflag:s26] =	ssyncadd.s32 $0xFFFFC000  }
0x97: {  	[tilespmem:s21], [sflag:$0x1] =	stream.indirect.gather [hbm4b:s1+s23], $0x80, s5, s23, $0xb8;
	[tilespmem:$0x1D000] =	vst v63  }
0x98: {  	_ =	swait.ge [sflag:s28], $0x4000  }
0x99: {  	[sflag:s28] =	ssyncset.done $0x0  }
0x9a: {  	[sflag:s28] =	ssyncadd.s32 $0xFFFFC000  }
0x9b: {  	[spmem:s3] =	stream.indirect.scatter.add.f32 [tilespmem:s24], [sflag:$0x4], $0x80, s7, s23, $0xb8;
	[tilespmem:$0x1D000] =	vst v63  }
0x9c: {  	_ =	swait.ge [sflag:s29], $0x4000  }
0x9d: {  	[sflag:s29] =	ssyncset.done $0x0  }
0x9e: {  	[sflag:s29] =	ssyncadd.s32 $0xFFFFC000  }
0x9f: {  	[tilespmem:s24], [sflag:$0x2] =	stream.indirect.gather [hbm4b:s1+s23], $0x80, s8, s23, $0xb8;
	[tilespmem:$0x1D000] =	vst v63  }
0xa0: {  	_ =	swait.ge [sflag:s25], $0x4000  }
0xa1: {  	[sflag:s25] =	ssyncset.done $0x0  }
0xa2: {  	[sflag:s25] =	ssyncadd.s32 $0xFFFFC000  }
0xa3: {  	[spmem:s3] =	stream.indirect.scatter.add.f32 [tilespmem:s21], [sflag:$0x3], $0x80, s9, s23, $0xb8;
	[tilespmem:$0x1D000] =	vst v63  }
0xa4: {  	_ =	swait.ge [sflag:s26], $0x4000  }
0xa5: {  	[sflag:s26] =	ssyncset.done $0x0  }
0xa6: {  	[sflag:s26] =	ssyncadd.s32 $0xFFFFC000  }
0xa7: {  	[tilespmem:s21], [sflag:$0x1] =	stream.indirect.gather [hbm4b:s1+s23], $0x80, s10, s23, $0xb8;
	[tilespmem:$0x1D000] =	vst v63  }
0xa8: {  	_ =	swait.ge [sflag:s28], $0x4000  }
0xa9: {  	[sflag:s28] =	ssyncset.done $0x0  }
0xaa: {  	[sflag:s28] =	ssyncadd.s32 $0xFFFFC000  }
0xab: {  	[spmem:s3] =	stream.indirect.scatter.add.f32 [tilespmem:s24], [sflag:$0x4], $0x80, s11, s23, $0xb8;
	[tilespmem:$0x1D000] =	vst v63  }
0xac: {  	_ =	swait.ge [sflag:s29], $0x4000  }
0xad: {  	[sflag:s29] =	ssyncset.done $0x0  }
0xae: {  	[sflag:s29] =	ssyncadd.s32 $0xFFFFC000  }
0xaf: {  	[tilespmem:s24], [sflag:$0x2] =	stream.indirect.gather [hbm4b:s1+s23], $0x80, s12, s23, $0xb8;
	[tilespmem:$0x1D000] =	vst v63  }
0xb0: {  	_ =	swait.ge [sflag:s25], $0x4000  }
0xb1: {  	[sflag:s25] =	ssyncset.done $0x0  }
0xb2: {  	[sflag:s25] =	ssyncadd.s32 $0xFFFFC000  }
0xb3: {  	[spmem:s3] =	stream.indirect.scatter.add.f32 [tilespmem:s21], [sflag:$0x3], $0x80, s13, s23, $0xb8;
	[tilespmem:$0x1D000] =	vst v63  }
0xb4: {  	_ =	swait.ge [sflag:s26], $0x4000  }
0xb5: {  	[sflag:s26] =	ssyncset.done $0x0  }
0xb6: {  	[sflag:s26] =	ssyncadd.s32 $0xFFFFC000  }
0xb7: {  	[tilespmem:s21], [sflag:$0x1] =	stream.indirect.gather [hbm4b:s1+s23], $0x80, s14, s23, $0xb8;
	[tilespmem:$0x1D000] =	vst v63  }
0xb8: {  	_ =	swait.ge [sflag:s28], $0x4000  }
0xb9: {  	[sflag:s28] =	ssyncset.done $0x0  }
0xba: {  	[sflag:s28] =	ssyncadd.s32 $0xFFFFC000  }
0xbb: {  	[spmem:s3] =	stream.indirect.scatter.add.f32 [tilespmem:s24], [sflag:$0x4], $0x80, s15, s23, $0xb8;
	[tilespmem:$0x1D000] =	vst v63  }
0xbc: {  	_ =	swait.ge [sflag:s29], $0x4000  }
0xbd: {  	[sflag:s29] =	ssyncset.done $0x0  }
0xbe: {  	[sflag:s29] =	ssyncadd.s32 $0xFFFFC000  }
0xbf: {  	[tilespmem:s24], [sflag:$0x2] =	stream.indirect.gather [hbm4b:s1+s23], $0x80, s16, s23, $0xb8;
	[tilespmem:$0x1D000] =	vst v63  }
0xc0: {  	_ =	swait.ge [sflag:s25], $0x4000  }
0xc1: {  	[sflag:s25] =	ssyncset.done $0x0  }
0xc2: {  	[sflag:s25] =	ssyncadd.s32 $0xFFFFC000  }
0xc3: {  	[spmem:s3] =	stream.indirect.scatter.add.f32 [tilespmem:s21], [sflag:$0x3], $0x80, s17, s23, $0xb8;
	[tilespmem:$0x1D000] =	vst v63  }
0xc4: {  	_ =	swait.ge [sflag:s28], $0x4000  }
0xc5: {  	[sflag:s28] =	ssyncset.done $0x0  }
0xc6: {  	[sflag:s28] =	ssyncadd.s32 $0xFFFFC000  }
0xc7: {  	[spmem:s3] =	stream.indirect.scatter.add.f32 [tilespmem:s24], [sflag:$0x4], $0x80, s18, s23, $0xb8;
	[tilespmem:$0x1D000] =	vst v63  }
0xc8: {  	_ =	swait.ge [sflag:s26], $0x4000  }
0xc9: {  	[sflag:s26] =	ssyncset.done $0x0  }
0xca: {  	[sflag:s26] =	ssyncadd.s32 $0xFFFFC000  }
0xcb: {  	s6 =	simm.s32 $0x400;
	_ =	swait.ge [sflag:s29], $0x4000  }
0xcc: {  	s20 =	simm.s32 $0x200;
	s19 =	rddreg [dreg:$0x4];
	[sflag:s29] =	ssyncset.done $0x0  }
.LBB2_2:
0xcd: {  	[sflag:s29] =	ssyncadd.s32 $0xFFFFC000;
	s19 =	sadd.s32 s20, s19  }
0xce: {  	[tilespmem:s4], [sflag:$0x5] =	stream.linear.gather [hbm4b:s19+s4], $0x1000, $0x38;
	[tilespmem:$0x1D000] =	vst v63  }
0xcf: {  	_ =	swait.ge [sflag:s22], $0x1000  }
0xd0: {  	[sflag:s22] =	ssyncset.done $0x0  }
0xd1: {  	s30 =	smov.u32 s6;
	[sflag:s22] =	ssyncadd.s32 $0xFFFFF000  }
0xd2: {  	[tilespmem:s21], [sflag:$0x1] =	stream.indirect.gather [hbm4b:s1+s23], $0x80, s4, s23, $0xb8;
	[tilespmem:$0x1D000] =	vst v63  }
0xd3: {  	s20 =	smov.u32 s30;
	s30 =	rddreg [dreg:$0x5]  }
0xd4: {  	[tilespmem:s24], [sflag:$0x2] =	stream.indirect.gather [hbm4b:s1+s23], $0x80, s30, s23, $0xb8;
	[tilespmem:$0x1D000] =	vst v63  }
0xd5: {  	_ =	swait.ge [sflag:s25], $0x4000  }
0xd6: {  	[sflag:s25] =	ssyncset.done $0x0  }
0xd7: {  	[sflag:s25] =	ssyncadd.s32 $0xFFFFC000  }
0xd8: {  	[spmem:s3] =	stream.indirect.scatter.add.f32 [tilespmem:s21], [sflag:$0x3], $0x80, s23, s23, $0xb8;
	[tilespmem:$0x1D000] =	vst v63  }
0xd9: {  	_ =	swait.ge [sflag:s26], $0x4000  }
0xda: {  	[sflag:s26] =	ssyncset.done $0x0  }
0xdb: {  	s30 =	rddreg [dreg:$0x6];
	[sflag:s26] =	ssyncadd.s32 $0xFFFFC000  }
0xdc: {  	[tilespmem:s21], [sflag:$0x1] =	stream.indirect.gather [hbm4b:s1+s23], $0x80, s30, s23, $0xb8;
	[tilespmem:$0x1D000] =	vst v63  }
0xdd: {  	_ =	swait.ge [sflag:s28], $0x4000  }
0xde: {  	[sflag:s28] =	ssyncset.done $0x0  }
0xdf: {  	s30 =	rddreg [dreg:$0x7];
	[sflag:s28] =	ssyncadd.s32 $0xFFFFC000  }
0xe0: {  	[spmem:s3] =	stream.indirect.scatter.add.f32 [tilespmem:s24], [sflag:$0x4], $0x80, s30, s23, $0xb8;
	[tilespmem:$0x1D000] =	vst v63  }
0xe1: {  	_ =	swait.ge [sflag:s29], $0x4000  }
0xe2: {  	[sflag:s29] =	ssyncset.done $0x0  }
0xe3: {  	s30 =	rddreg [dreg:$0x8];
	[sflag:s29] =	ssyncadd.s32 $0xFFFFC000  }
0xe4: {  	[tilespmem:s24], [sflag:$0x2] =	stream.indirect.gather [hbm4b:s1+s23], $0x80, s30, s23, $0xb8;
	[tilespmem:$0x1D000] =	vst v63  }
0xe5: {  	_ =	swait.ge [sflag:s25], $0x4000  }
0xe6: {  	[sflag:s25] =	ssyncset.done $0x0  }
0xe7: {  	s30 =	rddreg [dreg:$0x9];
	[sflag:s25] =	ssyncadd.s32 $0xFFFFC000  }
0xe8: {  	[spmem:s3] =	stream.indirect.scatter.add.f32 [tilespmem:s21], [sflag:$0x3], $0x80, s30, s23, $0xb8;
	[tilespmem:$0x1D000] =	vst v63  }
0xe9: {  	_ =	swait.ge [sflag:s26], $0x4000  }
0xea: {  	[sflag:s26] =	ssyncset.done $0x0  }
0xeb: {  	s30 =	rddreg [dreg:$0xa];
	[sflag:s26] =	ssyncadd.s32 $0xFFFFC000  }
0xec: {  	[tilespmem:s21], [sflag:$0x1] =	stream.indirect.gather [hbm4b:s1+s23], $0x80, s30, s23, $0xb8;
	[tilespmem:$0x1D000] =	vst v63  }
0xed: {  	_ =	swait.ge [sflag:s28], $0x4000  }
0xee: {  	[sflag:s28] =	ssyncset.done $0x0  }
0xef: {  	s30 =	rddreg [dreg:$0xb];
	[sflag:s28] =	ssyncadd.s32 $0xFFFFC000  }
0xf0: {  	[spmem:s3] =	stream.indirect.scatter.add.f32 [tilespmem:s24], [sflag:$0x4], $0x80, s30, s23, $0xb8;
	[tilespmem:$0x1D000] =	vst v63  }
0xf1: {  	_ =	swait.ge [sflag:s29], $0x4000  }
0xf2: {  	[sflag:s29] =	ssyncset.done $0x0  }
0xf3: {  	s30 =	rddreg [dreg:$0xc];
	[sflag:s29] =	ssyncadd.s32 $0xFFFFC000  }
0xf4: {  	[tilespmem:s24], [sflag:$0x2] =	stream.indirect.gather [hbm4b:s1+s23], $0x80, s30, s23, $0xb8;
	[tilespmem:$0x1D000] =	vst v63  }
0xf5: {  	_ =	swait.ge [sflag:s25], $0x4000  }
0xf6: {  	[sflag:s25] =	ssyncset.done $0x0  }
0xf7: {  	s30 =	rddreg [dreg:$0xd];
	[sflag:s25] =	ssyncadd.s32 $0xFFFFC000  }
0xf8: {  	[spmem:s3] =	stream.indirect.scatter.add.f32 [tilespmem:s21], [sflag:$0x3], $0x80, s30, s23, $0xb8;
	[tilespmem:$0x1D000] =	vst v63  }
0xf9: {  	_ =	swait.ge [sflag:s26], $0x4000  }
0xfa: {  	[sflag:s26] =	ssyncset.done $0x0  }
0xfb: {  	s30 =	rddreg [dreg:$0xe];
	[sflag:s26] =	ssyncadd.s32 $0xFFFFC000  }
0xfc: {  	[tilespmem:s21], [sflag:$0x1] =	stream.indirect.gather [hbm4b:s1+s23], $0x80, s30, s23, $0xb8;
	[tilespmem:$0x1D000] =	vst v63  }
0xfd: {  	_ =	swait.ge [sflag:s28], $0x4000  }
0xfe: {  	[sflag:s28] =	ssyncset.done $0x0  }
0xff: {  	s30 =	rddreg [dreg:$0xf];
	[sflag:s28] =	ssyncadd.s32 $0xFFFFC000  }
0x100: {  	[spmem:s3] =	stream.indirect.scatter.add.f32 [tilespmem:s24], [sflag:$0x4], $0x80, s30, s23, $0xb8;
	[tilespmem:$0x1D000] =	vst v63  }
0x101: {  	_ =	swait.ge [sflag:s29], $0x4000  }
0x102: {  	[sflag:s29] =	ssyncset.done $0x0  }
0x103: {  	s30 =	rddreg [dreg:$0x10];
	[sflag:s29] =	ssyncadd.s32 $0xFFFFC000  }
0x104: {  	[tilespmem:s24], [sflag:$0x2] =	stream.indirect.gather [hbm4b:s1+s23], $0x80, s30, s23, $0xb8;
	[tilespmem:$0x1D000] =	vst v63  }
0x105: {  	_ =	swait.ge [sflag:s25], $0x4000  }
0x106: {  	[sflag:s25] =	ssyncset.done $0x0  }
0x107: {  	s30 =	rddreg [dreg:$0x11];
	[sflag:s25] =	ssyncadd.s32 $0xFFFFC000  }
0x108: {  	[spmem:s3] =	stream.indirect.scatter.add.f32 [tilespmem:s21], [sflag:$0x3], $0x80, s30, s23, $0xb8;
	[tilespmem:$0x1D000] =	vst v63  }
0x109: {  	_ =	swait.ge [sflag:s26], $0x4000  }
0x10a: {  	[sflag:s26] =	ssyncset.done $0x0  }
0x10b: {  	s30 =	simm.s32 $0x800;
	[sflag:s26] =	ssyncadd.s32 $0xFFFFC000  }
0x10c: {  	[tilespmem:s21], [sflag:$0x1] =	stream.indirect.gather [hbm4b:s1+s23], $0x80, s30, s23, $0xb8;
	[tilespmem:$0x1D000] =	vst v63  }
0x10d: {  	_ =	swait.ge [sflag:s28], $0x4000  }
0x10e: {  	[sflag:s28] =	ssyncset.done $0x0  }
0x10f: {  	[sflag:s28] =	ssyncadd.s32 $0xFFFFC000  }
0x110: {  	[spmem:s3] =	stream.indirect.scatter.add.f32 [tilespmem:s24], [sflag:$0x4], $0x80, s31, s23, $0xb8;
	[tilespmem:$0x1D000] =	vst v63  }
0x111: {  	_ =	swait.ge [sflag:s29], $0x4000  }
0x112: {  	[sflag:s29] =	ssyncset.done $0x0  }
0x113: {  	[sflag:s29] =	ssyncadd.s32 $0xFFFFC000  }
0x114: {  	[tilespmem:s24], [sflag:$0x2] =	stream.indirect.gather [hbm4b:s1+s23], $0x80, s2, s23, $0xb8;
	[tilespmem:$0x1D000] =	vst v63  }
0x115: {  	_ =	swait.ge [sflag:s25], $0x4000  }
0x116: {  	[sflag:s25] =	ssyncset.done $0x0  }
0x117: {  	[sflag:s25] =	ssyncadd.s32 $0xFFFFC000  }
0x118: {  	[spmem:s3] =	stream.indirect.scatter.add.f32 [tilespmem:s21], [sflag:$0x3], $0x80, s0, s23, $0xb8;
	[tilespmem:$0x1D000] =	vst v63  }
0x119: {  	_ =	swait.ge [sflag:s26], $0x4000  }
0x11a: {  	[sflag:s26] =	ssyncset.done $0x0  }
0x11b: {  	[sflag:s26] =	ssyncadd.s32 $0xFFFFC000  }
0x11c: {  	[tilespmem:s21], [sflag:$0x1] =	stream.indirect.gather [hbm4b:s1+s23], $0x80, s5, s23, $0xb8;
	[tilespmem:$0x1D000] =	vst v63  }
0x11d: {  	_ =	swait.ge [sflag:s28], $0x4000  }
0x11e: {  	[sflag:s28] =	ssyncset.done $0x0  }
0x11f: {  	[sflag:s28] =	ssyncadd.s32 $0xFFFFC000  }
0x120: {  	[spmem:s3] =	stream.indirect.scatter.add.f32 [tilespmem:s24], [sflag:$0x4], $0x80, s7, s23, $0xb8;
	[tilespmem:$0x1D000] =	vst v63  }
0x121: {  	_ =	swait.ge [sflag:s29], $0x4000  }
0x122: {  	[sflag:s29] =	ssyncset.done $0x0  }
0x123: {  	[sflag:s29] =	ssyncadd.s32 $0xFFFFC000  }
0x124: {  	[tilespmem:s24], [sflag:$0x2] =	stream.indirect.gather [hbm4b:s1+s23], $0x80, s8, s23, $0xb8;
	[tilespmem:$0x1D000] =	vst v63  }
0x125: {  	_ =	swait.ge [sflag:s25], $0x4000  }
0x126: {  	[sflag:s25] =	ssyncset.done $0x0  }
0x127: {  	[sflag:s25] =	ssyncadd.s32 $0xFFFFC000  }
0x128: {  	[spmem:s3] =	stream.indirect.scatter.add.f32 [tilespmem:s21], [sflag:$0x3], $0x80, s9, s23, $0xb8;
	[tilespmem:$0x1D000] =	vst v63  }
0x129: {  	_ =	swait.ge [sflag:s26], $0x4000  }
0x12a: {  	[sflag:s26] =	ssyncset.done $0x0  }
0x12b: {  	[sflag:s26] =	ssyncadd.s32 $0xFFFFC000  }
0x12c: {  	[tilespmem:s21], [sflag:$0x1] =	stream.indirect.gather [hbm4b:s1+s23], $0x80, s10, s23, $0xb8;
	[tilespmem:$0x1D000] =	vst v63  }
0x12d: {  	_ =	swait.ge [sflag:s28], $0x4000  }
0x12e: {  	[sflag:s28] =	ssyncset.done $0x0  }
0x12f: {  	[sflag:s28] =	ssyncadd.s32 $0xFFFFC000  }
0x130: {  	[spmem:s3] =	stream.indirect.scatter.add.f32 [tilespmem:s24], [sflag:$0x4], $0x80, s11, s23, $0xb8;
	[tilespmem:$0x1D000] =	vst v63  }
0x131: {  	_ =	swait.ge [sflag:s29], $0x4000  }
0x132: {  	[sflag:s29] =	ssyncset.done $0x0  }
0x133: {  	[sflag:s29] =	ssyncadd.s32 $0xFFFFC000  }
0x134: {  	[tilespmem:s24], [sflag:$0x2] =	stream.indirect.gather [hbm4b:s1+s23], $0x80, s12, s23, $0xb8;
	[tilespmem:$0x1D000] =	vst v63  }
0x135: {  	_ =	swait.ge [sflag:s25], $0x4000  }
0x136: {  	[sflag:s25] =	ssyncset.done $0x0  }
0x137: {  	[sflag:s25] =	ssyncadd.s32 $0xFFFFC000  }
0x138: {  	[spmem:s3] =	stream.indirect.scatter.add.f32 [tilespmem:s21], [sflag:$0x3], $0x80, s13, s23, $0xb8;
	[tilespmem:$0x1D000] =	vst v63  }
0x139: {  	_ =	swait.ge [sflag:s26], $0x4000  }
0x13a: {  	[sflag:s26] =	ssyncset.done $0x0  }
0x13b: {  	[sflag:s26] =	ssyncadd.s32 $0xFFFFC000  }
0x13c: {  	[tilespmem:s21], [sflag:$0x1] =	stream.indirect.gather [hbm4b:s1+s23], $0x80, s14, s23, $0xb8;
	[tilespmem:$0x1D000] =	vst v63  }
0x13d: {  	_ =	swait.ge [sflag:s28], $0x4000  }
0x13e: {  	[sflag:s28] =	ssyncset.done $0x0  }
0x13f: {  	[sflag:s28] =	ssyncadd.s32 $0xFFFFC000  }
0x140: {  	[spmem:s3] =	stream.indirect.scatter.add.f32 [tilespmem:s24], [sflag:$0x4], $0x80, s15, s23, $0xb8;
	[tilespmem:$0x1D000] =	vst v63  }
0x141: {  	_ =	swait.ge [sflag:s29], $0x4000  }
0x142: {  	[sflag:s29] =	ssyncset.done $0x0  }
0x143: {  	[sflag:s29] =	ssyncadd.s32 $0xFFFFC000  }
0x144: {  	[tilespmem:s24], [sflag:$0x2] =	stream.indirect.gather [hbm4b:s1+s23], $0x80, s16, s23, $0xb8;
	[tilespmem:$0x1D000] =	vst v63  }
0x145: {  	_ =	swait.ge [sflag:s25], $0x4000  }
0x146: {  	[sflag:s25] =	ssyncset.done $0x0  }
0x147: {  	[sflag:s25] =	ssyncadd.s32 $0xFFFFC000  }
0x148: {  	[spmem:s3] =	stream.indirect.scatter.add.f32 [tilespmem:s21], [sflag:$0x3], $0x80, s17, s23, $0xb8;
	[tilespmem:$0x1D000] =	vst v63  }
0x149: {  	_ =	swait.ge [sflag:s28], $0x4000  }
0x14a: {  	[sflag:s28] =	ssyncset.done $0x0  }
0x14b: {  	p0 =	sne.s32 s6, $0x800;
	[sflag:s28] =	ssyncadd.s32 $0xFFFFC000  }
0x14c: {  	[spmem:s3] =	stream.indirect.scatter.add.f32 [tilespmem:s24], [sflag:$0x4], $0x80, s18, s23, $0xb8;
	[tilespmem:$0x1D000] =	vst v63  }
.Ltmp0:
0x14d: {  	_ =	swait.ge [sflag:s26], $0x4000;
	(pc) =	sbr.rel @p0 .LBB2_2-.Ltmp0, $4  }
0x14e: {  	[sflag:s26] =	ssyncset.done $0x0  }
0x14f: {  	[sflag:s26] =	ssyncadd.s32 $0xFFFFC000  }
0x150: {  	_ =	swait.ge [sflag:s29], $0x4000  }
0x151: {  	s6 =	sadd.s32 $0x200, s6;
	s19 =	rddreg [dreg:$0x4];
	[sflag:s29] =	ssyncset.done $0x0  }
0x152: {  	s6 =	sadd.s32 s20, s19;
	[sflag:s29] =	ssyncadd.s32 $0xFFFFC000  }
0x153: {  	[tilespmem:s4], [sflag:$0x5] =	stream.linear.gather [hbm4b:s6+s4], $0x1000, $0x38;
	[tilespmem:$0x1D000] =	vst v63  }
0x154: {  	_ =	swait.ge [sflag:s22], $0x1000  }
0x155: {  	[sflag:s22] =	ssyncset.done $0x0  }
0x156: {  	[sflag:s22] =	ssyncadd.s32 $0xFFFFF000  }
0x157: {  	[tilespmem:s21], [sflag:$0x1] =	stream.indirect.gather [hbm4b:s1+s23], $0x80, s4, s23, $0xb8;
	[tilespmem:$0x1D000] =	vst v63  }
0x158: {  	s19 =	rddreg [dreg:$0x5]  }
0x159: {  	[tilespmem:s24], [sflag:$0x2] =	stream.indirect.gather [hbm4b:s1+s23], $0x80, s19, s23, $0xb8;
	[tilespmem:$0x1D000] =	vst v63  }
0x15a: {  	_ =	swait.ge [sflag:s25], $0x4000  }
0x15b: {  	[sflag:s25] =	ssyncset.done $0x0  }
0x15c: {  	[sflag:s25] =	ssyncadd.s32 $0xFFFFC000  }
0x15d: {  	[spmem:s3] =	stream.indirect.scatter.add.f32 [tilespmem:s21], [sflag:$0x3], $0x80, s23, s23, $0xb8;
	[tilespmem:$0x1D000] =	vst v63  }
0x15e: {  	_ =	swait.ge [sflag:s26], $0x4000  }
0x15f: {  	[sflag:s26] =	ssyncset.done $0x0  }
0x160: {  	s20 =	rddreg [dreg:$0x6];
	[sflag:s26] =	ssyncadd.s32 $0xFFFFC000  }
0x161: {  	[tilespmem:s21], [sflag:$0x1] =	stream.indirect.gather [hbm4b:s1+s23], $0x80, s20, s23, $0xb8;
	[tilespmem:$0x1D000] =	vst v63  }
0x162: {  	_ =	swait.ge [sflag:s28], $0x4000  }
0x163: {  	[sflag:s28] =	ssyncset.done $0x0  }
0x164: {  	s30 =	rddreg [dreg:$0x7];
	[sflag:s28] =	ssyncadd.s32 $0xFFFFC000  }
0x165: {  	[spmem:s3] =	stream.indirect.scatter.add.f32 [tilespmem:s24], [sflag:$0x4], $0x80, s30, s23, $0xb8;
	[tilespmem:$0x1D000] =	vst v63  }
0x166: {  	_ =	swait.ge [sflag:s29], $0x4000  }
0x167: {  	[sflag:s29] =	ssyncset.done $0x0  }
0x168: {  	s19 =	rddreg [dreg:$0x8];
	[sflag:s29] =	ssyncadd.s32 $0xFFFFC000  }
0x169: {  	[tilespmem:s24], [sflag:$0x2] =	stream.indirect.gather [hbm4b:s1+s23], $0x80, s19, s23, $0xb8;
	[tilespmem:$0x1D000] =	vst v63  }
0x16a: {  	_ =	swait.ge [sflag:s25], $0x4000  }
0x16b: {  	[sflag:s25] =	ssyncset.done $0x0  }
0x16c: {  	s20 =	rddreg [dreg:$0x9];
	[sflag:s25] =	ssyncadd.s32 $0xFFFFC000  }
0x16d: {  	[spmem:s3] =	stream.indirect.scatter.add.f32 [tilespmem:s21], [sflag:$0x3], $0x80, s20, s23, $0xb8;
	[tilespmem:$0x1D000] =	vst v63  }
0x16e: {  	_ =	swait.ge [sflag:s26], $0x4000  }
0x16f: {  	[sflag:s26] =	ssyncset.done $0x0  }
0x170: {  	s30 =	rddreg [dreg:$0xa];
	[sflag:s26] =	ssyncadd.s32 $0xFFFFC000  }
0x171: {  	[tilespmem:s21], [sflag:$0x1] =	stream.indirect.gather [hbm4b:s1+s23], $0x80, s30, s23, $0xb8;
	[tilespmem:$0x1D000] =	vst v63  }
0x172: {  	_ =	swait.ge [sflag:s28], $0x4000  }
0x173: {  	[sflag:s28] =	ssyncset.done $0x0  }
0x174: {  	s19 =	rddreg [dreg:$0xb];
	[sflag:s28] =	ssyncadd.s32 $0xFFFFC000  }
0x175: {  	[spmem:s3] =	stream.indirect.scatter.add.f32 [tilespmem:s24], [sflag:$0x4], $0x80, s19, s23, $0xb8;
	[tilespmem:$0x1D000] =	vst v63  }
0x176: {  	_ =	swait.ge [sflag:s29], $0x4000  }
0x177: {  	[sflag:s29] =	ssyncset.done $0x0  }
0x178: {  	s20 =	rddreg [dreg:$0xc];
	[sflag:s29] =	ssyncadd.s32 $0xFFFFC000  }
0x179: {  	[tilespmem:s24], [sflag:$0x2] =	stream.indirect.gather [hbm4b:s1+s23], $0x80, s20, s23, $0xb8;
	[tilespmem:$0x1D000] =	vst v63  }
0x17a: {  	_ =	swait.ge [sflag:s25], $0x4000  }
0x17b: {  	[sflag:s25] =	ssyncset.done $0x0  }
0x17c: {  	s30 =	rddreg [dreg:$0xd];
	[sflag:s25] =	ssyncadd.s32 $0xFFFFC000  }
0x17d: {  	[spmem:s3] =	stream.indirect.scatter.add.f32 [tilespmem:s21], [sflag:$0x3], $0x80, s30, s23, $0xb8;
	[tilespmem:$0x1D000] =	vst v63  }
0x17e: {  	_ =	swait.ge [sflag:s26], $0x4000  }
0x17f: {  	[sflag:s26] =	ssyncset.done $0x0  }
0x180: {  	s19 =	rddreg [dreg:$0xe];
	[sflag:s26] =	ssyncadd.s32 $0xFFFFC000  }
0x181: {  	[tilespmem:s21], [sflag:$0x1] =	stream.indirect.gather [hbm4b:s1+s23], $0x80, s19, s23, $0xb8;
	[tilespmem:$0x1D000] =	vst v63  }
0x182: {  	_ =	swait.ge [sflag:s28], $0x4000  }
0x183: {  	[sflag:s28] =	ssyncset.done $0x0  }
0x184: {  	s20 =	rddreg [dreg:$0xf];
	[sflag:s28] =	ssyncadd.s32 $0xFFFFC000  }
0x185: {  	[spmem:s3] =	stream.indirect.scatter.add.f32 [tilespmem:s24], [sflag:$0x4], $0x80, s20, s23, $0xb8;
	[tilespmem:$0x1D000] =	vst v63  }
0x186: {  	_ =	swait.ge [sflag:s29], $0x4000  }
0x187: {  	[sflag:s29] =	ssyncset.done $0x0  }
0x188: {  	s30 =	rddreg [dreg:$0x10];
	[sflag:s29] =	ssyncadd.s32 $0xFFFFC000  }
0x189: {  	[tilespmem:s24], [sflag:$0x2] =	stream.indirect.gather [hbm4b:s1+s23], $0x80, s30, s23, $0xb8;
	[tilespmem:$0x1D000] =	vst v63  }
0x18a: {  	_ =	swait.ge [sflag:s25], $0x4000  }
0x18b: {  	[sflag:s25] =	ssyncset.done $0x0  }
0x18c: {  	s19 =	rddreg [dreg:$0x11];
	[sflag:s25] =	ssyncadd.s32 $0xFFFFC000  }
0x18d: {  	[spmem:s3] =	stream.indirect.scatter.add.f32 [tilespmem:s21], [sflag:$0x3], $0x80, s19, s23, $0xb8;
	[tilespmem:$0x1D000] =	vst v63  }
0x18e: {  	_ =	swait.ge [sflag:s26], $0x4000  }
0x18f: {  	[sflag:s26] =	ssyncset.done $0x0  }
0x190: {  	s20 =	simm.s32 $0x800;
	[sflag:s26] =	ssyncadd.s32 $0xFFFFC000  }
0x191: {  	[tilespmem:s21], [sflag:$0x1] =	stream.indirect.gather [hbm4b:s1+s23], $0x80, s20, s23, $0xb8;
	[tilespmem:$0x1D000] =	vst v63  }
0x192: {  	_ =	swait.ge [sflag:s28], $0x4000  }
0x193: {  	[sflag:s28] =	ssyncset.done $0x0  }
0x194: {  	[sflag:s28] =	ssyncadd.s32 $0xFFFFC000  }
0x195: {  	[spmem:s3] =	stream.indirect.scatter.add.f32 [tilespmem:s24], [sflag:$0x4], $0x80, s31, s23, $0xb8;
	[tilespmem:$0x1D000] =	vst v63  }
0x196: {  	_ =	swait.ge [sflag:s29], $0x4000  }
0x197: {  	[sflag:s29] =	ssyncset.done $0x0  }
0x198: {  	[sflag:s29] =	ssyncadd.s32 $0xFFFFC000  }
0x199: {  	[tilespmem:s24], [sflag:$0x2] =	stream.indirect.gather [hbm4b:s1+s23], $0x80, s2, s23, $0xb8;
	[tilespmem:$0x1D000] =	vst v63  }
0x19a: {  	_ =	swait.ge [sflag:s25], $0x4000  }
0x19b: {  	[sflag:s25] =	ssyncset.done $0x0  }
0x19c: {  	[sflag:s25] =	ssyncadd.s32 $0xFFFFC000  }
0x19d: {  	[spmem:s3] =	stream.indirect.scatter.add.f32 [tilespmem:s21], [sflag:$0x3], $0x80, s0, s23, $0xb8;
	[tilespmem:$0x1D000] =	vst v63  }
0x19e: {  	_ =	swait.ge [sflag:s26], $0x4000  }
0x19f: {  	[sflag:s26] =	ssyncset.done $0x0  }
0x1a0: {  	[sflag:s26] =	ssyncadd.s32 $0xFFFFC000  }
0x1a1: {  	[tilespmem:s21], [sflag:$0x1] =	stream.indirect.gather [hbm4b:s1+s23], $0x80, s5, s23, $0xb8;
	[tilespmem:$0x1D000] =	vst v63  }
0x1a2: {  	_ =	swait.ge [sflag:s28], $0x4000  }
0x1a3: {  	[sflag:s28] =	ssyncset.done $0x0  }
0x1a4: {  	[sflag:s28] =	ssyncadd.s32 $0xFFFFC000  }
0x1a5: {  	[spmem:s3] =	stream.indirect.scatter.add.f32 [tilespmem:s24], [sflag:$0x4], $0x80, s7, s23, $0xb8;
	[tilespmem:$0x1D000] =	vst v63  }
0x1a6: {  	_ =	swait.ge [sflag:s29], $0x4000  }
0x1a7: {  	[sflag:s29] =	ssyncset.done $0x0  }
0x1a8: {  	[sflag:s29] =	ssyncadd.s32 $0xFFFFC000  }
0x1a9: {  	[tilespmem:s24], [sflag:$0x2] =	stream.indirect.gather [hbm4b:s1+s23], $0x80, s8, s23, $0xb8;
	[tilespmem:$0x1D000] =	vst v63  }
0x1aa: {  	_ =	swait.ge [sflag:s25], $0x4000  }
0x1ab: {  	[sflag:s25] =	ssyncset.done $0x0  }
0x1ac: {  	[sflag:s25] =	ssyncadd.s32 $0xFFFFC000  }
0x1ad: {  	[spmem:s3] =	stream.indirect.scatter.add.f32 [tilespmem:s21], [sflag:$0x3], $0x80, s9, s23, $0xb8;
	[tilespmem:$0x1D000] =	vst v63  }
0x1ae: {  	_ =	swait.ge [sflag:s26], $0x4000  }
0x1af: {  	[sflag:s26] =	ssyncset.done $0x0  }
0x1b0: {  	[sflag:s26] =	ssyncadd.s32 $0xFFFFC000  }
0x1b1: {  	[tilespmem:s21], [sflag:$0x1] =	stream.indirect.gather [hbm4b:s1+s23], $0x80, s10, s23, $0xb8;
	[tilespmem:$0x1D000] =	vst v63  }
0x1b2: {  	_ =	swait.ge [sflag:s28], $0x4000  }
0x1b3: {  	[sflag:s28] =	ssyncset.done $0x0  }
0x1b4: {  	[sflag:s28] =	ssyncadd.s32 $0xFFFFC000  }
0x1b5: {  	[spmem:s3] =	stream.indirect.scatter.add.f32 [tilespmem:s24], [sflag:$0x4], $0x80, s11, s23, $0xb8;
	[tilespmem:$0x1D000] =	vst v63  }
0x1b6: {  	_ =	swait.ge [sflag:s29], $0x4000  }
0x1b7: {  	[sflag:s29] =	ssyncset.done $0x0  }
0x1b8: {  	[sflag:s29] =	ssyncadd.s32 $0xFFFFC000  }
0x1b9: {  	[tilespmem:s24], [sflag:$0x2] =	stream.indirect.gather [hbm4b:s1+s23], $0x80, s12, s23, $0xb8;
	[tilespmem:$0x1D000] =	vst v63  }
0x1ba: {  	_ =	swait.ge [sflag:s25], $0x4000  }
0x1bb: {  	[sflag:s25] =	ssyncset.done $0x0  }
0x1bc: {  	[sflag:s25] =	ssyncadd.s32 $0xFFFFC000  }
0x1bd: {  	[spmem:s3] =	stream.indirect.scatter.add.f32 [tilespmem:s21], [sflag:$0x3], $0x80, s13, s23, $0xb8;
	[tilespmem:$0x1D000] =	vst v63  }
0x1be: {  	_ =	swait.ge [sflag:s26], $0x4000  }
0x1bf: {  	[sflag:s26] =	ssyncset.done $0x0  }
0x1c0: {  	[sflag:s26] =	ssyncadd.s32 $0xFFFFC000  }
0x1c1: {  	[tilespmem:s21], [sflag:$0x1] =	stream.indirect.gather [hbm4b:s1+s23], $0x80, s14, s23, $0xb8;
	[tilespmem:$0x1D000] =	vst v63  }
0x1c2: {  	_ =	swait.ge [sflag:s28], $0x4000  }
0x1c3: {  	[sflag:s28] =	ssyncset.done $0x0  }
0x1c4: {  	[sflag:s28] =	ssyncadd.s32 $0xFFFFC000  }
0x1c5: {  	[spmem:s3] =	stream.indirect.scatter.add.f32 [tilespmem:s24], [sflag:$0x4], $0x80, s15, s23, $0xb8;
	[tilespmem:$0x1D000] =	vst v63  }
0x1c6: {  	_ =	swait.ge [sflag:s29], $0x4000  }
0x1c7: {  	[sflag:s29] =	ssyncset.done $0x0  }
0x1c8: {  	[sflag:s29] =	ssyncadd.s32 $0xFFFFC000  }
0x1c9: {  	[tilespmem:s24], [sflag:$0x2] =	stream.indirect.gather [hbm4b:s1+s23], $0x80, s16, s23, $0xb8;
	[tilespmem:$0x1D000] =	vst v63  }
0x1ca: {  	_ =	swait.ge [sflag:s25], $0x4000  }
0x1cb: {  	[sflag:s25] =	ssyncset.done $0x0  }
0x1cc: {  	[sflag:s25] =	ssyncadd.s32 $0xFFFFC000  }
0x1cd: {  	[spmem:s3] =	stream.indirect.scatter.add.f32 [tilespmem:s21], [sflag:$0x3], $0x80, s17, s23, $0xb8;
	[tilespmem:$0x1D000] =	vst v63  }
0x1ce: {  	_ =	swait.ge [sflag:s28], $0x4000  }
0x1cf: {  	[sflag:s28] =	ssyncset.done $0x0  }
0x1d0: {  	[sflag:s28] =	ssyncadd.s32 $0xFFFFC000  }
0x1d1: {  	[spmem:s3] =	stream.indirect.scatter.add.f32 [tilespmem:s24], [sflag:$0x4], $0x80, s18, s23, $0xb8;
	[tilespmem:$0x1D000] =	vst v63  }
0x1d2: {  	_ =	swait.ge [sflag:s26], $0x4000  }
0x1d3: {  	[sflag:s26] =	ssyncset.done $0x0  }
0x1d4: {  	[sflag:s26] =	ssyncadd.s32 $0xFFFFC000  }
0x1d5: {  	_ =	swait.ge [sflag:s29], $0x4000  }
0x1d6: {  	[sflag:s29] =	ssyncset.done $0x0  }
0x1d7: {  	[sflag:s29] =	ssyncadd.s32 $0xFFFFC000  }
0x1d8: {  	[bflag:$0x0] =	sbarrier.arrive $0xFFFF  }
0x1d9: {  	s19 =	rddreg [dreg:$0x13]  }
0x1da: {  	[tilespmem:s21], [sflag:$0x5] =	stream.linear.gather [spmem:s19], $0x4000, $0x38;
	[tilespmem:$0x1D000] =	vst v63  }
0x1db: {  	_ =	swait.ge [sflag:s22], $0x4000  }
0x1dc: {  	[sflag:s22] =	ssyncset.done $0x0  }
0x1dd: {  	s30 =	rddreg [dreg:$0x19];
	[sflag:s22] =	ssyncadd.s32 $0xFFFFC000  }
0x1de: {  	[hbm4b:s30+s4] =	stream.linear.scatter [tilespmem:s21], [sflag:$0x5], $0x4000, $0x38;
	[tilespmem:$0x1D000] =	vst v63  }
0x1df: {  	_ =	swait.ge [sflag:s22], $0x4000  }
0x1e0: {  	[sflag:s22] =	ssyncset.done $0x0  }
0x1e1: {  	s20 =	rddreg [dreg:$0x1a];
	[sflag:s22] =	ssyncadd.s32 $0xFFFFC000  }
0x1e2: {  	[tilespmem:s21], [sflag:$0x5] =	stream.linear.gather [spmem:s20], $0x4000, $0x38;
	[tilespmem:$0x1D000] =	vst v63  }
0x1e3: {  	_ =	swait.ge [sflag:s22], $0x4000  }
0x1e4: {  	[sflag:s22] =	ssyncset.done $0x0  }
0x1e5: {  	s30 =	rddreg [dreg:$0x1b];
	[sflag:s22] =	ssyncadd.s32 $0xFFFFC000  }
0x1e6: {  	[hbm4b:s30+s4] =	stream.linear.scatter [tilespmem:s21], [sflag:$0x5], $0x4000, $0x38;
	[tilespmem:$0x1D000] =	vst v63  }
0x1e7: {  	_ =	swait.ge [sflag:s22], $0x4000  }
0x1e8: {  	[sflag:s22] =	ssyncset.done $0x0  }
0x1e9: {  	s20 =	rddreg [dreg:$0x1c];
	[sflag:s22] =	ssyncadd.s32 $0xFFFFC000  }
0x1ea: {  	[tilespmem:s21], [sflag:$0x5] =	stream.linear.gather [spmem:s20], $0x4000, $0x38;
	[tilespmem:$0x1D000] =	vst v63  }
0x1eb: {  	_ =	swait.ge [sflag:s22], $0x4000  }
0x1ec: {  	[sflag:s22] =	ssyncset.done $0x0  }
0x1ed: {  	s30 =	rddreg [dreg:$0x1d];
	[sflag:s22] =	ssyncadd.s32 $0xFFFFC000  }
0x1ee: {  	[hbm4b:s30+s4] =	stream.linear.scatter [tilespmem:s21], [sflag:$0x5], $0x4000, $0x38;
	[tilespmem:$0x1D000] =	vst v63  }
0x1ef: {  	_ =	swait.ge [sflag:s22], $0x4000  }
0x1f0: {  	[sflag:s22] =	ssyncset.done $0x0  }
0x1f1: {  	s20 =	rddreg [dreg:$0x1e];
	[sflag:s22] =	ssyncadd.s32 $0xFFFFC000  }
0x1f2: {  	[tilespmem:s21], [sflag:$0x5] =	stream.linear.gather [spmem:s20], $0x4000, $0x38;
	[tilespmem:$0x1D000] =	vst v63  }
0x1f3: {  	_ =	swait.ge [sflag:s22], $0x4000  }
0x1f4: {  	[sflag:s22] =	ssyncset.done $0x0  }
0x1f5: {  	s30 =	rddreg [dreg:$0x1f];
	[sflag:s22] =	ssyncadd.s32 $0xFFFFC000  }
0x1f6: {  	[hbm4b:s30+s4] =	stream.linear.scatter [tilespmem:s21], [sflag:$0x5], $0x4000, $0x38;
	[tilespmem:$0x1D000] =	vst v63  }
0x1f7: {  	_ =	swait.ge [sflag:s22], $0x4000  }
0x1f8: {  	s20 =	sld [smem:$0x7FC]  }
0x1f9: {  	[sflag:s22] =	ssyncset.done $0x0  }
0x1fa: {  	[sflag:s22] =	ssyncadd.s32 $0xFFFFC000  }
0x1fb: {  	[tilespmem:s21], [sflag:$0x5] =	stream.linear.gather [spmem:s20], $0x4000, $0x38;
	[tilespmem:$0x1D000] =	vst v63  }
0x1fc: {  	_ =	swait.ge [sflag:s22], $0x4000  }
0x1fd: {  	s30 =	sld [smem:$0x7FD]  }
0x1fe: {  	[sflag:s22] =	ssyncset.done $0x0  }
0x1ff: {  	[sflag:s22] =	ssyncadd.s32 $0xFFFFC000  }
0x200: {  	[hbm4b:s30+s4] =	stream.linear.scatter [tilespmem:s21], [sflag:$0x5], $0x4000, $0x38;
	[tilespmem:$0x1D000] =	vst v63  }
0x201: {  	_ =	swait.ge [sflag:s22], $0x4000  }
0x202: {  	s6 =	sld [smem:$0x7FB];
	_ =	sdelay $0x2  }
0x203: {  	s30 =	rddreg [dreg:$0x14];
	s20 =	sadd.s32 $0x1, s6  }
0x204: {  	p0 =	sne.s32 s20, s30  }
.Ltmp1:
0x205: {  	_ = 	snop;
	(pc) =	sbr.rel @p0 .LBB2_1-.Ltmp1, $3  }
0x206: {  	_ =	sdelay $0x1  }
0x207: {  	[sflag:s22] =	ssyncset.done $0x0  }
0x208: {  	[sflag:s22] =	ssyncadd.s32 $0xFFFFC000  }
0x209: {  	_ =	sfence.sel $0x180000  }
0x20a: {  	[bflag:$0x0] =	sbarrier.arrive $0xFFFF  }
0x20b: {  	_ =	strace $0x9000004A  }
0x20c: {  	s0 =	stileid.u32;
	[bflag:$0x2] =	sbarrier.arrive $0xFFFF  }
0x20d: {  	p0 =	sne.s32 s0, $0x0;
	s0 =	rddreg [dreg:$0x3]  }
0x20e: {  	s0 =	sadd.s32 @!p0 $0x100000, s0  }
0x20f: {  	[sflag:s0] =	ssyncadd.tile.s32 @!p0 $0x1;
	_ =	shalt  }
.Lfunc_end2:
_tile_overlayer_lowered:
.L_overlay_start_2:
0x210: {  	(tag) =	ssettag $0x2  }
0x211: {  	s0 =	rddreg [dreg:$0x0];
	s2 =	stileid.u32  }
0x212: {  	s1 =	rddreg [dreg:$0x1];
	p0 =	sne.s32 s2, $0x0  }
0x213: {  	s3 =	rddreg [dreg:$0x2];
	[bflag:$0x3] =	sbarrier.arrive $0xFFFF;
	s2 =	simm.s32 @!p0 $0x1C05  }
0x214: {  	[timem:s3], [sflag:s2] =	dma.local @!p0 [hbm:s0], s1  }
0x215: {  	s0 =	simm.s32 @!p0 $0x5  }
0x216: {  	_ =	swait.ge @!p0 [sflag:s0], s1  }
0x217: {  	s1 =	ssub.s32 @!p0 $0x0, s1;
	[sflag:s0] =	ssyncset.done @!p0 $0x0  }
0x218: {  	[sflag:s0] =	ssyncadd.s32 @!p0 s1  }
0x219: {  	[bflag:$0x3] =	sbarrier.arrive $0xFFFF  }
0x21a: {  	_ =	shalt  }

</sc_bundles>
